<compile_context>
chip_gen: v7x
topology: tpu7x:2x2x1
jax: 0.10.2.dev20260603
libtpu: 0.0.44.dev20260713+nightly
codegen_flags: <defaults>
</compile_context>

<pallas_src>
import functools

import jax
import jax.numpy as jnp
from jax import lax
from jax.experimental import pallas as pl
from jax.experimental.pallas import tpu as pltpu
from jax.experimental.pallas import tpu_sc as plsc

NN = 10000
DD = 128
EE = 320000
NC = 2
NS = 16
CHUNK = 128
EPC = EE // NC
NCHUNKS = EPC // CHUNK
FULL = NCHUNKS // NS
EXTRA = NCHUNKS - FULL * NS
RPT = 624
REM = NN - RPT * NS
DCOL = 64

_sc_mesh = plsc.VectorSubcoreMesh(core_axis_name="c", subcore_axis_name="s")


def _zero_acc_rows(buf, acc, s):
    for k in range(4):
        pltpu.sync_copy(buf, acc.at[pl.ds(s * RPT + k * CHUNK, CHUNK)])
    pltpu.sync_copy(buf.at[pl.ds(0, RPT - 4 * CHUNK)],
                    acc.at[pl.ds(s * RPT + 4 * CHUNK, RPT - 4 * CHUNK)])

    @pl.when(s == NS - 1)
    def _():
        pltpu.sync_copy(buf.at[pl.ds(0, REM)], acc.at[pl.ds(RPT * NS, REM)])


def _drain_acc(acc, p0_h, p1_h, c, s):
    rr = pl.ds(s * RPT, RPT)
    tl = pl.ds(RPT * NS, REM)

    @pl.when(c == 0)
    def _():
        pltpu.sync_copy(acc.at[rr], p0_h.at[rr])

        @pl.when(s == NS - 1)
        def _():
            pltpu.sync_copy(acc.at[tl], p0_h.at[tl])

    @pl.when(c == 1)
    def _():
        pltpu.sync_copy(acc.at[rr], p1_h.at[rr])

        @pl.when(s == NS - 1)
        def _():
            pltpu.sync_copy(acc.at[tl], p1_h.at[tl])


@functools.partial(
    pl.kernel,
    out_type=[jax.ShapeDtypeStruct((NN, DD), jnp.float32)] * 2,
    mesh=_sc_mesh,
    scratch_types=[
        pltpu.VMEM((CHUNK,), jnp.int32),
        pltpu.VMEM((CHUNK,), jnp.int32),
        pltpu.VMEM((CHUNK,), jnp.int32),
        pltpu.VMEM((CHUNK,), jnp.int32),
        pltpu.SemaphoreType.DMA,
        pltpu.SemaphoreType.DMA,
        pltpu.VMEM((CHUNK, DD), jnp.float32),
        pltpu.VMEM((CHUNK, DD), jnp.float32),
        pltpu.VMEM_SHARED((NN, DD), jnp.float32),
    ],
)
def _deg_call(src_h, dst_h, d0_h, d1_h,
              sidx0, didx0, sidx1, didx1, sem0, sem1, e0, e1, acc):
    c = lax.axis_index("c")
    s = lax.axis_index("s")
    ebase = c * EPC
    first = jnp.where(lax.iota(jnp.int32, 16) == 0, 1.0, 0.0)
    zeros16 = jnp.zeros((16,), jnp.float32)

    def fz(t, carry):
        e0[t // 8, pl.ds((t % 8) * 16, 16)] = zeros16
        return carry
    lax.fori_loop(0, CHUNK * 8, fz, 0)
    _zero_acc_rows(e0, acc, s)

    def fe(i, carry):
        e0[i, pl.ds(0, 16)] = first
        for j in range(8):
            e1[i, pl.ds(j * 16, 16)] = first if j * 16 == DCOL else zeros16
        return carry
    lax.fori_loop(0, CHUNK, fe, 0)
    plsc.subcore_barrier()

    def issue(g, sidx, didx, sem):
        off = ebase + g * CHUNK
        pltpu.async_copy(src_h.at[pl.ds(off, CHUNK)], sidx, sem)
        pltpu.async_copy(dst_h.at[pl.ds(off, CHUNK)], didx, sem)

    def drain(g, sidx, didx, sem):
        off = ebase + g * CHUNK
        pltpu.make_async_copy(src_h.at[pl.ds(off, CHUNK)], sidx, sem).wait()
        pltpu.make_async_copy(dst_h.at[pl.ds(off, CHUNK)], didx, sem).wait()
        pltpu.sync_copy(e0, acc.at[sidx], add=True)
        pltpu.sync_copy(e1, acc.at[didx], add=True)

    issue(s, sidx0, didx0, sem0)

    def body(k, carry):
        g = (2 * k) * NS + s
        issue(g + NS, sidx1, didx1, sem1)
        drain(g, sidx0, didx0, sem0)

        @pl.when(k < FULL // 2 - 1)
        def _():
            issue(g + 2 * NS, sidx0, didx0, sem0)
        drain(g + NS, sidx1, didx1, sem1)
        return carry
    lax.fori_loop(0, FULL // 2, body, 0)

    @pl.when(s < EXTRA)
    def _():
        issue(FULL * NS + s, sidx0, didx0, sem0)
        drain(FULL * NS + s, sidx0, didx0, sem0)

    plsc.subcore_barrier()
    _drain_acc(acc, d0_h, d1_h, c, s)


NSLOT = 6
ROUNDS = FULL // NSLOT


@functools.partial(
    pl.kernel,
    out_type=[jax.ShapeDtypeStruct((NN, DD), jnp.float32)] * 2,
    mesh=_sc_mesh,
    scratch_types=(
        [pltpu.VMEM((CHUNK,), jnp.int32)] * (2 * NSLOT)
        + [pltpu.SemaphoreType.DMA] * NSLOT
        + [
            pltpu.VMEM((CHUNK, DD), jnp.float32),
            pltpu.VMEM((CHUNK, DD), jnp.float32),
            pltpu.SemaphoreType.DMA,
            pltpu.SemaphoreType.DMA,
            pltpu.VMEM_SHARED((NN, DD), jnp.float32),
        ]
    ),
)
def _agg_call(src_h, dst_h, t_h, p0_h, p1_h, *refs):
    sx = refs[0:2 * NSLOT:2]
    dx = refs[1:2 * NSLOT:2]
    isem = refs[2 * NSLOT:3 * NSLOT]
    rows = refs[3 * NSLOT:3 * NSLOT + 2]
    gsem = refs[3 * NSLOT + 2:3 * NSLOT + 4]
    acc = refs[3 * NSLOT + 4]
    c = lax.axis_index("c")
    s = lax.axis_index("s")
    ebase = c * EPC

    def fill_zero(t, carry):
        rows[0][t // 8, pl.ds((t % 8) * 16, 16)] = jnp.zeros((16,), jnp.float32)
        return carry
    lax.fori_loop(0, CHUNK * 8, fill_zero, 0)
    _zero_acc_rows(rows[0], acc, s)
    plsc.subcore_barrier()

    def cidx(j, m):
        return (j * NSLOT + m) * NS + s

    def iload(g, m):
        off = ebase + g * CHUNK
        pltpu.async_copy(src_h.at[pl.ds(off, CHUNK)], sx[m], isem[m])
        pltpu.async_copy(dst_h.at[pl.ds(off, CHUNK)], dx[m], isem[m])

    def iwait(g, m):
        off = ebase + g * CHUNK
        pltpu.make_async_copy(src_h.at[pl.ds(off, CHUNK)], sx[m], isem[m]).wait()
        pltpu.make_async_copy(dst_h.at[pl.ds(off, CHUNK)], dx[m], isem[m]).wait()

    def gather(m, r):
        pltpu.async_copy(t_h.at[sx[m]], rows[r], gsem[r])

    def drain(m, r):
        pltpu.make_async_copy(t_h.at[sx[m]], rows[r], gsem[r]).wait()
        pltpu.sync_copy(rows[r], acc.at[dx[m]], add=True)

    for m in range(NSLOT):
        iload(cidx(0, m), m)
    iwait(cidx(0, 0), 0)
    gather(0, 0)

    def round_body(j, carry):
        for m in range(NSLOT):
            nm = (m + 1) % NSLOT
            if nm != 0:
                iwait(cidx(j, nm), nm)
                gather(nm, nm % 2)
            else:
                @pl.when(j < ROUNDS - 1)
                def _():
                    iwait(cidx(j + 1, 0), 0)
                    gather(0, 0)
            drain(m, m % 2)

            @pl.when(j < ROUNDS - 1)
            def _():
                iload(cidx(j + 1, m), m)
        return carry
    lax.fori_loop(0, ROUNDS, round_body, 0)

    @pl.when(s < EXTRA)
    def _():
        g = FULL * NS + s
        iload(g, 0)
        iwait(g, 0)
        gather(0, 0)
        drain(0, 0)

    plsc.subcore_barrier()
    _drain_acc(acc, p0_h, p1_h, c, s)


_BLK = 1000
_GRID = NN // _BLK


def _norm(d0, d1, col):
    deg = d0[:, col] + d1[:, col]
    return jnp.where(deg > 0.0, lax.rsqrt(jnp.maximum(deg, 1.0)), 0.0)


def _front_body(x_ref, d0_ref, d1_ref, wf_ref, bf_ref, wg1_ref, o_ref):
    h0 = jnp.dot(x_ref[...], wf_ref[...],
                 preferred_element_type=jnp.float32) + bf_ref[...]
    ns = _norm(d0_ref[...], d1_ref[...], 0)
    o_ref[...] = jnp.dot(h0, wg1_ref[...],
                         preferred_element_type=jnp.float32) * ns[:, None]


def _mid_body(p0_ref, p1_ref, d0_ref, d1_ref, bg1_ref, wg2_ref, o_ref):
    agg = p0_ref[...] + p1_ref[...]
    nd = _norm(d0_ref[...], d1_ref[...], DCOL)
    h1 = jnp.maximum(agg * nd[:, None] + bg1_ref[...], 0.0)
    ns = _norm(d0_ref[...], d1_ref[...], 0)
    o_ref[...] = jnp.dot(h1, wg2_ref[...],
                         preferred_element_type=jnp.float32) * ns[:, None]


def _back_body(p0_ref, p1_ref, d0_ref, d1_ref, bg2_ref,
               wb1_ref, bb1_ref, wb2_ref, bb2_ref, o_ref):
    agg = p0_ref[...] + p1_ref[...]
    nd = _norm(d0_ref[...], d1_ref[...], DCOL)
    h2 = agg * nd[:, None] + bg2_ref[...]
    h3 = jnp.dot(h2, wb1_ref[...],
                 preferred_element_type=jnp.float32) + bb1_ref[...]
    o_ref[...] = jnp.dot(h3, wb2_ref[...],
                         preferred_element_type=jnp.float32) + bb2_ref[...]


def _row_spec(w):
    return pl.BlockSpec((_BLK, w), lambda i: (i, 0))


def _full_spec(h, w):
    return pl.BlockSpec((h, w), lambda i: (0, 0))


_front_call = pl.pallas_call(
    _front_body,
    grid=(_GRID,),
    in_specs=[_row_spec(DD), _row_spec(DD), _row_spec(DD),
              _full_spec(DD, DD), _full_spec(1, DD), _full_spec(DD, DD)],
    out_specs=_row_spec(DD),
    out_shape=jax.ShapeDtypeStruct((NN, DD), jnp.float32),
)

_mid_call = pl.pallas_call(
    _mid_body,
    grid=(_GRID,),
    in_specs=[_row_spec(DD), _row_spec(DD), _row_spec(DD), _row_spec(DD),
              _full_spec(1, DD), _full_spec(DD, DD)],
    out_specs=_row_spec(DD),
    out_shape=jax.ShapeDtypeStruct((NN, DD), jnp.float32),
)

_back_call = pl.pallas_call(
    _back_body,
    grid=(_GRID,),
    in_specs=[_row_spec(DD), _row_spec(DD), _row_spec(DD), _row_spec(DD),
              _full_spec(1, DD), _full_spec(DD, 64), _full_spec(1, 64),
              _full_spec(64, 1), _full_spec(1, 1)],
    out_specs=pl.BlockSpec((_BLK, 1), lambda i: (i, 0)),
    out_shape=jax.ShapeDtypeStruct((NN, 1), jnp.float32),
)


def kernel(features, edge_index, W_front, b_front, W_g1, b_g1, W_g2, b_g2,
           W_b1, b_b1, W_b2, b_b2):
    src = edge_index[0]
    dst = edge_index[1]
    d0, d1 = _deg_call(src, dst)
    t1 = _front_call(features, d0, d1, W_front,
                     b_front.reshape(1, DD), W_g1)
    p0, p1 = _agg_call(src, dst, t1)
    t2 = _mid_call(p0, p1, d0, d1, b_g1.reshape(1, DD), W_g2)
    q0, q1 = _agg_call(src, dst, t2)
    out = _back_call(q0, q1, d0, d1, b_g2.reshape(1, DD),
                     W_b1, b_b1.reshape(1, 64), W_b2, b_b2.reshape(1, 1))
    return out.reshape(-1)

# --- scband reference (transcript-rebuilt; emitter-appended) ---
"""Pipeline reference for scband-nmr-gcn-68659347194188 (READ-ONLY COPY).

The authoritative reference and input builder live on the scoring server;
editing this copy changes nothing except your own understanding.
"""

import jax, jax.numpy as jnp
import numpy as np

N = 10000
E = 320000
D_IN = 128
H = [128, 128, 128, 64]
OUT = 1


def _lin(k, fi, fo):
    return (jax.random.normal(k, (fi, fo)) * (1.0 / np.sqrt(fi))).astype(jnp.float32)


def setup_inputs(seed: int = 0) -> dict:
    key = jax.random.key(seed)
    ks = jax.random.split(key, 8)
    x = jax.random.normal(ks[0], (N, D_IN), dtype=jnp.float32)
    edge_index = jax.random.randint(ks[1], (2, E), 0, N, dtype=jnp.int32)
    W_front = _lin(ks[2], D_IN, H[0]); b_front = jnp.zeros((H[0],), jnp.float32)
    W_g1 = _lin(ks[3], H[0], H[1]); b_g1 = jnp.zeros((H[1],), jnp.float32)
    W_g2 = _lin(ks[4], H[1], H[2]); b_g2 = jnp.zeros((H[2],), jnp.float32)
    W_b1 = _lin(ks[5], H[2], H[3]); b_b1 = jnp.zeros((H[3],), jnp.float32)
    W_b2 = _lin(ks[6], H[3], OUT); b_b2 = jnp.zeros((OUT,), jnp.float32)
    return {"features": x, "edge_index": edge_index,
            "W_front": W_front, "b_front": b_front,
            "W_g1": W_g1, "b_g1": b_g1,
            "W_g2": W_g2, "b_g2": b_g2,
            "W_b1": W_b1, "b_b1": b_b1,
            "W_b2": W_b2, "b_b2": b_b2}


def _gcn_layer(h, src, dst, W, b, act):
    # DGL GraphConv with norm='both': D_dst^{-1/2} A D_src^{-1/2} (h W) + b
    ones = jnp.ones((src.shape[0],), jnp.float32)
    deg_out = jnp.zeros((N,), jnp.float32).at[src].add(ones)
    deg_in = jnp.zeros((N,), jnp.float32).at[dst].add(ones)
    norm_src = jnp.where(deg_out > 0, jax.lax.rsqrt(jnp.maximum(deg_out, 1.0)), 0.0)
    norm_dst = jnp.where(deg_in > 0, jax.lax.rsqrt(jnp.maximum(deg_in, 1.0)), 0.0)
    h = h @ W
    m = jnp.take(h, src, axis=0) * norm_src[src][:, None]
    agg = jnp.zeros((N, h.shape[1]), jnp.float32).at[dst].add(m)
    out = agg * norm_dst[:, None] + b
    if act:
        out = jax.nn.relu(out)
    return out


def reference(features, edge_index, W_front, b_front, W_g1, b_g1, W_g2, b_g2, W_b1, b_b1, W_b2, b_b2):
    src = edge_index[0]
    dst = edge_index[1]
    h = features @ W_front + b_front
    h = _gcn_layer(h, src, dst, W_g1, b_g1, True)
    # dropout is identity at inference
    h = _gcn_layer(h, src, dst, W_g2, b_g2, False)
    h = h @ W_b1 + b_b1
    h = h @ W_b2 + b_b2
    return h.reshape(-1)

if __name__ == "__main__":
    import jax
    _d = setup_inputs()
    print(jax.jit(kernel)(*tuple(_d.values())))

</pallas_src>

<mosaic_0001>
#map = affine_map<(d0, d1) -> (0)>
#map1 = affine_map<(d0, d1) -> (0, 0)>
module attributes {stable_mosaic.version = 14 : i64} {
  func.func @_agg_call(%arg0: i32, %arg1: i32, %arg2: memref<320000xi32, #tpu.memory_space<hbm>>, %arg3: memref<320000xi32, #tpu.memory_space<hbm>>, %arg4: memref<10000x128xf32, #tpu.memory_space<hbm>>, %arg5: memref<10000x128xf32, #tpu.memory_space<hbm>>, %arg6: memref<10000x128xf32, #tpu.memory_space<hbm>>, %arg7: memref<128xi32, #tpu.memory_space<vmem>>, %arg8: memref<128xi32, #tpu.memory_space<vmem>>, %arg9: memref<128xi32, #tpu.memory_space<vmem>>, %arg10: memref<128xi32, #tpu.memory_space<vmem>>, %arg11: memref<128xi32, #tpu.memory_space<vmem>>, %arg12: memref<128xi32, #tpu.memory_space<vmem>>, %arg13: memref<128xi32, #tpu.memory_space<vmem>>, %arg14: memref<128xi32, #tpu.memory_space<vmem>>, %arg15: memref<128xi32, #tpu.memory_space<vmem>>, %arg16: memref<128xi32, #tpu.memory_space<vmem>>, %arg17: memref<128xi32, #tpu.memory_space<vmem>>, %arg18: memref<128xi32, #tpu.memory_space<vmem>>, %arg19: memref<!tpu.dma_semaphore, #tpu.memory_space<semaphore_mem>>, %arg20: memref<!tpu.dma_semaphore, #tpu.memory_space<semaphore_mem>>, %arg21: memref<!tpu.dma_semaphore, #tpu.memory_space<semaphore_mem>>, %arg22: memref<!tpu.dma_semaphore, #tpu.memory_space<semaphore_mem>>, %arg23: memref<!tpu.dma_semaphore, #tpu.memory_space<semaphore_mem>>, %arg24: memref<!tpu.dma_semaphore, #tpu.memory_space<semaphore_mem>>, %arg25: memref<128x128xf32, #tpu.memory_space<vmem>>, %arg26: memref<128x128xf32, #tpu.memory_space<vmem>>, %arg27: memref<!tpu.dma_semaphore, #tpu.memory_space<semaphore_mem>>, %arg28: memref<!tpu.dma_semaphore, #tpu.memory_space<semaphore_mem>>, %arg29: memref<10000x128xf32, #tpu.memory_space<vmem_shared>>) attributes {dimension_semantics = [#tpu.dimension_semantics<core_parallel>, #tpu.dimension_semantics<subcore_parallel>], iteration_bounds = array<i64: 2, 16>, scalar_prefetch = 0 : i64, scratch_operands = 23 : i64, tpu.core_type = #tpu.core_type<sc_vector_subcore>, window_params = [{transform_indices = #map}, {transform_indices = #map}, {transform_indices = #map1}, {transform_indices = #map1}, {transform_indices = #map1}]} {
    %mul3A = arith.constant 160000 : i32
    %mul3A_0 = arith.muli %arg0, %mul3A : i32
    %scan3A = arith.constant 0 : i32
    %scan3A_1 = arith.constant 0 : i32
    %scan3A_2 = arith.constant 1024 : i32
    %scan3A_3 = arith.addi %scan3A_1, %scan3A_2 : i32
    %scan3A_4 = arith.constant 1 : i32
    scf.for %scan3A_114 = %scan3A_1 to %scan3A_3 step %scan3A_4  : i32 {
      %broadcast_in_dim3A = arith.constant 0.000000e+00 : f32
      %broadcast_in_dim3A_115 = vector.broadcast %broadcast_in_dim3A : f32 to vector<16xf32>
      %jit3A = arith.constant 8 : i32
      %div3A = arith.divsi %scan3A_114, %jit3A : i32
      %sign3A = arith.constant 0 : i32
      %sign3A_116 = arith.cmpi sgt, %scan3A_114, %sign3A : i32
      %sign3A_117 = arith.extui %sign3A_116 : i1 to i32
      %sign3A_118 = arith.constant 0 : i32
      %sign3A_119 = arith.cmpi slt, %scan3A_114, %sign3A_118 : i32
      %sign3A_120 = arith.extui %sign3A_119 : i1 to i32
      %sign3A_121 = arith.subi %sign3A_117, %sign3A_120 : i32
      %sign3A_122 = arith.constant 0 : i32
      %sign3A_123 = arith.cmpi sgt, %jit3A, %sign3A_122 : i32
      %sign3A_124 = arith.extui %sign3A_123 : i1 to i32
      %sign3A_125 = arith.constant 0 : i32
      %sign3A_126 = arith.cmpi slt, %jit3A, %sign3A_125 : i32
      %sign3A_127 = arith.extui %sign3A_126 : i1 to i32
      %sign3A_128 = arith.subi %sign3A_124, %sign3A_127 : i32
      %ne3A = arith.cmpi ne, %sign3A_121, %sign3A_128 : i32
      %rem3A = arith.remsi %scan3A_114, %jit3A : i32
      %ne3A_129 = arith.constant 0 : i32
      %ne3A_130 = arith.cmpi ne, %rem3A, %ne3A_129 : i32
      %and3A = arith.andi %ne3A, %ne3A_130 : i1
      %sub3A = arith.constant 1 : i32
      %sub3A_131 = arith.subi %div3A, %sub3A : i32
      %select_n3A = arith.select %and3A, %sub3A_131, %div3A : i32
      %jit3A_132 = arith.constant 8 : i32
      %eq3A_133 = arith.constant 0 : i32
      %eq3A_134 = arith.cmpi eq, %jit3A_132, %eq3A_133 : i32
      %jit3A_135 = arith.constant 1 : i32
      %select_n3A_136 = arith.select %eq3A_134, %jit3A_135, %jit3A_132 : i32
      %rem3A_137 = arith.remsi %scan3A_114, %select_n3A_136 : i32
      %ne3A_138 = arith.constant 0 : i32
      %ne3A_139 = arith.cmpi ne, %rem3A_137, %ne3A_138 : i32
      %lt3A_140 = arith.constant 0 : i32
      %lt3A_141 = arith.cmpi slt, %rem3A_137, %lt3A_140 : i32
      %lt3A_142 = arith.constant 0 : i32
      %lt3A_143 = arith.cmpi slt, %select_n3A_136, %lt3A_142 : i32
      %ne3A_144 = arith.xori %lt3A_141, %lt3A_143 : i1
      %and3A_145 = arith.andi %ne3A_144, %ne3A_139 : i1
      %add3A_146 = arith.addi %rem3A_137, %select_n3A_136 : i32
      %select_n3A_147 = arith.select %and3A_145, %add3A_146, %rem3A_137 : i32
      %mul3A_148 = arith.constant 16 : i32
      %mul3A_149 = arith.muli %select_n3A_147, %mul3A_148 : i32
      %swap3A = arith.index_cast %select_n3A : i32 to index
      %swap3A_150 = arith.index_cast %mul3A_149 : i32 to index
      %swap3A_151 = tpu.vector_load %arg25[%swap3A, %swap3A_150] {strides = array<i32>} : memref<128x128xf32, #tpu.memory_space<vmem>>, vector<1x16xf32>,
      %swap3A_152 = vector.shape_cast %swap3A_151 : vector<1x16xf32> to vector<16xf32>
      %swap3A_153 = vector.shape_cast %broadcast_in_dim3A_115 : vector<16xf32> to vector<1x16xf32>
      tpu.vector_store %arg25[%swap3A, %swap3A_150], %swap3A_153 {strides = array<i32>} : memref<128x128xf32, #tpu.memory_space<vmem>>, vector<1x16xf32>,
    }
    %scan3A_5 = arith.constant 1024 : i32
    %mul3A_6 = arith.constant 624 : i32
    %mul3A_7 = arith.muli %arg1, %mul3A_6 : i32
    %add3A = arith.constant 0 : i32
    %add3A_8 = arith.addi %mul3A_7, %add3A : i32
    "tpu.region"() ({
      %run_scoped3A = tpu.sem_alloc : memref<!tpu.dma_semaphore, #tpu.memory_space<semaphore_mem>>
      %dma_start3A_114 = arith.constant 0 : i32
      %dma_start3A_115 = tpu.memref_slice %arg29[%add3A_8, %dma_start3A_114] : memref<10000x128xf32, #tpu.memory_space<vmem_shared>> -> memref<128x128xf32, #tpu.memory_space<vmem_shared>>
      %dma_start3A_116 = arith.constant 0 : i32
      %dma_start3A_117 = tpu.memref_slice %arg29[%add3A_8, %dma_start3A_116] : memref<10000x128xf32, #tpu.memory_space<vmem_shared>> -> memref<128x128xf32, #tpu.memory_space<vmem_shared>>
      tpu.enqueue_dma source(%arg25 : memref<128x128xf32, #tpu.memory_space<vmem>>) target(%dma_start3A_117 : memref<128x128xf32, #tpu.memory_space<vmem_shared>>) target_semaphore(%run_scoped3A : memref<!tpu.dma_semaphore, #tpu.memory_space<semaphore_mem>>)
      %dma_wait3A_118 = arith.constant 0 : i32
      %dma_wait3A_119 = tpu.memref_slice %arg29[%add3A_8, %dma_wait3A_118] : memref<10000x128xf32, #tpu.memory_space<vmem_shared>> -> memref<128x128xf32, #tpu.memory_space<vmem_shared>>
      %dma_wait3A_120 = arith.constant 0 : i32
      %dma_wait3A_121 = tpu.memref_slice %arg29[%add3A_8, %dma_wait3A_120] : memref<10000x128xf32, #tpu.memory_space<vmem_shared>> -> memref<128x128xf32, #tpu.memory_space<vmem_shared>>
      tpu.wait_dma2 semaphore(%run_scoped3A : memref<!tpu.dma_semaphore, #tpu.memory_space<semaphore_mem>>) src(%arg25 : memref<128x128xf32, #tpu.memory_space<vmem>>) dst(%dma_wait3A_121 : memref<128x128xf32, #tpu.memory_space<vmem_shared>>)
      tpu.yield
    }) : () -> ()
    %mul3A_9 = arith.constant 624 : i32
    %mul3A_10 = arith.muli %arg1, %mul3A_9 : i32
    %add3A_11 = arith.constant 128 : i32
    %add3A_12 = arith.addi %mul3A_10, %add3A_11 : i32
    "tpu.region"() ({
      %run_scoped3A = tpu.sem_alloc : memref<!tpu.dma_semaphore, #tpu.memory_space<semaphore_mem>>
      %dma_start3A_114 = arith.constant 0 : i32
      %dma_start3A_115 = tpu.memref_slice %arg29[%add3A_12, %dma_start3A_114] : memref<10000x128xf32, #tpu.memory_space<vmem_shared>> -> memref<128x128xf32, #tpu.memory_space<vmem_shared>>
      %dma_start3A_116 = arith.constant 0 : i32
      %dma_start3A_117 = tpu.memref_slice %arg29[%add3A_12, %dma_start3A_116] : memref<10000x128xf32, #tpu.memory_space<vmem_shared>> -> memref<128x128xf32, #tpu.memory_space<vmem_shared>>
      tpu.enqueue_dma source(%arg25 : memref<128x128xf32, #tpu.memory_space<vmem>>) target(%dma_start3A_117 : memref<128x128xf32, #tpu.memory_space<vmem_shared>>) target_semaphore(%run_scoped3A : memref<!tpu.dma_semaphore, #tpu.memory_space<semaphore_mem>>)
      %dma_wait3A_118 = arith.constant 0 : i32
      %dma_wait3A_119 = tpu.memref_slice %arg29[%add3A_12, %dma_wait3A_118] : memref<10000x128xf32, #tpu.memory_space<vmem_shared>> -> memref<128x128xf32, #tpu.memory_space<vmem_shared>>
      %dma_wait3A_120 = arith.constant 0 : i32
      %dma_wait3A_121 = tpu.memref_slice %arg29[%add3A_12, %dma_wait3A_120] : memref<10000x128xf32, #tpu.memory_space<vmem_shared>> -> memref<128x128xf32, #tpu.memory_space<vmem_shared>>
      tpu.wait_dma2 semaphore(%run_scoped3A : memref<!tpu.dma_semaphore, #tpu.memory_space<semaphore_mem>>) src(%arg25 : memref<128x128xf32, #tpu.memory_space<vmem>>) dst(%dma_wait3A_121 : memref<128x128xf32, #tpu.memory_space<vmem_shared>>)
      tpu.yield
    }) : () -> ()
    %mul3A_13 = arith.constant 624 : i32
    %mul3A_14 = arith.muli %arg1, %mul3A_13 : i32
    %add3A_15 = arith.constant 256 : i32
    %add3A_16 = arith.addi %mul3A_14, %add3A_15 : i32
    "tpu.region"() ({
      %run_scoped3A = tpu.sem_alloc : memref<!tpu.dma_semaphore, #tpu.memory_space<semaphore_mem>>
      %dma_start3A_114 = arith.constant 0 : i32
      %dma_start3A_115 = tpu.memref_slice %arg29[%add3A_16, %dma_start3A_114] : memref<10000x128xf32, #tpu.memory_space<vmem_shared>> -> memref<128x128xf32, #tpu.memory_space<vmem_shared>>
      %dma_start3A_116 = arith.constant 0 : i32
      %dma_start3A_117 = tpu.memref_slice %arg29[%add3A_16, %dma_start3A_116] : memref<10000x128xf32, #tpu.memory_space<vmem_shared>> -> memref<128x128xf32, #tpu.memory_space<vmem_shared>>
      tpu.enqueue_dma source(%arg25 : memref<128x128xf32, #tpu.memory_space<vmem>>) target(%dma_start3A_117 : memref<128x128xf32, #tpu.memory_space<vmem_shared>>) target_semaphore(%run_scoped3A : memref<!tpu.dma_semaphore, #tpu.memory_space<semaphore_mem>>)
      %dma_wait3A_118 = arith.constant 0 : i32
      %dma_wait3A_119 = tpu.memref_slice %arg29[%add3A_16, %dma_wait3A_118] : memref<10000x128xf32, #tpu.memory_space<vmem_shared>> -> memref<128x128xf32, #tpu.memory_space<vmem_shared>>
      %dma_wait3A_120 = arith.constant 0 : i32
      %dma_wait3A_121 = tpu.memref_slice %arg29[%add3A_16, %dma_wait3A_120] : memref<10000x128xf32, #tpu.memory_space<vmem_shared>> -> memref<128x128xf32, #tpu.memory_space<vmem_shared>>
      tpu.wait_dma2 semaphore(%run_scoped3A : memref<!tpu.dma_semaphore, #tpu.memory_space<semaphore_mem>>) src(%arg25 : memref<128x128xf32, #tpu.memory_space<vmem>>) dst(%dma_wait3A_121 : memref<128x128xf32, #tpu.memory_space<vmem_shared>>)
      tpu.yield
    }) : () -> ()
    %mul3A_17 = arith.constant 624 : i32
    %mul3A_18 = arith.muli %arg1, %mul3A_17 : i32
    %add3A_19 = arith.constant 384 : i32
    %add3A_20 = arith.addi %mul3A_18, %add3A_19 : i32
    "tpu.region"() ({
      %run_scoped3A = tpu.sem_alloc : memref<!tpu.dma_semaphore, #tpu.memory_space<semaphore_mem>>
      %dma_start3A_114 = arith.constant 0 : i32
      %dma_start3A_115 = tpu.memref_slice %arg29[%add3A_20, %dma_start3A_114] : memref<10000x128xf32, #tpu.memory_space<vmem_shared>> -> memref<128x128xf32, #tpu.memory_space<vmem_shared>>
      %dma_start3A_116 = arith.constant 0 : i32
      %dma_start3A_117 = tpu.memref_slice %arg29[%add3A_20, %dma_start3A_116] : memref<10000x128xf32, #tpu.memory_space<vmem_shared>> -> memref<128x128xf32, #tpu.memory_space<vmem_shared>>
      tpu.enqueue_dma source(%arg25 : memref<128x128xf32, #tpu.memory_space<vmem>>) target(%dma_start3A_117 : memref<128x128xf32, #tpu.memory_space<vmem_shared>>) target_semaphore(%run_scoped3A : memref<!tpu.dma_semaphore, #tpu.memory_space<semaphore_mem>>)
      %dma_wait3A_118 = arith.constant 0 : i32
      %dma_wait3A_119 = tpu.memref_slice %arg29[%add3A_20, %dma_wait3A_118] : memref<10000x128xf32, #tpu.memory_space<vmem_shared>> -> memref<128x128xf32, #tpu.memory_space<vmem_shared>>
      %dma_wait3A_120 = arith.constant 0 : i32
      %dma_wait3A_121 = tpu.memref_slice %arg29[%add3A_20, %dma_wait3A_120] : memref<10000x128xf32, #tpu.memory_space<vmem_shared>> -> memref<128x128xf32, #tpu.memory_space<vmem_shared>>
      tpu.wait_dma2 semaphore(%run_scoped3A : memref<!tpu.dma_semaphore, #tpu.memory_space<semaphore_mem>>) src(%arg25 : memref<128x128xf32, #tpu.memory_space<vmem>>) dst(%dma_wait3A_121 : memref<128x128xf32, #tpu.memory_space<vmem_shared>>)
      tpu.yield
    }) : () -> ()
    %mul3A_21 = arith.constant 624 : i32
    %mul3A_22 = arith.muli %arg1, %mul3A_21 : i32
    %add3A_23 = arith.constant 512 : i32
    %add3A_24 = arith.addi %mul3A_22, %add3A_23 : i32
    "tpu.region"() ({
      %run_scoped3A = tpu.sem_alloc : memref<!tpu.dma_semaphore, #tpu.memory_space<semaphore_mem>>
      %dma_start3A_114 = arith.constant 0 : i32
      %dma_start3A_115 = arith.constant 0 : i32
      %dma_start3A_116 = tpu.memref_slice %arg25[%dma_start3A_114, %dma_start3A_115] : memref<128x128xf32, #tpu.memory_space<vmem>> -> memref<112x128xf32, #tpu.memory_space<vmem>>
      %dma_start3A_117 = arith.constant 0 : i32
      %dma_start3A_118 = tpu.memref_slice %arg29[%add3A_24, %dma_start3A_117] : memref<10000x128xf32, #tpu.memory_space<vmem_shared>> -> memref<112x128xf32, #tpu.memory_space<vmem_shared>>
      %dma_start3A_119 = arith.constant 0 : i32
      %dma_start3A_120 = tpu.memref_slice %arg29[%add3A_24, %dma_start3A_119] : memref<10000x128xf32, #tpu.memory_space<vmem_shared>> -> memref<112x128xf32, #tpu.memory_space<vmem_shared>>
      %dma_start3A_121 = arith.constant 0 : i32
      %dma_start3A_122 = arith.constant 0 : i32
      %dma_start3A_123 = tpu.memref_slice %arg25[%dma_start3A_121, %dma_start3A_122] : memref<128x128xf32, #tpu.memory_space<vmem>> -> memref<112x128xf32, #tpu.memory_space<vmem>>
      tpu.enqueue_dma source(%dma_start3A_123 : memref<112x128xf32, #tpu.memory_space<vmem>>) target(%dma_start3A_120 : memref<112x128xf32, #tpu.memory_space<vmem_shared>>) target_semaphore(%run_scoped3A : memref<!tpu.dma_semaphore, #tpu.memory_space<semaphore_mem>>)
      %dma_wait3A_124 = arith.constant 0 : i32
      %dma_wait3A_125 = arith.constant 0 : i32
      %dma_wait3A_126 = tpu.memref_slice %arg25[%dma_wait3A_124, %dma_wait3A_125] : memref<128x128xf32, #tpu.memory_space<vmem>> -> memref<112x128xf32, #tpu.memory_space<vmem>>
      %dma_wait3A_127 = arith.constant 0 : i32
      %dma_wait3A_128 = tpu.memref_slice %arg29[%add3A_24, %dma_wait3A_127] : memref<10000x128xf32, #tpu.memory_space<vmem_shared>> -> memref<112x128xf32, #tpu.memory_space<vmem_shared>>
      %dma_wait3A_129 = arith.constant 0 : i32
      %dma_wait3A_130 = tpu.memref_slice %arg29[%add3A_24, %dma_wait3A_129] : memref<10000x128xf32, #tpu.memory_space<vmem_shared>> -> memref<112x128xf32, #tpu.memory_space<vmem_shared>>
      %dma_wait3A_131 = arith.constant 0 : i32
      %dma_wait3A_132 = arith.constant 0 : i32
      %dma_wait3A_133 = tpu.memref_slice %arg25[%dma_wait3A_131, %dma_wait3A_132] : memref<128x128xf32, #tpu.memory_space<vmem>> -> memref<112x128xf32, #tpu.memory_space<vmem>>
      tpu.wait_dma2 semaphore(%run_scoped3A : memref<!tpu.dma_semaphore, #tpu.memory_space<semaphore_mem>>) src(%dma_wait3A_133 : memref<112x128xf32, #tpu.memory_space<vmem>>) dst(%dma_wait3A_130 : memref<112x128xf32, #tpu.memory_space<vmem_shared>>)
      tpu.yield
    }) : () -> ()
    %eq3A = arith.constant 15 : i32
    %eq3A_25 = arith.cmpi eq, %arg1, %eq3A : i32
    %convert_element_type3A = arith.extui %eq3A_25 : i1 to i32
    %cond3A = arith.constant 0 : i32
    %cond3A_26 = arith.cmpi ne, %convert_element_type3A, %cond3A : i32
    scf.if %cond3A_26 {
      "tpu.region"() ({
        %run_scoped3A = tpu.sem_alloc : memref<!tpu.dma_semaphore, #tpu.memory_space<semaphore_mem>>
        %dma_start3A_114 = arith.constant 0 : i32
        %dma_start3A_115 = arith.constant 0 : i32
        %dma_start3A_116 = tpu.memref_slice %arg25[%dma_start3A_114, %dma_start3A_115] : memref<128x128xf32, #tpu.memory_space<vmem>> -> memref<16x128xf32, #tpu.memory_space<vmem>>
        %dma_start3A_117 = arith.constant 9984 : i32
        %dma_start3A_118 = arith.constant 0 : i32
        %dma_start3A_119 = tpu.memref_slice %arg29[%dma_start3A_117, %dma_start3A_118] : memref<10000x128xf32, #tpu.memory_space<vmem_shared>> -> memref<16x128xf32, #tpu.memory_space<vmem_shared>>
        %dma_start3A_120 = arith.constant 9984 : i32
        %dma_start3A_121 = arith.constant 0 : i32
        %dma_start3A_122 = tpu.memref_slice %arg29[%dma_start3A_120, %dma_start3A_121] : memref<10000x128xf32, #tpu.memory_space<vmem_shared>> -> memref<16x128xf32, #tpu.memory_space<vmem_shared>>
        %dma_start3A_123 = arith.constant 0 : i32
        %dma_start3A_124 = arith.constant 0 : i32
        %dma_start3A_125 = tpu.memref_slice %arg25[%dma_start3A_123, %dma_start3A_124] : memref<128x128xf32, #tpu.memory_space<vmem>> -> memref<16x128xf32, #tpu.memory_space<vmem>>
        tpu.enqueue_dma source(%dma_start3A_125 : memref<16x128xf32, #tpu.memory_space<vmem>>) target(%dma_start3A_122 : memref<16x128xf32, #tpu.memory_space<vmem_shared>>) target_semaphore(%run_scoped3A : memref<!tpu.dma_semaphore, #tpu.memory_space<semaphore_mem>>)
        %dma_wait3A_126 = arith.constant 0 : i32
        %dma_wait3A_127 = arith.constant 0 : i32
        %dma_wait3A_128 = tpu.memref_slice %arg25[%dma_wait3A_126, %dma_wait3A_127] : memref<128x128xf32, #tpu.memory_space<vmem>> -> memref<16x128xf32, #tpu.memory_space<vmem>>
        %dma_wait3A_129 = arith.constant 9984 : i32
        %dma_wait3A_130 = arith.constant 0 : i32
        %dma_wait3A_131 = tpu.memref_slice %arg29[%dma_wait3A_129, %dma_wait3A_130] : memref<10000x128xf32, #tpu.memory_space<vmem_shared>> -> memref<16x128xf32, #tpu.memory_space<vmem_shared>>
        %dma_wait3A_132 = arith.constant 9984 : i32
        %dma_wait3A_133 = arith.constant 0 : i32
        %dma_wait3A_134 = tpu.memref_slice %arg29[%dma_wait3A_132, %dma_wait3A_133] : memref<10000x128xf32, #tpu.memory_space<vmem_shared>> -> memref<16x128xf32, #tpu.memory_space<vmem_shared>>
        %dma_wait3A_135 = arith.constant 0 : i32
        %dma_wait3A_136 = arith.constant 0 : i32
        %dma_wait3A_137 = tpu.memref_slice %arg25[%dma_wait3A_135, %dma_wait3A_136] : memref<128x128xf32, #tpu.memory_space<vmem>> -> memref<16x128xf32, #tpu.memory_space<vmem>>
        tpu.wait_dma2 semaphore(%run_scoped3A : memref<!tpu.dma_semaphore, #tpu.memory_space<semaphore_mem>>) src(%dma_wait3A_137 : memref<16x128xf32, #tpu.memory_space<vmem>>) dst(%dma_wait3A_134 : memref<16x128xf32, #tpu.memory_space<vmem_shared>>)
        tpu.yield
      }) : () -> ()
    } else {
    }
    %barrier3A = arith.constant 0 : index
    tpu.barrier barrier_id(%barrier3A)
    %add3A_27 = arith.constant 0 : i32
    %add3A_28 = arith.addi %add3A_27, %arg1 : i32
    %mul3A_29 = arith.constant 128 : i32
    %mul3A_30 = arith.muli %add3A_28, %mul3A_29 : i32
    %add3A_31 = arith.addi %mul3A_0, %mul3A_30 : i32
    %dma_start3A = tpu.memref_slice %arg2[%add3A_31] : memref<320000xi32, #tpu.memory_space<hbm>> -> memref<128xi32, #tpu.memory_space<hbm>>
    %dma_start3A_32 = tpu.memref_slice %arg2[%add3A_31] : memref<320000xi32, #tpu.memory_space<hbm>> -> memref<128xi32, #tpu.memory_space<hbm>>
    tpu.enqueue_dma source(%dma_start3A_32 : memref<128xi32, #tpu.memory_space<hbm>>) target(%arg7 : memref<128xi32, #tpu.memory_space<vmem>>) target_semaphore(%arg19 : memref<!tpu.dma_semaphore, #tpu.memory_space<semaphore_mem>>)
    %dma_start3A_33 = tpu.memref_slice %arg3[%add3A_31] : memref<320000xi32, #tpu.memory_space<hbm>> -> memref<128xi32, #tpu.memory_space<hbm>>
    %dma_start3A_34 = tpu.memref_slice %arg3[%add3A_31] : memref<320000xi32, #tpu.memory_space<hbm>> -> memref<128xi32, #tpu.memory_space<hbm>>
    tpu.enqueue_dma source(%dma_start3A_34 : memref<128xi32, #tpu.memory_space<hbm>>) target(%arg8 : memref<128xi32, #tpu.memory_space<vmem>>) target_semaphore(%arg19 : memref<!tpu.dma_semaphore, #tpu.memory_space<semaphore_mem>>)
    %add3A_35 = arith.constant 16 : i32
    %add3A_36 = arith.addi %add3A_35, %arg1 : i32
    %mul3A_37 = arith.constant 128 : i32
    %mul3A_38 = arith.muli %add3A_36, %mul3A_37 : i32
    %add3A_39 = arith.addi %mul3A_0, %mul3A_38 : i32
    %dma_start3A_40 = tpu.memref_slice %arg2[%add3A_39] : memref<320000xi32, #tpu.memory_space<hbm>> -> memref<128xi32, #tpu.memory_space<hbm>>
    %dma_start3A_41 = tpu.memref_slice %arg2[%add3A_39] : memref<320000xi32, #tpu.memory_space<hbm>> -> memref<128xi32, #tpu.memory_space<hbm>>
    tpu.enqueue_dma source(%dma_start3A_41 : memref<128xi32, #tpu.memory_space<hbm>>) target(%arg9 : memref<128xi32, #tpu.memory_space<vmem>>) target_semaphore(%arg20 : memref<!tpu.dma_semaphore, #tpu.memory_space<semaphore_mem>>)
    %dma_start3A_42 = tpu.memref_slice %arg3[%add3A_39] : memref<320000xi32, #tpu.memory_space<hbm>> -> memref<128xi32, #tpu.memory_space<hbm>>
    %dma_start3A_43 = tpu.memref_slice %arg3[%add3A_39] : memref<320000xi32, #tpu.memory_space<hbm>> -> memref<128xi32, #tpu.memory_space<hbm>>
    tpu.enqueue_dma source(%dma_start3A_43 : memref<128xi32, #tpu.memory_space<hbm>>) target(%arg10 : memref<128xi32, #tpu.memory_space<vmem>>) target_semaphore(%arg20 : memref<!tpu.dma_semaphore, #tpu.memory_space<semaphore_mem>>)
    %add3A_44 = arith.constant 32 : i32
    %add3A_45 = arith.addi %add3A_44, %arg1 : i32
    %mul3A_46 = arith.constant 128 : i32
    %mul3A_47 = arith.muli %add3A_45, %mul3A_46 : i32
    %add3A_48 = arith.addi %mul3A_0, %mul3A_47 : i32
    %dma_start3A_49 = tpu.memref_slice %arg2[%add3A_48] : memref<320000xi32, #tpu.memory_space<hbm>> -> memref<128xi32, #tpu.memory_space<hbm>>
    %dma_start3A_50 = tpu.memref_slice %arg2[%add3A_48] : memref<320000xi32, #tpu.memory_space<hbm>> -> memref<128xi32, #tpu.memory_space<hbm>>
    tpu.enqueue_dma source(%dma_start3A_50 : memref<128xi32, #tpu.memory_space<hbm>>) target(%arg11 : memref<128xi32, #tpu.memory_space<vmem>>) target_semaphore(%arg21 : memref<!tpu.dma_semaphore, #tpu.memory_space<semaphore_mem>>)
    %dma_start3A_51 = tpu.memref_slice %arg3[%add3A_48] : memref<320000xi32, #tpu.memory_space<hbm>> -> memref<128xi32, #tpu.memory_space<hbm>>
    %dma_start3A_52 = tpu.memref_slice %arg3[%add3A_48] : memref<320000xi32, #tpu.memory_space<hbm>> -> memref<128xi32, #tpu.memory_space<hbm>>
    tpu.enqueue_dma source(%dma_start3A_52 : memref<128xi32, #tpu.memory_space<hbm>>) target(%arg12 : memref<128xi32, #tpu.memory_space<vmem>>) target_semaphore(%arg21 : memref<!tpu.dma_semaphore, #tpu.memory_space<semaphore_mem>>)
    %add3A_53 = arith.constant 48 : i32
    %add3A_54 = arith.addi %add3A_53, %arg1 : i32
    %mul3A_55 = arith.constant 128 : i32
    %mul3A_56 = arith.muli %add3A_54, %mul3A_55 : i32
    %add3A_57 = arith.addi %mul3A_0, %mul3A_56 : i32
    %dma_start3A_58 = tpu.memref_slice %arg2[%add3A_57] : memref<320000xi32, #tpu.memory_space<hbm>> -> memref<128xi32, #tpu.memory_space<hbm>>
    %dma_start3A_59 = tpu.memref_slice %arg2[%add3A_57] : memref<320000xi32, #tpu.memory_space<hbm>> -> memref<128xi32, #tpu.memory_space<hbm>>
    tpu.enqueue_dma source(%dma_start3A_59 : memref<128xi32, #tpu.memory_space<hbm>>) target(%arg13 : memref<128xi32, #tpu.memory_space<vmem>>) target_semaphore(%arg22 : memref<!tpu.dma_semaphore, #tpu.memory_space<semaphore_mem>>)
    %dma_start3A_60 = tpu.memref_slice %arg3[%add3A_57] : memref<320000xi32, #tpu.memory_space<hbm>> -> memref<128xi32, #tpu.memory_space<hbm>>
    %dma_start3A_61 = tpu.memref_slice %arg3[%add3A_57] : memref<320000xi32, #tpu.memory_space<hbm>> -> memref<128xi32, #tpu.memory_space<hbm>>
    tpu.enqueue_dma source(%dma_start3A_61 : memref<128xi32, #tpu.memory_space<hbm>>) target(%arg14 : memref<128xi32, #tpu.memory_space<vmem>>) target_semaphore(%arg22 : memref<!tpu.dma_semaphore, #tpu.memory_space<semaphore_mem>>)
    %add3A_62 = arith.constant 64 : i32
    %add3A_63 = arith.addi %add3A_62, %arg1 : i32
    %mul3A_64 = arith.constant 128 : i32
    %mul3A_65 = arith.muli %add3A_63, %mul3A_64 : i32
    %add3A_66 = arith.addi %mul3A_0, %mul3A_65 : i32
    %dma_start3A_67 = tpu.memref_slice %arg2[%add3A_66] : memref<320000xi32, #tpu.memory_space<hbm>> -> memref<128xi32, #tpu.memory_space<hbm>>
    %dma_start3A_68 = tpu.memref_slice %arg2[%add3A_66] : memref<320000xi32, #tpu.memory_space<hbm>> -> memref<128xi32, #tpu.memory_space<hbm>>
    tpu.enqueue_dma source(%dma_start3A_68 : memref<128xi32, #tpu.memory_space<hbm>>) target(%arg15 : memref<128xi32, #tpu.memory_space<vmem>>) target_semaphore(%arg23 : memref<!tpu.dma_semaphore, #tpu.memory_space<semaphore_mem>>)
    %dma_start3A_69 = tpu.memref_slice %arg3[%add3A_66] : memref<320000xi32, #tpu.memory_space<hbm>> -> memref<128xi32, #tpu.memory_space<hbm>>
    %dma_start3A_70 = tpu.memref_slice %arg3[%add3A_66] : memref<320000xi32, #tpu.memory_space<hbm>> -> memref<128xi32, #tpu.memory_space<hbm>>
    tpu.enqueue_dma source(%dma_start3A_70 : memref<128xi32, #tpu.memory_space<hbm>>) target(%arg16 : memref<128xi32, #tpu.memory_space<vmem>>) target_semaphore(%arg23 : memref<!tpu.dma_semaphore, #tpu.memory_space<semaphore_mem>>)
    %add3A_71 = arith.constant 80 : i32
    %add3A_72 = arith.addi %add3A_71, %arg1 : i32
    %mul3A_73 = arith.constant 128 : i32
    %mul3A_74 = arith.muli %add3A_72, %mul3A_73 : i32
    %add3A_75 = arith.addi %mul3A_0, %mul3A_74 : i32
    %dma_start3A_76 = tpu.memref_slice %arg2[%add3A_75] : memref<320000xi32, #tpu.memory_space<hbm>> -> memref<128xi32, #tpu.memory_space<hbm>>
    %dma_start3A_77 = tpu.memref_slice %arg2[%add3A_75] : memref<320000xi32, #tpu.memory_space<hbm>> -> memref<128xi32, #tpu.memory_space<hbm>>
    tpu.enqueue_dma source(%dma_start3A_77 : memref<128xi32, #tpu.memory_space<hbm>>) target(%arg17 : memref<128xi32, #tpu.memory_space<vmem>>) target_semaphore(%arg24 : memref<!tpu.dma_semaphore, #tpu.memory_space<semaphore_mem>>)
    %dma_start3A_78 = tpu.memref_slice %arg3[%add3A_75] : memref<320000xi32, #tpu.memory_space<hbm>> -> memref<128xi32, #tpu.memory_space<hbm>>
    %dma_start3A_79 = tpu.memref_slice %arg3[%add3A_75] : memref<320000xi32, #tpu.memory_space<hbm>> -> memref<128xi32, #tpu.memory_space<hbm>>
    tpu.enqueue_dma source(%dma_start3A_79 : memref<128xi32, #tpu.memory_space<hbm>>) target(%arg18 : memref<128xi32, #tpu.memory_space<vmem>>) target_semaphore(%arg24 : memref<!tpu.dma_semaphore, #tpu.memory_space<semaphore_mem>>)
    %add3A_80 = arith.constant 0 : i32
    %add3A_81 = arith.addi %add3A_80, %arg1 : i32
    %mul3A_82 = arith.constant 128 : i32
    %mul3A_83 = arith.muli %add3A_81, %mul3A_82 : i32
    %add3A_84 = arith.addi %mul3A_0, %mul3A_83 : i32
    %dma_wait3A = tpu.memref_slice %arg2[%add3A_84] : memref<320000xi32, #tpu.memory_space<hbm>> -> memref<128xi32, #tpu.memory_space<hbm>>
    %dma_wait3A_85 = tpu.memref_slice %arg2[%add3A_84] : memref<320000xi32, #tpu.memory_space<hbm>> -> memref<128xi32, #tpu.memory_space<hbm>>
    tpu.wait_dma2 semaphore(%arg19 : memref<!tpu.dma_semaphore, #tpu.memory_space<semaphore_mem>>) src(%dma_wait3A_85 : memref<128xi32, #tpu.memory_space<hbm>>) dst(%arg7 : memref<128xi32, #tpu.memory_space<vmem>>)
    %dma_wait3A_86 = tpu.memref_slice %arg3[%add3A_84] : memref<320000xi32, #tpu.memory_space<hbm>> -> memref<128xi32, #tpu.memory_space<hbm>>
    %dma_wait3A_87 = tpu.memref_slice %arg3[%add3A_84] : memref<320000xi32, #tpu.memory_space<hbm>> -> memref<128xi32, #tpu.memory_space<hbm>>
    tpu.wait_dma2 semaphore(%arg19 : memref<!tpu.dma_semaphore, #tpu.memory_space<semaphore_mem>>) src(%dma_wait3A_87 : memref<128xi32, #tpu.memory_space<hbm>>) dst(%arg8 : memref<128xi32, #tpu.memory_space<vmem>>)
    %dma_start3A_88 = arith.constant 0 : i32
    %dma_start3A_89 = arith.constant 0 : i32
    %dma_start3A_90 = tpu.memref_slice %arg4[%dma_start3A_88, %dma_start3A_89] : memref<10000x128xf32, #tpu.memory_space<hbm>> -> memref<10000x128xf32, #tpu.memory_space<hbm>>
    tpu.enqueue_indirect_dma source(%dma_start3A_90 : memref<10000x128xf32, #tpu.memory_space<hbm>>) target(%arg25 : memref<128x128xf32, #tpu.memory_space<vmem>>) offsets(%arg7 : memref<128xi32, #tpu.memory_space<vmem>>) semaphore(%arg27 : memref<!tpu.dma_semaphore, #tpu.memory_space<semaphore_mem>>)
    %scan3A_91 = arith.constant 0 : i32
    %scan3A_92 = arith.constant 0 : i32
    %scan3A_93 = arith.constant 13 : i32
    %scan3A_94 = arith.addi %scan3A_92, %scan3A_93 : i32
    %scan3A_95 = arith.constant 1 : i32
    scf.for %scan3A_114 = %scan3A_92 to %scan3A_94 step %scan3A_95  : i32 {
      %mul3A_115 = arith.constant 6 : i32
      %mul3A_116 = arith.muli %scan3A_114, %mul3A_115 : i32
      %add3A_117 = arith.constant 1 : i32
      %add3A_118 = arith.addi %mul3A_116, %add3A_117 : i32
      %mul3A_119 = arith.constant 16 : i32
      %mul3A_120 = arith.muli %add3A_118, %mul3A_119 : i32
      %add3A_121 = arith.addi %mul3A_120, %arg1 : i32
      %mul3A_122 = arith.constant 128 : i32
      %mul3A_123 = arith.muli %add3A_121, %mul3A_122 : i32
      %add3A_124 = arith.addi %mul3A_0, %mul3A_123 : i32
      %dma_wait3A_125 = tpu.memref_slice %arg2[%add3A_124] : memref<320000xi32, #tpu.memory_space<hbm>> -> memref<128xi32, #tpu.memory_space<hbm>>
      %dma_wait3A_126 = tpu.memref_slice %arg2[%add3A_124] : memref<320000xi32, #tpu.memory_space<hbm>> -> memref<128xi32, #tpu.memory_space<hbm>>
      tpu.wait_dma2 semaphore(%arg20 : memref<!tpu.dma_semaphore, #tpu.memory_space<semaphore_mem>>) src(%dma_wait3A_126 : memref<128xi32, #tpu.memory_space<hbm>>) dst(%arg9 : memref<128xi32, #tpu.memory_space<vmem>>)
      %dma_wait3A_127 = tpu.memref_slice %arg3[%add3A_124] : memref<320000xi32, #tpu.memory_space<hbm>> -> memref<128xi32, #tpu.memory_space<hbm>>
      %dma_wait3A_128 = tpu.memref_slice %arg3[%add3A_124] : memref<320000xi32, #tpu.memory_space<hbm>> -> memref<128xi32, #tpu.memory_space<hbm>>
      tpu.wait_dma2 semaphore(%arg20 : memref<!tpu.dma_semaphore, #tpu.memory_space<semaphore_mem>>) src(%dma_wait3A_128 : memref<128xi32, #tpu.memory_space<hbm>>) dst(%arg10 : memref<128xi32, #tpu.memory_space<vmem>>)
      %dma_start3A_129 = arith.constant 0 : i32
      %dma_start3A_130 = arith.constant 0 : i32
      %dma_start3A_131 = tpu.memref_slice %arg4[%dma_start3A_129, %dma_start3A_130] : memref<10000x128xf32, #tpu.memory_space<hbm>> -> memref<10000x128xf32, #tpu.memory_space<hbm>>
      tpu.enqueue_indirect_dma source(%dma_start3A_131 : memref<10000x128xf32, #tpu.memory_space<hbm>>) target(%arg26 : memref<128x128xf32, #tpu.memory_space<vmem>>) offsets(%arg9 : memref<128xi32, #tpu.memory_space<vmem>>) semaphore(%arg28 : memref<!tpu.dma_semaphore, #tpu.memory_space<semaphore_mem>>)
      %dma_wait3A_132 = arith.constant 0 : i32
      %dma_wait3A_133 = arith.constant 0 : i32
      %dma_wait3A_134 = tpu.memref_slice %arg4[%dma_wait3A_132, %dma_wait3A_133] : memref<10000x128xf32, #tpu.memory_space<hbm>> -> memref<10000x128xf32, #tpu.memory_space<hbm>>
      tpu.wait_indirect_dma semaphore(%arg27 : memref<!tpu.dma_semaphore, #tpu.memory_space<semaphore_mem>>) src(%dma_wait3A_134 : memref<10000x128xf32, #tpu.memory_space<hbm>>) dst(%arg25 : memref<128x128xf32, #tpu.memory_space<vmem>>)
      "tpu.region"() ({
        %run_scoped3A = tpu.sem_alloc : memref<!tpu.dma_semaphore, #tpu.memory_space<semaphore_mem>>
        %dma_start3A_253 = arith.constant 0 : i32
        %dma_start3A_254 = arith.constant 0 : i32
        %dma_start3A_255 = tpu.memref_slice %arg29[%dma_start3A_253, %dma_start3A_254] : memref<10000x128xf32, #tpu.memory_space<vmem_shared>> -> memref<10000x128xf32, #tpu.memory_space<vmem_shared>>
        tpu.enqueue_indirect_dma source(%arg25 : memref<128x128xf32, #tpu.memory_space<vmem>>) target(%dma_start3A_255 : memref<10000x128xf32, #tpu.memory_space<vmem_shared>>) offsets(%arg8 : memref<128xi32, #tpu.memory_space<vmem>>) semaphore(%run_scoped3A : memref<!tpu.dma_semaphore, #tpu.memory_space<semaphore_mem>>) {add = true}
        %dma_wait3A_256 = arith.constant 0 : i32
        %dma_wait3A_257 = arith.constant 0 : i32
        %dma_wait3A_258 = tpu.memref_slice %arg29[%dma_wait3A_256, %dma_wait3A_257] : memref<10000x128xf32, #tpu.memory_space<vmem_shared>> -> memref<10000x128xf32, #tpu.memory_space<vmem_shared>>
        tpu.wait_indirect_dma semaphore(%run_scoped3A : memref<!tpu.dma_semaphore, #tpu.memory_space<semaphore_mem>>) src(%arg25 : memref<128x128xf32, #tpu.memory_space<vmem>>) dst(%dma_wait3A_258 : memref<10000x128xf32, #tpu.memory_space<vmem_shared>>)
        tpu.yield
      }) : () -> ()
      %lt3A_135 = arith.constant 12 : i32
      %lt3A_136 = arith.cmpi slt, %scan3A_114, %lt3A_135 : i32
      %convert_element_type3A_137 = arith.extui %lt3A_136 : i1 to i32
      %cond3A_138 = arith.constant 0 : i32
      %cond3A_139 = arith.cmpi ne, %convert_element_type3A_137, %cond3A_138 : i32
      scf.if %cond3A_139 {
        %add3A_253 = arith.constant 1 : i32
        %add3A_254 = arith.addi %scan3A_114, %add3A_253 : i32
        %mul3A_255 = arith.constant 6 : i32
        %mul3A_256 = arith.muli %add3A_254, %mul3A_255 : i32
        %add3A_257 = arith.constant 0 : i32
        %add3A_258 = arith.addi %mul3A_256, %add3A_257 : i32
        %mul3A_259 = arith.constant 16 : i32
        %mul3A_260 = arith.muli %add3A_258, %mul3A_259 : i32
        %add3A_261 = arith.addi %mul3A_260, %arg1 : i32
        %mul3A_262 = arith.constant 128 : i32
        %mul3A_263 = arith.muli %add3A_261, %mul3A_262 : i32
        %add3A_264 = arith.addi %mul3A_0, %mul3A_263 : i32
        %dma_start3A_265 = tpu.memref_slice %arg2[%add3A_264] : memref<320000xi32, #tpu.memory_space<hbm>> -> memref<128xi32, #tpu.memory_space<hbm>>
        %dma_start3A_266 = tpu.memref_slice %arg2[%add3A_264] : memref<320000xi32, #tpu.memory_space<hbm>> -> memref<128xi32, #tpu.memory_space<hbm>>
        tpu.enqueue_dma source(%dma_start3A_266 : memref<128xi32, #tpu.memory_space<hbm>>) target(%arg7 : memref<128xi32, #tpu.memory_space<vmem>>) target_semaphore(%arg19 : memref<!tpu.dma_semaphore, #tpu.memory_space<semaphore_mem>>)
        %dma_start3A_267 = tpu.memref_slice %arg3[%add3A_264] : memref<320000xi32, #tpu.memory_space<hbm>> -> memref<128xi32, #tpu.memory_space<hbm>>
        %dma_start3A_268 = tpu.memref_slice %arg3[%add3A_264] : memref<320000xi32, #tpu.memory_space<hbm>> -> memref<128xi32, #tpu.memory_space<hbm>>
        tpu.enqueue_dma source(%dma_start3A_268 : memref<128xi32, #tpu.memory_space<hbm>>) target(%arg8 : memref<128xi32, #tpu.memory_space<vmem>>) target_semaphore(%arg19 : memref<!tpu.dma_semaphore, #tpu.memory_space<semaphore_mem>>)
      } else {
      }
      %mul3A_140 = arith.constant 6 : i32
      %mul3A_141 = arith.muli %scan3A_114, %mul3A_140 : i32
      %add3A_142 = arith.constant 2 : i32
      %add3A_143 = arith.addi %mul3A_141, %add3A_142 : i32
      %mul3A_144 = arith.constant 16 : i32
      %mul3A_145 = arith.muli %add3A_143, %mul3A_144 : i32
      %add3A_146 = arith.addi %mul3A_145, %arg1 : i32
      %mul3A_147 = arith.constant 128 : i32
      %mul3A_148 = arith.muli %add3A_146, %mul3A_147 : i32
      %add3A_149 = arith.addi %mul3A_0, %mul3A_148 : i32
      %dma_wait3A_150 = tpu.memref_slice %arg2[%add3A_149] : memref<320000xi32, #tpu.memory_space<hbm>> -> memref<128xi32, #tpu.memory_space<hbm>>
      %dma_wait3A_151 = tpu.memref_slice %arg2[%add3A_149] : memref<320000xi32, #tpu.memory_space<hbm>> -> memref<128xi32, #tpu.memory_space<hbm>>
      tpu.wait_dma2 semaphore(%arg21 : memref<!tpu.dma_semaphore, #tpu.memory_space<semaphore_mem>>) src(%dma_wait3A_151 : memref<128xi32, #tpu.memory_space<hbm>>) dst(%arg11 : memref<128xi32, #tpu.memory_space<vmem>>)
      %dma_wait3A_152 = tpu.memref_slice %arg3[%add3A_149] : memref<320000xi32, #tpu.memory_space<hbm>> -> memref<128xi32, #tpu.memory_space<hbm>>
      %dma_wait3A_153 = tpu.memref_slice %arg3[%add3A_149] : memref<320000xi32, #tpu.memory_space<hbm>> -> memref<128xi32, #tpu.memory_space<hbm>>
      tpu.wait_dma2 semaphore(%arg21 : memref<!tpu.dma_semaphore, #tpu.memory_space<semaphore_mem>>) src(%dma_wait3A_153 : memref<128xi32, #tpu.memory_space<hbm>>) dst(%arg12 : memref<128xi32, #tpu.memory_space<vmem>>)
      %dma_start3A_154 = arith.constant 0 : i32
      %dma_start3A_155 = arith.constant 0 : i32
      %dma_start3A_156 = tpu.memref_slice %arg4[%dma_start3A_154, %dma_start3A_155] : memref<10000x128xf32, #tpu.memory_space<hbm>> -> memref<10000x128xf32, #tpu.memory_space<hbm>>
      tpu.enqueue_indirect_dma source(%dma_start3A_156 : memref<10000x128xf32, #tpu.memory_space<hbm>>) target(%arg25 : memref<128x128xf32, #tpu.memory_space<vmem>>) offsets(%arg11 : memref<128xi32, #tpu.memory_space<vmem>>) semaphore(%arg27 : memref<!tpu.dma_semaphore, #tpu.memory_space<semaphore_mem>>)
      %dma_wait3A_157 = arith.constant 0 : i32
      %dma_wait3A_158 = arith.constant 0 : i32
      %dma_wait3A_159 = tpu.memref_slice %arg4[%dma_wait3A_157, %dma_wait3A_158] : memref<10000x128xf32, #tpu.memory_space<hbm>> -> memref<10000x128xf32, #tpu.memory_space<hbm>>
      tpu.wait_indirect_dma semaphore(%arg28 : memref<!tpu.dma_semaphore, #tpu.memory_space<semaphore_mem>>) src(%dma_wait3A_159 : memref<10000x128xf32, #tpu.memory_space<hbm>>) dst(%arg26 : memref<128x128xf32, #tpu.memory_space<vmem>>)
      "tpu.region"() ({
        %run_scoped3A = tpu.sem_alloc : memref<!tpu.dma_semaphore, #tpu.memory_space<semaphore_mem>>
        %dma_start3A_253 = arith.constant 0 : i32
        %dma_start3A_254 = arith.constant 0 : i32
        %dma_start3A_255 = tpu.memref_slice %arg29[%dma_start3A_253, %dma_start3A_254] : memref<10000x128xf32, #tpu.memory_space<vmem_shared>> -> memref<10000x128xf32, #tpu.memory_space<vmem_shared>>
        tpu.enqueue_indirect_dma source(%arg26 : memref<128x128xf32, #tpu.memory_space<vmem>>) target(%dma_start3A_255 : memref<10000x128xf32, #tpu.memory_space<vmem_shared>>) offsets(%arg10 : memref<128xi32, #tpu.memory_space<vmem>>) semaphore(%run_scoped3A : memref<!tpu.dma_semaphore, #tpu.memory_space<semaphore_mem>>) {add = true}
        %dma_wait3A_256 = arith.constant 0 : i32
        %dma_wait3A_257 = arith.constant 0 : i32
        %dma_wait3A_258 = tpu.memref_slice %arg29[%dma_wait3A_256, %dma_wait3A_257] : memref<10000x128xf32, #tpu.memory_space<vmem_shared>> -> memref<10000x128xf32, #tpu.memory_space<vmem_shared>>
        tpu.wait_indirect_dma semaphore(%run_scoped3A : memref<!tpu.dma_semaphore, #tpu.memory_space<semaphore_mem>>) src(%arg26 : memref<128x128xf32, #tpu.memory_space<vmem>>) dst(%dma_wait3A_258 : memref<10000x128xf32, #tpu.memory_space<vmem_shared>>)
        tpu.yield
      }) : () -> ()
      %lt3A_160 = arith.constant 12 : i32
      %lt3A_161 = arith.cmpi slt, %scan3A_114, %lt3A_160 : i32
      %convert_element_type3A_162 = arith.extui %lt3A_161 : i1 to i32
      %cond3A_163 = arith.constant 0 : i32
      %cond3A_164 = arith.cmpi ne, %convert_element_type3A_162, %cond3A_163 : i32
      scf.if %cond3A_164 {
        %add3A_253 = arith.constant 1 : i32
        %add3A_254 = arith.addi %scan3A_114, %add3A_253 : i32
        %mul3A_255 = arith.constant 6 : i32
        %mul3A_256 = arith.muli %add3A_254, %mul3A_255 : i32
        %add3A_257 = arith.constant 1 : i32
        %add3A_258 = arith.addi %mul3A_256, %add3A_257 : i32
        %mul3A_259 = arith.constant 16 : i32
        %mul3A_260 = arith.muli %add3A_258, %mul3A_259 : i32
        %add3A_261 = arith.addi %mul3A_260, %arg1 : i32
        %mul3A_262 = arith.constant 128 : i32
        %mul3A_263 = arith.muli %add3A_261, %mul3A_262 : i32
        %add3A_264 = arith.addi %mul3A_0, %mul3A_263 : i32
        %dma_start3A_265 = tpu.memref_slice %arg2[%add3A_264] : memref<320000xi32, #tpu.memory_space<hbm>> -> memref<128xi32, #tpu.memory_space<hbm>>
        %dma_start3A_266 = tpu.memref_slice %arg2[%add3A_264] : memref<320000xi32, #tpu.memory_space<hbm>> -> memref<128xi32, #tpu.memory_space<hbm>>
        tpu.enqueue_dma source(%dma_start3A_266 : memref<128xi32, #tpu.memory_space<hbm>>) target(%arg9 : memref<128xi32, #tpu.memory_space<vmem>>) target_semaphore(%arg20 : memref<!tpu.dma_semaphore, #tpu.memory_space<semaphore_mem>>)
        %dma_start3A_267 = tpu.memref_slice %arg3[%add3A_264] : memref<320000xi32, #tpu.memory_space<hbm>> -> memref<128xi32, #tpu.memory_space<hbm>>
        %dma_start3A_268 = tpu.memref_slice %arg3[%add3A_264] : memref<320000xi32, #tpu.memory_space<hbm>> -> memref<128xi32, #tpu.memory_space<hbm>>
        tpu.enqueue_dma source(%dma_start3A_268 : memref<128xi32, #tpu.memory_space<hbm>>) target(%arg10 : memref<128xi32, #tpu.memory_space<vmem>>) target_semaphore(%arg20 : memref<!tpu.dma_semaphore, #tpu.memory_space<semaphore_mem>>)
      } else {
      }
      %mul3A_165 = arith.constant 6 : i32
      %mul3A_166 = arith.muli %scan3A_114, %mul3A_165 : i32
      %add3A_167 = arith.constant 3 : i32
      %add3A_168 = arith.addi %mul3A_166, %add3A_167 : i32
      %mul3A_169 = arith.constant 16 : i32
      %mul3A_170 = arith.muli %add3A_168, %mul3A_169 : i32
      %add3A_171 = arith.addi %mul3A_170, %arg1 : i32
      %mul3A_172 = arith.constant 128 : i32
      %mul3A_173 = arith.muli %add3A_171, %mul3A_172 : i32
      %add3A_174 = arith.addi %mul3A_0, %mul3A_173 : i32
      %dma_wait3A_175 = tpu.memref_slice %arg2[%add3A_174] : memref<320000xi32, #tpu.memory_space<hbm>> -> memref<128xi32, #tpu.memory_space<hbm>>
      %dma_wait3A_176 = tpu.memref_slice %arg2[%add3A_174] : memref<320000xi32, #tpu.memory_space<hbm>> -> memref<128xi32, #tpu.memory_space<hbm>>
      tpu.wait_dma2 semaphore(%arg22 : memref<!tpu.dma_semaphore, #tpu.memory_space<semaphore_mem>>) src(%dma_wait3A_176 : memref<128xi32, #tpu.memory_space<hbm>>) dst(%arg13 : memref<128xi32, #tpu.memory_space<vmem>>)
      %dma_wait3A_177 = tpu.memref_slice %arg3[%add3A_174] : memref<320000xi32, #tpu.memory_space<hbm>> -> memref<128xi32, #tpu.memory_space<hbm>>
      %dma_wait3A_178 = tpu.memref_slice %arg3[%add3A_174] : memref<320000xi32, #tpu.memory_space<hbm>> -> memref<128xi32, #tpu.memory_space<hbm>>
      tpu.wait_dma2 semaphore(%arg22 : memref<!tpu.dma_semaphore, #tpu.memory_space<semaphore_mem>>) src(%dma_wait3A_178 : memref<128xi32, #tpu.memory_space<hbm>>) dst(%arg14 : memref<128xi32, #tpu.memory_space<vmem>>)
      %dma_start3A_179 = arith.constant 0 : i32
      %dma_start3A_180 = arith.constant 0 : i32
      %dma_start3A_181 = tpu.memref_slice %arg4[%dma_start3A_179, %dma_start3A_180] : memref<10000x128xf32, #tpu.memory_space<hbm>> -> memref<10000x128xf32, #tpu.memory_space<hbm>>
      tpu.enqueue_indirect_dma source(%dma_start3A_181 : memref<10000x128xf32, #tpu.memory_space<hbm>>) target(%arg26 : memref<128x128xf32, #tpu.memory_space<vmem>>) offsets(%arg13 : memref<128xi32, #tpu.memory_space<vmem>>) semaphore(%arg28 : memref<!tpu.dma_semaphore, #tpu.memory_space<semaphore_mem>>)
      %dma_wait3A_182 = arith.constant 0 : i32
      %dma_wait3A_183 = arith.constant 0 : i32
      %dma_wait3A_184 = tpu.memref_slice %arg4[%dma_wait3A_182, %dma_wait3A_183] : memref<10000x128xf32, #tpu.memory_space<hbm>> -> memref<10000x128xf32, #tpu.memory_space<hbm>>
      tpu.wait_indirect_dma semaphore(%arg27 : memref<!tpu.dma_semaphore, #tpu.memory_space<semaphore_mem>>) src(%dma_wait3A_184 : memref<10000x128xf32, #tpu.memory_space<hbm>>) dst(%arg25 : memref<128x128xf32, #tpu.memory_space<vmem>>)
      "tpu.region"() ({
        %run_scoped3A = tpu.sem_alloc : memref<!tpu.dma_semaphore, #tpu.memory_space<semaphore_mem>>
        %dma_start3A_253 = arith.constant 0 : i32
        %dma_start3A_254 = arith.constant 0 : i32
        %dma_start3A_255 = tpu.memref_slice %arg29[%dma_start3A_253, %dma_start3A_254] : memref<10000x128xf32, #tpu.memory_space<vmem_shared>> -> memref<10000x128xf32, #tpu.memory_space<vmem_shared>>
        tpu.enqueue_indirect_dma source(%arg25 : memref<128x128xf32, #tpu.memory_space<vmem>>) target(%dma_start3A_255 : memref<10000x128xf32, #tpu.memory_space<vmem_shared>>) offsets(%arg12 : memref<128xi32, #tpu.memory_space<vmem>>) semaphore(%run_scoped3A : memref<!tpu.dma_semaphore, #tpu.memory_space<semaphore_mem>>) {add = true}
        %dma_wait3A_256 = arith.constant 0 : i32
        %dma_wait3A_257 = arith.constant 0 : i32
        %dma_wait3A_258 = tpu.memref_slice %arg29[%dma_wait3A_256, %dma_wait3A_257] : memref<10000x128xf32, #tpu.memory_space<vmem_shared>> -> memref<10000x128xf32, #tpu.memory_space<vmem_shared>>
        tpu.wait_indirect_dma semaphore(%run_scoped3A : memref<!tpu.dma_semaphore, #tpu.memory_space<semaphore_mem>>) src(%arg25 : memref<128x128xf32, #tpu.memory_space<vmem>>) dst(%dma_wait3A_258 : memref<10000x128xf32, #tpu.memory_space<vmem_shared>>)
        tpu.yield
      }) : () -> ()
      %lt3A_185 = arith.constant 12 : i32
      %lt3A_186 = arith.cmpi slt, %scan3A_114, %lt3A_185 : i32
      %convert_element_type3A_187 = arith.extui %lt3A_186 : i1 to i32
      %cond3A_188 = arith.constant 0 : i32
      %cond3A_189 = arith.cmpi ne, %convert_element_type3A_187, %cond3A_188 : i32
      scf.if %cond3A_189 {
        %add3A_253 = arith.constant 1 : i32
        %add3A_254 = arith.addi %scan3A_114, %add3A_253 : i32
        %mul3A_255 = arith.constant 6 : i32
        %mul3A_256 = arith.muli %add3A_254, %mul3A_255 : i32
        %add3A_257 = arith.constant 2 : i32
        %add3A_258 = arith.addi %mul3A_256, %add3A_257 : i32
        %mul3A_259 = arith.constant 16 : i32
        %mul3A_260 = arith.muli %add3A_258, %mul3A_259 : i32
        %add3A_261 = arith.addi %mul3A_260, %arg1 : i32
        %mul3A_262 = arith.constant 128 : i32
        %mul3A_263 = arith.muli %add3A_261, %mul3A_262 : i32
        %add3A_264 = arith.addi %mul3A_0, %mul3A_263 : i32
        %dma_start3A_265 = tpu.memref_slice %arg2[%add3A_264] : memref<320000xi32, #tpu.memory_space<hbm>> -> memref<128xi32, #tpu.memory_space<hbm>>
        %dma_start3A_266 = tpu.memref_slice %arg2[%add3A_264] : memref<320000xi32, #tpu.memory_space<hbm>> -> memref<128xi32, #tpu.memory_space<hbm>>
        tpu.enqueue_dma source(%dma_start3A_266 : memref<128xi32, #tpu.memory_space<hbm>>) target(%arg11 : memref<128xi32, #tpu.memory_space<vmem>>) target_semaphore(%arg21 : memref<!tpu.dma_semaphore, #tpu.memory_space<semaphore_mem>>)
        %dma_start3A_267 = tpu.memref_slice %arg3[%add3A_264] : memref<320000xi32, #tpu.memory_space<hbm>> -> memref<128xi32, #tpu.memory_space<hbm>>
        %dma_start3A_268 = tpu.memref_slice %arg3[%add3A_264] : memref<320000xi32, #tpu.memory_space<hbm>> -> memref<128xi32, #tpu.memory_space<hbm>>
        tpu.enqueue_dma source(%dma_start3A_268 : memref<128xi32, #tpu.memory_space<hbm>>) target(%arg12 : memref<128xi32, #tpu.memory_space<vmem>>) target_semaphore(%arg21 : memref<!tpu.dma_semaphore, #tpu.memory_space<semaphore_mem>>)
      } else {
      }
      %mul3A_190 = arith.constant 6 : i32
      %mul3A_191 = arith.muli %scan3A_114, %mul3A_190 : i32
      %add3A_192 = arith.constant 4 : i32
      %add3A_193 = arith.addi %mul3A_191, %add3A_192 : i32
      %mul3A_194 = arith.constant 16 : i32
      %mul3A_195 = arith.muli %add3A_193, %mul3A_194 : i32
      %add3A_196 = arith.addi %mul3A_195, %arg1 : i32
      %mul3A_197 = arith.constant 128 : i32
      %mul3A_198 = arith.muli %add3A_196, %mul3A_197 : i32
      %add3A_199 = arith.addi %mul3A_0, %mul3A_198 : i32
      %dma_wait3A_200 = tpu.memref_slice %arg2[%add3A_199] : memref<320000xi32, #tpu.memory_space<hbm>> -> memref<128xi32, #tpu.memory_space<hbm>>
      %dma_wait3A_201 = tpu.memref_slice %arg2[%add3A_199] : memref<320000xi32, #tpu.memory_space<hbm>> -> memref<128xi32, #tpu.memory_space<hbm>>
      tpu.wait_dma2 semaphore(%arg23 : memref<!tpu.dma_semaphore, #tpu.memory_space<semaphore_mem>>) src(%dma_wait3A_201 : memref<128xi32, #tpu.memory_space<hbm>>) dst(%arg15 : memref<128xi32, #tpu.memory_space<vmem>>)
      %dma_wait3A_202 = tpu.memref_slice %arg3[%add3A_199] : memref<320000xi32, #tpu.memory_space<hbm>> -> memref<128xi32, #tpu.memory_space<hbm>>
      %dma_wait3A_203 = tpu.memref_slice %arg3[%add3A_199] : memref<320000xi32, #tpu.memory_space<hbm>> -> memref<128xi32, #tpu.memory_space<hbm>>
      tpu.wait_dma2 semaphore(%arg23 : memref<!tpu.dma_semaphore, #tpu.memory_space<semaphore_mem>>) src(%dma_wait3A_203 : memref<128xi32, #tpu.memory_space<hbm>>) dst(%arg16 : memref<128xi32, #tpu.memory_space<vmem>>)
      %dma_start3A_204 = arith.constant 0 : i32
      %dma_start3A_205 = arith.constant 0 : i32
      %dma_start3A_206 = tpu.memref_slice %arg4[%dma_start3A_204, %dma_start3A_205] : memref<10000x128xf32, #tpu.memory_space<hbm>> -> memref<10000x128xf32, #tpu.memory_space<hbm>>
      tpu.enqueue_indirect_dma source(%dma_start3A_206 : memref<10000x128xf32, #tpu.memory_space<hbm>>) target(%arg25 : memref<128x128xf32, #tpu.memory_space<vmem>>) offsets(%arg15 : memref<128xi32, #tpu.memory_space<vmem>>) semaphore(%arg27 : memref<!tpu.dma_semaphore, #tpu.memory_space<semaphore_mem>>)
      %dma_wait3A_207 = arith.constant 0 : i32
      %dma_wait3A_208 = arith.constant 0 : i32
      %dma_wait3A_209 = tpu.memref_slice %arg4[%dma_wait3A_207, %dma_wait3A_208] : memref<10000x128xf32, #tpu.memory_space<hbm>> -> memref<10000x128xf32, #tpu.memory_space<hbm>>
      tpu.wait_indirect_dma semaphore(%arg28 : memref<!tpu.dma_semaphore, #tpu.memory_space<semaphore_mem>>) src(%dma_wait3A_209 : memref<10000x128xf32, #tpu.memory_space<hbm>>) dst(%arg26 : memref<128x128xf32, #tpu.memory_space<vmem>>)
      "tpu.region"() ({
        %run_scoped3A = tpu.sem_alloc : memref<!tpu.dma_semaphore, #tpu.memory_space<semaphore_mem>>
        %dma_start3A_253 = arith.constant 0 : i32
        %dma_start3A_254 = arith.constant 0 : i32
        %dma_start3A_255 = tpu.memref_slice %arg29[%dma_start3A_253, %dma_start3A_254] : memref<10000x128xf32, #tpu.memory_space<vmem_shared>> -> memref<10000x128xf32, #tpu.memory_space<vmem_shared>>
        tpu.enqueue_indirect_dma source(%arg26 : memref<128x128xf32, #tpu.memory_space<vmem>>) target(%dma_start3A_255 : memref<10000x128xf32, #tpu.memory_space<vmem_shared>>) offsets(%arg14 : memref<128xi32, #tpu.memory_space<vmem>>) semaphore(%run_scoped3A : memref<!tpu.dma_semaphore, #tpu.memory_space<semaphore_mem>>) {add = true}
        %dma_wait3A_256 = arith.constant 0 : i32
        %dma_wait3A_257 = arith.constant 0 : i32
        %dma_wait3A_258 = tpu.memref_slice %arg29[%dma_wait3A_256, %dma_wait3A_257] : memref<10000x128xf32, #tpu.memory_space<vmem_shared>> -> memref<10000x128xf32, #tpu.memory_space<vmem_shared>>
        tpu.wait_indirect_dma semaphore(%run_scoped3A : memref<!tpu.dma_semaphore, #tpu.memory_space<semaphore_mem>>) src(%arg26 : memref<128x128xf32, #tpu.memory_space<vmem>>) dst(%dma_wait3A_258 : memref<10000x128xf32, #tpu.memory_space<vmem_shared>>)
        tpu.yield
      }) : () -> ()
      %lt3A_210 = arith.constant 12 : i32
      %lt3A_211 = arith.cmpi slt, %scan3A_114, %lt3A_210 : i32
      %convert_element_type3A_212 = arith.extui %lt3A_211 : i1 to i32
      %cond3A_213 = arith.constant 0 : i32
      %cond3A_214 = arith.cmpi ne, %convert_element_type3A_212, %cond3A_213 : i32
      scf.if %cond3A_214 {
        %add3A_253 = arith.constant 1 : i32
        %add3A_254 = arith.addi %scan3A_114, %add3A_253 : i32
        %mul3A_255 = arith.constant 6 : i32
        %mul3A_256 = arith.muli %add3A_254, %mul3A_255 : i32
        %add3A_257 = arith.constant 3 : i32
        %add3A_258 = arith.addi %mul3A_256, %add3A_257 : i32
        %mul3A_259 = arith.constant 16 : i32
        %mul3A_260 = arith.muli %add3A_258, %mul3A_259 : i32
        %add3A_261 = arith.addi %mul3A_260, %arg1 : i32
        %mul3A_262 = arith.constant 128 : i32
        %mul3A_263 = arith.muli %add3A_261, %mul3A_262 : i32
        %add3A_264 = arith.addi %mul3A_0, %mul3A_263 : i32
        %dma_start3A_265 = tpu.memref_slice %arg2[%add3A_264] : memref<320000xi32, #tpu.memory_space<hbm>> -> memref<128xi32, #tpu.memory_space<hbm>>
        %dma_start3A_266 = tpu.memref_slice %arg2[%add3A_264] : memref<320000xi32, #tpu.memory_space<hbm>> -> memref<128xi32, #tpu.memory_space<hbm>>
        tpu.enqueue_dma source(%dma_start3A_266 : memref<128xi32, #tpu.memory_space<hbm>>) target(%arg13 : memref<128xi32, #tpu.memory_space<vmem>>) target_semaphore(%arg22 : memref<!tpu.dma_semaphore, #tpu.memory_space<semaphore_mem>>)
        %dma_start3A_267 = tpu.memref_slice %arg3[%add3A_264] : memref<320000xi32, #tpu.memory_space<hbm>> -> memref<128xi32, #tpu.memory_space<hbm>>
        %dma_start3A_268 = tpu.memref_slice %arg3[%add3A_264] : memref<320000xi32, #tpu.memory_space<hbm>> -> memref<128xi32, #tpu.memory_space<hbm>>
        tpu.enqueue_dma source(%dma_start3A_268 : memref<128xi32, #tpu.memory_space<hbm>>) target(%arg14 : memref<128xi32, #tpu.memory_space<vmem>>) target_semaphore(%arg22 : memref<!tpu.dma_semaphore, #tpu.memory_space<semaphore_mem>>)
      } else {
      }
      %mul3A_215 = arith.constant 6 : i32
      %mul3A_216 = arith.muli %scan3A_114, %mul3A_215 : i32
      %add3A_217 = arith.constant 5 : i32
      %add3A_218 = arith.addi %mul3A_216, %add3A_217 : i32
      %mul3A_219 = arith.constant 16 : i32
      %mul3A_220 = arith.muli %add3A_218, %mul3A_219 : i32
      %add3A_221 = arith.addi %mul3A_220, %arg1 : i32
      %mul3A_222 = arith.constant 128 : i32
      %mul3A_223 = arith.muli %add3A_221, %mul3A_222 : i32
      %add3A_224 = arith.addi %mul3A_0, %mul3A_223 : i32
      %dma_wait3A_225 = tpu.memref_slice %arg2[%add3A_224] : memref<320000xi32, #tpu.memory_space<hbm>> -> memref<128xi32, #tpu.memory_space<hbm>>
      %dma_wait3A_226 = tpu.memref_slice %arg2[%add3A_224] : memref<320000xi32, #tpu.memory_space<hbm>> -> memref<128xi32, #tpu.memory_space<hbm>>
      tpu.wait_dma2 semaphore(%arg24 : memref<!tpu.dma_semaphore, #tpu.memory_space<semaphore_mem>>) src(%dma_wait3A_226 : memref<128xi32, #tpu.memory_space<hbm>>) dst(%arg17 : memref<128xi32, #tpu.memory_space<vmem>>)
      %dma_wait3A_227 = tpu.memref_slice %arg3[%add3A_224] : memref<320000xi32, #tpu.memory_space<hbm>> -> memref<128xi32, #tpu.memory_space<hbm>>
      %dma_wait3A_228 = tpu.memref_slice %arg3[%add3A_224] : memref<320000xi32, #tpu.memory_space<hbm>> -> memref<128xi32, #tpu.memory_space<hbm>>
      tpu.wait_dma2 semaphore(%arg24 : memref<!tpu.dma_semaphore, #tpu.memory_space<semaphore_mem>>) src(%dma_wait3A_228 : memref<128xi32, #tpu.memory_space<hbm>>) dst(%arg18 : memref<128xi32, #tpu.memory_space<vmem>>)
      %dma_start3A_229 = arith.constant 0 : i32
      %dma_start3A_230 = arith.constant 0 : i32
      %dma_start3A_231 = tpu.memref_slice %arg4[%dma_start3A_229, %dma_start3A_230] : memref<10000x128xf32, #tpu.memory_space<hbm>> -> memref<10000x128xf32, #tpu.memory_space<hbm>>
      tpu.enqueue_indirect_dma source(%dma_start3A_231 : memref<10000x128xf32, #tpu.memory_space<hbm>>) target(%arg26 : memref<128x128xf32, #tpu.memory_space<vmem>>) offsets(%arg17 : memref<128xi32, #tpu.memory_space<vmem>>) semaphore(%arg28 : memref<!tpu.dma_semaphore, #tpu.memory_space<semaphore_mem>>)
      %dma_wait3A_232 = arith.constant 0 : i32
      %dma_wait3A_233 = arith.constant 0 : i32
      %dma_wait3A_234 = tpu.memref_slice %arg4[%dma_wait3A_232, %dma_wait3A_233] : memref<10000x128xf32, #tpu.memory_space<hbm>> -> memref<10000x128xf32, #tpu.memory_space<hbm>>
      tpu.wait_indirect_dma semaphore(%arg27 : memref<!tpu.dma_semaphore, #tpu.memory_space<semaphore_mem>>) src(%dma_wait3A_234 : memref<10000x128xf32, #tpu.memory_space<hbm>>) dst(%arg25 : memref<128x128xf32, #tpu.memory_space<vmem>>)
      "tpu.region"() ({
        %run_scoped3A = tpu.sem_alloc : memref<!tpu.dma_semaphore, #tpu.memory_space<semaphore_mem>>
        %dma_start3A_253 = arith.constant 0 : i32
        %dma_start3A_254 = arith.constant 0 : i32
        %dma_start3A_255 = tpu.memref_slice %arg29[%dma_start3A_253, %dma_start3A_254] : memref<10000x128xf32, #tpu.memory_space<vmem_shared>> -> memref<10000x128xf32, #tpu.memory_space<vmem_shared>>
        tpu.enqueue_indirect_dma source(%arg25 : memref<128x128xf32, #tpu.memory_space<vmem>>) target(%dma_start3A_255 : memref<10000x128xf32, #tpu.memory_space<vmem_shared>>) offsets(%arg16 : memref<128xi32, #tpu.memory_space<vmem>>) semaphore(%run_scoped3A : memref<!tpu.dma_semaphore, #tpu.memory_space<semaphore_mem>>) {add = true}
        %dma_wait3A_256 = arith.constant 0 : i32
        %dma_wait3A_257 = arith.constant 0 : i32
        %dma_wait3A_258 = tpu.memref_slice %arg29[%dma_wait3A_256, %dma_wait3A_257] : memref<10000x128xf32, #tpu.memory_space<vmem_shared>> -> memref<10000x128xf32, #tpu.memory_space<vmem_shared>>
        tpu.wait_indirect_dma semaphore(%run_scoped3A : memref<!tpu.dma_semaphore, #tpu.memory_space<semaphore_mem>>) src(%arg25 : memref<128x128xf32, #tpu.memory_space<vmem>>) dst(%dma_wait3A_258 : memref<10000x128xf32, #tpu.memory_space<vmem_shared>>)
        tpu.yield
      }) : () -> ()
      %lt3A_235 = arith.constant 12 : i32
      %lt3A_236 = arith.cmpi slt, %scan3A_114, %lt3A_235 : i32
      %convert_element_type3A_237 = arith.extui %lt3A_236 : i1 to i32
      %cond3A_238 = arith.constant 0 : i32
      %cond3A_239 = arith.cmpi ne, %convert_element_type3A_237, %cond3A_238 : i32
      scf.if %cond3A_239 {
        %add3A_253 = arith.constant 1 : i32
        %add3A_254 = arith.addi %scan3A_114, %add3A_253 : i32
        %mul3A_255 = arith.constant 6 : i32
        %mul3A_256 = arith.muli %add3A_254, %mul3A_255 : i32
        %add3A_257 = arith.constant 4 : i32
        %add3A_258 = arith.addi %mul3A_256, %add3A_257 : i32
        %mul3A_259 = arith.constant 16 : i32
        %mul3A_260 = arith.muli %add3A_258, %mul3A_259 : i32
        %add3A_261 = arith.addi %mul3A_260, %arg1 : i32
        %mul3A_262 = arith.constant 128 : i32
        %mul3A_263 = arith.muli %add3A_261, %mul3A_262 : i32
        %add3A_264 = arith.addi %mul3A_0, %mul3A_263 : i32
        %dma_start3A_265 = tpu.memref_slice %arg2[%add3A_264] : memref<320000xi32, #tpu.memory_space<hbm>> -> memref<128xi32, #tpu.memory_space<hbm>>
        %dma_start3A_266 = tpu.memref_slice %arg2[%add3A_264] : memref<320000xi32, #tpu.memory_space<hbm>> -> memref<128xi32, #tpu.memory_space<hbm>>
        tpu.enqueue_dma source(%dma_start3A_266 : memref<128xi32, #tpu.memory_space<hbm>>) target(%arg15 : memref<128xi32, #tpu.memory_space<vmem>>) target_semaphore(%arg23 : memref<!tpu.dma_semaphore, #tpu.memory_space<semaphore_mem>>)
        %dma_start3A_267 = tpu.memref_slice %arg3[%add3A_264] : memref<320000xi32, #tpu.memory_space<hbm>> -> memref<128xi32, #tpu.memory_space<hbm>>
        %dma_start3A_268 = tpu.memref_slice %arg3[%add3A_264] : memref<320000xi32, #tpu.memory_space<hbm>> -> memref<128xi32, #tpu.memory_space<hbm>>
        tpu.enqueue_dma source(%dma_start3A_268 : memref<128xi32, #tpu.memory_space<hbm>>) target(%arg16 : memref<128xi32, #tpu.memory_space<vmem>>) target_semaphore(%arg23 : memref<!tpu.dma_semaphore, #tpu.memory_space<semaphore_mem>>)
      } else {
      }
      %lt3A_240 = arith.constant 12 : i32
      %lt3A_241 = arith.cmpi slt, %scan3A_114, %lt3A_240 : i32
      %convert_element_type3A_242 = arith.extui %lt3A_241 : i1 to i32
      %cond3A_243 = arith.constant 0 : i32
      %cond3A_244 = arith.cmpi ne, %convert_element_type3A_242, %cond3A_243 : i32
      scf.if %cond3A_244 {
        %add3A_253 = arith.constant 1 : i32
        %add3A_254 = arith.addi %scan3A_114, %add3A_253 : i32
        %mul3A_255 = arith.constant 6 : i32
        %mul3A_256 = arith.muli %add3A_254, %mul3A_255 : i32
        %add3A_257 = arith.constant 0 : i32
        %add3A_258 = arith.addi %mul3A_256, %add3A_257 : i32
        %mul3A_259 = arith.constant 16 : i32
        %mul3A_260 = arith.muli %add3A_258, %mul3A_259 : i32
        %add3A_261 = arith.addi %mul3A_260, %arg1 : i32
        %mul3A_262 = arith.constant 128 : i32
        %mul3A_263 = arith.muli %add3A_261, %mul3A_262 : i32
        %add3A_264 = arith.addi %mul3A_0, %mul3A_263 : i32
        %dma_wait3A_265 = tpu.memref_slice %arg2[%add3A_264] : memref<320000xi32, #tpu.memory_space<hbm>> -> memref<128xi32, #tpu.memory_space<hbm>>
        %dma_wait3A_266 = tpu.memref_slice %arg2[%add3A_264] : memref<320000xi32, #tpu.memory_space<hbm>> -> memref<128xi32, #tpu.memory_space<hbm>>
        tpu.wait_dma2 semaphore(%arg19 : memref<!tpu.dma_semaphore, #tpu.memory_space<semaphore_mem>>) src(%dma_wait3A_266 : memref<128xi32, #tpu.memory_space<hbm>>) dst(%arg7 : memref<128xi32, #tpu.memory_space<vmem>>)
        %dma_wait3A_267 = tpu.memref_slice %arg3[%add3A_264] : memref<320000xi32, #tpu.memory_space<hbm>> -> memref<128xi32, #tpu.memory_space<hbm>>
        %dma_wait3A_268 = tpu.memref_slice %arg3[%add3A_264] : memref<320000xi32, #tpu.memory_space<hbm>> -> memref<128xi32, #tpu.memory_space<hbm>>
        tpu.wait_dma2 semaphore(%arg19 : memref<!tpu.dma_semaphore, #tpu.memory_space<semaphore_mem>>) src(%dma_wait3A_268 : memref<128xi32, #tpu.memory_space<hbm>>) dst(%arg8 : memref<128xi32, #tpu.memory_space<vmem>>)
        %dma_start3A_269 = arith.constant 0 : i32
        %dma_start3A_270 = arith.constant 0 : i32
        %dma_start3A_271 = tpu.memref_slice %arg4[%dma_start3A_269, %dma_start3A_270] : memref<10000x128xf32, #tpu.memory_space<hbm>> -> memref<10000x128xf32, #tpu.memory_space<hbm>>
        tpu.enqueue_indirect_dma source(%dma_start3A_271 : memref<10000x128xf32, #tpu.memory_space<hbm>>) target(%arg25 : memref<128x128xf32, #tpu.memory_space<vmem>>) offsets(%arg7 : memref<128xi32, #tpu.memory_space<vmem>>) semaphore(%arg27 : memref<!tpu.dma_semaphore, #tpu.memory_space<semaphore_mem>>)
      } else {
      }
      %dma_wait3A_245 = arith.constant 0 : i32
      %dma_wait3A_246 = arith.constant 0 : i32
      %dma_wait3A_247 = tpu.memref_slice %arg4[%dma_wait3A_245, %dma_wait3A_246] : memref<10000x128xf32, #tpu.memory_space<hbm>> -> memref<10000x128xf32, #tpu.memory_space<hbm>>
      tpu.wait_indirect_dma semaphore(%arg28 : memref<!tpu.dma_semaphore, #tpu.memory_space<semaphore_mem>>) src(%dma_wait3A_247 : memref<10000x128xf32, #tpu.memory_space<hbm>>) dst(%arg26 : memref<128x128xf32, #tpu.memory_space<vmem>>)
      "tpu.region"() ({
        %run_scoped3A = tpu.sem_alloc : memref<!tpu.dma_semaphore, #tpu.memory_space<semaphore_mem>>
        %dma_start3A_253 = arith.constant 0 : i32
        %dma_start3A_254 = arith.constant 0 : i32
        %dma_start3A_255 = tpu.memref_slice %arg29[%dma_start3A_253, %dma_start3A_254] : memref<10000x128xf32, #tpu.memory_space<vmem_shared>> -> memref<10000x128xf32, #tpu.memory_space<vmem_shared>>
        tpu.enqueue_indirect_dma source(%arg26 : memref<128x128xf32, #tpu.memory_space<vmem>>) target(%dma_start3A_255 : memref<10000x128xf32, #tpu.memory_space<vmem_shared>>) offsets(%arg18 : memref<128xi32, #tpu.memory_space<vmem>>) semaphore(%run_scoped3A : memref<!tpu.dma_semaphore, #tpu.memory_space<semaphore_mem>>) {add = true}
        %dma_wait3A_256 = arith.constant 0 : i32
        %dma_wait3A_257 = arith.constant 0 : i32
        %dma_wait3A_258 = tpu.memref_slice %arg29[%dma_wait3A_256, %dma_wait3A_257] : memref<10000x128xf32, #tpu.memory_space<vmem_shared>> -> memref<10000x128xf32, #tpu.memory_space<vmem_shared>>
        tpu.wait_indirect_dma semaphore(%run_scoped3A : memref<!tpu.dma_semaphore, #tpu.memory_space<semaphore_mem>>) src(%arg26 : memref<128x128xf32, #tpu.memory_space<vmem>>) dst(%dma_wait3A_258 : memref<10000x128xf32, #tpu.memory_space<vmem_shared>>)
        tpu.yield
      }) : () -> ()
      %lt3A_248 = arith.constant 12 : i32
      %lt3A_249 = arith.cmpi slt, %scan3A_114, %lt3A_248 : i32
      %convert_element_type3A_250 = arith.extui %lt3A_249 : i1 to i32
      %cond3A_251 = arith.constant 0 : i32
      %cond3A_252 = arith.cmpi ne, %convert_element_type3A_250, %cond3A_251 : i32
      scf.if %cond3A_252 {
        %add3A_253 = arith.constant 1 : i32
        %add3A_254 = arith.addi %scan3A_114, %add3A_253 : i32
        %mul3A_255 = arith.constant 6 : i32
        %mul3A_256 = arith.muli %add3A_254, %mul3A_255 : i32
        %add3A_257 = arith.constant 5 : i32
        %add3A_258 = arith.addi %mul3A_256, %add3A_257 : i32
        %mul3A_259 = arith.constant 16 : i32
        %mul3A_260 = arith.muli %add3A_258, %mul3A_259 : i32
        %add3A_261 = arith.addi %mul3A_260, %arg1 : i32
        %mul3A_262 = arith.constant 128 : i32
        %mul3A_263 = arith.muli %add3A_261, %mul3A_262 : i32
        %add3A_264 = arith.addi %mul3A_0, %mul3A_263 : i32
        %dma_start3A_265 = tpu.memref_slice %arg2[%add3A_264] : memref<320000xi32, #tpu.memory_space<hbm>> -> memref<128xi32, #tpu.memory_space<hbm>>
        %dma_start3A_266 = tpu.memref_slice %arg2[%add3A_264] : memref<320000xi32, #tpu.memory_space<hbm>> -> memref<128xi32, #tpu.memory_space<hbm>>
        tpu.enqueue_dma source(%dma_start3A_266 : memref<128xi32, #tpu.memory_space<hbm>>) target(%arg17 : memref<128xi32, #tpu.memory_space<vmem>>) target_semaphore(%arg24 : memref<!tpu.dma_semaphore, #tpu.memory_space<semaphore_mem>>)
        %dma_start3A_267 = tpu.memref_slice %arg3[%add3A_264] : memref<320000xi32, #tpu.memory_space<hbm>> -> memref<128xi32, #tpu.memory_space<hbm>>
        %dma_start3A_268 = tpu.memref_slice %arg3[%add3A_264] : memref<320000xi32, #tpu.memory_space<hbm>> -> memref<128xi32, #tpu.memory_space<hbm>>
        tpu.enqueue_dma source(%dma_start3A_268 : memref<128xi32, #tpu.memory_space<hbm>>) target(%arg18 : memref<128xi32, #tpu.memory_space<vmem>>) target_semaphore(%arg24 : memref<!tpu.dma_semaphore, #tpu.memory_space<semaphore_mem>>)
      } else {
      }
    }
    %scan3A_96 = arith.constant 13 : i32
    %lt3A = arith.constant 2 : i32
    %lt3A_97 = arith.cmpi slt, %arg1, %lt3A : i32
    %convert_element_type3A_98 = arith.extui %lt3A_97 : i1 to i32
    %cond3A_99 = arith.constant 0 : i32
    %cond3A_100 = arith.cmpi ne, %convert_element_type3A_98, %cond3A_99 : i32
    scf.if %cond3A_100 {
      %add3A_114 = arith.constant 1248 : i32
      %add3A_115 = arith.addi %add3A_114, %arg1 : i32
      %mul3A_116 = arith.constant 128 : i32
      %mul3A_117 = arith.muli %add3A_115, %mul3A_116 : i32
      %add3A_118 = arith.addi %mul3A_0, %mul3A_117 : i32
      %dma_start3A_119 = tpu.memref_slice %arg2[%add3A_118] : memref<320000xi32, #tpu.memory_space<hbm>> -> memref<128xi32, #tpu.memory_space<hbm>>
      %dma_start3A_120 = tpu.memref_slice %arg2[%add3A_118] : memref<320000xi32, #tpu.memory_space<hbm>> -> memref<128xi32, #tpu.memory_space<hbm>>
      tpu.enqueue_dma source(%dma_start3A_120 : memref<128xi32, #tpu.memory_space<hbm>>) target(%arg7 : memref<128xi32, #tpu.memory_space<vmem>>) target_semaphore(%arg19 : memref<!tpu.dma_semaphore, #tpu.memory_space<semaphore_mem>>)
      %dma_start3A_121 = tpu.memref_slice %arg3[%add3A_118] : memref<320000xi32, #tpu.memory_space<hbm>> -> memref<128xi32, #tpu.memory_space<hbm>>
      %dma_start3A_122 = tpu.memref_slice %arg3[%add3A_118] : memref<320000xi32, #tpu.memory_space<hbm>> -> memref<128xi32, #tpu.memory_space<hbm>>
      tpu.enqueue_dma source(%dma_start3A_122 : memref<128xi32, #tpu.memory_space<hbm>>) target(%arg8 : memref<128xi32, #tpu.memory_space<vmem>>) target_semaphore(%arg19 : memref<!tpu.dma_semaphore, #tpu.memory_space<semaphore_mem>>)
      %mul3A_123 = arith.constant 128 : i32
      %mul3A_124 = arith.muli %add3A_115, %mul3A_123 : i32
      %add3A_125 = arith.addi %mul3A_0, %mul3A_124 : i32
      %dma_wait3A_126 = tpu.memref_slice %arg2[%add3A_125] : memref<320000xi32, #tpu.memory_space<hbm>> -> memref<128xi32, #tpu.memory_space<hbm>>
      %dma_wait3A_127 = tpu.memref_slice %arg2[%add3A_125] : memref<320000xi32, #tpu.memory_space<hbm>> -> memref<128xi32, #tpu.memory_space<hbm>>
      tpu.wait_dma2 semaphore(%arg19 : memref<!tpu.dma_semaphore, #tpu.memory_space<semaphore_mem>>) src(%dma_wait3A_127 : memref<128xi32, #tpu.memory_space<hbm>>) dst(%arg7 : memref<128xi32, #tpu.memory_space<vmem>>)
      %dma_wait3A_128 = tpu.memref_slice %arg3[%add3A_125] : memref<320000xi32, #tpu.memory_space<hbm>> -> memref<128xi32, #tpu.memory_space<hbm>>
      %dma_wait3A_129 = tpu.memref_slice %arg3[%add3A_125] : memref<320000xi32, #tpu.memory_space<hbm>> -> memref<128xi32, #tpu.memory_space<hbm>>
      tpu.wait_dma2 semaphore(%arg19 : memref<!tpu.dma_semaphore, #tpu.memory_space<semaphore_mem>>) src(%dma_wait3A_129 : memref<128xi32, #tpu.memory_space<hbm>>) dst(%arg8 : memref<128xi32, #tpu.memory_space<vmem>>)
      %dma_start3A_130 = arith.constant 0 : i32
      %dma_start3A_131 = arith.constant 0 : i32
      %dma_start3A_132 = tpu.memref_slice %arg4[%dma_start3A_130, %dma_start3A_131] : memref<10000x128xf32, #tpu.memory_space<hbm>> -> memref<10000x128xf32, #tpu.memory_space<hbm>>
      tpu.enqueue_indirect_dma source(%dma_start3A_132 : memref<10000x128xf32, #tpu.memory_space<hbm>>) target(%arg25 : memref<128x128xf32, #tpu.memory_space<vmem>>) offsets(%arg7 : memref<128xi32, #tpu.memory_space<vmem>>) semaphore(%arg27 : memref<!tpu.dma_semaphore, #tpu.memory_space<semaphore_mem>>)
      %dma_wait3A_133 = arith.constant 0 : i32
      %dma_wait3A_134 = arith.constant 0 : i32
      %dma_wait3A_135 = tpu.memref_slice %arg4[%dma_wait3A_133, %dma_wait3A_134] : memref<10000x128xf32, #tpu.memory_space<hbm>> -> memref<10000x128xf32, #tpu.memory_space<hbm>>
      tpu.wait_indirect_dma semaphore(%arg27 : memref<!tpu.dma_semaphore, #tpu.memory_space<semaphore_mem>>) src(%dma_wait3A_135 : memref<10000x128xf32, #tpu.memory_space<hbm>>) dst(%arg25 : memref<128x128xf32, #tpu.memory_space<vmem>>)
      "tpu.region"() ({
        %run_scoped3A = tpu.sem_alloc : memref<!tpu.dma_semaphore, #tpu.memory_space<semaphore_mem>>
        %dma_start3A_136 = arith.constant 0 : i32
        %dma_start3A_137 = arith.constant 0 : i32
        %dma_start3A_138 = tpu.memref_slice %arg29[%dma_start3A_136, %dma_start3A_137] : memref<10000x128xf32, #tpu.memory_space<vmem_shared>> -> memref<10000x128xf32, #tpu.memory_space<vmem_shared>>
        tpu.enqueue_indirect_dma source(%arg25 : memref<128x128xf32, #tpu.memory_space<vmem>>) target(%dma_start3A_138 : memref<10000x128xf32, #tpu.memory_space<vmem_shared>>) offsets(%arg8 : memref<128xi32, #tpu.memory_space<vmem>>) semaphore(%run_scoped3A : memref<!tpu.dma_semaphore, #tpu.memory_space<semaphore_mem>>) {add = true}
        %dma_wait3A_139 = arith.constant 0 : i32
        %dma_wait3A_140 = arith.constant 0 : i32
        %dma_wait3A_141 = tpu.memref_slice %arg29[%dma_wait3A_139, %dma_wait3A_140] : memref<10000x128xf32, #tpu.memory_space<vmem_shared>> -> memref<10000x128xf32, #tpu.memory_space<vmem_shared>>
        tpu.wait_indirect_dma semaphore(%run_scoped3A : memref<!tpu.dma_semaphore, #tpu.memory_space<semaphore_mem>>) src(%arg25 : memref<128x128xf32, #tpu.memory_space<vmem>>) dst(%dma_wait3A_141 : memref<10000x128xf32, #tpu.memory_space<vmem_shared>>)
        tpu.yield
      }) : () -> ()
    } else {
    }
    %barrier3A_101 = arith.constant 0 : index
    tpu.barrier barrier_id(%barrier3A_101)
    %mul3A_102 = arith.constant 624 : i32
    %mul3A_103 = arith.muli %arg1, %mul3A_102 : i32
    %eq3A_104 = arith.constant 0 : i32
    %eq3A_105 = arith.cmpi eq, %arg0, %eq3A_104 : i32
    %convert_element_type3A_106 = arith.extui %eq3A_105 : i1 to i32
    %cond3A_107 = arith.constant 0 : i32
    %cond3A_108 = arith.cmpi ne, %convert_element_type3A_106, %cond3A_107 : i32
    scf.if %cond3A_108 {
      "tpu.region"() ({
        %run_scoped3A = tpu.sem_alloc : memref<!tpu.dma_semaphore, #tpu.memory_space<semaphore_mem>>
        %dma_start3A_119 = arith.constant 0 : i32
        %dma_start3A_120 = tpu.memref_slice %arg5[%mul3A_103, %dma_start3A_119] : memref<10000x128xf32, #tpu.memory_space<hbm>> -> memref<624x128xf32, #tpu.memory_space<hbm>>
        %dma_start3A_121 = arith.constant 0 : i32
        %dma_start3A_122 = tpu.memref_slice %arg29[%mul3A_103, %dma_start3A_121] : memref<10000x128xf32, #tpu.memory_space<vmem_shared>> -> memref<624x128xf32, #tpu.memory_space<vmem_shared>>
        tpu.enqueue_dma source(%dma_start3A_122 : memref<624x128xf32, #tpu.memory_space<vmem_shared>>) target(%dma_start3A_120 : memref<624x128xf32, #tpu.memory_space<hbm>>) target_semaphore(%run_scoped3A : memref<!tpu.dma_semaphore, #tpu.memory_space<semaphore_mem>>)
        %dma_wait3A_123 = arith.constant 0 : i32
        %dma_wait3A_124 = tpu.memref_slice %arg5[%mul3A_103, %dma_wait3A_123] : memref<10000x128xf32, #tpu.memory_space<hbm>> -> memref<624x128xf32, #tpu.memory_space<hbm>>
        %dma_wait3A_125 = arith.constant 0 : i32
        %dma_wait3A_126 = tpu.memref_slice %arg29[%mul3A_103, %dma_wait3A_125] : memref<10000x128xf32, #tpu.memory_space<vmem_shared>> -> memref<624x128xf32, #tpu.memory_space<vmem_shared>>
        tpu.wait_dma2 semaphore(%run_scoped3A : memref<!tpu.dma_semaphore, #tpu.memory_space<semaphore_mem>>) src(%dma_wait3A_126 : memref<624x128xf32, #tpu.memory_space<vmem_shared>>) dst(%dma_wait3A_124 : memref<624x128xf32, #tpu.memory_space<hbm>>)
        tpu.yield
      }) : () -> ()
      %eq3A_114 = arith.constant 15 : i32
      %eq3A_115 = arith.cmpi eq, %arg1, %eq3A_114 : i32
      %convert_element_type3A_116 = arith.extui %eq3A_115 : i1 to i32
      %cond3A_117 = arith.constant 0 : i32
      %cond3A_118 = arith.cmpi ne, %convert_element_type3A_116, %cond3A_117 : i32
      scf.if %cond3A_118 {
        "tpu.region"() ({
          %run_scoped3A = tpu.sem_alloc : memref<!tpu.dma_semaphore, #tpu.memory_space<semaphore_mem>>
          %dma_start3A_119 = arith.constant 9984 : i32
          %dma_start3A_120 = arith.constant 0 : i32
          %dma_start3A_121 = tpu.memref_slice %arg5[%dma_start3A_119, %dma_start3A_120] : memref<10000x128xf32, #tpu.memory_space<hbm>> -> memref<16x128xf32, #tpu.memory_space<hbm>>
          %dma_start3A_122 = arith.constant 9984 : i32
          %dma_start3A_123 = arith.constant 0 : i32
          %dma_start3A_124 = tpu.memref_slice %arg29[%dma_start3A_122, %dma_start3A_123] : memref<10000x128xf32, #tpu.memory_space<vmem_shared>> -> memref<16x128xf32, #tpu.memory_space<vmem_shared>>
          tpu.enqueue_dma source(%dma_start3A_124 : memref<16x128xf32, #tpu.memory_space<vmem_shared>>) target(%dma_start3A_121 : memref<16x128xf32, #tpu.memory_space<hbm>>) target_semaphore(%run_scoped3A : memref<!tpu.dma_semaphore, #tpu.memory_space<semaphore_mem>>)
          %dma_wait3A_125 = arith.constant 9984 : i32
          %dma_wait3A_126 = arith.constant 0 : i32
          %dma_wait3A_127 = tpu.memref_slice %arg5[%dma_wait3A_125, %dma_wait3A_126] : memref<10000x128xf32, #tpu.memory_space<hbm>> -> memref<16x128xf32, #tpu.memory_space<hbm>>
          %dma_wait3A_128 = arith.constant 9984 : i32
          %dma_wait3A_129 = arith.constant 0 : i32
          %dma_wait3A_130 = tpu.memref_slice %arg29[%dma_wait3A_128, %dma_wait3A_129] : memref<10000x128xf32, #tpu.memory_space<vmem_shared>> -> memref<16x128xf32, #tpu.memory_space<vmem_shared>>
          tpu.wait_dma2 semaphore(%run_scoped3A : memref<!tpu.dma_semaphore, #tpu.memory_space<semaphore_mem>>) src(%dma_wait3A_130 : memref<16x128xf32, #tpu.memory_space<vmem_shared>>) dst(%dma_wait3A_127 : memref<16x128xf32, #tpu.memory_space<hbm>>)
          tpu.yield
        }) : () -> ()
      } else {
      }
    } else {
    }
    %eq3A_109 = arith.constant 1 : i32
    %eq3A_110 = arith.cmpi eq, %arg0, %eq3A_109 : i32
    %convert_element_type3A_111 = arith.extui %eq3A_110 : i1 to i32
    %cond3A_112 = arith.constant 0 : i32
    %cond3A_113 = arith.cmpi ne, %convert_element_type3A_111, %cond3A_112 : i32
    scf.if %cond3A_113 {
      "tpu.region"() ({
        %run_scoped3A = tpu.sem_alloc : memref<!tpu.dma_semaphore, #tpu.memory_space<semaphore_mem>>
        %dma_start3A_119 = arith.constant 0 : i32
        %dma_start3A_120 = tpu.memref_slice %arg6[%mul3A_103, %dma_start3A_119] : memref<10000x128xf32, #tpu.memory_space<hbm>> -> memref<624x128xf32, #tpu.memory_space<hbm>>
        %dma_start3A_121 = arith.constant 0 : i32
        %dma_start3A_122 = tpu.memref_slice %arg29[%mul3A_103, %dma_start3A_121] : memref<10000x128xf32, #tpu.memory_space<vmem_shared>> -> memref<624x128xf32, #tpu.memory_space<vmem_shared>>
        tpu.enqueue_dma source(%dma_start3A_122 : memref<624x128xf32, #tpu.memory_space<vmem_shared>>) target(%dma_start3A_120 : memref<624x128xf32, #tpu.memory_space<hbm>>) target_semaphore(%run_scoped3A : memref<!tpu.dma_semaphore, #tpu.memory_space<semaphore_mem>>)
        %dma_wait3A_123 = arith.constant 0 : i32
        %dma_wait3A_124 = tpu.memref_slice %arg6[%mul3A_103, %dma_wait3A_123] : memref<10000x128xf32, #tpu.memory_space<hbm>> -> memref<624x128xf32, #tpu.memory_space<hbm>>
        %dma_wait3A_125 = arith.constant 0 : i32
        %dma_wait3A_126 = tpu.memref_slice %arg29[%mul3A_103, %dma_wait3A_125] : memref<10000x128xf32, #tpu.memory_space<vmem_shared>> -> memref<624x128xf32, #tpu.memory_space<vmem_shared>>
        tpu.wait_dma2 semaphore(%run_scoped3A : memref<!tpu.dma_semaphore, #tpu.memory_space<semaphore_mem>>) src(%dma_wait3A_126 : memref<624x128xf32, #tpu.memory_space<vmem_shared>>) dst(%dma_wait3A_124 : memref<624x128xf32, #tpu.memory_space<hbm>>)
        tpu.yield
      }) : () -> ()
      %eq3A_114 = arith.constant 15 : i32
      %eq3A_115 = arith.cmpi eq, %arg1, %eq3A_114 : i32
      %convert_element_type3A_116 = arith.extui %eq3A_115 : i1 to i32
      %cond3A_117 = arith.constant 0 : i32
      %cond3A_118 = arith.cmpi ne, %convert_element_type3A_116, %cond3A_117 : i32
      scf.if %cond3A_118 {
        "tpu.region"() ({
          %run_scoped3A = tpu.sem_alloc : memref<!tpu.dma_semaphore, #tpu.memory_space<semaphore_mem>>
          %dma_start3A_119 = arith.constant 9984 : i32
          %dma_start3A_120 = arith.constant 0 : i32
          %dma_start3A_121 = tpu.memref_slice %arg6[%dma_start3A_119, %dma_start3A_120] : memref<10000x128xf32, #tpu.memory_space<hbm>> -> memref<16x128xf32, #tpu.memory_space<hbm>>
          %dma_start3A_122 = arith.constant 9984 : i32
          %dma_start3A_123 = arith.constant 0 : i32
          %dma_start3A_124 = tpu.memref_slice %arg29[%dma_start3A_122, %dma_start3A_123] : memref<10000x128xf32, #tpu.memory_space<vmem_shared>> -> memref<16x128xf32, #tpu.memory_space<vmem_shared>>
          tpu.enqueue_dma source(%dma_start3A_124 : memref<16x128xf32, #tpu.memory_space<vmem_shared>>) target(%dma_start3A_121 : memref<16x128xf32, #tpu.memory_space<hbm>>) target_semaphore(%run_scoped3A : memref<!tpu.dma_semaphore, #tpu.memory_space<semaphore_mem>>)
          %dma_wait3A_125 = arith.constant 9984 : i32
          %dma_wait3A_126 = arith.constant 0 : i32
          %dma_wait3A_127 = tpu.memref_slice %arg6[%dma_wait3A_125, %dma_wait3A_126] : memref<10000x128xf32, #tpu.memory_space<hbm>> -> memref<16x128xf32, #tpu.memory_space<hbm>>
          %dma_wait3A_128 = arith.constant 9984 : i32
          %dma_wait3A_129 = arith.constant 0 : i32
          %dma_wait3A_130 = tpu.memref_slice %arg29[%dma_wait3A_128, %dma_wait3A_129] : memref<10000x128xf32, #tpu.memory_space<vmem_shared>> -> memref<16x128xf32, #tpu.memory_space<vmem_shared>>
          tpu.wait_dma2 semaphore(%run_scoped3A : memref<!tpu.dma_semaphore, #tpu.memory_space<semaphore_mem>>) src(%dma_wait3A_130 : memref<16x128xf32, #tpu.memory_space<vmem_shared>>) dst(%dma_wait3A_127 : memref<16x128xf32, #tpu.memory_space<hbm>>)
          tpu.yield
        }) : () -> ()
      } else {
      }
    } else {
    }
    return
  }
}

#map = affine_map<(d0, d1) -> (0)>
#map1 = affine_map<(d0, d1) -> (0, 0)>
module attributes {stable_mosaic.version = 14 : i64} {
  func.func @_deg_call(%arg0: i32, %arg1: i32, %arg2: memref<320000xi32, #tpu.memory_space<hbm>>, %arg3: memref<320000xi32, #tpu.memory_space<hbm>>, %arg4: memref<10000x128xf32, #tpu.memory_space<hbm>>, %arg5: memref<10000x128xf32, #tpu.memory_space<hbm>>, %arg6: memref<128xi32, #tpu.memory_space<vmem>>, %arg7: memref<128xi32, #tpu.memory_space<vmem>>, %arg8: memref<128xi32, #tpu.memory_space<vmem>>, %arg9: memref<128xi32, #tpu.memory_space<vmem>>, %arg10: memref<!tpu.dma_semaphore, #tpu.memory_space<semaphore_mem>>, %arg11: memref<!tpu.dma_semaphore, #tpu.memory_space<semaphore_mem>>, %arg12: memref<128x128xf32, #tpu.memory_space<vmem>>, %arg13: memref<128x128xf32, #tpu.memory_space<vmem>>, %arg14: memref<10000x128xf32, #tpu.memory_space<vmem_shared>>) attributes {dimension_semantics = [#tpu.dimension_semantics<core_parallel>, #tpu.dimension_semantics<subcore_parallel>], iteration_bounds = array<i64: 2, 16>, scalar_prefetch = 0 : i64, scratch_operands = 9 : i64, tpu.core_type = #tpu.core_type<sc_vector_subcore>, window_params = [{transform_indices = #map}, {transform_indices = #map}, {transform_indices = #map1}, {transform_indices = #map1}]} {
    %mul3A = arith.constant 160000 : i32
    %mul3A_0 = arith.muli %arg0, %mul3A : i32
    %iota3A = tpu.iota {dimensions = array<i32: 0>} : vector<16xi32>
    %eq3A = arith.constant 0 : i32
    %eq3A_1 = vector.broadcast %eq3A : i32 to vector<16xi32>
    %eq3A_2 = arith.cmpi eq, %iota3A, %eq3A_1 : vector<16xi32>
    %jit3A = arith.constant 1.000000e+00 : f32
    %jit3A_3 = arith.constant 0.000000e+00 : f32
    %broadcast_in_dim3A = vector.broadcast %jit3A : f32 to vector<16xf32>
    %broadcast_in_dim3A_4 = vector.broadcast %jit3A_3 : f32 to vector<16xf32>
    %select_n3A = arith.select %eq3A_2, %broadcast_in_dim3A, %broadcast_in_dim3A_4 : vector<16xi1>, vector<16xf32>
    %broadcast_in_dim3A_5 = arith.constant 0.000000e+00 : f32
    %broadcast_in_dim3A_6 = vector.broadcast %broadcast_in_dim3A_5 : f32 to vector<16xf32>
    %scan3A = arith.constant 0 : i32
    %scan3A_7 = arith.constant 0 : i32
    %scan3A_8 = arith.constant 1024 : i32
    %scan3A_9 = arith.addi %scan3A_7, %scan3A_8 : i32
    %scan3A_10 = arith.constant 1 : i32
    scf.for %scan3A_69 = %scan3A_7 to %scan3A_9 step %scan3A_10  : i32 {
      %jit3A_70 = arith.constant 8 : i32
      %div3A = arith.divsi %scan3A_69, %jit3A_70 : i32
      %sign3A = arith.constant 0 : i32
      %sign3A_71 = arith.cmpi sgt, %scan3A_69, %sign3A : i32
      %sign3A_72 = arith.extui %sign3A_71 : i1 to i32
      %sign3A_73 = arith.constant 0 : i32
      %sign3A_74 = arith.cmpi slt, %scan3A_69, %sign3A_73 : i32
      %sign3A_75 = arith.extui %sign3A_74 : i1 to i32
      %sign3A_76 = arith.subi %sign3A_72, %sign3A_75 : i32
      %sign3A_77 = arith.constant 0 : i32
      %sign3A_78 = arith.cmpi sgt, %jit3A_70, %sign3A_77 : i32
      %sign3A_79 = arith.extui %sign3A_78 : i1 to i32
      %sign3A_80 = arith.constant 0 : i32
      %sign3A_81 = arith.cmpi slt, %jit3A_70, %sign3A_80 : i32
      %sign3A_82 = arith.extui %sign3A_81 : i1 to i32
      %sign3A_83 = arith.subi %sign3A_79, %sign3A_82 : i32
      %ne3A = arith.cmpi ne, %sign3A_76, %sign3A_83 : i32
      %rem3A = arith.remsi %scan3A_69, %jit3A_70 : i32
      %ne3A_84 = arith.constant 0 : i32
      %ne3A_85 = arith.cmpi ne, %rem3A, %ne3A_84 : i32
      %and3A = arith.andi %ne3A, %ne3A_85 : i1
      %sub3A = arith.constant 1 : i32
      %sub3A_86 = arith.subi %div3A, %sub3A : i32
      %select_n3A_87 = arith.select %and3A, %sub3A_86, %div3A : i32
      %jit3A_88 = arith.constant 8 : i32
      %eq3A_89 = arith.constant 0 : i32
      %eq3A_90 = arith.cmpi eq, %jit3A_88, %eq3A_89 : i32
      %jit3A_91 = arith.constant 1 : i32
      %select_n3A_92 = arith.select %eq3A_90, %jit3A_91, %jit3A_88 : i32
      %rem3A_93 = arith.remsi %scan3A_69, %select_n3A_92 : i32
      %ne3A_94 = arith.constant 0 : i32
      %ne3A_95 = arith.cmpi ne, %rem3A_93, %ne3A_94 : i32
      %lt3A_96 = arith.constant 0 : i32
      %lt3A_97 = arith.cmpi slt, %rem3A_93, %lt3A_96 : i32
      %lt3A_98 = arith.constant 0 : i32
      %lt3A_99 = arith.cmpi slt, %select_n3A_92, %lt3A_98 : i32
      %ne3A_100 = arith.xori %lt3A_97, %lt3A_99 : i1
      %and3A_101 = arith.andi %ne3A_100, %ne3A_95 : i1
      %add3A_102 = arith.addi %rem3A_93, %select_n3A_92 : i32
      %select_n3A_103 = arith.select %and3A_101, %add3A_102, %rem3A_93 : i32
      %mul3A_104 = arith.constant 16 : i32
      %mul3A_105 = arith.muli %select_n3A_103, %mul3A_104 : i32
      %swap3A = arith.index_cast %select_n3A_87 : i32 to index
      %swap3A_106 = arith.index_cast %mul3A_105 : i32 to index
      %swap3A_107 = tpu.vector_load %arg12[%swap3A, %swap3A_106] {strides = array<i32>} : memref<128x128xf32, #tpu.memory_space<vmem>>, vector<1x16xf32>,
      %swap3A_108 = vector.shape_cast %swap3A_107 : vector<1x16xf32> to vector<16xf32>
      %swap3A_109 = vector.shape_cast %broadcast_in_dim3A_6 : vector<16xf32> to vector<1x16xf32>
      tpu.vector_store %arg12[%swap3A, %swap3A_106], %swap3A_109 {strides = array<i32>} : memref<128x128xf32, #tpu.memory_space<vmem>>, vector<1x16xf32>,
    }
    %scan3A_11 = arith.constant 1024 : i32
    %mul3A_12 = arith.constant 624 : i32
    %mul3A_13 = arith.muli %arg1, %mul3A_12 : i32
    %add3A = arith.constant 0 : i32
    %add3A_14 = arith.addi %mul3A_13, %add3A : i32
    "tpu.region"() ({
      %run_scoped3A = tpu.sem_alloc : memref<!tpu.dma_semaphore, #tpu.memory_space<semaphore_mem>>
      %dma_start3A_69 = arith.constant 0 : i32
      %dma_start3A_70 = tpu.memref_slice %arg14[%add3A_14, %dma_start3A_69] : memref<10000x128xf32, #tpu.memory_space<vmem_shared>> -> memref<128x128xf32, #tpu.memory_space<vmem_shared>>
      %dma_start3A_71 = arith.constant 0 : i32
      %dma_start3A_72 = tpu.memref_slice %arg14[%add3A_14, %dma_start3A_71] : memref<10000x128xf32, #tpu.memory_space<vmem_shared>> -> memref<128x128xf32, #tpu.memory_space<vmem_shared>>
      tpu.enqueue_dma source(%arg12 : memref<128x128xf32, #tpu.memory_space<vmem>>) target(%dma_start3A_72 : memref<128x128xf32, #tpu.memory_space<vmem_shared>>) target_semaphore(%run_scoped3A : memref<!tpu.dma_semaphore, #tpu.memory_space<semaphore_mem>>)
      %dma_wait3A = arith.constant 0 : i32
      %dma_wait3A_73 = tpu.memref_slice %arg14[%add3A_14, %dma_wait3A] : memref<10000x128xf32, #tpu.memory_space<vmem_shared>> -> memref<128x128xf32, #tpu.memory_space<vmem_shared>>
      %dma_wait3A_74 = arith.constant 0 : i32
      %dma_wait3A_75 = tpu.memref_slice %arg14[%add3A_14, %dma_wait3A_74] : memref<10000x128xf32, #tpu.memory_space<vmem_shared>> -> memref<128x128xf32, #tpu.memory_space<vmem_shared>>
      tpu.wait_dma2 semaphore(%run_scoped3A : memref<!tpu.dma_semaphore, #tpu.memory_space<semaphore_mem>>) src(%arg12 : memref<128x128xf32, #tpu.memory_space<vmem>>) dst(%dma_wait3A_75 : memref<128x128xf32, #tpu.memory_space<vmem_shared>>)
      tpu.yield
    }) : () -> ()
    %mul3A_15 = arith.constant 624 : i32
    %mul3A_16 = arith.muli %arg1, %mul3A_15 : i32
    %add3A_17 = arith.constant 128 : i32
    %add3A_18 = arith.addi %mul3A_16, %add3A_17 : i32
    "tpu.region"() ({
      %run_scoped3A = tpu.sem_alloc : memref<!tpu.dma_semaphore, #tpu.memory_space<semaphore_mem>>
      %dma_start3A_69 = arith.constant 0 : i32
      %dma_start3A_70 = tpu.memref_slice %arg14[%add3A_18, %dma_start3A_69] : memref<10000x128xf32, #tpu.memory_space<vmem_shared>> -> memref<128x128xf32, #tpu.memory_space<vmem_shared>>
      %dma_start3A_71 = arith.constant 0 : i32
      %dma_start3A_72 = tpu.memref_slice %arg14[%add3A_18, %dma_start3A_71] : memref<10000x128xf32, #tpu.memory_space<vmem_shared>> -> memref<128x128xf32, #tpu.memory_space<vmem_shared>>
      tpu.enqueue_dma source(%arg12 : memref<128x128xf32, #tpu.memory_space<vmem>>) target(%dma_start3A_72 : memref<128x128xf32, #tpu.memory_space<vmem_shared>>) target_semaphore(%run_scoped3A : memref<!tpu.dma_semaphore, #tpu.memory_space<semaphore_mem>>)
      %dma_wait3A = arith.constant 0 : i32
      %dma_wait3A_73 = tpu.memref_slice %arg14[%add3A_18, %dma_wait3A] : memref<10000x128xf32, #tpu.memory_space<vmem_shared>> -> memref<128x128xf32, #tpu.memory_space<vmem_shared>>
      %dma_wait3A_74 = arith.constant 0 : i32
      %dma_wait3A_75 = tpu.memref_slice %arg14[%add3A_18, %dma_wait3A_74] : memref<10000x128xf32, #tpu.memory_space<vmem_shared>> -> memref<128x128xf32, #tpu.memory_space<vmem_shared>>
      tpu.wait_dma2 semaphore(%run_scoped3A : memref<!tpu.dma_semaphore, #tpu.memory_space<semaphore_mem>>) src(%arg12 : memref<128x128xf32, #tpu.memory_space<vmem>>) dst(%dma_wait3A_75 : memref<128x128xf32, #tpu.memory_space<vmem_shared>>)
      tpu.yield
    }) : () -> ()
    %mul3A_19 = arith.constant 624 : i32
    %mul3A_20 = arith.muli %arg1, %mul3A_19 : i32
    %add3A_21 = arith.constant 256 : i32
    %add3A_22 = arith.addi %mul3A_20, %add3A_21 : i32
    "tpu.region"() ({
      %run_scoped3A = tpu.sem_alloc : memref<!tpu.dma_semaphore, #tpu.memory_space<semaphore_mem>>
      %dma_start3A_69 = arith.constant 0 : i32
      %dma_start3A_70 = tpu.memref_slice %arg14[%add3A_22, %dma_start3A_69] : memref<10000x128xf32, #tpu.memory_space<vmem_shared>> -> memref<128x128xf32, #tpu.memory_space<vmem_shared>>
      %dma_start3A_71 = arith.constant 0 : i32
      %dma_start3A_72 = tpu.memref_slice %arg14[%add3A_22, %dma_start3A_71] : memref<10000x128xf32, #tpu.memory_space<vmem_shared>> -> memref<128x128xf32, #tpu.memory_space<vmem_shared>>
      tpu.enqueue_dma source(%arg12 : memref<128x128xf32, #tpu.memory_space<vmem>>) target(%dma_start3A_72 : memref<128x128xf32, #tpu.memory_space<vmem_shared>>) target_semaphore(%run_scoped3A : memref<!tpu.dma_semaphore, #tpu.memory_space<semaphore_mem>>)
      %dma_wait3A = arith.constant 0 : i32
      %dma_wait3A_73 = tpu.memref_slice %arg14[%add3A_22, %dma_wait3A] : memref<10000x128xf32, #tpu.memory_space<vmem_shared>> -> memref<128x128xf32, #tpu.memory_space<vmem_shared>>
      %dma_wait3A_74 = arith.constant 0 : i32
      %dma_wait3A_75 = tpu.memref_slice %arg14[%add3A_22, %dma_wait3A_74] : memref<10000x128xf32, #tpu.memory_space<vmem_shared>> -> memref<128x128xf32, #tpu.memory_space<vmem_shared>>
      tpu.wait_dma2 semaphore(%run_scoped3A : memref<!tpu.dma_semaphore, #tpu.memory_space<semaphore_mem>>) src(%arg12 : memref<128x128xf32, #tpu.memory_space<vmem>>) dst(%dma_wait3A_75 : memref<128x128xf32, #tpu.memory_space<vmem_shared>>)
      tpu.yield
    }) : () -> ()
    %mul3A_23 = arith.constant 624 : i32
    %mul3A_24 = arith.muli %arg1, %mul3A_23 : i32
    %add3A_25 = arith.constant 384 : i32
    %add3A_26 = arith.addi %mul3A_24, %add3A_25 : i32
    "tpu.region"() ({
      %run_scoped3A = tpu.sem_alloc : memref<!tpu.dma_semaphore, #tpu.memory_space<semaphore_mem>>
      %dma_start3A_69 = arith.constant 0 : i32
      %dma_start3A_70 = tpu.memref_slice %arg14[%add3A_26, %dma_start3A_69] : memref<10000x128xf32, #tpu.memory_space<vmem_shared>> -> memref<128x128xf32, #tpu.memory_space<vmem_shared>>
      %dma_start3A_71 = arith.constant 0 : i32
      %dma_start3A_72 = tpu.memref_slice %arg14[%add3A_26, %dma_start3A_71] : memref<10000x128xf32, #tpu.memory_space<vmem_shared>> -> memref<128x128xf32, #tpu.memory_space<vmem_shared>>
      tpu.enqueue_dma source(%arg12 : memref<128x128xf32, #tpu.memory_space<vmem>>) target(%dma_start3A_72 : memref<128x128xf32, #tpu.memory_space<vmem_shared>>) target_semaphore(%run_scoped3A : memref<!tpu.dma_semaphore, #tpu.memory_space<semaphore_mem>>)
      %dma_wait3A = arith.constant 0 : i32
      %dma_wait3A_73 = tpu.memref_slice %arg14[%add3A_26, %dma_wait3A] : memref<10000x128xf32, #tpu.memory_space<vmem_shared>> -> memref<128x128xf32, #tpu.memory_space<vmem_shared>>
      %dma_wait3A_74 = arith.constant 0 : i32
      %dma_wait3A_75 = tpu.memref_slice %arg14[%add3A_26, %dma_wait3A_74] : memref<10000x128xf32, #tpu.memory_space<vmem_shared>> -> memref<128x128xf32, #tpu.memory_space<vmem_shared>>
      tpu.wait_dma2 semaphore(%run_scoped3A : memref<!tpu.dma_semaphore, #tpu.memory_space<semaphore_mem>>) src(%arg12 : memref<128x128xf32, #tpu.memory_space<vmem>>) dst(%dma_wait3A_75 : memref<128x128xf32, #tpu.memory_space<vmem_shared>>)
      tpu.yield
    }) : () -> ()
    %mul3A_27 = arith.constant 624 : i32
    %mul3A_28 = arith.muli %arg1, %mul3A_27 : i32
    %add3A_29 = arith.constant 512 : i32
    %add3A_30 = arith.addi %mul3A_28, %add3A_29 : i32
    "tpu.region"() ({
      %run_scoped3A = tpu.sem_alloc : memref<!tpu.dma_semaphore, #tpu.memory_space<semaphore_mem>>
      %dma_start3A_69 = arith.constant 0 : i32
      %dma_start3A_70 = arith.constant 0 : i32
      %dma_start3A_71 = tpu.memref_slice %arg12[%dma_start3A_69, %dma_start3A_70] : memref<128x128xf32, #tpu.memory_space<vmem>> -> memref<112x128xf32, #tpu.memory_space<vmem>>
      %dma_start3A_72 = arith.constant 0 : i32
      %dma_start3A_73 = tpu.memref_slice %arg14[%add3A_30, %dma_start3A_72] : memref<10000x128xf32, #tpu.memory_space<vmem_shared>> -> memref<112x128xf32, #tpu.memory_space<vmem_shared>>
      %dma_start3A_74 = arith.constant 0 : i32
      %dma_start3A_75 = tpu.memref_slice %arg14[%add3A_30, %dma_start3A_74] : memref<10000x128xf32, #tpu.memory_space<vmem_shared>> -> memref<112x128xf32, #tpu.memory_space<vmem_shared>>
      %dma_start3A_76 = arith.constant 0 : i32
      %dma_start3A_77 = arith.constant 0 : i32
      %dma_start3A_78 = tpu.memref_slice %arg12[%dma_start3A_76, %dma_start3A_77] : memref<128x128xf32, #tpu.memory_space<vmem>> -> memref<112x128xf32, #tpu.memory_space<vmem>>
      tpu.enqueue_dma source(%dma_start3A_78 : memref<112x128xf32, #tpu.memory_space<vmem>>) target(%dma_start3A_75 : memref<112x128xf32, #tpu.memory_space<vmem_shared>>) target_semaphore(%run_scoped3A : memref<!tpu.dma_semaphore, #tpu.memory_space<semaphore_mem>>)
      %dma_wait3A = arith.constant 0 : i32
      %dma_wait3A_79 = arith.constant 0 : i32
      %dma_wait3A_80 = tpu.memref_slice %arg12[%dma_wait3A, %dma_wait3A_79] : memref<128x128xf32, #tpu.memory_space<vmem>> -> memref<112x128xf32, #tpu.memory_space<vmem>>
      %dma_wait3A_81 = arith.constant 0 : i32
      %dma_wait3A_82 = tpu.memref_slice %arg14[%add3A_30, %dma_wait3A_81] : memref<10000x128xf32, #tpu.memory_space<vmem_shared>> -> memref<112x128xf32, #tpu.memory_space<vmem_shared>>
      %dma_wait3A_83 = arith.constant 0 : i32
      %dma_wait3A_84 = tpu.memref_slice %arg14[%add3A_30, %dma_wait3A_83] : memref<10000x128xf32, #tpu.memory_space<vmem_shared>> -> memref<112x128xf32, #tpu.memory_space<vmem_shared>>
      %dma_wait3A_85 = arith.constant 0 : i32
      %dma_wait3A_86 = arith.constant 0 : i32
      %dma_wait3A_87 = tpu.memref_slice %arg12[%dma_wait3A_85, %dma_wait3A_86] : memref<128x128xf32, #tpu.memory_space<vmem>> -> memref<112x128xf32, #tpu.memory_space<vmem>>
      tpu.wait_dma2 semaphore(%run_scoped3A : memref<!tpu.dma_semaphore, #tpu.memory_space<semaphore_mem>>) src(%dma_wait3A_87 : memref<112x128xf32, #tpu.memory_space<vmem>>) dst(%dma_wait3A_84 : memref<112x128xf32, #tpu.memory_space<vmem_shared>>)
      tpu.yield
    }) : () -> ()
    %eq3A_31 = arith.constant 15 : i32
    %eq3A_32 = arith.cmpi eq, %arg1, %eq3A_31 : i32
    %convert_element_type3A = arith.extui %eq3A_32 : i1 to i32
    %cond3A = arith.constant 0 : i32
    %cond3A_33 = arith.cmpi ne, %convert_element_type3A, %cond3A : i32
    scf.if %cond3A_33 {
      "tpu.region"() ({
        %run_scoped3A = tpu.sem_alloc : memref<!tpu.dma_semaphore, #tpu.memory_space<semaphore_mem>>
        %dma_start3A_69 = arith.constant 0 : i32
        %dma_start3A_70 = arith.constant 0 : i32
        %dma_start3A_71 = tpu.memref_slice %arg12[%dma_start3A_69, %dma_start3A_70] : memref<128x128xf32, #tpu.memory_space<vmem>> -> memref<16x128xf32, #tpu.memory_space<vmem>>
        %dma_start3A_72 = arith.constant 9984 : i32
        %dma_start3A_73 = arith.constant 0 : i32
        %dma_start3A_74 = tpu.memref_slice %arg14[%dma_start3A_72, %dma_start3A_73] : memref<10000x128xf32, #tpu.memory_space<vmem_shared>> -> memref<16x128xf32, #tpu.memory_space<vmem_shared>>
        %dma_start3A_75 = arith.constant 9984 : i32
        %dma_start3A_76 = arith.constant 0 : i32
        %dma_start3A_77 = tpu.memref_slice %arg14[%dma_start3A_75, %dma_start3A_76] : memref<10000x128xf32, #tpu.memory_space<vmem_shared>> -> memref<16x128xf32, #tpu.memory_space<vmem_shared>>
        %dma_start3A_78 = arith.constant 0 : i32
        %dma_start3A_79 = arith.constant 0 : i32
        %dma_start3A_80 = tpu.memref_slice %arg12[%dma_start3A_78, %dma_start3A_79] : memref<128x128xf32, #tpu.memory_space<vmem>> -> memref<16x128xf32, #tpu.memory_space<vmem>>
        tpu.enqueue_dma source(%dma_start3A_80 : memref<16x128xf32, #tpu.memory_space<vmem>>) target(%dma_start3A_77 : memref<16x128xf32, #tpu.memory_space<vmem_shared>>) target_semaphore(%run_scoped3A : memref<!tpu.dma_semaphore, #tpu.memory_space<semaphore_mem>>)
        %dma_wait3A = arith.constant 0 : i32
        %dma_wait3A_81 = arith.constant 0 : i32
        %dma_wait3A_82 = tpu.memref_slice %arg12[%dma_wait3A, %dma_wait3A_81] : memref<128x128xf32, #tpu.memory_space<vmem>> -> memref<16x128xf32, #tpu.memory_space<vmem>>
        %dma_wait3A_83 = arith.constant 9984 : i32
        %dma_wait3A_84 = arith.constant 0 : i32
        %dma_wait3A_85 = tpu.memref_slice %arg14[%dma_wait3A_83, %dma_wait3A_84] : memref<10000x128xf32, #tpu.memory_space<vmem_shared>> -> memref<16x128xf32, #tpu.memory_space<vmem_shared>>
        %dma_wait3A_86 = arith.constant 9984 : i32
        %dma_wait3A_87 = arith.constant 0 : i32
        %dma_wait3A_88 = tpu.memref_slice %arg14[%dma_wait3A_86, %dma_wait3A_87] : memref<10000x128xf32, #tpu.memory_space<vmem_shared>> -> memref<16x128xf32, #tpu.memory_space<vmem_shared>>
        %dma_wait3A_89 = arith.constant 0 : i32
        %dma_wait3A_90 = arith.constant 0 : i32
        %dma_wait3A_91 = tpu.memref_slice %arg12[%dma_wait3A_89, %dma_wait3A_90] : memref<128x128xf32, #tpu.memory_space<vmem>> -> memref<16x128xf32, #tpu.memory_space<vmem>>
        tpu.wait_dma2 semaphore(%run_scoped3A : memref<!tpu.dma_semaphore, #tpu.memory_space<semaphore_mem>>) src(%dma_wait3A_91 : memref<16x128xf32, #tpu.memory_space<vmem>>) dst(%dma_wait3A_88 : memref<16x128xf32, #tpu.memory_space<vmem_shared>>)
        tpu.yield
      }) : () -> ()
    } else {
    }
    %scan3A_34 = arith.constant 0 : i32
    %scan3A_35 = arith.constant 0 : i32
    %scan3A_36 = arith.constant 128 : i32
    %scan3A_37 = arith.addi %scan3A_35, %scan3A_36 : i32
    %scan3A_38 = arith.constant 1 : i32
    scf.for %scan3A_69 = %scan3A_35 to %scan3A_37 step %scan3A_38  : i32 {
      %swap3A = arith.index_cast %scan3A_69 : i32 to index
      %swap3A_70 = arith.constant 0 : index
      %swap3A_71 = tpu.vector_load %arg12[%swap3A, %swap3A_70] {strides = array<i32>} : memref<128x128xf32, #tpu.memory_space<vmem>>, vector<1x16xf32>,
      %swap3A_72 = vector.shape_cast %swap3A_71 : vector<1x16xf32> to vector<16xf32>
      %swap3A_73 = vector.shape_cast %select_n3A : vector<16xf32> to vector<1x16xf32>
      tpu.vector_store %arg12[%swap3A, %swap3A_70], %swap3A_73 {strides = array<i32>} : memref<128x128xf32, #tpu.memory_space<vmem>>, vector<1x16xf32>,
      %swap3A_74 = arith.index_cast %scan3A_69 : i32 to index
      %swap3A_75 = arith.constant 0 : index
      %swap3A_76 = tpu.vector_load %arg13[%swap3A_74, %swap3A_75] {strides = array<i32>} : memref<128x128xf32, #tpu.memory_space<vmem>>, vector<1x16xf32>,
      %swap3A_77 = vector.shape_cast %swap3A_76 : vector<1x16xf32> to vector<16xf32>
      %swap3A_78 = vector.shape_cast %broadcast_in_dim3A_6 : vector<16xf32> to vector<1x16xf32>
      tpu.vector_store %arg13[%swap3A_74, %swap3A_75], %swap3A_78 {strides = array<i32>} : memref<128x128xf32, #tpu.memory_space<vmem>>, vector<1x16xf32>,
      %swap3A_79 = arith.index_cast %scan3A_69 : i32 to index
      %swap3A_80 = arith.constant 16 : index
      %swap3A_81 = tpu.vector_load %arg13[%swap3A_79, %swap3A_80] {strides = array<i32>} : memref<128x128xf32, #tpu.memory_space<vmem>>, vector<1x16xf32>,
      %swap3A_82 = vector.shape_cast %swap3A_81 : vector<1x16xf32> to vector<16xf32>
      %swap3A_83 = vector.shape_cast %broadcast_in_dim3A_6 : vector<16xf32> to vector<1x16xf32>
      tpu.vector_store %arg13[%swap3A_79, %swap3A_80], %swap3A_83 {strides = array<i32>} : memref<128x128xf32, #tpu.memory_space<vmem>>, vector<1x16xf32>,
      %swap3A_84 = arith.index_cast %scan3A_69 : i32 to index
      %swap3A_85 = arith.constant 32 : index
      %swap3A_86 = tpu.vector_load %arg13[%swap3A_84, %swap3A_85] {strides = array<i32>} : memref<128x128xf32, #tpu.memory_space<vmem>>, vector<1x16xf32>,
      %swap3A_87 = vector.shape_cast %swap3A_86 : vector<1x16xf32> to vector<16xf32>
      %swap3A_88 = vector.shape_cast %broadcast_in_dim3A_6 : vector<16xf32> to vector<1x16xf32>
      tpu.vector_store %arg13[%swap3A_84, %swap3A_85], %swap3A_88 {strides = array<i32>} : memref<128x128xf32, #tpu.memory_space<vmem>>, vector<1x16xf32>,
      %swap3A_89 = arith.index_cast %scan3A_69 : i32 to index
      %swap3A_90 = arith.constant 48 : index
      %swap3A_91 = tpu.vector_load %arg13[%swap3A_89, %swap3A_90] {strides = array<i32>} : memref<128x128xf32, #tpu.memory_space<vmem>>, vector<1x16xf32>,
      %swap3A_92 = vector.shape_cast %swap3A_91 : vector<1x16xf32> to vector<16xf32>
      %swap3A_93 = vector.shape_cast %broadcast_in_dim3A_6 : vector<16xf32> to vector<1x16xf32>
      tpu.vector_store %arg13[%swap3A_89, %swap3A_90], %swap3A_93 {strides = array<i32>} : memref<128x128xf32, #tpu.memory_space<vmem>>, vector<1x16xf32>,
      %swap3A_94 = arith.index_cast %scan3A_69 : i32 to index
      %swap3A_95 = arith.constant 64 : index
      %swap3A_96 = tpu.vector_load %arg13[%swap3A_94, %swap3A_95] {strides = array<i32>} : memref<128x128xf32, #tpu.memory_space<vmem>>, vector<1x16xf32>,
      %swap3A_97 = vector.shape_cast %swap3A_96 : vector<1x16xf32> to vector<16xf32>
      %swap3A_98 = vector.shape_cast %select_n3A : vector<16xf32> to vector<1x16xf32>
      tpu.vector_store %arg13[%swap3A_94, %swap3A_95], %swap3A_98 {strides = array<i32>} : memref<128x128xf32, #tpu.memory_space<vmem>>, vector<1x16xf32>,
      %swap3A_99 = arith.index_cast %scan3A_69 : i32 to index
      %swap3A_100 = arith.constant 80 : index
      %swap3A_101 = tpu.vector_load %arg13[%swap3A_99, %swap3A_100] {strides = array<i32>} : memref<128x128xf32, #tpu.memory_space<vmem>>, vector<1x16xf32>,
      %swap3A_102 = vector.shape_cast %swap3A_101 : vector<1x16xf32> to vector<16xf32>
      %swap3A_103 = vector.shape_cast %broadcast_in_dim3A_6 : vector<16xf32> to vector<1x16xf32>
      tpu.vector_store %arg13[%swap3A_99, %swap3A_100], %swap3A_103 {strides = array<i32>} : memref<128x128xf32, #tpu.memory_space<vmem>>, vector<1x16xf32>,
      %swap3A_104 = arith.index_cast %scan3A_69 : i32 to index
      %swap3A_105 = arith.constant 96 : index
      %swap3A_106 = tpu.vector_load %arg13[%swap3A_104, %swap3A_105] {strides = array<i32>} : memref<128x128xf32, #tpu.memory_space<vmem>>, vector<1x16xf32>,
      %swap3A_107 = vector.shape_cast %swap3A_106 : vector<1x16xf32> to vector<16xf32>
      %swap3A_108 = vector.shape_cast %broadcast_in_dim3A_6 : vector<16xf32> to vector<1x16xf32>
      tpu.vector_store %arg13[%swap3A_104, %swap3A_105], %swap3A_108 {strides = array<i32>} : memref<128x128xf32, #tpu.memory_space<vmem>>, vector<1x16xf32>,
      %swap3A_109 = arith.index_cast %scan3A_69 : i32 to index
      %swap3A_110 = arith.constant 112 : index
      %swap3A_111 = tpu.vector_load %arg13[%swap3A_109, %swap3A_110] {strides = array<i32>} : memref<128x128xf32, #tpu.memory_space<vmem>>, vector<1x16xf32>,
      %swap3A_112 = vector.shape_cast %swap3A_111 : vector<1x16xf32> to vector<16xf32>
      %swap3A_113 = vector.shape_cast %broadcast_in_dim3A_6 : vector<16xf32> to vector<1x16xf32>
      tpu.vector_store %arg13[%swap3A_109, %swap3A_110], %swap3A_113 {strides = array<i32>} : memref<128x128xf32, #tpu.memory_space<vmem>>, vector<1x16xf32>,
    }
    %scan3A_39 = arith.constant 128 : i32
    %barrier3A = arith.constant 0 : index
    tpu.barrier barrier_id(%barrier3A)
    %mul3A_40 = arith.constant 128 : i32
    %mul3A_41 = arith.muli %arg1, %mul3A_40 : i32
    %add3A_42 = arith.addi %mul3A_0, %mul3A_41 : i32
    %dma_start3A = tpu.memref_slice %arg2[%add3A_42] : memref<320000xi32, #tpu.memory_space<hbm>> -> memref<128xi32, #tpu.memory_space<hbm>>
    %dma_start3A_43 = tpu.memref_slice %arg2[%add3A_42] : memref<320000xi32, #tpu.memory_space<hbm>> -> memref<128xi32, #tpu.memory_space<hbm>>
    tpu.enqueue_dma source(%dma_start3A_43 : memref<128xi32, #tpu.memory_space<hbm>>) target(%arg6 : memref<128xi32, #tpu.memory_space<vmem>>) target_semaphore(%arg10 : memref<!tpu.dma_semaphore, #tpu.memory_space<semaphore_mem>>)
    %dma_start3A_44 = tpu.memref_slice %arg3[%add3A_42] : memref<320000xi32, #tpu.memory_space<hbm>> -> memref<128xi32, #tpu.memory_space<hbm>>
    %dma_start3A_45 = tpu.memref_slice %arg3[%add3A_42] : memref<320000xi32, #tpu.memory_space<hbm>> -> memref<128xi32, #tpu.memory_space<hbm>>
    tpu.enqueue_dma source(%dma_start3A_45 : memref<128xi32, #tpu.memory_space<hbm>>) target(%arg7 : memref<128xi32, #tpu.memory_space<vmem>>) target_semaphore(%arg10 : memref<!tpu.dma_semaphore, #tpu.memory_space<semaphore_mem>>)
    %scan3A_46 = arith.constant 0 : i32
    %scan3A_47 = arith.constant 0 : i32
    %scan3A_48 = arith.constant 39 : i32
    %scan3A_49 = arith.addi %scan3A_47, %scan3A_48 : i32
    %scan3A_50 = arith.constant 1 : i32
    scf.for %scan3A_69 = %scan3A_47 to %scan3A_49 step %scan3A_50  : i32 {
      %mul3A_70 = arith.constant 2 : i32
      %mul3A_71 = arith.muli %mul3A_70, %scan3A_69 : i32
      %mul3A_72 = arith.constant 16 : i32
      %mul3A_73 = arith.muli %mul3A_71, %mul3A_72 : i32
      %add3A_74 = arith.addi %mul3A_73, %arg1 : i32
      %add3A_75 = arith.constant 16 : i32
      %add3A_76 = arith.addi %add3A_74, %add3A_75 : i32
      %mul3A_77 = arith.constant 128 : i32
      %mul3A_78 = arith.muli %add3A_76, %mul3A_77 : i32
      %add3A_79 = arith.addi %mul3A_0, %mul3A_78 : i32
      %dma_start3A_80 = tpu.memref_slice %arg2[%add3A_79] : memref<320000xi32, #tpu.memory_space<hbm>> -> memref<128xi32, #tpu.memory_space<hbm>>
      %dma_start3A_81 = tpu.memref_slice %arg2[%add3A_79] : memref<320000xi32, #tpu.memory_space<hbm>> -> memref<128xi32, #tpu.memory_space<hbm>>
      tpu.enqueue_dma source(%dma_start3A_81 : memref<128xi32, #tpu.memory_space<hbm>>) target(%arg8 : memref<128xi32, #tpu.memory_space<vmem>>) target_semaphore(%arg11 : memref<!tpu.dma_semaphore, #tpu.memory_space<semaphore_mem>>)
      %dma_start3A_82 = tpu.memref_slice %arg3[%add3A_79] : memref<320000xi32, #tpu.memory_space<hbm>> -> memref<128xi32, #tpu.memory_space<hbm>>
      %dma_start3A_83 = tpu.memref_slice %arg3[%add3A_79] : memref<320000xi32, #tpu.memory_space<hbm>> -> memref<128xi32, #tpu.memory_space<hbm>>
      tpu.enqueue_dma source(%dma_start3A_83 : memref<128xi32, #tpu.memory_space<hbm>>) target(%arg9 : memref<128xi32, #tpu.memory_space<vmem>>) target_semaphore(%arg11 : memref<!tpu.dma_semaphore, #tpu.memory_space<semaphore_mem>>)
      %mul3A_84 = arith.constant 128 : i32
      %mul3A_85 = arith.muli %add3A_74, %mul3A_84 : i32
      %add3A_86 = arith.addi %mul3A_0, %mul3A_85 : i32
      %dma_wait3A = tpu.memref_slice %arg2[%add3A_86] : memref<320000xi32, #tpu.memory_space<hbm>> -> memref<128xi32, #tpu.memory_space<hbm>>
      %dma_wait3A_87 = tpu.memref_slice %arg2[%add3A_86] : memref<320000xi32, #tpu.memory_space<hbm>> -> memref<128xi32, #tpu.memory_space<hbm>>
      tpu.wait_dma2 semaphore(%arg10 : memref<!tpu.dma_semaphore, #tpu.memory_space<semaphore_mem>>) src(%dma_wait3A_87 : memref<128xi32, #tpu.memory_space<hbm>>) dst(%arg6 : memref<128xi32, #tpu.memory_space<vmem>>)
      %dma_wait3A_88 = tpu.memref_slice %arg3[%add3A_86] : memref<320000xi32, #tpu.memory_space<hbm>> -> memref<128xi32, #tpu.memory_space<hbm>>
      %dma_wait3A_89 = tpu.memref_slice %arg3[%add3A_86] : memref<320000xi32, #tpu.memory_space<hbm>> -> memref<128xi32, #tpu.memory_space<hbm>>
      tpu.wait_dma2 semaphore(%arg10 : memref<!tpu.dma_semaphore, #tpu.memory_space<semaphore_mem>>) src(%dma_wait3A_89 : memref<128xi32, #tpu.memory_space<hbm>>) dst(%arg7 : memref<128xi32, #tpu.memory_space<vmem>>)
      "tpu.region"() ({
        %run_scoped3A = tpu.sem_alloc : memref<!tpu.dma_semaphore, #tpu.memory_space<semaphore_mem>>
        %dma_start3A_104 = arith.constant 0 : i32
        %dma_start3A_105 = arith.constant 0 : i32
        %dma_start3A_106 = tpu.memref_slice %arg14[%dma_start3A_104, %dma_start3A_105] : memref<10000x128xf32, #tpu.memory_space<vmem_shared>> -> memref<10000x128xf32, #tpu.memory_space<vmem_shared>>
        tpu.enqueue_indirect_dma source(%arg12 : memref<128x128xf32, #tpu.memory_space<vmem>>) target(%dma_start3A_106 : memref<10000x128xf32, #tpu.memory_space<vmem_shared>>) offsets(%arg6 : memref<128xi32, #tpu.memory_space<vmem>>) semaphore(%run_scoped3A : memref<!tpu.dma_semaphore, #tpu.memory_space<semaphore_mem>>) {add = true}
        %dma_wait3A_107 = arith.constant 0 : i32
        %dma_wait3A_108 = arith.constant 0 : i32
        %dma_wait3A_109 = tpu.memref_slice %arg14[%dma_wait3A_107, %dma_wait3A_108] : memref<10000x128xf32, #tpu.memory_space<vmem_shared>> -> memref<10000x128xf32, #tpu.memory_space<vmem_shared>>
        tpu.wait_indirect_dma semaphore(%run_scoped3A : memref<!tpu.dma_semaphore, #tpu.memory_space<semaphore_mem>>) src(%arg12 : memref<128x128xf32, #tpu.memory_space<vmem>>) dst(%dma_wait3A_109 : memref<10000x128xf32, #tpu.memory_space<vmem_shared>>)
        tpu.yield
      }) : () -> ()
      "tpu.region"() ({
        %run_scoped3A = tpu.sem_alloc : memref<!tpu.dma_semaphore, #tpu.memory_space<semaphore_mem>>
        %dma_start3A_104 = arith.constant 0 : i32
        %dma_start3A_105 = arith.constant 0 : i32
        %dma_start3A_106 = tpu.memref_slice %arg14[%dma_start3A_104, %dma_start3A_105] : memref<10000x128xf32, #tpu.memory_space<vmem_shared>> -> memref<10000x128xf32, #tpu.memory_space<vmem_shared>>
        tpu.enqueue_indirect_dma source(%arg13 : memref<128x128xf32, #tpu.memory_space<vmem>>) target(%dma_start3A_106 : memref<10000x128xf32, #tpu.memory_space<vmem_shared>>) offsets(%arg7 : memref<128xi32, #tpu.memory_space<vmem>>) semaphore(%run_scoped3A : memref<!tpu.dma_semaphore, #tpu.memory_space<semaphore_mem>>) {add = true}
        %dma_wait3A_107 = arith.constant 0 : i32
        %dma_wait3A_108 = arith.constant 0 : i32
        %dma_wait3A_109 = tpu.memref_slice %arg14[%dma_wait3A_107, %dma_wait3A_108] : memref<10000x128xf32, #tpu.memory_space<vmem_shared>> -> memref<10000x128xf32, #tpu.memory_space<vmem_shared>>
        tpu.wait_indirect_dma semaphore(%run_scoped3A : memref<!tpu.dma_semaphore, #tpu.memory_space<semaphore_mem>>) src(%arg13 : memref<128x128xf32, #tpu.memory_space<vmem>>) dst(%dma_wait3A_109 : memref<10000x128xf32, #tpu.memory_space<vmem_shared>>)
        tpu.yield
      }) : () -> ()
      %lt3A_90 = arith.constant 38 : i32
      %lt3A_91 = arith.cmpi slt, %scan3A_69, %lt3A_90 : i32
      %convert_element_type3A_92 = arith.extui %lt3A_91 : i1 to i32
      %cond3A_93 = arith.constant 0 : i32
      %cond3A_94 = arith.cmpi ne, %convert_element_type3A_92, %cond3A_93 : i32
      scf.if %cond3A_94 {
        %add3A_104 = arith.constant 32 : i32
        %add3A_105 = arith.addi %add3A_74, %add3A_104 : i32
        %mul3A_106 = arith.constant 128 : i32
        %mul3A_107 = arith.muli %add3A_105, %mul3A_106 : i32
        %add3A_108 = arith.addi %mul3A_0, %mul3A_107 : i32
        %dma_start3A_109 = tpu.memref_slice %arg2[%add3A_108] : memref<320000xi32, #tpu.memory_space<hbm>> -> memref<128xi32, #tpu.memory_space<hbm>>
        %dma_start3A_110 = tpu.memref_slice %arg2[%add3A_108] : memref<320000xi32, #tpu.memory_space<hbm>> -> memref<128xi32, #tpu.memory_space<hbm>>
        tpu.enqueue_dma source(%dma_start3A_110 : memref<128xi32, #tpu.memory_space<hbm>>) target(%arg6 : memref<128xi32, #tpu.memory_space<vmem>>) target_semaphore(%arg10 : memref<!tpu.dma_semaphore, #tpu.memory_space<semaphore_mem>>)
        %dma_start3A_111 = tpu.memref_slice %arg3[%add3A_108] : memref<320000xi32, #tpu.memory_space<hbm>> -> memref<128xi32, #tpu.memory_space<hbm>>
        %dma_start3A_112 = tpu.memref_slice %arg3[%add3A_108] : memref<320000xi32, #tpu.memory_space<hbm>> -> memref<128xi32, #tpu.memory_space<hbm>>
        tpu.enqueue_dma source(%dma_start3A_112 : memref<128xi32, #tpu.memory_space<hbm>>) target(%arg7 : memref<128xi32, #tpu.memory_space<vmem>>) target_semaphore(%arg10 : memref<!tpu.dma_semaphore, #tpu.memory_space<semaphore_mem>>)
      } else {
      }
      %add3A_95 = arith.constant 16 : i32
      %add3A_96 = arith.addi %add3A_74, %add3A_95 : i32
      %mul3A_97 = arith.constant 128 : i32
      %mul3A_98 = arith.muli %add3A_96, %mul3A_97 : i32
      %add3A_99 = arith.addi %mul3A_0, %mul3A_98 : i32
      %dma_wait3A_100 = tpu.memref_slice %arg2[%add3A_99] : memref<320000xi32, #tpu.memory_space<hbm>> -> memref<128xi32, #tpu.memory_space<hbm>>
      %dma_wait3A_101 = tpu.memref_slice %arg2[%add3A_99] : memref<320000xi32, #tpu.memory_space<hbm>> -> memref<128xi32, #tpu.memory_space<hbm>>
      tpu.wait_dma2 semaphore(%arg11 : memref<!tpu.dma_semaphore, #tpu.memory_space<semaphore_mem>>) src(%dma_wait3A_101 : memref<128xi32, #tpu.memory_space<hbm>>) dst(%arg8 : memref<128xi32, #tpu.memory_space<vmem>>)
      %dma_wait3A_102 = tpu.memref_slice %arg3[%add3A_99] : memref<320000xi32, #tpu.memory_space<hbm>> -> memref<128xi32, #tpu.memory_space<hbm>>
      %dma_wait3A_103 = tpu.memref_slice %arg3[%add3A_99] : memref<320000xi32, #tpu.memory_space<hbm>> -> memref<128xi32, #tpu.memory_space<hbm>>
      tpu.wait_dma2 semaphore(%arg11 : memref<!tpu.dma_semaphore, #tpu.memory_space<semaphore_mem>>) src(%dma_wait3A_103 : memref<128xi32, #tpu.memory_space<hbm>>) dst(%arg9 : memref<128xi32, #tpu.memory_space<vmem>>)
      "tpu.region"() ({
        %run_scoped3A = tpu.sem_alloc : memref<!tpu.dma_semaphore, #tpu.memory_space<semaphore_mem>>
        %dma_start3A_104 = arith.constant 0 : i32
        %dma_start3A_105 = arith.constant 0 : i32
        %dma_start3A_106 = tpu.memref_slice %arg14[%dma_start3A_104, %dma_start3A_105] : memref<10000x128xf32, #tpu.memory_space<vmem_shared>> -> memref<10000x128xf32, #tpu.memory_space<vmem_shared>>
        tpu.enqueue_indirect_dma source(%arg12 : memref<128x128xf32, #tpu.memory_space<vmem>>) target(%dma_start3A_106 : memref<10000x128xf32, #tpu.memory_space<vmem_shared>>) offsets(%arg8 : memref<128xi32, #tpu.memory_space<vmem>>) semaphore(%run_scoped3A : memref<!tpu.dma_semaphore, #tpu.memory_space<semaphore_mem>>) {add = true}
        %dma_wait3A_107 = arith.constant 0 : i32
        %dma_wait3A_108 = arith.constant 0 : i32
        %dma_wait3A_109 = tpu.memref_slice %arg14[%dma_wait3A_107, %dma_wait3A_108] : memref<10000x128xf32, #tpu.memory_space<vmem_shared>> -> memref<10000x128xf32, #tpu.memory_space<vmem_shared>>
        tpu.wait_indirect_dma semaphore(%run_scoped3A : memref<!tpu.dma_semaphore, #tpu.memory_space<semaphore_mem>>) src(%arg12 : memref<128x128xf32, #tpu.memory_space<vmem>>) dst(%dma_wait3A_109 : memref<10000x128xf32, #tpu.memory_space<vmem_shared>>)
        tpu.yield
      }) : () -> ()
      "tpu.region"() ({
        %run_scoped3A = tpu.sem_alloc : memref<!tpu.dma_semaphore, #tpu.memory_space<semaphore_mem>>
        %dma_start3A_104 = arith.constant 0 : i32
        %dma_start3A_105 = arith.constant 0 : i32
        %dma_start3A_106 = tpu.memref_slice %arg14[%dma_start3A_104, %dma_start3A_105] : memref<10000x128xf32, #tpu.memory_space<vmem_shared>> -> memref<10000x128xf32, #tpu.memory_space<vmem_shared>>
        tpu.enqueue_indirect_dma source(%arg13 : memref<128x128xf32, #tpu.memory_space<vmem>>) target(%dma_start3A_106 : memref<10000x128xf32, #tpu.memory_space<vmem_shared>>) offsets(%arg9 : memref<128xi32, #tpu.memory_space<vmem>>) semaphore(%run_scoped3A : memref<!tpu.dma_semaphore, #tpu.memory_space<semaphore_mem>>) {add = true}
        %dma_wait3A_107 = arith.constant 0 : i32
        %dma_wait3A_108 = arith.constant 0 : i32
        %dma_wait3A_109 = tpu.memref_slice %arg14[%dma_wait3A_107, %dma_wait3A_108] : memref<10000x128xf32, #tpu.memory_space<vmem_shared>> -> memref<10000x128xf32, #tpu.memory_space<vmem_shared>>
        tpu.wait_indirect_dma semaphore(%run_scoped3A : memref<!tpu.dma_semaphore, #tpu.memory_space<semaphore_mem>>) src(%arg13 : memref<128x128xf32, #tpu.memory_space<vmem>>) dst(%dma_wait3A_109 : memref<10000x128xf32, #tpu.memory_space<vmem_shared>>)
        tpu.yield
      }) : () -> ()
    }
    %scan3A_51 = arith.constant 39 : i32
    %lt3A = arith.constant 2 : i32
    %lt3A_52 = arith.cmpi slt, %arg1, %lt3A : i32
    %convert_element_type3A_53 = arith.extui %lt3A_52 : i1 to i32
    %cond3A_54 = arith.constant 0 : i32
    %cond3A_55 = arith.cmpi ne, %convert_element_type3A_53, %cond3A_54 : i32
    scf.if %cond3A_55 {
      %add3A_69 = arith.constant 1248 : i32
      %add3A_70 = arith.addi %add3A_69, %arg1 : i32
      %mul3A_71 = arith.constant 128 : i32
      %mul3A_72 = arith.muli %add3A_70, %mul3A_71 : i32
      %add3A_73 = arith.addi %mul3A_0, %mul3A_72 : i32
      %dma_start3A_74 = tpu.memref_slice %arg2[%add3A_73] : memref<320000xi32, #tpu.memory_space<hbm>> -> memref<128xi32, #tpu.memory_space<hbm>>
      %dma_start3A_75 = tpu.memref_slice %arg2[%add3A_73] : memref<320000xi32, #tpu.memory_space<hbm>> -> memref<128xi32, #tpu.memory_space<hbm>>
      tpu.enqueue_dma source(%dma_start3A_75 : memref<128xi32, #tpu.memory_space<hbm>>) target(%arg6 : memref<128xi32, #tpu.memory_space<vmem>>) target_semaphore(%arg10 : memref<!tpu.dma_semaphore, #tpu.memory_space<semaphore_mem>>)
      %dma_start3A_76 = tpu.memref_slice %arg3[%add3A_73] : memref<320000xi32, #tpu.memory_space<hbm>> -> memref<128xi32, #tpu.memory_space<hbm>>
      %dma_start3A_77 = tpu.memref_slice %arg3[%add3A_73] : memref<320000xi32, #tpu.memory_space<hbm>> -> memref<128xi32, #tpu.memory_space<hbm>>
      tpu.enqueue_dma source(%dma_start3A_77 : memref<128xi32, #tpu.memory_space<hbm>>) target(%arg7 : memref<128xi32, #tpu.memory_space<vmem>>) target_semaphore(%arg10 : memref<!tpu.dma_semaphore, #tpu.memory_space<semaphore_mem>>)
      %add3A_78 = arith.constant 1248 : i32
      %add3A_79 = arith.addi %add3A_78, %arg1 : i32
      %mul3A_80 = arith.constant 128 : i32
      %mul3A_81 = arith.muli %add3A_79, %mul3A_80 : i32
      %add3A_82 = arith.addi %mul3A_0, %mul3A_81 : i32
      %dma_wait3A = tpu.memref_slice %arg2[%add3A_82] : memref<320000xi32, #tpu.memory_space<hbm>> -> memref<128xi32, #tpu.memory_space<hbm>>
      %dma_wait3A_83 = tpu.memref_slice %arg2[%add3A_82] : memref<320000xi32, #tpu.memory_space<hbm>> -> memref<128xi32, #tpu.memory_space<hbm>>
      tpu.wait_dma2 semaphore(%arg10 : memref<!tpu.dma_semaphore, #tpu.memory_space<semaphore_mem>>) src(%dma_wait3A_83 : memref<128xi32, #tpu.memory_space<hbm>>) dst(%arg6 : memref<128xi32, #tpu.memory_space<vmem>>)
      %dma_wait3A_84 = tpu.memref_slice %arg3[%add3A_82] : memref<320000xi32, #tpu.memory_space<hbm>> -> memref<128xi32, #tpu.memory_space<hbm>>
      %dma_wait3A_85 = tpu.memref_slice %arg3[%add3A_82] : memref<320000xi32, #tpu.memory_space<hbm>> -> memref<128xi32, #tpu.memory_space<hbm>>
      tpu.wait_dma2 semaphore(%arg10 : memref<!tpu.dma_semaphore, #tpu.memory_space<semaphore_mem>>) src(%dma_wait3A_85 : memref<128xi32, #tpu.memory_space<hbm>>) dst(%arg7 : memref<128xi32, #tpu.memory_space<vmem>>)
      "tpu.region"() ({
        %run_scoped3A = tpu.sem_alloc : memref<!tpu.dma_semaphore, #tpu.memory_space<semaphore_mem>>
        %dma_start3A_86 = arith.constant 0 : i32
        %dma_start3A_87 = arith.constant 0 : i32
        %dma_start3A_88 = tpu.memref_slice %arg14[%dma_start3A_86, %dma_start3A_87] : memref<10000x128xf32, #tpu.memory_space<vmem_shared>> -> memref<10000x128xf32, #tpu.memory_space<vmem_shared>>
        tpu.enqueue_indirect_dma source(%arg12 : memref<128x128xf32, #tpu.memory_space<vmem>>) target(%dma_start3A_88 : memref<10000x128xf32, #tpu.memory_space<vmem_shared>>) offsets(%arg6 : memref<128xi32, #tpu.memory_space<vmem>>) semaphore(%run_scoped3A : memref<!tpu.dma_semaphore, #tpu.memory_space<semaphore_mem>>) {add = true}
        %dma_wait3A_89 = arith.constant 0 : i32
        %dma_wait3A_90 = arith.constant 0 : i32
        %dma_wait3A_91 = tpu.memref_slice %arg14[%dma_wait3A_89, %dma_wait3A_90] : memref<10000x128xf32, #tpu.memory_space<vmem_shared>> -> memref<10000x128xf32, #tpu.memory_space<vmem_shared>>
        tpu.wait_indirect_dma semaphore(%run_scoped3A : memref<!tpu.dma_semaphore, #tpu.memory_space<semaphore_mem>>) src(%arg12 : memref<128x128xf32, #tpu.memory_space<vmem>>) dst(%dma_wait3A_91 : memref<10000x128xf32, #tpu.memory_space<vmem_shared>>)
        tpu.yield
      }) : () -> ()
      "tpu.region"() ({
        %run_scoped3A = tpu.sem_alloc : memref<!tpu.dma_semaphore, #tpu.memory_space<semaphore_mem>>
        %dma_start3A_86 = arith.constant 0 : i32
        %dma_start3A_87 = arith.constant 0 : i32
        %dma_start3A_88 = tpu.memref_slice %arg14[%dma_start3A_86, %dma_start3A_87] : memref<10000x128xf32, #tpu.memory_space<vmem_shared>> -> memref<10000x128xf32, #tpu.memory_space<vmem_shared>>
        tpu.enqueue_indirect_dma source(%arg13 : memref<128x128xf32, #tpu.memory_space<vmem>>) target(%dma_start3A_88 : memref<10000x128xf32, #tpu.memory_space<vmem_shared>>) offsets(%arg7 : memref<128xi32, #tpu.memory_space<vmem>>) semaphore(%run_scoped3A : memref<!tpu.dma_semaphore, #tpu.memory_space<semaphore_mem>>) {add = true}
        %dma_wait3A_89 = arith.constant 0 : i32
        %dma_wait3A_90 = arith.constant 0 : i32
        %dma_wait3A_91 = tpu.memref_slice %arg14[%dma_wait3A_89, %dma_wait3A_90] : memref<10000x128xf32, #tpu.memory_space<vmem_shared>> -> memref<10000x128xf32, #tpu.memory_space<vmem_shared>>
        tpu.wait_indirect_dma semaphore(%run_scoped3A : memref<!tpu.dma_semaphore, #tpu.memory_space<semaphore_mem>>) src(%arg13 : memref<128x128xf32, #tpu.memory_space<vmem>>) dst(%dma_wait3A_91 : memref<10000x128xf32, #tpu.memory_space<vmem_shared>>)
        tpu.yield
      }) : () -> ()
    } else {
    }
    %barrier3A_56 = arith.constant 0 : index
    tpu.barrier barrier_id(%barrier3A_56)
    %mul3A_57 = arith.constant 624 : i32
    %mul3A_58 = arith.muli %arg1, %mul3A_57 : i32
    %eq3A_59 = arith.constant 0 : i32
    %eq3A_60 = arith.cmpi eq, %arg0, %eq3A_59 : i32
    %convert_element_type3A_61 = arith.extui %eq3A_60 : i1 to i32
    %cond3A_62 = arith.constant 0 : i32
    %cond3A_63 = arith.cmpi ne, %convert_element_type3A_61, %cond3A_62 : i32
    scf.if %cond3A_63 {
      "tpu.region"() ({
        %run_scoped3A = tpu.sem_alloc : memref<!tpu.dma_semaphore, #tpu.memory_space<semaphore_mem>>
        %dma_start3A_74 = arith.constant 0 : i32
        %dma_start3A_75 = tpu.memref_slice %arg4[%mul3A_58, %dma_start3A_74] : memref<10000x128xf32, #tpu.memory_space<hbm>> -> memref<624x128xf32, #tpu.memory_space<hbm>>
        %dma_start3A_76 = arith.constant 0 : i32
        %dma_start3A_77 = tpu.memref_slice %arg14[%mul3A_58, %dma_start3A_76] : memref<10000x128xf32, #tpu.memory_space<vmem_shared>> -> memref<624x128xf32, #tpu.memory_space<vmem_shared>>
        tpu.enqueue_dma source(%dma_start3A_77 : memref<624x128xf32, #tpu.memory_space<vmem_shared>>) target(%dma_start3A_75 : memref<624x128xf32, #tpu.memory_space<hbm>>) target_semaphore(%run_scoped3A : memref<!tpu.dma_semaphore, #tpu.memory_space<semaphore_mem>>)
        %dma_wait3A = arith.constant 0 : i32
        %dma_wait3A_78 = tpu.memref_slice %arg4[%mul3A_58, %dma_wait3A] : memref<10000x128xf32, #tpu.memory_space<hbm>> -> memref<624x128xf32, #tpu.memory_space<hbm>>
        %dma_wait3A_79 = arith.constant 0 : i32
        %dma_wait3A_80 = tpu.memref_slice %arg14[%mul3A_58, %dma_wait3A_79] : memref<10000x128xf32, #tpu.memory_space<vmem_shared>> -> memref<624x128xf32, #tpu.memory_space<vmem_shared>>
        tpu.wait_dma2 semaphore(%run_scoped3A : memref<!tpu.dma_semaphore, #tpu.memory_space<semaphore_mem>>) src(%dma_wait3A_80 : memref<624x128xf32, #tpu.memory_space<vmem_shared>>) dst(%dma_wait3A_78 : memref<624x128xf32, #tpu.memory_space<hbm>>)
        tpu.yield
      }) : () -> ()
      %eq3A_69 = arith.constant 15 : i32
      %eq3A_70 = arith.cmpi eq, %arg1, %eq3A_69 : i32
      %convert_element_type3A_71 = arith.extui %eq3A_70 : i1 to i32
      %cond3A_72 = arith.constant 0 : i32
      %cond3A_73 = arith.cmpi ne, %convert_element_type3A_71, %cond3A_72 : i32
      scf.if %cond3A_73 {
        "tpu.region"() ({
          %run_scoped3A = tpu.sem_alloc : memref<!tpu.dma_semaphore, #tpu.memory_space<semaphore_mem>>
          %dma_start3A_74 = arith.constant 9984 : i32
          %dma_start3A_75 = arith.constant 0 : i32
          %dma_start3A_76 = tpu.memref_slice %arg4[%dma_start3A_74, %dma_start3A_75] : memref<10000x128xf32, #tpu.memory_space<hbm>> -> memref<16x128xf32, #tpu.memory_space<hbm>>
          %dma_start3A_77 = arith.constant 9984 : i32
          %dma_start3A_78 = arith.constant 0 : i32
          %dma_start3A_79 = tpu.memref_slice %arg14[%dma_start3A_77, %dma_start3A_78] : memref<10000x128xf32, #tpu.memory_space<vmem_shared>> -> memref<16x128xf32, #tpu.memory_space<vmem_shared>>
          tpu.enqueue_dma source(%dma_start3A_79 : memref<16x128xf32, #tpu.memory_space<vmem_shared>>) target(%dma_start3A_76 : memref<16x128xf32, #tpu.memory_space<hbm>>) target_semaphore(%run_scoped3A : memref<!tpu.dma_semaphore, #tpu.memory_space<semaphore_mem>>)
          %dma_wait3A = arith.constant 9984 : i32
          %dma_wait3A_80 = arith.constant 0 : i32
          %dma_wait3A_81 = tpu.memref_slice %arg4[%dma_wait3A, %dma_wait3A_80] : memref<10000x128xf32, #tpu.memory_space<hbm>> -> memref<16x128xf32, #tpu.memory_space<hbm>>
          %dma_wait3A_82 = arith.constant 9984 : i32
          %dma_wait3A_83 = arith.constant 0 : i32
          %dma_wait3A_84 = tpu.memref_slice %arg14[%dma_wait3A_82, %dma_wait3A_83] : memref<10000x128xf32, #tpu.memory_space<vmem_shared>> -> memref<16x128xf32, #tpu.memory_space<vmem_shared>>
          tpu.wait_dma2 semaphore(%run_scoped3A : memref<!tpu.dma_semaphore, #tpu.memory_space<semaphore_mem>>) src(%dma_wait3A_84 : memref<16x128xf32, #tpu.memory_space<vmem_shared>>) dst(%dma_wait3A_81 : memref<16x128xf32, #tpu.memory_space<hbm>>)
          tpu.yield
        }) : () -> ()
      } else {
      }
    } else {
    }
    %eq3A_64 = arith.constant 1 : i32
    %eq3A_65 = arith.cmpi eq, %arg0, %eq3A_64 : i32
    %convert_element_type3A_66 = arith.extui %eq3A_65 : i1 to i32
    %cond3A_67 = arith.constant 0 : i32
    %cond3A_68 = arith.cmpi ne, %convert_element_type3A_66, %cond3A_67 : i32
    scf.if %cond3A_68 {
      "tpu.region"() ({
        %run_scoped3A = tpu.sem_alloc : memref<!tpu.dma_semaphore, #tpu.memory_space<semaphore_mem>>
        %dma_start3A_74 = arith.constant 0 : i32
        %dma_start3A_75 = tpu.memref_slice %arg5[%mul3A_58, %dma_start3A_74] : memref<10000x128xf32, #tpu.memory_space<hbm>> -> memref<624x128xf32, #tpu.memory_space<hbm>>
        %dma_start3A_76 = arith.constant 0 : i32
        %dma_start3A_77 = tpu.memref_slice %arg14[%mul3A_58, %dma_start3A_76] : memref<10000x128xf32, #tpu.memory_space<vmem_shared>> -> memref<624x128xf32, #tpu.memory_space<vmem_shared>>
        tpu.enqueue_dma source(%dma_start3A_77 : memref<624x128xf32, #tpu.memory_space<vmem_shared>>) target(%dma_start3A_75 : memref<624x128xf32, #tpu.memory_space<hbm>>) target_semaphore(%run_scoped3A : memref<!tpu.dma_semaphore, #tpu.memory_space<semaphore_mem>>)
        %dma_wait3A = arith.constant 0 : i32
        %dma_wait3A_78 = tpu.memref_slice %arg5[%mul3A_58, %dma_wait3A] : memref<10000x128xf32, #tpu.memory_space<hbm>> -> memref<624x128xf32, #tpu.memory_space<hbm>>
        %dma_wait3A_79 = arith.constant 0 : i32
        %dma_wait3A_80 = tpu.memref_slice %arg14[%mul3A_58, %dma_wait3A_79] : memref<10000x128xf32, #tpu.memory_space<vmem_shared>> -> memref<624x128xf32, #tpu.memory_space<vmem_shared>>
        tpu.wait_dma2 semaphore(%run_scoped3A : memref<!tpu.dma_semaphore, #tpu.memory_space<semaphore_mem>>) src(%dma_wait3A_80 : memref<624x128xf32, #tpu.memory_space<vmem_shared>>) dst(%dma_wait3A_78 : memref<624x128xf32, #tpu.memory_space<hbm>>)
        tpu.yield
      }) : () -> ()
      %eq3A_69 = arith.constant 15 : i32
      %eq3A_70 = arith.cmpi eq, %arg1, %eq3A_69 : i32
      %convert_element_type3A_71 = arith.extui %eq3A_70 : i1 to i32
      %cond3A_72 = arith.constant 0 : i32
      %cond3A_73 = arith.cmpi ne, %convert_element_type3A_71, %cond3A_72 : i32
      scf.if %cond3A_73 {
        "tpu.region"() ({
          %run_scoped3A = tpu.sem_alloc : memref<!tpu.dma_semaphore, #tpu.memory_space<semaphore_mem>>
          %dma_start3A_74 = arith.constant 9984 : i32
          %dma_start3A_75 = arith.constant 0 : i32
          %dma_start3A_76 = tpu.memref_slice %arg5[%dma_start3A_74, %dma_start3A_75] : memref<10000x128xf32, #tpu.memory_space<hbm>> -> memref<16x128xf32, #tpu.memory_space<hbm>>
          %dma_start3A_77 = arith.constant 9984 : i32
          %dma_start3A_78 = arith.constant 0 : i32
          %dma_start3A_79 = tpu.memref_slice %arg14[%dma_start3A_77, %dma_start3A_78] : memref<10000x128xf32, #tpu.memory_space<vmem_shared>> -> memref<16x128xf32, #tpu.memory_space<vmem_shared>>
          tpu.enqueue_dma source(%dma_start3A_79 : memref<16x128xf32, #tpu.memory_space<vmem_shared>>) target(%dma_start3A_76 : memref<16x128xf32, #tpu.memory_space<hbm>>) target_semaphore(%run_scoped3A : memref<!tpu.dma_semaphore, #tpu.memory_space<semaphore_mem>>)
          %dma_wait3A = arith.constant 9984 : i32
          %dma_wait3A_80 = arith.constant 0 : i32
          %dma_wait3A_81 = tpu.memref_slice %arg5[%dma_wait3A, %dma_wait3A_80] : memref<10000x128xf32, #tpu.memory_space<hbm>> -> memref<16x128xf32, #tpu.memory_space<hbm>>
          %dma_wait3A_82 = arith.constant 9984 : i32
          %dma_wait3A_83 = arith.constant 0 : i32
          %dma_wait3A_84 = tpu.memref_slice %arg14[%dma_wait3A_82, %dma_wait3A_83] : memref<10000x128xf32, #tpu.memory_space<vmem_shared>> -> memref<16x128xf32, #tpu.memory_space<vmem_shared>>
          tpu.wait_dma2 semaphore(%run_scoped3A : memref<!tpu.dma_semaphore, #tpu.memory_space<semaphore_mem>>) src(%dma_wait3A_84 : memref<16x128xf32, #tpu.memory_space<vmem_shared>>) dst(%dma_wait3A_81 : memref<16x128xf32, #tpu.memory_space<hbm>>)
          tpu.yield
        }) : () -> ()
      } else {
      }
    } else {
    }
    return
  }
}

#map = affine_map<(d0, d1) -> (0)>
#map1 = affine_map<(d0, d1) -> (0, 0)>
module attributes {stable_mosaic.version = 14 : i64} {
  func.func @_agg_call(%arg0: i32, %arg1: i32, %arg2: memref<320000xi32, #tpu.memory_space<hbm>>, %arg3: memref<320000xi32, #tpu.memory_space<hbm>>, %arg4: memref<10000x128xf32, #tpu.memory_space<hbm>>, %arg5: memref<10000x128xf32, #tpu.memory_space<hbm>>, %arg6: memref<10000x128xf32, #tpu.memory_space<hbm>>, %arg7: memref<128xi32, #tpu.memory_space<vmem>>, %arg8: memref<128xi32, #tpu.memory_space<vmem>>, %arg9: memref<128xi32, #tpu.memory_space<vmem>>, %arg10: memref<128xi32, #tpu.memory_space<vmem>>, %arg11: memref<128xi32, #tpu.memory_space<vmem>>, %arg12: memref<128xi32, #tpu.memory_space<vmem>>, %arg13: memref<128xi32, #tpu.memory_space<vmem>>, %arg14: memref<128xi32, #tpu.memory_space<vmem>>, %arg15: memref<128xi32, #tpu.memory_space<vmem>>, %arg16: memref<128xi32, #tpu.memory_space<vmem>>, %arg17: memref<128xi32, #tpu.memory_space<vmem>>, %arg18: memref<128xi32, #tpu.memory_space<vmem>>, %arg19: memref<!tpu.dma_semaphore, #tpu.memory_space<semaphore_mem>>, %arg20: memref<!tpu.dma_semaphore, #tpu.memory_space<semaphore_mem>>, %arg21: memref<!tpu.dma_semaphore, #tpu.memory_space<semaphore_mem>>, %arg22: memref<!tpu.dma_semaphore, #tpu.memory_space<semaphore_mem>>, %arg23: memref<!tpu.dma_semaphore, #tpu.memory_space<semaphore_mem>>, %arg24: memref<!tpu.dma_semaphore, #tpu.memory_space<semaphore_mem>>, %arg25: memref<128x128xf32, #tpu.memory_space<vmem>>, %arg26: memref<128x128xf32, #tpu.memory_space<vmem>>, %arg27: memref<!tpu.dma_semaphore, #tpu.memory_space<semaphore_mem>>, %arg28: memref<!tpu.dma_semaphore, #tpu.memory_space<semaphore_mem>>, %arg29: memref<10000x128xf32, #tpu.memory_space<vmem_shared>>) attributes {dimension_semantics = [#tpu.dimension_semantics<core_parallel>, #tpu.dimension_semantics<subcore_parallel>], iteration_bounds = array<i64: 2, 16>, scalar_prefetch = 0 : i64, scratch_operands = 23 : i64, tpu.core_type = #tpu.core_type<sc_vector_subcore>, window_params = [{transform_indices = #map}, {transform_indices = #map}, {transform_indices = #map1}, {transform_indices = #map1}, {transform_indices = #map1}]} {
    %mul3A = arith.constant 160000 : i32
    %mul3A_0 = arith.muli %arg0, %mul3A : i32
    %scan3A = arith.constant 0 : i32
    %scan3A_1 = arith.constant 0 : i32
    %scan3A_2 = arith.constant 1024 : i32
    %scan3A_3 = arith.addi %scan3A_1, %scan3A_2 : i32
    %scan3A_4 = arith.constant 1 : i32
    scf.for %scan3A_114 = %scan3A_1 to %scan3A_3 step %scan3A_4  : i32 {
      %broadcast_in_dim3A = arith.constant 0.000000e+00 : f32
      %broadcast_in_dim3A_115 = vector.broadcast %broadcast_in_dim3A : f32 to vector<16xf32>
      %jit3A = arith.constant 8 : i32
      %div3A = arith.divsi %scan3A_114, %jit3A : i32
      %sign3A = arith.constant 0 : i32
      %sign3A_116 = arith.cmpi sgt, %scan3A_114, %sign3A : i32
      %sign3A_117 = arith.extui %sign3A_116 : i1 to i32
      %sign3A_118 = arith.constant 0 : i32
      %sign3A_119 = arith.cmpi slt, %scan3A_114, %sign3A_118 : i32
      %sign3A_120 = arith.extui %sign3A_119 : i1 to i32
      %sign3A_121 = arith.subi %sign3A_117, %sign3A_120 : i32
      %sign3A_122 = arith.constant 0 : i32
      %sign3A_123 = arith.cmpi sgt, %jit3A, %sign3A_122 : i32
      %sign3A_124 = arith.extui %sign3A_123 : i1 to i32
      %sign3A_125 = arith.constant 0 : i32
      %sign3A_126 = arith.cmpi slt, %jit3A, %sign3A_125 : i32
      %sign3A_127 = arith.extui %sign3A_126 : i1 to i32
      %sign3A_128 = arith.subi %sign3A_124, %sign3A_127 : i32
      %ne3A = arith.cmpi ne, %sign3A_121, %sign3A_128 : i32
      %rem3A = arith.remsi %scan3A_114, %jit3A : i32
      %ne3A_129 = arith.constant 0 : i32
      %ne3A_130 = arith.cmpi ne, %rem3A, %ne3A_129 : i32
      %and3A = arith.andi %ne3A, %ne3A_130 : i1
      %sub3A = arith.constant 1 : i32
      %sub3A_131 = arith.subi %div3A, %sub3A : i32
      %select_n3A = arith.select %and3A, %sub3A_131, %div3A : i32
      %jit3A_132 = arith.constant 8 : i32
      %eq3A_133 = arith.constant 0 : i32
      %eq3A_134 = arith.cmpi eq, %jit3A_132, %eq3A_133 : i32
      %jit3A_135 = arith.constant 1 : i32
      %select_n3A_136 = arith.select %eq3A_134, %jit3A_135, %jit3A_132 : i32
      %rem3A_137 = arith.remsi %scan3A_114, %select_n3A_136 : i32
      %ne3A_138 = arith.constant 0 : i32
      %ne3A_139 = arith.cmpi ne, %rem3A_137, %ne3A_138 : i32
      %lt3A_140 = arith.constant 0 : i32
      %lt3A_141 = arith.cmpi slt, %rem3A_137, %lt3A_140 : i32
      %lt3A_142 = arith.constant 0 : i32
      %lt3A_143 = arith.cmpi slt, %select_n3A_136, %lt3A_142 : i32
      %ne3A_144 = arith.xori %lt3A_141, %lt3A_143 : i1
      %and3A_145 = arith.andi %ne3A_144, %ne3A_139 : i1
      %add3A_146 = arith.addi %rem3A_137, %select_n3A_136 : i32
      %select_n3A_147 = arith.select %and3A_145, %add3A_146, %rem3A_137 : i32
      %mul3A_148 = arith.constant 16 : i32
      %mul3A_149 = arith.muli %select_n3A_147, %mul3A_148 : i32
      %swap3A = arith.index_cast %select_n3A : i32 to index
      %swap3A_150 = arith.index_cast %mul3A_149 : i32 to index
      %swap3A_151 = tpu.vector_load %arg25[%swap3A, %swap3A_150] {strides = array<i32>} : memref<128x128xf32, #tpu.memory_space<vmem>>, vector<1x16xf32>,
      %swap3A_152 = vector.shape_cast %swap3A_151 : vector<1x16xf32> to vector<16xf32>
      %swap3A_153 = vector.shape_cast %broadcast_in_dim3A_115 : vector<16xf32> to vector<1x16xf32>
      tpu.vector_store %arg25[%swap3A, %swap3A_150], %swap3A_153 {strides = array<i32>} : memref<128x128xf32, #tpu.memory_space<vmem>>, vector<1x16xf32>,
    }
    %scan3A_5 = arith.constant 1024 : i32
    %mul3A_6 = arith.constant 624 : i32
    %mul3A_7 = arith.muli %arg1, %mul3A_6 : i32
    %add3A = arith.constant 0 : i32
    %add3A_8 = arith.addi %mul3A_7, %add3A : i32
    "tpu.region"() ({
      %run_scoped3A = tpu.sem_alloc : memref<!tpu.dma_semaphore, #tpu.memory_space<semaphore_mem>>
      %dma_start3A_114 = arith.constant 0 : i32
      %dma_start3A_115 = tpu.memref_slice %arg29[%add3A_8, %dma_start3A_114] : memref<10000x128xf32, #tpu.memory_space<vmem_shared>> -> memref<128x128xf32, #tpu.memory_space<vmem_shared>>
      %dma_start3A_116 = arith.constant 0 : i32
      %dma_start3A_117 = tpu.memref_slice %arg29[%add3A_8, %dma_start3A_116] : memref<10000x128xf32, #tpu.memory_space<vmem_shared>> -> memref<128x128xf32, #tpu.memory_space<vmem_shared>>
      tpu.enqueue_dma source(%arg25 : memref<128x128xf32, #tpu.memory_space<vmem>>) target(%dma_start3A_117 : memref<128x128xf32, #tpu.memory_space<vmem_shared>>) target_semaphore(%run_scoped3A : memref<!tpu.dma_semaphore, #tpu.memory_space<semaphore_mem>>)
      %dma_wait3A_118 = arith.constant 0 : i32
      %dma_wait3A_119 = tpu.memref_slice %arg29[%add3A_8, %dma_wait3A_118] : memref<10000x128xf32, #tpu.memory_space<vmem_shared>> -> memref<128x128xf32, #tpu.memory_space<vmem_shared>>
      %dma_wait3A_120 = arith.constant 0 : i32
      %dma_wait3A_121 = tpu.memref_slice %arg29[%add3A_8, %dma_wait3A_120] : memref<10000x128xf32, #tpu.memory_space<vmem_shared>> -> memref<128x128xf32, #tpu.memory_space<vmem_shared>>
      tpu.wait_dma2 semaphore(%run_scoped3A : memref<!tpu.dma_semaphore, #tpu.memory_space<semaphore_mem>>) src(%arg25 : memref<128x128xf32, #tpu.memory_space<vmem>>) dst(%dma_wait3A_121 : memref<128x128xf32, #tpu.memory_space<vmem_shared>>)
      tpu.yield
    }) : () -> ()
    %mul3A_9 = arith.constant 624 : i32
    %mul3A_10 = arith.muli %arg1, %mul3A_9 : i32
    %add3A_11 = arith.constant 128 : i32
    %add3A_12 = arith.addi %mul3A_10, %add3A_11 : i32
    "tpu.region"() ({
      %run_scoped3A = tpu.sem_alloc : memref<!tpu.dma_semaphore, #tpu.memory_space<semaphore_mem>>
      %dma_start3A_114 = arith.constant 0 : i32
      %dma_start3A_115 = tpu.memref_slice %arg29[%add3A_12, %dma_start3A_114] : memref<10000x128xf32, #tpu.memory_space<vmem_shared>> -> memref<128x128xf32, #tpu.memory_space<vmem_shared>>
      %dma_start3A_116 = arith.constant 0 : i32
      %dma_start3A_117 = tpu.memref_slice %arg29[%add3A_12, %dma_start3A_116] : memref<10000x128xf32, #tpu.memory_space<vmem_shared>> -> memref<128x128xf32, #tpu.memory_space<vmem_shared>>
      tpu.enqueue_dma source(%arg25 : memref<128x128xf32, #tpu.memory_space<vmem>>) target(%dma_start3A_117 : memref<128x128xf32, #tpu.memory_space<vmem_shared>>) target_semaphore(%run_scoped3A : memref<!tpu.dma_semaphore, #tpu.memory_space<semaphore_mem>>)
      %dma_wait3A_118 = arith.constant 0 : i32
      %dma_wait3A_119 = tpu.memref_slice %arg29[%add3A_12, %dma_wait3A_118] : memref<10000x128xf32, #tpu.memory_space<vmem_shared>> -> memref<128x128xf32, #tpu.memory_space<vmem_shared>>
      %dma_wait3A_120 = arith.constant 0 : i32
      %dma_wait3A_121 = tpu.memref_slice %arg29[%add3A_12, %dma_wait3A_120] : memref<10000x128xf32, #tpu.memory_space<vmem_shared>> -> memref<128x128xf32, #tpu.memory_space<vmem_shared>>
      tpu.wait_dma2 semaphore(%run_scoped3A : memref<!tpu.dma_semaphore, #tpu.memory_space<semaphore_mem>>) src(%arg25 : memref<128x128xf32, #tpu.memory_space<vmem>>) dst(%dma_wait3A_121 : memref<128x128xf32, #tpu.memory_space<vmem_shared>>)
      tpu.yield
    }) : () -> ()
    %mul3A_13 = arith.constant 624 : i32
    %mul3A_14 = arith.muli %arg1, %mul3A_13 : i32
    %add3A_15 = arith.constant 256 : i32
    %add3A_16 = arith.addi %mul3A_14, %add3A_15 : i32
    "tpu.region"() ({
      %run_scoped3A = tpu.sem_alloc : memref<!tpu.dma_semaphore, #tpu.memory_space<semaphore_mem>>
      %dma_start3A_114 = arith.constant 0 : i32
      %dma_start3A_115 = tpu.memref_slice %arg29[%add3A_16, %dma_start3A_114] : memref<10000x128xf32, #tpu.memory_space<vmem_shared>> -> memref<128x128xf32, #tpu.memory_space<vmem_shared>>
      %dma_start3A_116 = arith.constant 0 : i32
      %dma_start3A_117 = tpu.memref_slice %arg29[%add3A_16, %dma_start3A_116] : memref<10000x128xf32, #tpu.memory_space<vmem_shared>> -> memref<128x128xf32, #tpu.memory_space<vmem_shared>>
      tpu.enqueue_dma source(%arg25 : memref<128x128xf32, #tpu.memory_space<vmem>>) target(%dma_start3A_117 : memref<128x128xf32, #tpu.memory_space<vmem_shared>>) target_semaphore(%run_scoped3A : memref<!tpu.dma_semaphore, #tpu.memory_space<semaphore_mem>>)
      %dma_wait3A_118 = arith.constant 0 : i32
      %dma_wait3A_119 = tpu.memref_slice %arg29[%add3A_16, %dma_wait3A_118] : memref<10000x128xf32, #tpu.memory_space<vmem_shared>> -> memref<128x128xf32, #tpu.memory_space<vmem_shared>>
      %dma_wait3A_120 = arith.constant 0 : i32
      %dma_wait3A_121 = tpu.memref_slice %arg29[%add3A_16, %dma_wait3A_120] : memref<10000x128xf32, #tpu.memory_space<vmem_shared>> -> memref<128x128xf32, #tpu.memory_space<vmem_shared>>
      tpu.wait_dma2 semaphore(%run_scoped3A : memref<!tpu.dma_semaphore, #tpu.memory_space<semaphore_mem>>) src(%arg25 : memref<128x128xf32, #tpu.memory_space<vmem>>) dst(%dma_wait3A_121 : memref<128x128xf32, #tpu.memory_space<vmem_shared>>)
      tpu.yield
    }) : () -> ()
    %mul3A_17 = arith.constant 624 : i32
    %mul3A_18 = arith.muli %arg1, %mul3A_17 : i32
    %add3A_19 = arith.constant 384 : i32
    %add3A_20 = arith.addi %mul3A_18, %add3A_19 : i32
    "tpu.region"() ({
      %run_scoped3A = tpu.sem_alloc : memref<!tpu.dma_semaphore, #tpu.memory_space<semaphore_mem>>
      %dma_start3A_114 = arith.constant 0 : i32
      %dma_start3A_115 = tpu.memref_slice %arg29[%add3A_20, %dma_start3A_114] : memref<10000x128xf32, #tpu.memory_space<vmem_shared>> -> memref<128x128xf32, #tpu.memory_space<vmem_shared>>
      %dma_start3A_116 = arith.constant 0 : i32
      %dma_start3A_117 = tpu.memref_slice %arg29[%add3A_20, %dma_start3A_116] : memref<10000x128xf32, #tpu.memory_space<vmem_shared>> -> memref<128x128xf32, #tpu.memory_space<vmem_shared>>
      tpu.enqueue_dma source(%arg25 : memref<128x128xf32, #tpu.memory_space<vmem>>) target(%dma_start3A_117 : memref<128x128xf32, #tpu.memory_space<vmem_shared>>) target_semaphore(%run_scoped3A : memref<!tpu.dma_semaphore, #tpu.memory_space<semaphore_mem>>)
      %dma_wait3A_118 = arith.constant 0 : i32
      %dma_wait3A_119 = tpu.memref_slice %arg29[%add3A_20, %dma_wait3A_118] : memref<10000x128xf32, #tpu.memory_space<vmem_shared>> -> memref<128x128xf32, #tpu.memory_space<vmem_shared>>
      %dma_wait3A_120 = arith.constant 0 : i32
      %dma_wait3A_121 = tpu.memref_slice %arg29[%add3A_20, %dma_wait3A_120] : memref<10000x128xf32, #tpu.memory_space<vmem_shared>> -> memref<128x128xf32, #tpu.memory_space<vmem_shared>>
      tpu.wait_dma2 semaphore(%run_scoped3A : memref<!tpu.dma_semaphore, #tpu.memory_space<semaphore_mem>>) src(%arg25 : memref<128x128xf32, #tpu.memory_space<vmem>>) dst(%dma_wait3A_121 : memref<128x128xf32, #tpu.memory_space<vmem_shared>>)
      tpu.yield
    }) : () -> ()
    %mul3A_21 = arith.constant 624 : i32
    %mul3A_22 = arith.muli %arg1, %mul3A_21 : i32
    %add3A_23 = arith.constant 512 : i32
    %add3A_24 = arith.addi %mul3A_22, %add3A_23 : i32
    "tpu.region"() ({
      %run_scoped3A = tpu.sem_alloc : memref<!tpu.dma_semaphore, #tpu.memory_space<semaphore_mem>>
      %dma_start3A_114 = arith.constant 0 : i32
      %dma_start3A_115 = arith.constant 0 : i32
      %dma_start3A_116 = tpu.memref_slice %arg25[%dma_start3A_114, %dma_start3A_115] : memref<128x128xf32, #tpu.memory_space<vmem>> -> memref<112x128xf32, #tpu.memory_space<vmem>>
      %dma_start3A_117 = arith.constant 0 : i32
      %dma_start3A_118 = tpu.memref_slice %arg29[%add3A_24, %dma_start3A_117] : memref<10000x128xf32, #tpu.memory_space<vmem_shared>> -> memref<112x128xf32, #tpu.memory_space<vmem_shared>>
      %dma_start3A_119 = arith.constant 0 : i32
      %dma_start3A_120 = tpu.memref_slice %arg29[%add3A_24, %dma_start3A_119] : memref<10000x128xf32, #tpu.memory_space<vmem_shared>> -> memref<112x128xf32, #tpu.memory_space<vmem_shared>>
      %dma_start3A_121 = arith.constant 0 : i32
      %dma_start3A_122 = arith.constant 0 : i32
      %dma_start3A_123 = tpu.memref_slice %arg25[%dma_start3A_121, %dma_start3A_122] : memref<128x128xf32, #tpu.memory_space<vmem>> -> memref<112x128xf32, #tpu.memory_space<vmem>>
      tpu.enqueue_dma source(%dma_start3A_123 : memref<112x128xf32, #tpu.memory_space<vmem>>) target(%dma_start3A_120 : memref<112x128xf32, #tpu.memory_space<vmem_shared>>) target_semaphore(%run_scoped3A : memref<!tpu.dma_semaphore, #tpu.memory_space<semaphore_mem>>)
      %dma_wait3A_124 = arith.constant 0 : i32
      %dma_wait3A_125 = arith.constant 0 : i32
      %dma_wait3A_126 = tpu.memref_slice %arg25[%dma_wait3A_124, %dma_wait3A_125] : memref<128x128xf32, #tpu.memory_space<vmem>> -> memref<112x128xf32, #tpu.memory_space<vmem>>
      %dma_wait3A_127 = arith.constant 0 : i32
      %dma_wait3A_128 = tpu.memref_slice %arg29[%add3A_24, %dma_wait3A_127] : memref<10000x128xf32, #tpu.memory_space<vmem_shared>> -> memref<112x128xf32, #tpu.memory_space<vmem_shared>>
      %dma_wait3A_129 = arith.constant 0 : i32
      %dma_wait3A_130 = tpu.memref_slice %arg29[%add3A_24, %dma_wait3A_129] : memref<10000x128xf32, #tpu.memory_space<vmem_shared>> -> memref<112x128xf32, #tpu.memory_space<vmem_shared>>
      %dma_wait3A_131 = arith.constant 0 : i32
      %dma_wait3A_132 = arith.constant 0 : i32
      %dma_wait3A_133 = tpu.memref_slice %arg25[%dma_wait3A_131, %dma_wait3A_132] : memref<128x128xf32, #tpu.memory_space<vmem>> -> memref<112x128xf32, #tpu.memory_space<vmem>>
      tpu.wait_dma2 semaphore(%run_scoped3A : memref<!tpu.dma_semaphore, #tpu.memory_space<semaphore_mem>>) src(%dma_wait3A_133 : memref<112x128xf32, #tpu.memory_space<vmem>>) dst(%dma_wait3A_130 : memref<112x128xf32, #tpu.memory_space<vmem_shared>>)
      tpu.yield
    }) : () -> ()
    %eq3A = arith.constant 15 : i32
    %eq3A_25 = arith.cmpi eq, %arg1, %eq3A : i32
    %convert_element_type3A = arith.extui %eq3A_25 : i1 to i32
    %cond3A = arith.constant 0 : i32
    %cond3A_26 = arith.cmpi ne, %convert_element_type3A, %cond3A : i32
    scf.if %cond3A_26 {
      "tpu.region"() ({
        %run_scoped3A = tpu.sem_alloc : memref<!tpu.dma_semaphore, #tpu.memory_space<semaphore_mem>>
        %dma_start3A_114 = arith.constant 0 : i32
        %dma_start3A_115 = arith.constant 0 : i32
        %dma_start3A_116 = tpu.memref_slice %arg25[%dma_start3A_114, %dma_start3A_115] : memref<128x128xf32, #tpu.memory_space<vmem>> -> memref<16x128xf32, #tpu.memory_space<vmem>>
        %dma_start3A_117 = arith.constant 9984 : i32
        %dma_start3A_118 = arith.constant 0 : i32
        %dma_start3A_119 = tpu.memref_slice %arg29[%dma_start3A_117, %dma_start3A_118] : memref<10000x128xf32, #tpu.memory_space<vmem_shared>> -> memref<16x128xf32, #tpu.memory_space<vmem_shared>>
        %dma_start3A_120 = arith.constant 9984 : i32
        %dma_start3A_121 = arith.constant 0 : i32
        %dma_start3A_122 = tpu.memref_slice %arg29[%dma_start3A_120, %dma_start3A_121] : memref<10000x128xf32, #tpu.memory_space<vmem_shared>> -> memref<16x128xf32, #tpu.memory_space<vmem_shared>>
        %dma_start3A_123 = arith.constant 0 : i32
        %dma_start3A_124 = arith.constant 0 : i32
        %dma_start3A_125 = tpu.memref_slice %arg25[%dma_start3A_123, %dma_start3A_124] : memref<128x128xf32, #tpu.memory_space<vmem>> -> memref<16x128xf32, #tpu.memory_space<vmem>>
        tpu.enqueue_dma source(%dma_start3A_125 : memref<16x128xf32, #tpu.memory_space<vmem>>) target(%dma_start3A_122 : memref<16x128xf32, #tpu.memory_space<vmem_shared>>) target_semaphore(%run_scoped3A : memref<!tpu.dma_semaphore, #tpu.memory_space<semaphore_mem>>)
        %dma_wait3A_126 = arith.constant 0 : i32
        %dma_wait3A_127 = arith.constant 0 : i32
        %dma_wait3A_128 = tpu.memref_slice %arg25[%dma_wait3A_126, %dma_wait3A_127] : memref<128x128xf32, #tpu.memory_space<vmem>> -> memref<16x128xf32, #tpu.memory_space<vmem>>
        %dma_wait3A_129 = arith.constant 9984 : i32
        %dma_wait3A_130 = arith.constant 0 : i32
        %dma_wait3A_131 = tpu.memref_slice %arg29[%dma_wait3A_129, %dma_wait3A_130] : memref<10000x128xf32, #tpu.memory_space<vmem_shared>> -> memref<16x128xf32, #tpu.memory_space<vmem_shared>>
        %dma_wait3A_132 = arith.constant 9984 : i32
        %dma_wait3A_133 = arith.constant 0 : i32
        %dma_wait3A_134 = tpu.memref_slice %arg29[%dma_wait3A_132, %dma_wait3A_133] : memref<10000x128xf32, #tpu.memory_space<vmem_shared>> -> memref<16x128xf32, #tpu.memory_space<vmem_shared>>
        %dma_wait3A_135 = arith.constant 0 : i32
        %dma_wait3A_136 = arith.constant 0 : i32
        %dma_wait3A_137 = tpu.memref_slice %arg25[%dma_wait3A_135, %dma_wait3A_136] : memref<128x128xf32, #tpu.memory_space<vmem>> -> memref<16x128xf32, #tpu.memory_space<vmem>>
        tpu.wait_dma2 semaphore(%run_scoped3A : memref<!tpu.dma_semaphore, #tpu.memory_space<semaphore_mem>>) src(%dma_wait3A_137 : memref<16x128xf32, #tpu.memory_space<vmem>>) dst(%dma_wait3A_134 : memref<16x128xf32, #tpu.memory_space<vmem_shared>>)
        tpu.yield
      }) : () -> ()
    } else {
    }
    %barrier3A = arith.constant 0 : index
    tpu.barrier barrier_id(%barrier3A)
    %add3A_27 = arith.constant 0 : i32
    %add3A_28 = arith.addi %add3A_27, %arg1 : i32
    %mul3A_29 = arith.constant 128 : i32
    %mul3A_30 = arith.muli %add3A_28, %mul3A_29 : i32
    %add3A_31 = arith.addi %mul3A_0, %mul3A_30 : i32
    %dma_start3A = tpu.memref_slice %arg2[%add3A_31] : memref<320000xi32, #tpu.memory_space<hbm>> -> memref<128xi32, #tpu.memory_space<hbm>>
    %dma_start3A_32 = tpu.memref_slice %arg2[%add3A_31] : memref<320000xi32, #tpu.memory_space<hbm>> -> memref<128xi32, #tpu.memory_space<hbm>>
    tpu.enqueue_dma source(%dma_start3A_32 : memref<128xi32, #tpu.memory_space<hbm>>) target(%arg7 : memref<128xi32, #tpu.memory_space<vmem>>) target_semaphore(%arg19 : memref<!tpu.dma_semaphore, #tpu.memory_space<semaphore_mem>>)
    %dma_start3A_33 = tpu.memref_slice %arg3[%add3A_31] : memref<320000xi32, #tpu.memory_space<hbm>> -> memref<128xi32, #tpu.memory_space<hbm>>
    %dma_start3A_34 = tpu.memref_slice %arg3[%add3A_31] : memref<320000xi32, #tpu.memory_space<hbm>> -> memref<128xi32, #tpu.memory_space<hbm>>
    tpu.enqueue_dma source(%dma_start3A_34 : memref<128xi32, #tpu.memory_space<hbm>>) target(%arg8 : memref<128xi32, #tpu.memory_space<vmem>>) target_semaphore(%arg19 : memref<!tpu.dma_semaphore, #tpu.memory_space<semaphore_mem>>)
    %add3A_35 = arith.constant 16 : i32
    %add3A_36 = arith.addi %add3A_35, %arg1 : i32
    %mul3A_37 = arith.constant 128 : i32
    %mul3A_38 = arith.muli %add3A_36, %mul3A_37 : i32
    %add3A_39 = arith.addi %mul3A_0, %mul3A_38 : i32
    %dma_start3A_40 = tpu.memref_slice %arg2[%add3A_39] : memref<320000xi32, #tpu.memory_space<hbm>> -> memref<128xi32, #tpu.memory_space<hbm>>
    %dma_start3A_41 = tpu.memref_slice %arg2[%add3A_39] : memref<320000xi32, #tpu.memory_space<hbm>> -> memref<128xi32, #tpu.memory_space<hbm>>
    tpu.enqueue_dma source(%dma_start3A_41 : memref<128xi32, #tpu.memory_space<hbm>>) target(%arg9 : memref<128xi32, #tpu.memory_space<vmem>>) target_semaphore(%arg20 : memref<!tpu.dma_semaphore, #tpu.memory_space<semaphore_mem>>)
    %dma_start3A_42 = tpu.memref_slice %arg3[%add3A_39] : memref<320000xi32, #tpu.memory_space<hbm>> -> memref<128xi32, #tpu.memory_space<hbm>>
    %dma_start3A_43 = tpu.memref_slice %arg3[%add3A_39] : memref<320000xi32, #tpu.memory_space<hbm>> -> memref<128xi32, #tpu.memory_space<hbm>>
    tpu.enqueue_dma source(%dma_start3A_43 : memref<128xi32, #tpu.memory_space<hbm>>) target(%arg10 : memref<128xi32, #tpu.memory_space<vmem>>) target_semaphore(%arg20 : memref<!tpu.dma_semaphore, #tpu.memory_space<semaphore_mem>>)
    %add3A_44 = arith.constant 32 : i32
    %add3A_45 = arith.addi %add3A_44, %arg1 : i32
    %mul3A_46 = arith.constant 128 : i32
    %mul3A_47 = arith.muli %add3A_45, %mul3A_46 : i32
    %add3A_48 = arith.addi %mul3A_0, %mul3A_47 : i32
    %dma_start3A_49 = tpu.memref_slice %arg2[%add3A_48] : memref<320000xi32, #tpu.memory_space<hbm>> -> memref<128xi32, #tpu.memory_space<hbm>>
    %dma_start3A_50 = tpu.memref_slice %arg2[%add3A_48] : memref<320000xi32, #tpu.memory_space<hbm>> -> memref<128xi32, #tpu.memory_space<hbm>>
    tpu.enqueue_dma source(%dma_start3A_50 : memref<128xi32, #tpu.memory_space<hbm>>) target(%arg11 : memref<128xi32, #tpu.memory_space<vmem>>) target_semaphore(%arg21 : memref<!tpu.dma_semaphore, #tpu.memory_space<semaphore_mem>>)
    %dma_start3A_51 = tpu.memref_slice %arg3[%add3A_48] : memref<320000xi32, #tpu.memory_space<hbm>> -> memref<128xi32, #tpu.memory_space<hbm>>
    %dma_start3A_52 = tpu.memref_slice %arg3[%add3A_48] : memref<320000xi32, #tpu.memory_space<hbm>> -> memref<128xi32, #tpu.memory_space<hbm>>
    tpu.enqueue_dma source(%dma_start3A_52 : memref<128xi32, #tpu.memory_space<hbm>>) target(%arg12 : memref<128xi32, #tpu.memory_space<vmem>>) target_semaphore(%arg21 : memref<!tpu.dma_semaphore, #tpu.memory_space<semaphore_mem>>)
    %add3A_53 = arith.constant 48 : i32
    %add3A_54 = arith.addi %add3A_53, %arg1 : i32
    %mul3A_55 = arith.constant 128 : i32
    %mul3A_56 = arith.muli %add3A_54, %mul3A_55 : i32
    %add3A_57 = arith.addi %mul3A_0, %mul3A_56 : i32
    %dma_start3A_58 = tpu.memref_slice %arg2[%add3A_57] : memref<320000xi32, #tpu.memory_space<hbm>> -> memref<128xi32, #tpu.memory_space<hbm>>
    %dma_start3A_59 = tpu.memref_slice %arg2[%add3A_57] : memref<320000xi32, #tpu.memory_space<hbm>> -> memref<128xi32, #tpu.memory_space<hbm>>
    tpu.enqueue_dma source(%dma_start3A_59 : memref<128xi32, #tpu.memory_space<hbm>>) target(%arg13 : memref<128xi32, #tpu.memory_space<vmem>>) target_semaphore(%arg22 : memref<!tpu.dma_semaphore, #tpu.memory_space<semaphore_mem>>)
    %dma_start3A_60 = tpu.memref_slice %arg3[%add3A_57] : memref<320000xi32, #tpu.memory_space<hbm>> -> memref<128xi32, #tpu.memory_space<hbm>>
    %dma_start3A_61 = tpu.memref_slice %arg3[%add3A_57] : memref<320000xi32, #tpu.memory_space<hbm>> -> memref<128xi32, #tpu.memory_space<hbm>>
    tpu.enqueue_dma source(%dma_start3A_61 : memref<128xi32, #tpu.memory_space<hbm>>) target(%arg14 : memref<128xi32, #tpu.memory_space<vmem>>) target_semaphore(%arg22 : memref<!tpu.dma_semaphore, #tpu.memory_space<semaphore_mem>>)
    %add3A_62 = arith.constant 64 : i32
    %add3A_63 = arith.addi %add3A_62, %arg1 : i32
    %mul3A_64 = arith.constant 128 : i32
    %mul3A_65 = arith.muli %add3A_63, %mul3A_64 : i32
    %add3A_66 = arith.addi %mul3A_0, %mul3A_65 : i32
    %dma_start3A_67 = tpu.memref_slice %arg2[%add3A_66] : memref<320000xi32, #tpu.memory_space<hbm>> -> memref<128xi32, #tpu.memory_space<hbm>>
    %dma_start3A_68 = tpu.memref_slice %arg2[%add3A_66] : memref<320000xi32, #tpu.memory_space<hbm>> -> memref<128xi32, #tpu.memory_space<hbm>>
    tpu.enqueue_dma source(%dma_start3A_68 : memref<128xi32, #tpu.memory_space<hbm>>) target(%arg15 : memref<128xi32, #tpu.memory_space<vmem>>) target_semaphore(%arg23 : memref<!tpu.dma_semaphore, #tpu.memory_space<semaphore_mem>>)
    %dma_start3A_69 = tpu.memref_slice %arg3[%add3A_66] : memref<320000xi32, #tpu.memory_space<hbm>> -> memref<128xi32, #tpu.memory_space<hbm>>
    %dma_start3A_70 = tpu.memref_slice %arg3[%add3A_66] : memref<320000xi32, #tpu.memory_space<hbm>> -> memref<128xi32, #tpu.memory_space<hbm>>
    tpu.enqueue_dma source(%dma_start3A_70 : memref<128xi32, #tpu.memory_space<hbm>>) target(%arg16 : memref<128xi32, #tpu.memory_space<vmem>>) target_semaphore(%arg23 : memref<!tpu.dma_semaphore, #tpu.memory_space<semaphore_mem>>)
    %add3A_71 = arith.constant 80 : i32
    %add3A_72 = arith.addi %add3A_71, %arg1 : i32
    %mul3A_73 = arith.constant 128 : i32
    %mul3A_74 = arith.muli %add3A_72, %mul3A_73 : i32
    %add3A_75 = arith.addi %mul3A_0, %mul3A_74 : i32
    %dma_start3A_76 = tpu.memref_slice %arg2[%add3A_75] : memref<320000xi32, #tpu.memory_space<hbm>> -> memref<128xi32, #tpu.memory_space<hbm>>
    %dma_start3A_77 = tpu.memref_slice %arg2[%add3A_75] : memref<320000xi32, #tpu.memory_space<hbm>> -> memref<128xi32, #tpu.memory_space<hbm>>
    tpu.enqueue_dma source(%dma_start3A_77 : memref<128xi32, #tpu.memory_space<hbm>>) target(%arg17 : memref<128xi32, #tpu.memory_space<vmem>>) target_semaphore(%arg24 : memref<!tpu.dma_semaphore, #tpu.memory_space<semaphore_mem>>)
    %dma_start3A_78 = tpu.memref_slice %arg3[%add3A_75] : memref<320000xi32, #tpu.memory_space<hbm>> -> memref<128xi32, #tpu.memory_space<hbm>>
    %dma_start3A_79 = tpu.memref_slice %arg3[%add3A_75] : memref<320000xi32, #tpu.memory_space<hbm>> -> memref<128xi32, #tpu.memory_space<hbm>>
    tpu.enqueue_dma source(%dma_start3A_79 : memref<128xi32, #tpu.memory_space<hbm>>) target(%arg18 : memref<128xi32, #tpu.memory_space<vmem>>) target_semaphore(%arg24 : memref<!tpu.dma_semaphore, #tpu.memory_space<semaphore_mem>>)
    %add3A_80 = arith.constant 0 : i32
    %add3A_81 = arith.addi %add3A_80, %arg1 : i32
    %mul3A_82 = arith.constant 128 : i32
    %mul3A_83 = arith.muli %add3A_81, %mul3A_82 : i32
    %add3A_84 = arith.addi %mul3A_0, %mul3A_83 : i32
    %dma_wait3A = tpu.memref_slice %arg2[%add3A_84] : memref<320000xi32, #tpu.memory_space<hbm>> -> memref<128xi32, #tpu.memory_space<hbm>>
    %dma_wait3A_85 = tpu.memref_slice %arg2[%add3A_84] : memref<320000xi32, #tpu.memory_space<hbm>> -> memref<128xi32, #tpu.memory_space<hbm>>
    tpu.wait_dma2 semaphore(%arg19 : memref<!tpu.dma_semaphore, #tpu.memory_space<semaphore_mem>>) src(%dma_wait3A_85 : memref<128xi32, #tpu.memory_space<hbm>>) dst(%arg7 : memref<128xi32, #tpu.memory_space<vmem>>)
    %dma_wait3A_86 = tpu.memref_slice %arg3[%add3A_84] : memref<320000xi32, #tpu.memory_space<hbm>> -> memref<128xi32, #tpu.memory_space<hbm>>
    %dma_wait3A_87 = tpu.memref_slice %arg3[%add3A_84] : memref<320000xi32, #tpu.memory_space<hbm>> -> memref<128xi32, #tpu.memory_space<hbm>>
    tpu.wait_dma2 semaphore(%arg19 : memref<!tpu.dma_semaphore, #tpu.memory_space<semaphore_mem>>) src(%dma_wait3A_87 : memref<128xi32, #tpu.memory_space<hbm>>) dst(%arg8 : memref<128xi32, #tpu.memory_space<vmem>>)
    %dma_start3A_88 = arith.constant 0 : i32
    %dma_start3A_89 = arith.constant 0 : i32
    %dma_start3A_90 = tpu.memref_slice %arg4[%dma_start3A_88, %dma_start3A_89] : memref<10000x128xf32, #tpu.memory_space<hbm>> -> memref<10000x128xf32, #tpu.memory_space<hbm>>
    tpu.enqueue_indirect_dma source(%dma_start3A_90 : memref<10000x128xf32, #tpu.memory_space<hbm>>) target(%arg25 : memref<128x128xf32, #tpu.memory_space<vmem>>) offsets(%arg7 : memref<128xi32, #tpu.memory_space<vmem>>) semaphore(%arg27 : memref<!tpu.dma_semaphore, #tpu.memory_space<semaphore_mem>>)
    %scan3A_91 = arith.constant 0 : i32
    %scan3A_92 = arith.constant 0 : i32
    %scan3A_93 = arith.constant 13 : i32
    %scan3A_94 = arith.addi %scan3A_92, %scan3A_93 : i32
    %scan3A_95 = arith.constant 1 : i32
    scf.for %scan3A_114 = %scan3A_92 to %scan3A_94 step %scan3A_95  : i32 {
      %mul3A_115 = arith.constant 6 : i32
      %mul3A_116 = arith.muli %scan3A_114, %mul3A_115 : i32
      %add3A_117 = arith.constant 1 : i32
      %add3A_118 = arith.addi %mul3A_116, %add3A_117 : i32
      %mul3A_119 = arith.constant 16 : i32
      %mul3A_120 = arith.muli %add3A_118, %mul3A_119 : i32
      %add3A_121 = arith.addi %mul3A_120, %arg1 : i32
      %mul3A_122 = arith.constant 128 : i32
      %mul3A_123 = arith.muli %add3A_121, %mul3A_122 : i32
      %add3A_124 = arith.addi %mul3A_0, %mul3A_123 : i32
      %dma_wait3A_125 = tpu.memref_slice %arg2[%add3A_124] : memref<320000xi32, #tpu.memory_space<hbm>> -> memref<128xi32, #tpu.memory_space<hbm>>
      %dma_wait3A_126 = tpu.memref_slice %arg2[%add3A_124] : memref<320000xi32, #tpu.memory_space<hbm>> -> memref<128xi32, #tpu.memory_space<hbm>>
      tpu.wait_dma2 semaphore(%arg20 : memref<!tpu.dma_semaphore, #tpu.memory_space<semaphore_mem>>) src(%dma_wait3A_126 : memref<128xi32, #tpu.memory_space<hbm>>) dst(%arg9 : memref<128xi32, #tpu.memory_space<vmem>>)
      %dma_wait3A_127 = tpu.memref_slice %arg3[%add3A_124] : memref<320000xi32, #tpu.memory_space<hbm>> -> memref<128xi32, #tpu.memory_space<hbm>>
      %dma_wait3A_128 = tpu.memref_slice %arg3[%add3A_124] : memref<320000xi32, #tpu.memory_space<hbm>> -> memref<128xi32, #tpu.memory_space<hbm>>
      tpu.wait_dma2 semaphore(%arg20 : memref<!tpu.dma_semaphore, #tpu.memory_space<semaphore_mem>>) src(%dma_wait3A_128 : memref<128xi32, #tpu.memory_space<hbm>>) dst(%arg10 : memref<128xi32, #tpu.memory_space<vmem>>)
      %dma_start3A_129 = arith.constant 0 : i32
      %dma_start3A_130 = arith.constant 0 : i32
      %dma_start3A_131 = tpu.memref_slice %arg4[%dma_start3A_129, %dma_start3A_130] : memref<10000x128xf32, #tpu.memory_space<hbm>> -> memref<10000x128xf32, #tpu.memory_space<hbm>>
      tpu.enqueue_indirect_dma source(%dma_start3A_131 : memref<10000x128xf32, #tpu.memory_space<hbm>>) target(%arg26 : memref<128x128xf32, #tpu.memory_space<vmem>>) offsets(%arg9 : memref<128xi32, #tpu.memory_space<vmem>>) semaphore(%arg28 : memref<!tpu.dma_semaphore, #tpu.memory_space<semaphore_mem>>)
      %dma_wait3A_132 = arith.constant 0 : i32
      %dma_wait3A_133 = arith.constant 0 : i32
      %dma_wait3A_134 = tpu.memref_slice %arg4[%dma_wait3A_132, %dma_wait3A_133] : memref<10000x128xf32, #tpu.memory_space<hbm>> -> memref<10000x128xf32, #tpu.memory_space<hbm>>
      tpu.wait_indirect_dma semaphore(%arg27 : memref<!tpu.dma_semaphore, #tpu.memory_space<semaphore_mem>>) src(%dma_wait3A_134 : memref<10000x128xf32, #tpu.memory_space<hbm>>) dst(%arg25 : memref<128x128xf32, #tpu.memory_space<vmem>>)
      "tpu.region"() ({
        %run_scoped3A = tpu.sem_alloc : memref<!tpu.dma_semaphore, #tpu.memory_space<semaphore_mem>>
        %dma_start3A_253 = arith.constant 0 : i32
        %dma_start3A_254 = arith.constant 0 : i32
        %dma_start3A_255 = tpu.memref_slice %arg29[%dma_start3A_253, %dma_start3A_254] : memref<10000x128xf32, #tpu.memory_space<vmem_shared>> -> memref<10000x128xf32, #tpu.memory_space<vmem_shared>>
        tpu.enqueue_indirect_dma source(%arg25 : memref<128x128xf32, #tpu.memory_space<vmem>>) target(%dma_start3A_255 : memref<10000x128xf32, #tpu.memory_space<vmem_shared>>) offsets(%arg8 : memref<128xi32, #tpu.memory_space<vmem>>) semaphore(%run_scoped3A : memref<!tpu.dma_semaphore, #tpu.memory_space<semaphore_mem>>) {add = true}
        %dma_wait3A_256 = arith.constant 0 : i32
        %dma_wait3A_257 = arith.constant 0 : i32
        %dma_wait3A_258 = tpu.memref_slice %arg29[%dma_wait3A_256, %dma_wait3A_257] : memref<10000x128xf32, #tpu.memory_space<vmem_shared>> -> memref<10000x128xf32, #tpu.memory_space<vmem_shared>>
        tpu.wait_indirect_dma semaphore(%run_scoped3A : memref<!tpu.dma_semaphore, #tpu.memory_space<semaphore_mem>>) src(%arg25 : memref<128x128xf32, #tpu.memory_space<vmem>>) dst(%dma_wait3A_258 : memref<10000x128xf32, #tpu.memory_space<vmem_shared>>)
        tpu.yield
      }) : () -> ()
      %lt3A_135 = arith.constant 12 : i32
      %lt3A_136 = arith.cmpi slt, %scan3A_114, %lt3A_135 : i32
      %convert_element_type3A_137 = arith.extui %lt3A_136 : i1 to i32
      %cond3A_138 = arith.constant 0 : i32
      %cond3A_139 = arith.cmpi ne, %convert_element_type3A_137, %cond3A_138 : i32
      scf.if %cond3A_139 {
        %add3A_253 = arith.constant 1 : i32
        %add3A_254 = arith.addi %scan3A_114, %add3A_253 : i32
        %mul3A_255 = arith.constant 6 : i32
        %mul3A_256 = arith.muli %add3A_254, %mul3A_255 : i32
        %add3A_257 = arith.constant 0 : i32
        %add3A_258 = arith.addi %mul3A_256, %add3A_257 : i32
        %mul3A_259 = arith.constant 16 : i32
        %mul3A_260 = arith.muli %add3A_258, %mul3A_259 : i32
        %add3A_261 = arith.addi %mul3A_260, %arg1 : i32
        %mul3A_262 = arith.constant 128 : i32
        %mul3A_263 = arith.muli %add3A_261, %mul3A_262 : i32
        %add3A_264 = arith.addi %mul3A_0, %mul3A_263 : i32
        %dma_start3A_265 = tpu.memref_slice %arg2[%add3A_264] : memref<320000xi32, #tpu.memory_space<hbm>> -> memref<128xi32, #tpu.memory_space<hbm>>
        %dma_start3A_266 = tpu.memref_slice %arg2[%add3A_264] : memref<320000xi32, #tpu.memory_space<hbm>> -> memref<128xi32, #tpu.memory_space<hbm>>
        tpu.enqueue_dma source(%dma_start3A_266 : memref<128xi32, #tpu.memory_space<hbm>>) target(%arg7 : memref<128xi32, #tpu.memory_space<vmem>>) target_semaphore(%arg19 : memref<!tpu.dma_semaphore, #tpu.memory_space<semaphore_mem>>)
        %dma_start3A_267 = tpu.memref_slice %arg3[%add3A_264] : memref<320000xi32, #tpu.memory_space<hbm>> -> memref<128xi32, #tpu.memory_space<hbm>>
        %dma_start3A_268 = tpu.memref_slice %arg3[%add3A_264] : memref<320000xi32, #tpu.memory_space<hbm>> -> memref<128xi32, #tpu.memory_space<hbm>>
        tpu.enqueue_dma source(%dma_start3A_268 : memref<128xi32, #tpu.memory_space<hbm>>) target(%arg8 : memref<128xi32, #tpu.memory_space<vmem>>) target_semaphore(%arg19 : memref<!tpu.dma_semaphore, #tpu.memory_space<semaphore_mem>>)
      } else {
      }
      %mul3A_140 = arith.constant 6 : i32
      %mul3A_141 = arith.muli %scan3A_114, %mul3A_140 : i32
      %add3A_142 = arith.constant 2 : i32
      %add3A_143 = arith.addi %mul3A_141, %add3A_142 : i32
      %mul3A_144 = arith.constant 16 : i32
      %mul3A_145 = arith.muli %add3A_143, %mul3A_144 : i32
      %add3A_146 = arith.addi %mul3A_145, %arg1 : i32
      %mul3A_147 = arith.constant 128 : i32
      %mul3A_148 = arith.muli %add3A_146, %mul3A_147 : i32
      %add3A_149 = arith.addi %mul3A_0, %mul3A_148 : i32
      %dma_wait3A_150 = tpu.memref_slice %arg2[%add3A_149] : memref<320000xi32, #tpu.memory_space<hbm>> -> memref<128xi32, #tpu.memory_space<hbm>>
      %dma_wait3A_151 = tpu.memref_slice %arg2[%add3A_149] : memref<320000xi32, #tpu.memory_space<hbm>> -> memref<128xi32, #tpu.memory_space<hbm>>
      tpu.wait_dma2 semaphore(%arg21 : memref<!tpu.dma_semaphore, #tpu.memory_space<semaphore_mem>>) src(%dma_wait3A_151 : memref<128xi32, #tpu.memory_space<hbm>>) dst(%arg11 : memref<128xi32, #tpu.memory_space<vmem>>)
      %dma_wait3A_152 = tpu.memref_slice %arg3[%add3A_149] : memref<320000xi32, #tpu.memory_space<hbm>> -> memref<128xi32, #tpu.memory_space<hbm>>
      %dma_wait3A_153 = tpu.memref_slice %arg3[%add3A_149] : memref<320000xi32, #tpu.memory_space<hbm>> -> memref<128xi32, #tpu.memory_space<hbm>>
      tpu.wait_dma2 semaphore(%arg21 : memref<!tpu.dma_semaphore, #tpu.memory_space<semaphore_mem>>) src(%dma_wait3A_153 : memref<128xi32, #tpu.memory_space<hbm>>) dst(%arg12 : memref<128xi32, #tpu.memory_space<vmem>>)
      %dma_start3A_154 = arith.constant 0 : i32
      %dma_start3A_155 = arith.constant 0 : i32
      %dma_start3A_156 = tpu.memref_slice %arg4[%dma_start3A_154, %dma_start3A_155] : memref<10000x128xf32, #tpu.memory_space<hbm>> -> memref<10000x128xf32, #tpu.memory_space<hbm>>
      tpu.enqueue_indirect_dma source(%dma_start3A_156 : memref<10000x128xf32, #tpu.memory_space<hbm>>) target(%arg25 : memref<128x128xf32, #tpu.memory_space<vmem>>) offsets(%arg11 : memref<128xi32, #tpu.memory_space<vmem>>) semaphore(%arg27 : memref<!tpu.dma_semaphore, #tpu.memory_space<semaphore_mem>>)
      %dma_wait3A_157 = arith.constant 0 : i32
      %dma_wait3A_158 = arith.constant 0 : i32
      %dma_wait3A_159 = tpu.memref_slice %arg4[%dma_wait3A_157, %dma_wait3A_158] : memref<10000x128xf32, #tpu.memory_space<hbm>> -> memref<10000x128xf32, #tpu.memory_space<hbm>>
      tpu.wait_indirect_dma semaphore(%arg28 : memref<!tpu.dma_semaphore, #tpu.memory_space<semaphore_mem>>) src(%dma_wait3A_159 : memref<10000x128xf32, #tpu.memory_space<hbm>>) dst(%arg26 : memref<128x128xf32, #tpu.memory_space<vmem>>)
      "tpu.region"() ({
        %run_scoped3A = tpu.sem_alloc : memref<!tpu.dma_semaphore, #tpu.memory_space<semaphore_mem>>
        %dma_start3A_253 = arith.constant 0 : i32
        %dma_start3A_254 = arith.constant 0 : i32
        %dma_start3A_255 = tpu.memref_slice %arg29[%dma_start3A_253, %dma_start3A_254] : memref<10000x128xf32, #tpu.memory_space<vmem_shared>> -> memref<10000x128xf32, #tpu.memory_space<vmem_shared>>
        tpu.enqueue_indirect_dma source(%arg26 : memref<128x128xf32, #tpu.memory_space<vmem>>) target(%dma_start3A_255 : memref<10000x128xf32, #tpu.memory_space<vmem_shared>>) offsets(%arg10 : memref<128xi32, #tpu.memory_space<vmem>>) semaphore(%run_scoped3A : memref<!tpu.dma_semaphore, #tpu.memory_space<semaphore_mem>>) {add = true}
        %dma_wait3A_256 = arith.constant 0 : i32
        %dma_wait3A_257 = arith.constant 0 : i32
        %dma_wait3A_258 = tpu.memref_slice %arg29[%dma_wait3A_256, %dma_wait3A_257] : memref<10000x128xf32, #tpu.memory_space<vmem_shared>> -> memref<10000x128xf32, #tpu.memory_space<vmem_shared>>
        tpu.wait_indirect_dma semaphore(%run_scoped3A : memref<!tpu.dma_semaphore, #tpu.memory_space<semaphore_mem>>) src(%arg26 : memref<128x128xf32, #tpu.memory_space<vmem>>) dst(%dma_wait3A_258 : memref<10000x128xf32, #tpu.memory_space<vmem_shared>>)
        tpu.yield
      }) : () -> ()
      %lt3A_160 = arith.constant 12 : i32
      %lt3A_161 = arith.cmpi slt, %scan3A_114, %lt3A_160 : i32
      %convert_element_type3A_162 = arith.extui %lt3A_161 : i1 to i32
      %cond3A_163 = arith.constant 0 : i32
      %cond3A_164 = arith.cmpi ne, %convert_element_type3A_162, %cond3A_163 : i32
      scf.if %cond3A_164 {
        %add3A_253 = arith.constant 1 : i32
        %add3A_254 = arith.addi %scan3A_114, %add3A_253 : i32
        %mul3A_255 = arith.constant 6 : i32
        %mul3A_256 = arith.muli %add3A_254, %mul3A_255 : i32
        %add3A_257 = arith.constant 1 : i32
        %add3A_258 = arith.addi %mul3A_256, %add3A_257 : i32
        %mul3A_259 = arith.constant 16 : i32
        %mul3A_260 = arith.muli %add3A_258, %mul3A_259 : i32
        %add3A_261 = arith.addi %mul3A_260, %arg1 : i32
        %mul3A_262 = arith.constant 128 : i32
        %mul3A_263 = arith.muli %add3A_261, %mul3A_262 : i32
        %add3A_264 = arith.addi %mul3A_0, %mul3A_263 : i32
        %dma_start3A_265 = tpu.memref_slice %arg2[%add3A_264] : memref<320000xi32, #tpu.memory_space<hbm>> -> memref<128xi32, #tpu.memory_space<hbm>>
        %dma_start3A_266 = tpu.memref_slice %arg2[%add3A_264] : memref<320000xi32, #tpu.memory_space<hbm>> -> memref<128xi32, #tpu.memory_space<hbm>>
        tpu.enqueue_dma source(%dma_start3A_266 : memref<128xi32, #tpu.memory_space<hbm>>) target(%arg9 : memref<128xi32, #tpu.memory_space<vmem>>) target_semaphore(%arg20 : memref<!tpu.dma_semaphore, #tpu.memory_space<semaphore_mem>>)
        %dma_start3A_267 = tpu.memref_slice %arg3[%add3A_264] : memref<320000xi32, #tpu.memory_space<hbm>> -> memref<128xi32, #tpu.memory_space<hbm>>
        %dma_start3A_268 = tpu.memref_slice %arg3[%add3A_264] : memref<320000xi32, #tpu.memory_space<hbm>> -> memref<128xi32, #tpu.memory_space<hbm>>
        tpu.enqueue_dma source(%dma_start3A_268 : memref<128xi32, #tpu.memory_space<hbm>>) target(%arg10 : memref<128xi32, #tpu.memory_space<vmem>>) target_semaphore(%arg20 : memref<!tpu.dma_semaphore, #tpu.memory_space<semaphore_mem>>)
      } else {
      }
      %mul3A_165 = arith.constant 6 : i32
      %mul3A_166 = arith.muli %scan3A_114, %mul3A_165 : i32
      %add3A_167 = arith.constant 3 : i32
      %add3A_168 = arith.addi %mul3A_166, %add3A_167 : i32
      %mul3A_169 = arith.constant 16 : i32
      %mul3A_170 = arith.muli %add3A_168, %mul3A_169 : i32
      %add3A_171 = arith.addi %mul3A_170, %arg1 : i32
      %mul3A_172 = arith.constant 128 : i32
      %mul3A_173 = arith.muli %add3A_171, %mul3A_172 : i32
      %add3A_174 = arith.addi %mul3A_0, %mul3A_173 : i32
      %dma_wait3A_175 = tpu.memref_slice %arg2[%add3A_174] : memref<320000xi32, #tpu.memory_space<hbm>> -> memref<128xi32, #tpu.memory_space<hbm>>
      %dma_wait3A_176 = tpu.memref_slice %arg2[%add3A_174] : memref<320000xi32, #tpu.memory_space<hbm>> -> memref<128xi32, #tpu.memory_space<hbm>>
      tpu.wait_dma2 semaphore(%arg22 : memref<!tpu.dma_semaphore, #tpu.memory_space<semaphore_mem>>) src(%dma_wait3A_176 : memref<128xi32, #tpu.memory_space<hbm>>) dst(%arg13 : memref<128xi32, #tpu.memory_space<vmem>>)
      %dma_wait3A_177 = tpu.memref_slice %arg3[%add3A_174] : memref<320000xi32, #tpu.memory_space<hbm>> -> memref<128xi32, #tpu.memory_space<hbm>>
      %dma_wait3A_178 = tpu.memref_slice %arg3[%add3A_174] : memref<320000xi32, #tpu.memory_space<hbm>> -> memref<128xi32, #tpu.memory_space<hbm>>
      tpu.wait_dma2 semaphore(%arg22 : memref<!tpu.dma_semaphore, #tpu.memory_space<semaphore_mem>>) src(%dma_wait3A_178 : memref<128xi32, #tpu.memory_space<hbm>>) dst(%arg14 : memref<128xi32, #tpu.memory_space<vmem>>)
      %dma_start3A_179 = arith.constant 0 : i32
      %dma_start3A_180 = arith.constant 0 : i32
      %dma_start3A_181 = tpu.memref_slice %arg4[%dma_start3A_179, %dma_start3A_180] : memref<10000x128xf32, #tpu.memory_space<hbm>> -> memref<10000x128xf32, #tpu.memory_space<hbm>>
      tpu.enqueue_indirect_dma source(%dma_start3A_181 : memref<10000x128xf32, #tpu.memory_space<hbm>>) target(%arg26 : memref<128x128xf32, #tpu.memory_space<vmem>>) offsets(%arg13 : memref<128xi32, #tpu.memory_space<vmem>>) semaphore(%arg28 : memref<!tpu.dma_semaphore, #tpu.memory_space<semaphore_mem>>)
      %dma_wait3A_182 = arith.constant 0 : i32
      %dma_wait3A_183 = arith.constant 0 : i32
      %dma_wait3A_184 = tpu.memref_slice %arg4[%dma_wait3A_182, %dma_wait3A_183] : memref<10000x128xf32, #tpu.memory_space<hbm>> -> memref<10000x128xf32, #tpu.memory_space<hbm>>
      tpu.wait_indirect_dma semaphore(%arg27 : memref<!tpu.dma_semaphore, #tpu.memory_space<semaphore_mem>>) src(%dma_wait3A_184 : memref<10000x128xf32, #tpu.memory_space<hbm>>) dst(%arg25 : memref<128x128xf32, #tpu.memory_space<vmem>>)
      "tpu.region"() ({
        %run_scoped3A = tpu.sem_alloc : memref<!tpu.dma_semaphore, #tpu.memory_space<semaphore_mem>>
        %dma_start3A_253 = arith.constant 0 : i32
        %dma_start3A_254 = arith.constant 0 : i32
        %dma_start3A_255 = tpu.memref_slice %arg29[%dma_start3A_253, %dma_start3A_254] : memref<10000x128xf32, #tpu.memory_space<vmem_shared>> -> memref<10000x128xf32, #tpu.memory_space<vmem_shared>>
        tpu.enqueue_indirect_dma source(%arg25 : memref<128x128xf32, #tpu.memory_space<vmem>>) target(%dma_start3A_255 : memref<10000x128xf32, #tpu.memory_space<vmem_shared>>) offsets(%arg12 : memref<128xi32, #tpu.memory_space<vmem>>) semaphore(%run_scoped3A : memref<!tpu.dma_semaphore, #tpu.memory_space<semaphore_mem>>) {add = true}
        %dma_wait3A_256 = arith.constant 0 : i32
        %dma_wait3A_257 = arith.constant 0 : i32
        %dma_wait3A_258 = tpu.memref_slice %arg29[%dma_wait3A_256, %dma_wait3A_257] : memref<10000x128xf32, #tpu.memory_space<vmem_shared>> -> memref<10000x128xf32, #tpu.memory_space<vmem_shared>>
        tpu.wait_indirect_dma semaphore(%run_scoped3A : memref<!tpu.dma_semaphore, #tpu.memory_space<semaphore_mem>>) src(%arg25 : memref<128x128xf32, #tpu.memory_space<vmem>>) dst(%dma_wait3A_258 : memref<10000x128xf32, #tpu.memory_space<vmem_shared>>)
        tpu.yield
      }) : () -> ()
      %lt3A_185 = arith.constant 12 : i32
      %lt3A_186 = arith.cmpi slt, %scan3A_114, %lt3A_185 : i32
      %convert_element_type3A_187 = arith.extui %lt3A_186 : i1 to i32
      %cond3A_188 = arith.constant 0 : i32
      %cond3A_189 = arith.cmpi ne, %convert_element_type3A_187, %cond3A_188 : i32
      scf.if %cond3A_189 {
        %add3A_253 = arith.constant 1 : i32
        %add3A_254 = arith.addi %scan3A_114, %add3A_253 : i32
        %mul3A_255 = arith.constant 6 : i32
        %mul3A_256 = arith.muli %add3A_254, %mul3A_255 : i32
        %add3A_257 = arith.constant 2 : i32
        %add3A_258 = arith.addi %mul3A_256, %add3A_257 : i32
        %mul3A_259 = arith.constant 16 : i32
        %mul3A_260 = arith.muli %add3A_258, %mul3A_259 : i32
        %add3A_261 = arith.addi %mul3A_260, %arg1 : i32
        %mul3A_262 = arith.constant 128 : i32
        %mul3A_263 = arith.muli %add3A_261, %mul3A_262 : i32
        %add3A_264 = arith.addi %mul3A_0, %mul3A_263 : i32
        %dma_start3A_265 = tpu.memref_slice %arg2[%add3A_264] : memref<320000xi32, #tpu.memory_space<hbm>> -> memref<128xi32, #tpu.memory_space<hbm>>
        %dma_start3A_266 = tpu.memref_slice %arg2[%add3A_264] : memref<320000xi32, #tpu.memory_space<hbm>> -> memref<128xi32, #tpu.memory_space<hbm>>
        tpu.enqueue_dma source(%dma_start3A_266 : memref<128xi32, #tpu.memory_space<hbm>>) target(%arg11 : memref<128xi32, #tpu.memory_space<vmem>>) target_semaphore(%arg21 : memref<!tpu.dma_semaphore, #tpu.memory_space<semaphore_mem>>)
        %dma_start3A_267 = tpu.memref_slice %arg3[%add3A_264] : memref<320000xi32, #tpu.memory_space<hbm>> -> memref<128xi32, #tpu.memory_space<hbm>>
        %dma_start3A_268 = tpu.memref_slice %arg3[%add3A_264] : memref<320000xi32, #tpu.memory_space<hbm>> -> memref<128xi32, #tpu.memory_space<hbm>>
        tpu.enqueue_dma source(%dma_start3A_268 : memref<128xi32, #tpu.memory_space<hbm>>) target(%arg12 : memref<128xi32, #tpu.memory_space<vmem>>) target_semaphore(%arg21 : memref<!tpu.dma_semaphore, #tpu.memory_space<semaphore_mem>>)
      } else {
      }
      %mul3A_190 = arith.constant 6 : i32
      %mul3A_191 = arith.muli %scan3A_114, %mul3A_190 : i32
      %add3A_192 = arith.constant 4 : i32
      %add3A_193 = arith.addi %mul3A_191, %add3A_192 : i32
      %mul3A_194 = arith.constant 16 : i32
      %mul3A_195 = arith.muli %add3A_193, %mul3A_194 : i32
      %add3A_196 = arith.addi %mul3A_195, %arg1 : i32
      %mul3A_197 = arith.constant 128 : i32
      %mul3A_198 = arith.muli %add3A_196, %mul3A_197 : i32
      %add3A_199 = arith.addi %mul3A_0, %mul3A_198 : i32
      %dma_wait3A_200 = tpu.memref_slice %arg2[%add3A_199] : memref<320000xi32, #tpu.memory_space<hbm>> -> memref<128xi32, #tpu.memory_space<hbm>>
      %dma_wait3A_201 = tpu.memref_slice %arg2[%add3A_199] : memref<320000xi32, #tpu.memory_space<hbm>> -> memref<128xi32, #tpu.memory_space<hbm>>
      tpu.wait_dma2 semaphore(%arg23 : memref<!tpu.dma_semaphore, #tpu.memory_space<semaphore_mem>>) src(%dma_wait3A_201 : memref<128xi32, #tpu.memory_space<hbm>>) dst(%arg15 : memref<128xi32, #tpu.memory_space<vmem>>)
      %dma_wait3A_202 = tpu.memref_slice %arg3[%add3A_199] : memref<320000xi32, #tpu.memory_space<hbm>> -> memref<128xi32, #tpu.memory_space<hbm>>
      %dma_wait3A_203 = tpu.memref_slice %arg3[%add3A_199] : memref<320000xi32, #tpu.memory_space<hbm>> -> memref<128xi32, #tpu.memory_space<hbm>>
      tpu.wait_dma2 semaphore(%arg23 : memref<!tpu.dma_semaphore, #tpu.memory_space<semaphore_mem>>) src(%dma_wait3A_203 : memref<128xi32, #tpu.memory_space<hbm>>) dst(%arg16 : memref<128xi32, #tpu.memory_space<vmem>>)
      %dma_start3A_204 = arith.constant 0 : i32
      %dma_start3A_205 = arith.constant 0 : i32
      %dma_start3A_206 = tpu.memref_slice %arg4[%dma_start3A_204, %dma_start3A_205] : memref<10000x128xf32, #tpu.memory_space<hbm>> -> memref<10000x128xf32, #tpu.memory_space<hbm>>
      tpu.enqueue_indirect_dma source(%dma_start3A_206 : memref<10000x128xf32, #tpu.memory_space<hbm>>) target(%arg25 : memref<128x128xf32, #tpu.memory_space<vmem>>) offsets(%arg15 : memref<128xi32, #tpu.memory_space<vmem>>) semaphore(%arg27 : memref<!tpu.dma_semaphore, #tpu.memory_space<semaphore_mem>>)
      %dma_wait3A_207 = arith.constant 0 : i32
      %dma_wait3A_208 = arith.constant 0 : i32
      %dma_wait3A_209 = tpu.memref_slice %arg4[%dma_wait3A_207, %dma_wait3A_208] : memref<10000x128xf32, #tpu.memory_space<hbm>> -> memref<10000x128xf32, #tpu.memory_space<hbm>>
      tpu.wait_indirect_dma semaphore(%arg28 : memref<!tpu.dma_semaphore, #tpu.memory_space<semaphore_mem>>) src(%dma_wait3A_209 : memref<10000x128xf32, #tpu.memory_space<hbm>>) dst(%arg26 : memref<128x128xf32, #tpu.memory_space<vmem>>)
      "tpu.region"() ({
        %run_scoped3A = tpu.sem_alloc : memref<!tpu.dma_semaphore, #tpu.memory_space<semaphore_mem>>
        %dma_start3A_253 = arith.constant 0 : i32
        %dma_start3A_254 = arith.constant 0 : i32
        %dma_start3A_255 = tpu.memref_slice %arg29[%dma_start3A_253, %dma_start3A_254] : memref<10000x128xf32, #tpu.memory_space<vmem_shared>> -> memref<10000x128xf32, #tpu.memory_space<vmem_shared>>
        tpu.enqueue_indirect_dma source(%arg26 : memref<128x128xf32, #tpu.memory_space<vmem>>) target(%dma_start3A_255 : memref<10000x128xf32, #tpu.memory_space<vmem_shared>>) offsets(%arg14 : memref<128xi32, #tpu.memory_space<vmem>>) semaphore(%run_scoped3A : memref<!tpu.dma_semaphore, #tpu.memory_space<semaphore_mem>>) {add = true}
        %dma_wait3A_256 = arith.constant 0 : i32
        %dma_wait3A_257 = arith.constant 0 : i32
        %dma_wait3A_258 = tpu.memref_slice %arg29[%dma_wait3A_256, %dma_wait3A_257] : memref<10000x128xf32, #tpu.memory_space<vmem_shared>> -> memref<10000x128xf32, #tpu.memory_space<vmem_shared>>
        tpu.wait_indirect_dma semaphore(%run_scoped3A : memref<!tpu.dma_semaphore, #tpu.memory_space<semaphore_mem>>) src(%arg26 : memref<128x128xf32, #tpu.memory_space<vmem>>) dst(%dma_wait3A_258 : memref<10000x128xf32, #tpu.memory_space<vmem_shared>>)
        tpu.yield
      }) : () -> ()
      %lt3A_210 = arith.constant 12 : i32
      %lt3A_211 = arith.cmpi slt, %scan3A_114, %lt3A_210 : i32
      %convert_element_type3A_212 = arith.extui %lt3A_211 : i1 to i32
      %cond3A_213 = arith.constant 0 : i32
      %cond3A_214 = arith.cmpi ne, %convert_element_type3A_212, %cond3A_213 : i32
      scf.if %cond3A_214 {
        %add3A_253 = arith.constant 1 : i32
        %add3A_254 = arith.addi %scan3A_114, %add3A_253 : i32
        %mul3A_255 = arith.constant 6 : i32
        %mul3A_256 = arith.muli %add3A_254, %mul3A_255 : i32
        %add3A_257 = arith.constant 3 : i32
        %add3A_258 = arith.addi %mul3A_256, %add3A_257 : i32
        %mul3A_259 = arith.constant 16 : i32
        %mul3A_260 = arith.muli %add3A_258, %mul3A_259 : i32
        %add3A_261 = arith.addi %mul3A_260, %arg1 : i32
        %mul3A_262 = arith.constant 128 : i32
        %mul3A_263 = arith.muli %add3A_261, %mul3A_262 : i32
        %add3A_264 = arith.addi %mul3A_0, %mul3A_263 : i32
        %dma_start3A_265 = tpu.memref_slice %arg2[%add3A_264] : memref<320000xi32, #tpu.memory_space<hbm>> -> memref<128xi32, #tpu.memory_space<hbm>>
        %dma_start3A_266 = tpu.memref_slice %arg2[%add3A_264] : memref<320000xi32, #tpu.memory_space<hbm>> -> memref<128xi32, #tpu.memory_space<hbm>>
        tpu.enqueue_dma source(%dma_start3A_266 : memref<128xi32, #tpu.memory_space<hbm>>) target(%arg13 : memref<128xi32, #tpu.memory_space<vmem>>) target_semaphore(%arg22 : memref<!tpu.dma_semaphore, #tpu.memory_space<semaphore_mem>>)
        %dma_start3A_267 = tpu.memref_slice %arg3[%add3A_264] : memref<320000xi32, #tpu.memory_space<hbm>> -> memref<128xi32, #tpu.memory_space<hbm>>
        %dma_start3A_268 = tpu.memref_slice %arg3[%add3A_264] : memref<320000xi32, #tpu.memory_space<hbm>> -> memref<128xi32, #tpu.memory_space<hbm>>
        tpu.enqueue_dma source(%dma_start3A_268 : memref<128xi32, #tpu.memory_space<hbm>>) target(%arg14 : memref<128xi32, #tpu.memory_space<vmem>>) target_semaphore(%arg22 : memref<!tpu.dma_semaphore, #tpu.memory_space<semaphore_mem>>)
      } else {
      }
      %mul3A_215 = arith.constant 6 : i32
      %mul3A_216 = arith.muli %scan3A_114, %mul3A_215 : i32
      %add3A_217 = arith.constant 5 : i32
      %add3A_218 = arith.addi %mul3A_216, %add3A_217 : i32
      %mul3A_219 = arith.constant 16 : i32
      %mul3A_220 = arith.muli %add3A_218, %mul3A_219 : i32
      %add3A_221 = arith.addi %mul3A_220, %arg1 : i32
      %mul3A_222 = arith.constant 128 : i32
      %mul3A_223 = arith.muli %add3A_221, %mul3A_222 : i32
      %add3A_224 = arith.addi %mul3A_0, %mul3A_223 : i32
      %dma_wait3A_225 = tpu.memref_slice %arg2[%add3A_224] : memref<320000xi32, #tpu.memory_space<hbm>> -> memref<128xi32, #tpu.memory_space<hbm>>
      %dma_wait3A_226 = tpu.memref_slice %arg2[%add3A_224] : memref<320000xi32, #tpu.memory_space<hbm>> -> memref<128xi32, #tpu.memory_space<hbm>>
      tpu.wait_dma2 semaphore(%arg24 : memref<!tpu.dma_semaphore, #tpu.memory_space<semaphore_mem>>) src(%dma_wait3A_226 : memref<128xi32, #tpu.memory_space<hbm>>) dst(%arg17 : memref<128xi32, #tpu.memory_space<vmem>>)
      %dma_wait3A_227 = tpu.memref_slice %arg3[%add3A_224] : memref<320000xi32, #tpu.memory_space<hbm>> -> memref<128xi32, #tpu.memory_space<hbm>>
      %dma_wait3A_228 = tpu.memref_slice %arg3[%add3A_224] : memref<320000xi32, #tpu.memory_space<hbm>> -> memref<128xi32, #tpu.memory_space<hbm>>
      tpu.wait_dma2 semaphore(%arg24 : memref<!tpu.dma_semaphore, #tpu.memory_space<semaphore_mem>>) src(%dma_wait3A_228 : memref<128xi32, #tpu.memory_space<hbm>>) dst(%arg18 : memref<128xi32, #tpu.memory_space<vmem>>)
      %dma_start3A_229 = arith.constant 0 : i32
      %dma_start3A_230 = arith.constant 0 : i32
      %dma_start3A_231 = tpu.memref_slice %arg4[%dma_start3A_229, %dma_start3A_230] : memref<10000x128xf32, #tpu.memory_space<hbm>> -> memref<10000x128xf32, #tpu.memory_space<hbm>>
      tpu.enqueue_indirect_dma source(%dma_start3A_231 : memref<10000x128xf32, #tpu.memory_space<hbm>>) target(%arg26 : memref<128x128xf32, #tpu.memory_space<vmem>>) offsets(%arg17 : memref<128xi32, #tpu.memory_space<vmem>>) semaphore(%arg28 : memref<!tpu.dma_semaphore, #tpu.memory_space<semaphore_mem>>)
      %dma_wait3A_232 = arith.constant 0 : i32
      %dma_wait3A_233 = arith.constant 0 : i32
      %dma_wait3A_234 = tpu.memref_slice %arg4[%dma_wait3A_232, %dma_wait3A_233] : memref<10000x128xf32, #tpu.memory_space<hbm>> -> memref<10000x128xf32, #tpu.memory_space<hbm>>
      tpu.wait_indirect_dma semaphore(%arg27 : memref<!tpu.dma_semaphore, #tpu.memory_space<semaphore_mem>>) src(%dma_wait3A_234 : memref<10000x128xf32, #tpu.memory_space<hbm>>) dst(%arg25 : memref<128x128xf32, #tpu.memory_space<vmem>>)
      "tpu.region"() ({
        %run_scoped3A = tpu.sem_alloc : memref<!tpu.dma_semaphore, #tpu.memory_space<semaphore_mem>>
        %dma_start3A_253 = arith.constant 0 : i32
        %dma_start3A_254 = arith.constant 0 : i32
        %dma_start3A_255 = tpu.memref_slice %arg29[%dma_start3A_253, %dma_start3A_254] : memref<10000x128xf32, #tpu.memory_space<vmem_shared>> -> memref<10000x128xf32, #tpu.memory_space<vmem_shared>>
        tpu.enqueue_indirect_dma source(%arg25 : memref<128x128xf32, #tpu.memory_space<vmem>>) target(%dma_start3A_255 : memref<10000x128xf32, #tpu.memory_space<vmem_shared>>) offsets(%arg16 : memref<128xi32, #tpu.memory_space<vmem>>) semaphore(%run_scoped3A : memref<!tpu.dma_semaphore, #tpu.memory_space<semaphore_mem>>) {add = true}
        %dma_wait3A_256 = arith.constant 0 : i32
        %dma_wait3A_257 = arith.constant 0 : i32
        %dma_wait3A_258 = tpu.memref_slice %arg29[%dma_wait3A_256, %dma_wait3A_257] : memref<10000x128xf32, #tpu.memory_space<vmem_shared>> -> memref<10000x128xf32, #tpu.memory_space<vmem_shared>>
        tpu.wait_indirect_dma semaphore(%run_scoped3A : memref<!tpu.dma_semaphore, #tpu.memory_space<semaphore_mem>>) src(%arg25 : memref<128x128xf32, #tpu.memory_space<vmem>>) dst(%dma_wait3A_258 : memref<10000x128xf32, #tpu.memory_space<vmem_shared>>)
        tpu.yield
      }) : () -> ()
      %lt3A_235 = arith.constant 12 : i32
      %lt3A_236 = arith.cmpi slt, %scan3A_114, %lt3A_235 : i32
      %convert_element_type3A_237 = arith.extui %lt3A_236 : i1 to i32
      %cond3A_238 = arith.constant 0 : i32
      %cond3A_239 = arith.cmpi ne, %convert_element_type3A_237, %cond3A_238 : i32
      scf.if %cond3A_239 {
        %add3A_253 = arith.constant 1 : i32
        %add3A_254 = arith.addi %scan3A_114, %add3A_253 : i32
        %mul3A_255 = arith.constant 6 : i32
        %mul3A_256 = arith.muli %add3A_254, %mul3A_255 : i32
        %add3A_257 = arith.constant 4 : i32
        %add3A_258 = arith.addi %mul3A_256, %add3A_257 : i32
        %mul3A_259 = arith.constant 16 : i32
        %mul3A_260 = arith.muli %add3A_258, %mul3A_259 : i32
        %add3A_261 = arith.addi %mul3A_260, %arg1 : i32
        %mul3A_262 = arith.constant 128 : i32
        %mul3A_263 = arith.muli %add3A_261, %mul3A_262 : i32
        %add3A_264 = arith.addi %mul3A_0, %mul3A_263 : i32
        %dma_start3A_265 = tpu.memref_slice %arg2[%add3A_264] : memref<320000xi32, #tpu.memory_space<hbm>> -> memref<128xi32, #tpu.memory_space<hbm>>
        %dma_start3A_266 = tpu.memref_slice %arg2[%add3A_264] : memref<320000xi32, #tpu.memory_space<hbm>> -> memref<128xi32, #tpu.memory_space<hbm>>
        tpu.enqueue_dma source(%dma_start3A_266 : memref<128xi32, #tpu.memory_space<hbm>>) target(%arg15 : memref<128xi32, #tpu.memory_space<vmem>>) target_semaphore(%arg23 : memref<!tpu.dma_semaphore, #tpu.memory_space<semaphore_mem>>)
        %dma_start3A_267 = tpu.memref_slice %arg3[%add3A_264] : memref<320000xi32, #tpu.memory_space<hbm>> -> memref<128xi32, #tpu.memory_space<hbm>>
        %dma_start3A_268 = tpu.memref_slice %arg3[%add3A_264] : memref<320000xi32, #tpu.memory_space<hbm>> -> memref<128xi32, #tpu.memory_space<hbm>>
        tpu.enqueue_dma source(%dma_start3A_268 : memref<128xi32, #tpu.memory_space<hbm>>) target(%arg16 : memref<128xi32, #tpu.memory_space<vmem>>) target_semaphore(%arg23 : memref<!tpu.dma_semaphore, #tpu.memory_space<semaphore_mem>>)
      } else {
      }
      %lt3A_240 = arith.constant 12 : i32
      %lt3A_241 = arith.cmpi slt, %scan3A_114, %lt3A_240 : i32
      %convert_element_type3A_242 = arith.extui %lt3A_241 : i1 to i32
      %cond3A_243 = arith.constant 0 : i32
      %cond3A_244 = arith.cmpi ne, %convert_element_type3A_242, %cond3A_243 : i32
      scf.if %cond3A_244 {
        %add3A_253 = arith.constant 1 : i32
        %add3A_254 = arith.addi %scan3A_114, %add3A_253 : i32
        %mul3A_255 = arith.constant 6 : i32
        %mul3A_256 = arith.muli %add3A_254, %mul3A_255 : i32
        %add3A_257 = arith.constant 0 : i32
        %add3A_258 = arith.addi %mul3A_256, %add3A_257 : i32
        %mul3A_259 = arith.constant 16 : i32
        %mul3A_260 = arith.muli %add3A_258, %mul3A_259 : i32
        %add3A_261 = arith.addi %mul3A_260, %arg1 : i32
        %mul3A_262 = arith.constant 128 : i32
        %mul3A_263 = arith.muli %add3A_261, %mul3A_262 : i32
        %add3A_264 = arith.addi %mul3A_0, %mul3A_263 : i32
        %dma_wait3A_265 = tpu.memref_slice %arg2[%add3A_264] : memref<320000xi32, #tpu.memory_space<hbm>> -> memref<128xi32, #tpu.memory_space<hbm>>
        %dma_wait3A_266 = tpu.memref_slice %arg2[%add3A_264] : memref<320000xi32, #tpu.memory_space<hbm>> -> memref<128xi32, #tpu.memory_space<hbm>>
        tpu.wait_dma2 semaphore(%arg19 : memref<!tpu.dma_semaphore, #tpu.memory_space<semaphore_mem>>) src(%dma_wait3A_266 : memref<128xi32, #tpu.memory_space<hbm>>) dst(%arg7 : memref<128xi32, #tpu.memory_space<vmem>>)
        %dma_wait3A_267 = tpu.memref_slice %arg3[%add3A_264] : memref<320000xi32, #tpu.memory_space<hbm>> -> memref<128xi32, #tpu.memory_space<hbm>>
        %dma_wait3A_268 = tpu.memref_slice %arg3[%add3A_264] : memref<320000xi32, #tpu.memory_space<hbm>> -> memref<128xi32, #tpu.memory_space<hbm>>
        tpu.wait_dma2 semaphore(%arg19 : memref<!tpu.dma_semaphore, #tpu.memory_space<semaphore_mem>>) src(%dma_wait3A_268 : memref<128xi32, #tpu.memory_space<hbm>>) dst(%arg8 : memref<128xi32, #tpu.memory_space<vmem>>)
        %dma_start3A_269 = arith.constant 0 : i32
        %dma_start3A_270 = arith.constant 0 : i32
        %dma_start3A_271 = tpu.memref_slice %arg4[%dma_start3A_269, %dma_start3A_270] : memref<10000x128xf32, #tpu.memory_space<hbm>> -> memref<10000x128xf32, #tpu.memory_space<hbm>>
        tpu.enqueue_indirect_dma source(%dma_start3A_271 : memref<10000x128xf32, #tpu.memory_space<hbm>>) target(%arg25 : memref<128x128xf32, #tpu.memory_space<vmem>>) offsets(%arg7 : memref<128xi32, #tpu.memory_space<vmem>>) semaphore(%arg27 : memref<!tpu.dma_semaphore, #tpu.memory_space<semaphore_mem>>)
      } else {
      }
      %dma_wait3A_245 = arith.constant 0 : i32
      %dma_wait3A_246 = arith.constant 0 : i32
      %dma_wait3A_247 = tpu.memref_slice %arg4[%dma_wait3A_245, %dma_wait3A_246] : memref<10000x128xf32, #tpu.memory_space<hbm>> -> memref<10000x128xf32, #tpu.memory_space<hbm>>
      tpu.wait_indirect_dma semaphore(%arg28 : memref<!tpu.dma_semaphore, #tpu.memory_space<semaphore_mem>>) src(%dma_wait3A_247 : memref<10000x128xf32, #tpu.memory_space<hbm>>) dst(%arg26 : memref<128x128xf32, #tpu.memory_space<vmem>>)
      "tpu.region"() ({
        %run_scoped3A = tpu.sem_alloc : memref<!tpu.dma_semaphore, #tpu.memory_space<semaphore_mem>>
        %dma_start3A_253 = arith.constant 0 : i32
        %dma_start3A_254 = arith.constant 0 : i32
        %dma_start3A_255 = tpu.memref_slice %arg29[%dma_start3A_253, %dma_start3A_254] : memref<10000x128xf32, #tpu.memory_space<vmem_shared>> -> memref<10000x128xf32, #tpu.memory_space<vmem_shared>>
        tpu.enqueue_indirect_dma source(%arg26 : memref<128x128xf32, #tpu.memory_space<vmem>>) target(%dma_start3A_255 : memref<10000x128xf32, #tpu.memory_space<vmem_shared>>) offsets(%arg18 : memref<128xi32, #tpu.memory_space<vmem>>) semaphore(%run_scoped3A : memref<!tpu.dma_semaphore, #tpu.memory_space<semaphore_mem>>) {add = true}
        %dma_wait3A_256 = arith.constant 0 : i32
        %dma_wait3A_257 = arith.constant 0 : i32
        %dma_wait3A_258 = tpu.memref_slice %arg29[%dma_wait3A_256, %dma_wait3A_257] : memref<10000x128xf32, #tpu.memory_space<vmem_shared>> -> memref<10000x128xf32, #tpu.memory_space<vmem_shared>>
        tpu.wait_indirect_dma semaphore(%run_scoped3A : memref<!tpu.dma_semaphore, #tpu.memory_space<semaphore_mem>>) src(%arg26 : memref<128x128xf32, #tpu.memory_space<vmem>>) dst(%dma_wait3A_258 : memref<10000x128xf32, #tpu.memory_space<vmem_shared>>)
        tpu.yield
      }) : () -> ()
      %lt3A_248 = arith.constant 12 : i32
      %lt3A_249 = arith.cmpi slt, %scan3A_114, %lt3A_248 : i32
      %convert_element_type3A_250 = arith.extui %lt3A_249 : i1 to i32
      %cond3A_251 = arith.constant 0 : i32
      %cond3A_252 = arith.cmpi ne, %convert_element_type3A_250, %cond3A_251 : i32
      scf.if %cond3A_252 {
        %add3A_253 = arith.constant 1 : i32
        %add3A_254 = arith.addi %scan3A_114, %add3A_253 : i32
        %mul3A_255 = arith.constant 6 : i32
        %mul3A_256 = arith.muli %add3A_254, %mul3A_255 : i32
        %add3A_257 = arith.constant 5 : i32
        %add3A_258 = arith.addi %mul3A_256, %add3A_257 : i32
        %mul3A_259 = arith.constant 16 : i32
        %mul3A_260 = arith.muli %add3A_258, %mul3A_259 : i32
        %add3A_261 = arith.addi %mul3A_260, %arg1 : i32
        %mul3A_262 = arith.constant 128 : i32
        %mul3A_263 = arith.muli %add3A_261, %mul3A_262 : i32
        %add3A_264 = arith.addi %mul3A_0, %mul3A_263 : i32
        %dma_start3A_265 = tpu.memref_slice %arg2[%add3A_264] : memref<320000xi32, #tpu.memory_space<hbm>> -> memref<128xi32, #tpu.memory_space<hbm>>
        %dma_start3A_266 = tpu.memref_slice %arg2[%add3A_264] : memref<320000xi32, #tpu.memory_space<hbm>> -> memref<128xi32, #tpu.memory_space<hbm>>
        tpu.enqueue_dma source(%dma_start3A_266 : memref<128xi32, #tpu.memory_space<hbm>>) target(%arg17 : memref<128xi32, #tpu.memory_space<vmem>>) target_semaphore(%arg24 : memref<!tpu.dma_semaphore, #tpu.memory_space<semaphore_mem>>)
        %dma_start3A_267 = tpu.memref_slice %arg3[%add3A_264] : memref<320000xi32, #tpu.memory_space<hbm>> -> memref<128xi32, #tpu.memory_space<hbm>>
        %dma_start3A_268 = tpu.memref_slice %arg3[%add3A_264] : memref<320000xi32, #tpu.memory_space<hbm>> -> memref<128xi32, #tpu.memory_space<hbm>>
        tpu.enqueue_dma source(%dma_start3A_268 : memref<128xi32, #tpu.memory_space<hbm>>) target(%arg18 : memref<128xi32, #tpu.memory_space<vmem>>) target_semaphore(%arg24 : memref<!tpu.dma_semaphore, #tpu.memory_space<semaphore_mem>>)
      } else {
      }
    }
    %scan3A_96 = arith.constant 13 : i32
    %lt3A = arith.constant 2 : i32
    %lt3A_97 = arith.cmpi slt, %arg1, %lt3A : i32
    %convert_element_type3A_98 = arith.extui %lt3A_97 : i1 to i32
    %cond3A_99 = arith.constant 0 : i32
    %cond3A_100 = arith.cmpi ne, %convert_element_type3A_98, %cond3A_99 : i32
    scf.if %cond3A_100 {
      %add3A_114 = arith.constant 1248 : i32
      %add3A_115 = arith.addi %add3A_114, %arg1 : i32
      %mul3A_116 = arith.constant 128 : i32
      %mul3A_117 = arith.muli %add3A_115, %mul3A_116 : i32
      %add3A_118 = arith.addi %mul3A_0, %mul3A_117 : i32
      %dma_start3A_119 = tpu.memref_slice %arg2[%add3A_118] : memref<320000xi32, #tpu.memory_space<hbm>> -> memref<128xi32, #tpu.memory_space<hbm>>
      %dma_start3A_120 = tpu.memref_slice %arg2[%add3A_118] : memref<320000xi32, #tpu.memory_space<hbm>> -> memref<128xi32, #tpu.memory_space<hbm>>
      tpu.enqueue_dma source(%dma_start3A_120 : memref<128xi32, #tpu.memory_space<hbm>>) target(%arg7 : memref<128xi32, #tpu.memory_space<vmem>>) target_semaphore(%arg19 : memref<!tpu.dma_semaphore, #tpu.memory_space<semaphore_mem>>)
      %dma_start3A_121 = tpu.memref_slice %arg3[%add3A_118] : memref<320000xi32, #tpu.memory_space<hbm>> -> memref<128xi32, #tpu.memory_space<hbm>>
      %dma_start3A_122 = tpu.memref_slice %arg3[%add3A_118] : memref<320000xi32, #tpu.memory_space<hbm>> -> memref<128xi32, #tpu.memory_space<hbm>>
      tpu.enqueue_dma source(%dma_start3A_122 : memref<128xi32, #tpu.memory_space<hbm>>) target(%arg8 : memref<128xi32, #tpu.memory_space<vmem>>) target_semaphore(%arg19 : memref<!tpu.dma_semaphore, #tpu.memory_space<semaphore_mem>>)
      %mul3A_123 = arith.constant 128 : i32
      %mul3A_124 = arith.muli %add3A_115, %mul3A_123 : i32
      %add3A_125 = arith.addi %mul3A_0, %mul3A_124 : i32
      %dma_wait3A_126 = tpu.memref_slice %arg2[%add3A_125] : memref<320000xi32, #tpu.memory_space<hbm>> -> memref<128xi32, #tpu.memory_space<hbm>>
      %dma_wait3A_127 = tpu.memref_slice %arg2[%add3A_125] : memref<320000xi32, #tpu.memory_space<hbm>> -> memref<128xi32, #tpu.memory_space<hbm>>
      tpu.wait_dma2 semaphore(%arg19 : memref<!tpu.dma_semaphore, #tpu.memory_space<semaphore_mem>>) src(%dma_wait3A_127 : memref<128xi32, #tpu.memory_space<hbm>>) dst(%arg7 : memref<128xi32, #tpu.memory_space<vmem>>)
      %dma_wait3A_128 = tpu.memref_slice %arg3[%add3A_125] : memref<320000xi32, #tpu.memory_space<hbm>> -> memref<128xi32, #tpu.memory_space<hbm>>
      %dma_wait3A_129 = tpu.memref_slice %arg3[%add3A_125] : memref<320000xi32, #tpu.memory_space<hbm>> -> memref<128xi32, #tpu.memory_space<hbm>>
      tpu.wait_dma2 semaphore(%arg19 : memref<!tpu.dma_semaphore, #tpu.memory_space<semaphore_mem>>) src(%dma_wait3A_129 : memref<128xi32, #tpu.memory_space<hbm>>) dst(%arg8 : memref<128xi32, #tpu.memory_space<vmem>>)
      %dma_start3A_130 = arith.constant 0 : i32
      %dma_start3A_131 = arith.constant 0 : i32
      %dma_start3A_132 = tpu.memref_slice %arg4[%dma_start3A_130, %dma_start3A_131] : memref<10000x128xf32, #tpu.memory_space<hbm>> -> memref<10000x128xf32, #tpu.memory_space<hbm>>
      tpu.enqueue_indirect_dma source(%dma_start3A_132 : memref<10000x128xf32, #tpu.memory_space<hbm>>) target(%arg25 : memref<128x128xf32, #tpu.memory_space<vmem>>) offsets(%arg7 : memref<128xi32, #tpu.memory_space<vmem>>) semaphore(%arg27 : memref<!tpu.dma_semaphore, #tpu.memory_space<semaphore_mem>>)
      %dma_wait3A_133 = arith.constant 0 : i32
      %dma_wait3A_134 = arith.constant 0 : i32
      %dma_wait3A_135 = tpu.memref_slice %arg4[%dma_wait3A_133, %dma_wait3A_134] : memref<10000x128xf32, #tpu.memory_space<hbm>> -> memref<10000x128xf32, #tpu.memory_space<hbm>>
      tpu.wait_indirect_dma semaphore(%arg27 : memref<!tpu.dma_semaphore, #tpu.memory_space<semaphore_mem>>) src(%dma_wait3A_135 : memref<10000x128xf32, #tpu.memory_space<hbm>>) dst(%arg25 : memref<128x128xf32, #tpu.memory_space<vmem>>)
      "tpu.region"() ({
        %run_scoped3A = tpu.sem_alloc : memref<!tpu.dma_semaphore, #tpu.memory_space<semaphore_mem>>
        %dma_start3A_136 = arith.constant 0 : i32
        %dma_start3A_137 = arith.constant 0 : i32
        %dma_start3A_138 = tpu.memref_slice %arg29[%dma_start3A_136, %dma_start3A_137] : memref<10000x128xf32, #tpu.memory_space<vmem_shared>> -> memref<10000x128xf32, #tpu.memory_space<vmem_shared>>
        tpu.enqueue_indirect_dma source(%arg25 : memref<128x128xf32, #tpu.memory_space<vmem>>) target(%dma_start3A_138 : memref<10000x128xf32, #tpu.memory_space<vmem_shared>>) offsets(%arg8 : memref<128xi32, #tpu.memory_space<vmem>>) semaphore(%run_scoped3A : memref<!tpu.dma_semaphore, #tpu.memory_space<semaphore_mem>>) {add = true}
        %dma_wait3A_139 = arith.constant 0 : i32
        %dma_wait3A_140 = arith.constant 0 : i32
        %dma_wait3A_141 = tpu.memref_slice %arg29[%dma_wait3A_139, %dma_wait3A_140] : memref<10000x128xf32, #tpu.memory_space<vmem_shared>> -> memref<10000x128xf32, #tpu.memory_space<vmem_shared>>
        tpu.wait_indirect_dma semaphore(%run_scoped3A : memref<!tpu.dma_semaphore, #tpu.memory_space<semaphore_mem>>) src(%arg25 : memref<128x128xf32, #tpu.memory_space<vmem>>) dst(%dma_wait3A_141 : memref<10000x128xf32, #tpu.memory_space<vmem_shared>>)
        tpu.yield
      }) : () -> ()
    } else {
    }
    %barrier3A_101 = arith.constant 0 : index
    tpu.barrier barrier_id(%barrier3A_101)
    %mul3A_102 = arith.constant 624 : i32
    %mul3A_103 = arith.muli %arg1, %mul3A_102 : i32
    %eq3A_104 = arith.constant 0 : i32
    %eq3A_105 = arith.cmpi eq, %arg0, %eq3A_104 : i32
    %convert_element_type3A_106 = arith.extui %eq3A_105 : i1 to i32
    %cond3A_107 = arith.constant 0 : i32
    %cond3A_108 = arith.cmpi ne, %convert_element_type3A_106, %cond3A_107 : i32
    scf.if %cond3A_108 {
      "tpu.region"() ({
        %run_scoped3A = tpu.sem_alloc : memref<!tpu.dma_semaphore, #tpu.memory_space<semaphore_mem>>
        %dma_start3A_119 = arith.constant 0 : i32
        %dma_start3A_120 = tpu.memref_slice %arg5[%mul3A_103, %dma_start3A_119] : memref<10000x128xf32, #tpu.memory_space<hbm>> -> memref<624x128xf32, #tpu.memory_space<hbm>>
        %dma_start3A_121 = arith.constant 0 : i32
        %dma_start3A_122 = tpu.memref_slice %arg29[%mul3A_103, %dma_start3A_121] : memref<10000x128xf32, #tpu.memory_space<vmem_shared>> -> memref<624x128xf32, #tpu.memory_space<vmem_shared>>
        tpu.enqueue_dma source(%dma_start3A_122 : memref<624x128xf32, #tpu.memory_space<vmem_shared>>) target(%dma_start3A_120 : memref<624x128xf32, #tpu.memory_space<hbm>>) target_semaphore(%run_scoped3A : memref<!tpu.dma_semaphore, #tpu.memory_space<semaphore_mem>>)
        %dma_wait3A_123 = arith.constant 0 : i32
        %dma_wait3A_124 = tpu.memref_slice %arg5[%mul3A_103, %dma_wait3A_123] : memref<10000x128xf32, #tpu.memory_space<hbm>> -> memref<624x128xf32, #tpu.memory_space<hbm>>
        %dma_wait3A_125 = arith.constant 0 : i32
        %dma_wait3A_126 = tpu.memref_slice %arg29[%mul3A_103, %dma_wait3A_125] : memref<10000x128xf32, #tpu.memory_space<vmem_shared>> -> memref<624x128xf32, #tpu.memory_space<vmem_shared>>
        tpu.wait_dma2 semaphore(%run_scoped3A : memref<!tpu.dma_semaphore, #tpu.memory_space<semaphore_mem>>) src(%dma_wait3A_126 : memref<624x128xf32, #tpu.memory_space<vmem_shared>>) dst(%dma_wait3A_124 : memref<624x128xf32, #tpu.memory_space<hbm>>)
        tpu.yield
      }) : () -> ()
      %eq3A_114 = arith.constant 15 : i32
      %eq3A_115 = arith.cmpi eq, %arg1, %eq3A_114 : i32
      %convert_element_type3A_116 = arith.extui %eq3A_115 : i1 to i32
      %cond3A_117 = arith.constant 0 : i32
      %cond3A_118 = arith.cmpi ne, %convert_element_type3A_116, %cond3A_117 : i32
      scf.if %cond3A_118 {
        "tpu.region"() ({
          %run_scoped3A = tpu.sem_alloc : memref<!tpu.dma_semaphore, #tpu.memory_space<semaphore_mem>>
          %dma_start3A_119 = arith.constant 9984 : i32
          %dma_start3A_120 = arith.constant 0 : i32
          %dma_start3A_121 = tpu.memref_slice %arg5[%dma_start3A_119, %dma_start3A_120] : memref<10000x128xf32, #tpu.memory_space<hbm>> -> memref<16x128xf32, #tpu.memory_space<hbm>>
          %dma_start3A_122 = arith.constant 9984 : i32
          %dma_start3A_123 = arith.constant 0 : i32
          %dma_start3A_124 = tpu.memref_slice %arg29[%dma_start3A_122, %dma_start3A_123] : memref<10000x128xf32, #tpu.memory_space<vmem_shared>> -> memref<16x128xf32, #tpu.memory_space<vmem_shared>>
          tpu.enqueue_dma source(%dma_start3A_124 : memref<16x128xf32, #tpu.memory_space<vmem_shared>>) target(%dma_start3A_121 : memref<16x128xf32, #tpu.memory_space<hbm>>) target_semaphore(%run_scoped3A : memref<!tpu.dma_semaphore, #tpu.memory_space<semaphore_mem>>)
          %dma_wait3A_125 = arith.constant 9984 : i32
          %dma_wait3A_126 = arith.constant 0 : i32
          %dma_wait3A_127 = tpu.memref_slice %arg5[%dma_wait3A_125, %dma_wait3A_126] : memref<10000x128xf32, #tpu.memory_space<hbm>> -> memref<16x128xf32, #tpu.memory_space<hbm>>
          %dma_wait3A_128 = arith.constant 9984 : i32
          %dma_wait3A_129 = arith.constant 0 : i32
          %dma_wait3A_130 = tpu.memref_slice %arg29[%dma_wait3A_128, %dma_wait3A_129] : memref<10000x128xf32, #tpu.memory_space<vmem_shared>> -> memref<16x128xf32, #tpu.memory_space<vmem_shared>>
          tpu.wait_dma2 semaphore(%run_scoped3A : memref<!tpu.dma_semaphore, #tpu.memory_space<semaphore_mem>>) src(%dma_wait3A_130 : memref<16x128xf32, #tpu.memory_space<vmem_shared>>) dst(%dma_wait3A_127 : memref<16x128xf32, #tpu.memory_space<hbm>>)
          tpu.yield
        }) : () -> ()
      } else {
      }
    } else {
    }
    %eq3A_109 = arith.constant 1 : i32
    %eq3A_110 = arith.cmpi eq, %arg0, %eq3A_109 : i32
    %convert_element_type3A_111 = arith.extui %eq3A_110 : i1 to i32
    %cond3A_112 = arith.constant 0 : i32
    %cond3A_113 = arith.cmpi ne, %convert_element_type3A_111, %cond3A_112 : i32
    scf.if %cond3A_113 {
      "tpu.region"() ({
        %run_scoped3A = tpu.sem_alloc : memref<!tpu.dma_semaphore, #tpu.memory_space<semaphore_mem>>
        %dma_start3A_119 = arith.constant 0 : i32
        %dma_start3A_120 = tpu.memref_slice %arg6[%mul3A_103, %dma_start3A_119] : memref<10000x128xf32, #tpu.memory_space<hbm>> -> memref<624x128xf32, #tpu.memory_space<hbm>>
        %dma_start3A_121 = arith.constant 0 : i32
        %dma_start3A_122 = tpu.memref_slice %arg29[%mul3A_103, %dma_start3A_121] : memref<10000x128xf32, #tpu.memory_space<vmem_shared>> -> memref<624x128xf32, #tpu.memory_space<vmem_shared>>
        tpu.enqueue_dma source(%dma_start3A_122 : memref<624x128xf32, #tpu.memory_space<vmem_shared>>) target(%dma_start3A_120 : memref<624x128xf32, #tpu.memory_space<hbm>>) target_semaphore(%run_scoped3A : memref<!tpu.dma_semaphore, #tpu.memory_space<semaphore_mem>>)
        %dma_wait3A_123 = arith.constant 0 : i32
        %dma_wait3A_124 = tpu.memref_slice %arg6[%mul3A_103, %dma_wait3A_123] : memref<10000x128xf32, #tpu.memory_space<hbm>> -> memref<624x128xf32, #tpu.memory_space<hbm>>
        %dma_wait3A_125 = arith.constant 0 : i32
        %dma_wait3A_126 = tpu.memref_slice %arg29[%mul3A_103, %dma_wait3A_125] : memref<10000x128xf32, #tpu.memory_space<vmem_shared>> -> memref<624x128xf32, #tpu.memory_space<vmem_shared>>
        tpu.wait_dma2 semaphore(%run_scoped3A : memref<!tpu.dma_semaphore, #tpu.memory_space<semaphore_mem>>) src(%dma_wait3A_126 : memref<624x128xf32, #tpu.memory_space<vmem_shared>>) dst(%dma_wait3A_124 : memref<624x128xf32, #tpu.memory_space<hbm>>)
        tpu.yield
      }) : () -> ()
      %eq3A_114 = arith.constant 15 : i32
      %eq3A_115 = arith.cmpi eq, %arg1, %eq3A_114 : i32
      %convert_element_type3A_116 = arith.extui %eq3A_115 : i1 to i32
      %cond3A_117 = arith.constant 0 : i32
      %cond3A_118 = arith.cmpi ne, %convert_element_type3A_116, %cond3A_117 : i32
      scf.if %cond3A_118 {
        "tpu.region"() ({
          %run_scoped3A = tpu.sem_alloc : memref<!tpu.dma_semaphore, #tpu.memory_space<semaphore_mem>>
          %dma_start3A_119 = arith.constant 9984 : i32
          %dma_start3A_120 = arith.constant 0 : i32
          %dma_start3A_121 = tpu.memref_slice %arg6[%dma_start3A_119, %dma_start3A_120] : memref<10000x128xf32, #tpu.memory_space<hbm>> -> memref<16x128xf32, #tpu.memory_space<hbm>>
          %dma_start3A_122 = arith.constant 9984 : i32
          %dma_start3A_123 = arith.constant 0 : i32
          %dma_start3A_124 = tpu.memref_slice %arg29[%dma_start3A_122, %dma_start3A_123] : memref<10000x128xf32, #tpu.memory_space<vmem_shared>> -> memref<16x128xf32, #tpu.memory_space<vmem_shared>>
          tpu.enqueue_dma source(%dma_start3A_124 : memref<16x128xf32, #tpu.memory_space<vmem_shared>>) target(%dma_start3A_121 : memref<16x128xf32, #tpu.memory_space<hbm>>) target_semaphore(%run_scoped3A : memref<!tpu.dma_semaphore, #tpu.memory_space<semaphore_mem>>)
          %dma_wait3A_125 = arith.constant 9984 : i32
          %dma_wait3A_126 = arith.constant 0 : i32
          %dma_wait3A_127 = tpu.memref_slice %arg6[%dma_wait3A_125, %dma_wait3A_126] : memref<10000x128xf32, #tpu.memory_space<hbm>> -> memref<16x128xf32, #tpu.memory_space<hbm>>
          %dma_wait3A_128 = arith.constant 9984 : i32
          %dma_wait3A_129 = arith.constant 0 : i32
          %dma_wait3A_130 = tpu.memref_slice %arg29[%dma_wait3A_128, %dma_wait3A_129] : memref<10000x128xf32, #tpu.memory_space<vmem_shared>> -> memref<16x128xf32, #tpu.memory_space<vmem_shared>>
          tpu.wait_dma2 semaphore(%run_scoped3A : memref<!tpu.dma_semaphore, #tpu.memory_space<semaphore_mem>>) src(%dma_wait3A_130 : memref<16x128xf32, #tpu.memory_space<vmem_shared>>) dst(%dma_wait3A_127 : memref<16x128xf32, #tpu.memory_space<hbm>>)
          tpu.yield
        }) : () -> ()
      } else {
      }
    } else {
    }
    return
  }
}

module attributes {stable_mosaic.version = 14 : i64} {
  func.func @_front_body(%arg0: i32, %arg1: memref<1000x128xf32, #tpu.memory_space<vmem>>, %arg2: memref<1000x128xf32, #tpu.memory_space<vmem>>, %arg3: memref<1000x128xf32, #tpu.memory_space<vmem>>, %arg4: memref<128x128xf32, #tpu.memory_space<vmem>>, %arg5: memref<1x128xf32, #tpu.memory_space<vmem>>, %arg6: memref<128x128xf32, #tpu.memory_space<vmem>>, %arg7: memref<1000x128xf32, #tpu.memory_space<vmem>>) attributes {dimension_semantics = [#tpu.dimension_semantics<arbitrary>], iteration_bounds = array<i64: 10>, scalar_prefetch = 0 : i64, scratch_operands = 0 : i64, tpu.core_type = #tpu.core_type<tc>, window_params = [{transform_indices = @transform_0, window_bounds = array<i64: 1000, 128>}, {transform_indices = @transform_1, window_bounds = array<i64: 1000, 128>}, {transform_indices = @transform_2, window_bounds = array<i64: 1000, 128>}, {pipeline_mode = #tpu.pipeline_mode<synchronous>, transform_indices = @transform_3, window_bounds = array<i64: 128, 128>}, {pipeline_mode = #tpu.pipeline_mode<synchronous>, transform_indices = @transform_4, window_bounds = array<i64: 1, 128>}, {pipeline_mode = #tpu.pipeline_mode<synchronous>, transform_indices = @transform_5, window_bounds = array<i64: 128, 128>}, {transform_indices = @transform_6, window_bounds = array<i64: 1000, 128>}]} {
    %get3A = arith.constant 0 : index
    %get3A_0 = arith.constant 0 : index
    %get3A_1 = vector.load %arg1[%get3A, %get3A_0] : memref<1000x128xf32, #tpu.memory_space<vmem>>, vector<1000x128xf32>
    %get3A_2 = arith.constant 0 : index
    %get3A_3 = arith.constant 0 : index
    %get3A_4 = vector.load %arg4[%get3A_2, %get3A_3] : memref<128x128xf32, #tpu.memory_space<vmem>>, vector<128x128xf32>
    %dot_general3A = arith.constant dense<0.000000e+00> : vector<1000x128xf32>
    %dot_general3A_5 = tpu.matmul %get3A_1, %get3A_4, %dot_general3A {dimension_numbers = #tpu.dot_dimension_numbers<[1], [0], [0], [1], [0, 0, 1, 1], [], []>, transpose_lhs_hint = false} : vector<1000x128xf32>, vector<128x128xf32>, vector<1000x128xf32> -> vector<1000x128xf32>
    %get3A_6 = arith.constant 0 : index
    %get3A_7 = arith.constant 0 : index
    %get3A_8 = vector.load %arg5[%get3A_6, %get3A_7] : memref<1x128xf32, #tpu.memory_space<vmem>>, vector<1x128xf32>
    %add3A = vector.broadcast %get3A_8 : vector<1x128xf32> to vector<1000x128xf32>
    %add3A_9 = arith.addf %dot_general3A_5, %add3A : vector<1000x128xf32>
    %get3A_10 = arith.constant 0 : index
    %get3A_11 = arith.constant 0 : index
    %get3A_12 = vector.load %arg2[%get3A_10, %get3A_11] : memref<1000x128xf32, #tpu.memory_space<vmem>>, vector<1000x128xf32>
    %get3A_13 = arith.constant 0 : index
    %get3A_14 = arith.constant 0 : index
    %get3A_15 = vector.load %arg3[%get3A_13, %get3A_14] : memref<1000x128xf32, #tpu.memory_space<vmem>>, vector<1000x128xf32>
    %slice3A = vector.extract_strided_slice %get3A_12 {offsets = [0, 0], sizes = [1000, 1], strides = [1, 1]} : vector<1000x128xf32> to vector<1000x1xf32>
    %squeeze3A = vector.shape_cast %slice3A : vector<1000x1xf32> to vector<1000xf32>
    %slice3A_16 = vector.extract_strided_slice %get3A_15 {offsets = [0, 0], sizes = [1000, 1], strides = [1, 1]} : vector<1000x128xf32> to vector<1000x1xf32>
    %squeeze3A_17 = vector.shape_cast %slice3A_16 : vector<1000x1xf32> to vector<1000xf32>
    %add3A_18 = arith.addf %squeeze3A, %squeeze3A_17 : vector<1000xf32>
    %gt3A = arith.constant 0.000000e+00 : f32
    %gt3A_19 = vector.broadcast %gt3A : f32 to vector<1000xf32>
    %gt3A_20 = arith.cmpf ogt, %add3A_18, %gt3A_19 : vector<1000xf32>
    %max3A = arith.constant 1.000000e+00 : f32
    %max3A_21 = vector.broadcast %max3A : f32 to vector<1000xf32>
    %max3A_22 = arith.maximumf %add3A_18, %max3A_21 : vector<1000xf32>
    %rsqrt3A = math.rsqrt %max3A_22 : vector<1000xf32>
    %jit3A = arith.constant 0.000000e+00 : f32
    %broadcast_in_dim3A = vector.broadcast %jit3A : f32 to vector<1000xf32>
    %select_n3A = arith.select %gt3A_20, %rsqrt3A, %broadcast_in_dim3A : vector<1000xi1>, vector<1000xf32>
    %get3A_23 = arith.constant 0 : index
    %get3A_24 = arith.constant 0 : index
    %get3A_25 = vector.load %arg6[%get3A_23, %get3A_24] : memref<128x128xf32, #tpu.memory_space<vmem>>, vector<128x128xf32>
    %dot_general3A_26 = arith.constant dense<0.000000e+00> : vector<1000x128xf32>
    %dot_general3A_27 = tpu.matmul %add3A_9, %get3A_25, %dot_general3A_26 {dimension_numbers = #tpu.dot_dimension_numbers<[1], [0], [0], [1], [0, 0, 1, 1], [], []>, transpose_lhs_hint = false} : vector<1000x128xf32>, vector<128x128xf32>, vector<1000x128xf32> -> vector<1000x128xf32>
    %broadcast_in_dim3A_28 = vector.shape_cast %select_n3A : vector<1000xf32> to vector<1000x1xf32>
    %mul3A = vector.broadcast %broadcast_in_dim3A_28 : vector<1000x1xf32> to vector<1000x128xf32>
    %mul3A_29 = arith.mulf %dot_general3A_27, %mul3A : vector<1000x128xf32>
    %swap3A = arith.constant 0 : index
    %swap3A_30 = arith.constant 0 : index
    %swap3A_31 = vector.load %arg7[%swap3A, %swap3A_30] : memref<1000x128xf32, #tpu.memory_space<vmem>>, vector<1000x128xf32>
    tpu.vector_store %arg7[%swap3A, %swap3A_30], %mul3A_29 {strides = array<i32>} : memref<1000x128xf32, #tpu.memory_space<vmem>>, vector<1000x128xf32>,
    return
  }
  func.func @transform_0(%arg0: i32) -> (i32, i32) {
    %c0_i32 = arith.constant 0 : i32
    %c0_i32_0 = arith.constant 0 : i32
    return %arg0, %c0_i32 : i32, i32
  }
  func.func @transform_1(%arg0: i32) -> (i32, i32) {
    %c0_i32 = arith.constant 0 : i32
    %c0_i32_0 = arith.constant 0 : i32
    return %arg0, %c0_i32 : i32, i32
  }
  func.func @transform_2(%arg0: i32) -> (i32, i32) {
    %c0_i32 = arith.constant 0 : i32
    %c0_i32_0 = arith.constant 0 : i32
    return %arg0, %c0_i32 : i32, i32
  }
  func.func @transform_3(%arg0: i32) -> (i32, i32) {
    %c0_i32 = arith.constant 0 : i32
    %c0_i32_0 = arith.constant 0 : i32
    %c0_i32_1 = arith.constant 0 : i32
    return %c0_i32, %c0_i32_0 : i32, i32
  }
  func.func @transform_4(%arg0: i32) -> (i32, i32) {
    %c0_i32 = arith.constant 0 : i32
    %c0_i32_0 = arith.constant 0 : i32
    %c0_i32_1 = arith.constant 0 : i32
    return %c0_i32, %c0_i32_0 : i32, i32
  }
  func.func @transform_5(%arg0: i32) -> (i32, i32) {
    %c0_i32 = arith.constant 0 : i32
    %c0_i32_0 = arith.constant 0 : i32
    %c0_i32_1 = arith.constant 0 : i32
    return %c0_i32, %c0_i32_0 : i32, i32
  }
  func.func @transform_6(%arg0: i32) -> (i32, i32) {
    %c0_i32 = arith.constant 0 : i32
    %c0_i32_0 = arith.constant 0 : i32
    return %arg0, %c0_i32 : i32, i32
  }
}

module attributes {stable_mosaic.version = 14 : i64} {
  func.func @_mid_body(%arg0: i32, %arg1: memref<1000x128xf32, #tpu.memory_space<vmem>>, %arg2: memref<1000x128xf32, #tpu.memory_space<vmem>>, %arg3: memref<1000x128xf32, #tpu.memory_space<vmem>>, %arg4: memref<1000x128xf32, #tpu.memory_space<vmem>>, %arg5: memref<1x128xf32, #tpu.memory_space<vmem>>, %arg6: memref<128x128xf32, #tpu.memory_space<vmem>>, %arg7: memref<1000x128xf32, #tpu.memory_space<vmem>>) attributes {dimension_semantics = [#tpu.dimension_semantics<arbitrary>], iteration_bounds = array<i64: 10>, scalar_prefetch = 0 : i64, scratch_operands = 0 : i64, tpu.core_type = #tpu.core_type<tc>, window_params = [{transform_indices = @transform_0, window_bounds = array<i64: 1000, 128>}, {transform_indices = @transform_1, window_bounds = array<i64: 1000, 128>}, {transform_indices = @transform_2, window_bounds = array<i64: 1000, 128>}, {transform_indices = @transform_3, window_bounds = array<i64: 1000, 128>}, {pipeline_mode = #tpu.pipeline_mode<synchronous>, transform_indices = @transform_4, window_bounds = array<i64: 1, 128>}, {pipeline_mode = #tpu.pipeline_mode<synchronous>, transform_indices = @transform_5, window_bounds = array<i64: 128, 128>}, {transform_indices = @transform_6, window_bounds = array<i64: 1000, 128>}]} {
    %get3A = arith.constant 0 : index
    %get3A_0 = arith.constant 0 : index
    %get3A_1 = vector.load %arg1[%get3A, %get3A_0] : memref<1000x128xf32, #tpu.memory_space<vmem>>, vector<1000x128xf32>
    %get3A_2 = arith.constant 0 : index
    %get3A_3 = arith.constant 0 : index
    %get3A_4 = vector.load %arg2[%get3A_2, %get3A_3] : memref<1000x128xf32, #tpu.memory_space<vmem>>, vector<1000x128xf32>
    %add3A = arith.addf %get3A_1, %get3A_4 : vector<1000x128xf32>
    %get3A_5 = arith.constant 0 : index
    %get3A_6 = arith.constant 0 : index
    %get3A_7 = vector.load %arg3[%get3A_5, %get3A_6] : memref<1000x128xf32, #tpu.memory_space<vmem>>, vector<1000x128xf32>
    %get3A_8 = arith.constant 0 : index
    %get3A_9 = arith.constant 0 : index
    %get3A_10 = vector.load %arg4[%get3A_8, %get3A_9] : memref<1000x128xf32, #tpu.memory_space<vmem>>, vector<1000x128xf32>
    %slice3A = vector.extract_strided_slice %get3A_7 {offsets = [0, 64], sizes = [1000, 1], strides = [1, 1]} : vector<1000x128xf32> to vector<1000x1xf32>
    %squeeze3A = vector.shape_cast %slice3A : vector<1000x1xf32> to vector<1000xf32>
    %slice3A_11 = vector.extract_strided_slice %get3A_10 {offsets = [0, 64], sizes = [1000, 1], strides = [1, 1]} : vector<1000x128xf32> to vector<1000x1xf32>
    %squeeze3A_12 = vector.shape_cast %slice3A_11 : vector<1000x1xf32> to vector<1000xf32>
    %add3A_13 = arith.addf %squeeze3A, %squeeze3A_12 : vector<1000xf32>
    %gt3A = arith.constant 0.000000e+00 : f32
    %gt3A_14 = vector.broadcast %gt3A : f32 to vector<1000xf32>
    %gt3A_15 = arith.cmpf ogt, %add3A_13, %gt3A_14 : vector<1000xf32>
    %max3A = arith.constant 1.000000e+00 : f32
    %max3A_16 = vector.broadcast %max3A : f32 to vector<1000xf32>
    %max3A_17 = arith.maximumf %add3A_13, %max3A_16 : vector<1000xf32>
    %rsqrt3A = math.rsqrt %max3A_17 : vector<1000xf32>
    %jit3A = arith.constant 0.000000e+00 : f32
    %broadcast_in_dim3A = vector.broadcast %jit3A : f32 to vector<1000xf32>
    %select_n3A = arith.select %gt3A_15, %rsqrt3A, %broadcast_in_dim3A : vector<1000xi1>, vector<1000xf32>
    %broadcast_in_dim3A_18 = vector.shape_cast %select_n3A : vector<1000xf32> to vector<1000x1xf32>
    %mul3A = vector.broadcast %broadcast_in_dim3A_18 : vector<1000x1xf32> to vector<1000x128xf32>
    %mul3A_19 = arith.mulf %add3A, %mul3A : vector<1000x128xf32>
    %get3A_20 = arith.constant 0 : index
    %get3A_21 = arith.constant 0 : index
    %get3A_22 = vector.load %arg5[%get3A_20, %get3A_21] : memref<1x128xf32, #tpu.memory_space<vmem>>, vector<1x128xf32>
    %add3A_23 = vector.broadcast %get3A_22 : vector<1x128xf32> to vector<1000x128xf32>
    %add3A_24 = arith.addf %mul3A_19, %add3A_23 : vector<1000x128xf32>
    %max3A_25 = arith.constant 0.000000e+00 : f32
    %max3A_26 = vector.broadcast %max3A_25 : f32 to vector<1000x128xf32>
    %max3A_27 = arith.maximumf %add3A_24, %max3A_26 : vector<1000x128xf32>
    %get3A_28 = arith.constant 0 : index
    %get3A_29 = arith.constant 0 : index
    %get3A_30 = vector.load %arg3[%get3A_28, %get3A_29] : memref<1000x128xf32, #tpu.memory_space<vmem>>, vector<1000x128xf32>
    %get3A_31 = arith.constant 0 : index
    %get3A_32 = arith.constant 0 : index
    %get3A_33 = vector.load %arg4[%get3A_31, %get3A_32] : memref<1000x128xf32, #tpu.memory_space<vmem>>, vector<1000x128xf32>
    %slice3A_34 = vector.extract_strided_slice %get3A_30 {offsets = [0, 0], sizes = [1000, 1], strides = [1, 1]} : vector<1000x128xf32> to vector<1000x1xf32>
    %squeeze3A_35 = vector.shape_cast %slice3A_34 : vector<1000x1xf32> to vector<1000xf32>
    %slice3A_36 = vector.extract_strided_slice %get3A_33 {offsets = [0, 0], sizes = [1000, 1], strides = [1, 1]} : vector<1000x128xf32> to vector<1000x1xf32>
    %squeeze3A_37 = vector.shape_cast %slice3A_36 : vector<1000x1xf32> to vector<1000xf32>
    %add3A_38 = arith.addf %squeeze3A_35, %squeeze3A_37 : vector<1000xf32>
    %gt3A_39 = arith.constant 0.000000e+00 : f32
    %gt3A_40 = vector.broadcast %gt3A_39 : f32 to vector<1000xf32>
    %gt3A_41 = arith.cmpf ogt, %add3A_38, %gt3A_40 : vector<1000xf32>
    %max3A_42 = arith.constant 1.000000e+00 : f32
    %max3A_43 = vector.broadcast %max3A_42 : f32 to vector<1000xf32>
    %max3A_44 = arith.maximumf %add3A_38, %max3A_43 : vector<1000xf32>
    %rsqrt3A_45 = math.rsqrt %max3A_44 : vector<1000xf32>
    %jit3A_46 = arith.constant 0.000000e+00 : f32
    %broadcast_in_dim3A_47 = vector.broadcast %jit3A_46 : f32 to vector<1000xf32>
    %select_n3A_48 = arith.select %gt3A_41, %rsqrt3A_45, %broadcast_in_dim3A_47 : vector<1000xi1>, vector<1000xf32>
    %get3A_49 = arith.constant 0 : index
    %get3A_50 = arith.constant 0 : index
    %get3A_51 = vector.load %arg6[%get3A_49, %get3A_50] : memref<128x128xf32, #tpu.memory_space<vmem>>, vector<128x128xf32>
    %dot_general3A = arith.constant dense<0.000000e+00> : vector<1000x128xf32>
    %dot_general3A_52 = tpu.matmul %max3A_27, %get3A_51, %dot_general3A {dimension_numbers = #tpu.dot_dimension_numbers<[1], [0], [0], [1], [0, 0, 1, 1], [], []>, transpose_lhs_hint = false} : vector<1000x128xf32>, vector<128x128xf32>, vector<1000x128xf32> -> vector<1000x128xf32>
    %broadcast_in_dim3A_53 = vector.shape_cast %select_n3A_48 : vector<1000xf32> to vector<1000x1xf32>
    %mul3A_54 = vector.broadcast %broadcast_in_dim3A_53 : vector<1000x1xf32> to vector<1000x128xf32>
    %mul3A_55 = arith.mulf %dot_general3A_52, %mul3A_54 : vector<1000x128xf32>
    %swap3A = arith.constant 0 : index
    %swap3A_56 = arith.constant 0 : index
    %swap3A_57 = vector.load %arg7[%swap3A, %swap3A_56] : memref<1000x128xf32, #tpu.memory_space<vmem>>, vector<1000x128xf32>
    tpu.vector_store %arg7[%swap3A, %swap3A_56], %mul3A_55 {strides = array<i32>} : memref<1000x128xf32, #tpu.memory_space<vmem>>, vector<1000x128xf32>,
    return
  }
  func.func @transform_0(%arg0: i32) -> (i32, i32) {
    %c0_i32 = arith.constant 0 : i32
    %c0_i32_0 = arith.constant 0 : i32
    return %arg0, %c0_i32 : i32, i32
  }
  func.func @transform_1(%arg0: i32) -> (i32, i32) {
    %c0_i32 = arith.constant 0 : i32
    %c0_i32_0 = arith.constant 0 : i32
    return %arg0, %c0_i32 : i32, i32
  }
  func.func @transform_2(%arg0: i32) -> (i32, i32) {
    %c0_i32 = arith.constant 0 : i32
    %c0_i32_0 = arith.constant 0 : i32
    return %arg0, %c0_i32 : i32, i32
  }
  func.func @transform_3(%arg0: i32) -> (i32, i32) {
    %c0_i32 = arith.constant 0 : i32
    %c0_i32_0 = arith.constant 0 : i32
    return %arg0, %c0_i32 : i32, i32
  }
  func.func @transform_4(%arg0: i32) -> (i32, i32) {
    %c0_i32 = arith.constant 0 : i32
    %c0_i32_0 = arith.constant 0 : i32
    %c0_i32_1 = arith.constant 0 : i32
    return %c0_i32, %c0_i32_0 : i32, i32
  }
  func.func @transform_5(%arg0: i32) -> (i32, i32) {
    %c0_i32 = arith.constant 0 : i32
    %c0_i32_0 = arith.constant 0 : i32
    %c0_i32_1 = arith.constant 0 : i32
    return %c0_i32, %c0_i32_0 : i32, i32
  }
  func.func @transform_6(%arg0: i32) -> (i32, i32) {
    %c0_i32 = arith.constant 0 : i32
    %c0_i32_0 = arith.constant 0 : i32
    return %arg0, %c0_i32 : i32, i32
  }
}

module attributes {stable_mosaic.version = 14 : i64} {
  func.func @_back_body(%arg0: i32, %arg1: memref<1000x128xf32, #tpu.memory_space<vmem>>, %arg2: memref<1000x128xf32, #tpu.memory_space<vmem>>, %arg3: memref<1000x128xf32, #tpu.memory_space<vmem>>, %arg4: memref<1000x128xf32, #tpu.memory_space<vmem>>, %arg5: memref<1x128xf32, #tpu.memory_space<vmem>>, %arg6: memref<128x64xf32, #tpu.memory_space<vmem>>, %arg7: memref<1x64xf32, #tpu.memory_space<vmem>>, %arg8: memref<64x1xf32, #tpu.memory_space<vmem>>, %arg9: memref<1x1xf32, #tpu.memory_space<vmem>>, %arg10: memref<1000x1xf32, #tpu.memory_space<vmem>>) attributes {dimension_semantics = [#tpu.dimension_semantics<arbitrary>], iteration_bounds = array<i64: 10>, scalar_prefetch = 0 : i64, scratch_operands = 0 : i64, tpu.core_type = #tpu.core_type<tc>, window_params = [{transform_indices = @transform_0, window_bounds = array<i64: 1000, 128>}, {transform_indices = @transform_1, window_bounds = array<i64: 1000, 128>}, {transform_indices = @transform_2, window_bounds = array<i64: 1000, 128>}, {transform_indices = @transform_3, window_bounds = array<i64: 1000, 128>}, {pipeline_mode = #tpu.pipeline_mode<synchronous>, transform_indices = @transform_4, window_bounds = array<i64: 1, 128>}, {pipeline_mode = #tpu.pipeline_mode<synchronous>, transform_indices = @transform_5, window_bounds = array<i64: 128, 64>}, {pipeline_mode = #tpu.pipeline_mode<synchronous>, transform_indices = @transform_6, window_bounds = array<i64: 1, 64>}, {pipeline_mode = #tpu.pipeline_mode<synchronous>, transform_indices = @transform_7, window_bounds = array<i64: 64, 1>}, {pipeline_mode = #tpu.pipeline_mode<synchronous>, transform_indices = @transform_8, window_bounds = array<i64: 1, 1>}, {transform_indices = @transform_9, window_bounds = array<i64: 1000, 1>}]} {
    %get3A = arith.constant 0 : index
    %get3A_0 = arith.constant 0 : index
    %get3A_1 = vector.load %arg1[%get3A, %get3A_0] : memref<1000x128xf32, #tpu.memory_space<vmem>>, vector<1000x128xf32>
    %get3A_2 = arith.constant 0 : index
    %get3A_3 = arith.constant 0 : index
    %get3A_4 = vector.load %arg2[%get3A_2, %get3A_3] : memref<1000x128xf32, #tpu.memory_space<vmem>>, vector<1000x128xf32>
    %add3A = arith.addf %get3A_1, %get3A_4 : vector<1000x128xf32>
    %get3A_5 = arith.constant 0 : index
    %get3A_6 = arith.constant 0 : index
    %get3A_7 = vector.load %arg3[%get3A_5, %get3A_6] : memref<1000x128xf32, #tpu.memory_space<vmem>>, vector<1000x128xf32>
    %get3A_8 = arith.constant 0 : index
    %get3A_9 = arith.constant 0 : index
    %get3A_10 = vector.load %arg4[%get3A_8, %get3A_9] : memref<1000x128xf32, #tpu.memory_space<vmem>>, vector<1000x128xf32>
    %slice3A = vector.extract_strided_slice %get3A_7 {offsets = [0, 64], sizes = [1000, 1], strides = [1, 1]} : vector<1000x128xf32> to vector<1000x1xf32>
    %squeeze3A = vector.shape_cast %slice3A : vector<1000x1xf32> to vector<1000xf32>
    %slice3A_11 = vector.extract_strided_slice %get3A_10 {offsets = [0, 64], sizes = [1000, 1], strides = [1, 1]} : vector<1000x128xf32> to vector<1000x1xf32>
    %squeeze3A_12 = vector.shape_cast %slice3A_11 : vector<1000x1xf32> to vector<1000xf32>
    %add3A_13 = arith.addf %squeeze3A, %squeeze3A_12 : vector<1000xf32>
    %gt3A = arith.constant 0.000000e+00 : f32
    %gt3A_14 = vector.broadcast %gt3A : f32 to vector<1000xf32>
    %gt3A_15 = arith.cmpf ogt, %add3A_13, %gt3A_14 : vector<1000xf32>
    %max3A = arith.constant 1.000000e+00 : f32
    %max3A_16 = vector.broadcast %max3A : f32 to vector<1000xf32>
    %max3A_17 = arith.maximumf %add3A_13, %max3A_16 : vector<1000xf32>
    %rsqrt3A = math.rsqrt %max3A_17 : vector<1000xf32>
    %jit3A = arith.constant 0.000000e+00 : f32
    %broadcast_in_dim3A = vector.broadcast %jit3A : f32 to vector<1000xf32>
    %select_n3A = arith.select %gt3A_15, %rsqrt3A, %broadcast_in_dim3A : vector<1000xi1>, vector<1000xf32>
    %broadcast_in_dim3A_18 = vector.shape_cast %select_n3A : vector<1000xf32> to vector<1000x1xf32>
    %mul3A = vector.broadcast %broadcast_in_dim3A_18 : vector<1000x1xf32> to vector<1000x128xf32>
    %mul3A_19 = arith.mulf %add3A, %mul3A : vector<1000x128xf32>
    %get3A_20 = arith.constant 0 : index
    %get3A_21 = arith.constant 0 : index
    %get3A_22 = vector.load %arg5[%get3A_20, %get3A_21] : memref<1x128xf32, #tpu.memory_space<vmem>>, vector<1x128xf32>
    %add3A_23 = vector.broadcast %get3A_22 : vector<1x128xf32> to vector<1000x128xf32>
    %add3A_24 = arith.addf %mul3A_19, %add3A_23 : vector<1000x128xf32>
    %get3A_25 = arith.constant 0 : index
    %get3A_26 = arith.constant 0 : index
    %get3A_27 = vector.load %arg6[%get3A_25, %get3A_26] : memref<128x64xf32, #tpu.memory_space<vmem>>, vector<128x64xf32>
    %dot_general3A = arith.constant dense<0.000000e+00> : vector<1000x64xf32>
    %dot_general3A_28 = tpu.matmul %add3A_24, %get3A_27, %dot_general3A {dimension_numbers = #tpu.dot_dimension_numbers<[1], [0], [0], [1], [0, 0, 1, 1], [], []>, transpose_lhs_hint = false} : vector<1000x128xf32>, vector<128x64xf32>, vector<1000x64xf32> -> vector<1000x64xf32>
    %get3A_29 = arith.constant 0 : index
    %get3A_30 = arith.constant 0 : index
    %get3A_31 = vector.load %arg7[%get3A_29, %get3A_30] : memref<1x64xf32, #tpu.memory_space<vmem>>, vector<1x64xf32>
    %add3A_32 = vector.broadcast %get3A_31 : vector<1x64xf32> to vector<1000x64xf32>
    %add3A_33 = arith.addf %dot_general3A_28, %add3A_32 : vector<1000x64xf32>
    %get3A_34 = arith.constant 0 : index
    %get3A_35 = arith.constant 0 : index
    %get3A_36 = vector.load %arg8[%get3A_34, %get3A_35] : memref<64x1xf32, #tpu.memory_space<vmem>>, vector<64x1xf32>
    %dot_general3A_37 = arith.constant dense<0.000000e+00> : vector<1000x1xf32>
    %dot_general3A_38 = tpu.matmul %add3A_33, %get3A_36, %dot_general3A_37 {dimension_numbers = #tpu.dot_dimension_numbers<[1], [0], [0], [1], [0, 0, 1, 1], [], []>, transpose_lhs_hint = false} : vector<1000x64xf32>, vector<64x1xf32>, vector<1000x1xf32> -> vector<1000x1xf32>
    %get3A_39 = arith.constant 0 : index
    %get3A_40 = arith.constant 0 : index
    %get3A_41 = vector.load %arg9[%get3A_39, %get3A_40] : memref<1x1xf32, #tpu.memory_space<vmem>>, vector<1x1xf32>
    %add3A_42 = vector.broadcast %get3A_41 : vector<1x1xf32> to vector<1000x1xf32>
    %add3A_43 = arith.addf %dot_general3A_38, %add3A_42 : vector<1000x1xf32>
    %swap3A = arith.constant 0 : index
    %swap3A_44 = arith.constant 0 : index
    %swap3A_45 = vector.load %arg10[%swap3A, %swap3A_44] : memref<1000x1xf32, #tpu.memory_space<vmem>>, vector<1000x1xf32>
    tpu.vector_store %arg10[%swap3A, %swap3A_44], %add3A_43 {strides = array<i32>} : memref<1000x1xf32, #tpu.memory_space<vmem>>, vector<1000x1xf32>,
    return
  }
  func.func @transform_0(%arg0: i32) -> (i32, i32) {
    %c0_i32 = arith.constant 0 : i32
    %c0_i32_0 = arith.constant 0 : i32
    return %arg0, %c0_i32 : i32, i32
  }
  func.func @transform_1(%arg0: i32) -> (i32, i32) {
    %c0_i32 = arith.constant 0 : i32
    %c0_i32_0 = arith.constant 0 : i32
    return %arg0, %c0_i32 : i32, i32
  }
  func.func @transform_2(%arg0: i32) -> (i32, i32) {
    %c0_i32 = arith.constant 0 : i32
    %c0_i32_0 = arith.constant 0 : i32
    return %arg0, %c0_i32 : i32, i32
  }
  func.func @transform_3(%arg0: i32) -> (i32, i32) {
    %c0_i32 = arith.constant 0 : i32
    %c0_i32_0 = arith.constant 0 : i32
    return %arg0, %c0_i32 : i32, i32
  }
  func.func @transform_4(%arg0: i32) -> (i32, i32) {
    %c0_i32 = arith.constant 0 : i32
    %c0_i32_0 = arith.constant 0 : i32
    %c0_i32_1 = arith.constant 0 : i32
    return %c0_i32, %c0_i32_0 : i32, i32
  }
  func.func @transform_5(%arg0: i32) -> (i32, i32) {
    %c0_i32 = arith.constant 0 : i32
    %c0_i32_0 = arith.constant 0 : i32
    %c0_i32_1 = arith.constant 0 : i32
    return %c0_i32, %c0_i32_0 : i32, i32
  }
  func.func @transform_6(%arg0: i32) -> (i32, i32) {
    %c0_i32 = arith.constant 0 : i32
    %c0_i32_0 = arith.constant 0 : i32
    %c0_i32_1 = arith.constant 0 : i32
    return %c0_i32, %c0_i32_0 : i32, i32
  }
  func.func @transform_7(%arg0: i32) -> (i32, i32) {
    %c0_i32 = arith.constant 0 : i32
    %c0_i32_0 = arith.constant 0 : i32
    %c0_i32_1 = arith.constant 0 : i32
    return %c0_i32, %c0_i32_0 : i32, i32
  }
  func.func @transform_8(%arg0: i32) -> (i32, i32) {
    %c0_i32 = arith.constant 0 : i32
    %c0_i32_0 = arith.constant 0 : i32
    %c0_i32_1 = arith.constant 0 : i32
    return %c0_i32, %c0_i32_0 : i32, i32
  }
  func.func @transform_9(%arg0: i32) -> (i32, i32) {
    %c0_i32 = arith.constant 0 : i32
    %c0_i32_0 = arith.constant 0 : i32
    return %arg0, %c0_i32 : i32, i32
  }
}

</mosaic_0001>

<sc_bundles>
// kernel: kernel.11.cloned.1.call-start
scs
__scs_entry_jumppad:
0x0: {  	(pc) =	sbr.rel $0x88, $3  }
0x1: {  	(tag) =	ssettag $0x0;
	lr =	simm.s32 $0x1  }
0x2: {  	[smem:$0x3F95] =	sst lr;
	_ =	strace $0xD0000000  }
0x3: {  	_ = 	snop  }
0x4: {  	_ = 	snop  }
0x5: {  	_ = 	snop  }
0x6: {  	_ = 	snop  }
0x7: {  	_ = 	snop  }
__scs_overlays_trampoline_lowered:
0x8: {  	[smem:$0x3FA4] =	sst s0  }
0x9: {  	[smem:$0x3FA5] =	sst s1  }
0xa: {  	[smem:$0x3FA6] =	sst s2  }
0xb: {  	[smem:$0x3FA7] =	sst s3  }
0xc: {  	[smem:$0x3FA8] =	sst s4  }
0xd: {  	[smem:$0x3FA9] =	sst s5  }
0xe: {  	[smem:$0x3FAA] =	sst s6  }
0xf: {  	[smem:$0x3FAB] =	sst s7  }
0x10: {  	[smem:$0x3FAC] =	sst s8  }
0x11: {  	[smem:$0x3FAD] =	sst s9;
	s0 =	simm.s32 @!p0 $0x0  }
0x12: {  	s1 =	sld [smem:$0x3F93];
	s0 =	simm.s32 @p0 $0x1  }
0x13: {  	[smem:$0x3FAE] =	sst s0;
	s0 =	simm.s32 @!p1 $0x0  }
0x14: {  	s2 =	sld [smem:$0x3F92];
	s0 =	simm.s32 @p1 $0x1  }
0x15: {  	[smem:$0x3FAF] =	sst s0;
	s0 =	simm.s32 @!p2 $0x0  }
0x16: {  	s3 =	sld [smem:$0x3FDB];
	s0 =	simm.s32 @p2 $0x1  }
0x17: {  	s4 =	simm.s32 $0x1BF5;
	[smem:$0x3FB1] =	sst s0  }
0x18: {  	s0 =	sld [smem:$0x3F94];
	_ =	swait.ge [sflag:s4], $0x0  }
0x19: {  	s7 =	sld [smem:$0x3F95]  }
0x1a: {  	s8 =	sadd.s32 $0xFFFFE003, lr  }
0x1b: {  	s9 =	sadd.s32 $0xFFFFFEF7, lr;
	s5 =	simm.s32 $0xFFFFFFFF;
	p2 =	slt.u32 s8, $0xFFFFF086  }
0x1c: {  	p1 =	slt.u32 s9, $0xF7A;
	s5 =	simm.s32 @!p2 $0x0  }
0x1d: {  	s5 =	simm.s32 @p1 $0x1;
	p0 =	seq.s32 s7, s2  }
0x1e: {  	s7 =	smul.u32 @!p0 $0xF7A, s2;
	p2 =	seq.s32 @!p0 s5, $0x0  }
0x1f: {  	s9 =	smul.u32 $0xF7A, s1;
	s8 =	simm.s32 @!p0 $0x1BF5;
	p2 =	por !p2, p0  }
0x20: {  	[sflag:s8] =	ssyncset.s32 @!p0 $0xFFFFF086;
	s6 =	sadd.s32 @!p0 s3, s7;
	s7 =	simm.s32 @!p0 $0x108  }
0x21: {  	s3 =	sadd.s32 s3, s9;
	s6 =	sadd.s32 @!p0 $0x88, s6;
	s7 =	simm.s32 @p2 $0x1082  }
0x22: {  	[simem:s7], [sflag:s8] =	dma.local @!p0 [hbm:s6], $0xF7A  }
0x23: {  	s9 =	sor.u32 $0xD0000000, s2;
	s6 =	simm.s32 $0x108;
	_ =	swait.ge @!p0 [sflag:s8], $0x0  }
0x24: {  	s3 =	sadd.s32 $0x88, s3;
	s6 =	simm.s32 @!p1 $0x1082;
	[sflag:s4] =	ssyncset.s32 $0xFFFFF086  }
0x25: {  	[simem:s6], [sflag:s4] =	dma.local [hbm:s3], $0xF7A  }
0x26: {  	[smem:$0x3F95] =	sst s1;
	(tag) =	ssettag s2;
	_ =	strace s9  }
0x27: {  	s1 =	sld [smem:$0x3FA5]  }
0x28: {  	s2 =	sld [smem:$0x3FA6]  }
0x29: {  	s4 =	sld [smem:$0x3FA8]  }
0x2a: {  	p0 =	seq.s32 s5, $0x0;
	s5 =	sld [smem:$0x3FA9]  }
0x2b: {  	s6 =	sld [smem:$0x3FAA]  }
0x2c: {  	s7 =	sld [smem:$0x3FAB]  }
0x2d: {  	s3 =	simm.s32 $0x108;
	s8 =	sld [smem:$0x3FAC]  }
0x2e: {  	s3 =	simm.s32 @!p0 $0x1082;
	s9 =	sld [smem:$0x3FAD]  }
0x2f: {  	lr =	sadd.s32 s0, s3;
	s0 =	sld [smem:$0x3FA4]  }
0x30: {  	s3 =	sld [smem:$0x3FA7]  }
0x31: {  	[smem:$0x3FB0] =	sst s10  }
0x32: {  	s10 =	sld [smem:$0x3FAE];
	_ =	sdelay $0x3  }
0x33: {  	p0 =	seq.s32 s10, $0x1;
	s10 =	sld [smem:$0x3FB0];
	_ =	sdelay $0x3  }
0x34: {  	[smem:$0x3FB0] =	sst s10  }
0x35: {  	s10 =	sld [smem:$0x3FAF];
	_ =	sdelay $0x3  }
0x36: {  	p1 =	seq.s32 s10, $0x1;
	s10 =	sld [smem:$0x3FB0];
	_ =	sdelay $0x3  }
0x37: {  	[smem:$0x3FB0] =	sst s10  }
0x38: {  	s10 =	sld [smem:$0x3FB1]  }
0x39: {  	_ = 	snop;
	(pc) =	sbr.ind lr, $3  }
0x3a: {  	_ = 	snop  }
0x3b: {  	_ = 	snop  }
0x3c: {  	p2 =	seq.s32 s10, $0x1;
	s10 =	sld [smem:$0x3FB0]  }
0x3d: {  	_ =	shalt  }
0x3e: {  	_ =	shalt  }
0x3f: {  	_ =	shalt  }
0x40: {  	_ =	shalt  }
0x41: {  	_ =	shalt  }
0x42: {  	_ =	shalt  }
0x43: {  	_ =	shalt  }
0x44: {  	_ =	shalt  }
0x45: {  	_ =	shalt  }
0x46: {  	_ =	shalt  }
0x47: {  	_ =	shalt  }
0x48: {  	_ =	shalt  }
0x49: {  	_ =	shalt  }
0x4a: {  	_ =	shalt  }
0x4b: {  	_ =	shalt  }
0x4c: {  	_ =	shalt  }
0x4d: {  	_ =	shalt  }
0x4e: {  	_ =	shalt  }
0x4f: {  	_ =	shalt  }
0x50: {  	_ =	shalt  }
0x51: {  	_ =	shalt  }
0x52: {  	_ =	shalt  }
0x53: {  	_ =	shalt  }
0x54: {  	_ =	shalt  }
0x55: {  	_ =	shalt  }
0x56: {  	_ =	shalt  }
0x57: {  	_ =	shalt  }
0x58: {  	_ =	shalt  }
0x59: {  	_ =	shalt  }
0x5a: {  	_ =	shalt  }
0x5b: {  	_ =	shalt  }
0x5c: {  	_ =	shalt  }
0x5d: {  	_ =	shalt  }
0x5e: {  	_ =	shalt  }
0x5f: {  	_ =	shalt  }
0x60: {  	_ =	shalt  }
0x61: {  	_ =	shalt  }
0x62: {  	_ =	shalt  }
0x63: {  	_ =	shalt  }
0x64: {  	_ =	shalt  }
0x65: {  	_ =	shalt  }
0x66: {  	_ =	shalt  }
0x67: {  	_ =	shalt  }
0x68: {  	_ =	shalt  }
0x69: {  	_ =	shalt  }
0x6a: {  	_ =	shalt  }
0x6b: {  	_ =	shalt  }
0x6c: {  	_ =	shalt  }
0x6d: {  	_ =	shalt  }
0x6e: {  	_ =	shalt  }
0x6f: {  	_ =	shalt  }
0x70: {  	_ =	shalt  }
0x71: {  	_ =	shalt  }
0x72: {  	_ =	shalt  }
0x73: {  	_ =	shalt  }
0x74: {  	_ =	shalt  }
0x75: {  	_ =	shalt  }
0x76: {  	_ =	shalt  }
0x77: {  	_ =	shalt  }
0x78: {  	_ =	shalt  }
0x79: {  	_ =	shalt  }
0x7a: {  	_ =	shalt  }
0x7b: {  	_ =	shalt  }
0x7c: {  	_ =	shalt  }
0x7d: {  	_ =	shalt  }
0x7e: {  	_ =	shalt  }
0x7f: {  	_ =	shalt  }
0x80: {  	_ =	shalt  }
0x81: {  	_ =	shalt  }
0x82: {  	_ =	shalt  }
0x83: {  	_ =	shalt  }
0x84: {  	_ =	shalt  }
0x85: {  	_ =	shalt  }
0x86: {  	_ =	shalt  }
0x87: {  	_ =	shalt  }
.Lfunc_end0:
.L_simem_size_0:
called_computation.1_lowered:
.L_overlay_start_0:
0x88: {  	s2 =	sld [smem:$0x3FD9]  }
0x89: {  	s3 =	sld [smem:$0x3FFE];
	_ =	sdelay $0x1  }
0x8a: {  	s1 =	srdreg.scid  }
0x8b: {  	s0 =	sand.u32 $0x1, s1  }
0x8c: {  	s16 =	sshll.u32 s0, $0xA;
	s2 =	sadd.s32 s3, s2  }
0x8d: {  	s2 =	sadd.s32 s2, s16  }
0x8e: {  	[smem:$0x3FBC] =	sst s2  }
0x8f: {  	_ = 	snop  }
0x90: {  	(tm) =	ssettm $0x1  }
0x91: {  	s17 =	sld [smem:$0x3FFB];
	_ =	sdelay $0x3  }
0x92: {  	_ =	strace s17  }
0x93: {  	s2 =	sld [smem:$0x3FFC];
	_ =	sdelay $0x3  }
0x94: {  	_ =	strace s2  }
0x95: {  	s2 =	sld [smem:$0x3FFD];
	_ =	sdelay $0x3  }
0x96: {  	_ =	strace s2  }
0x97: {  	_ =	strace $0x8FFFFFFF  }
0x98: {  	s18 =	sld [smem:$0x3FDB];
	_ =	sdelay $0x1  }
0x99: {  	s19 =	simm.s32 $_scs_section_size  }
0x9a: {  	s4 =	simm.s32 $_size__tile_overlayer_lowered;
	s5 =	simm.s32 $_tile_overlayer_lowered  }
0x9b: {  	s22 =	simm.s32 $0x1BFF;
	s21 =	sshll.u32 s5, $0x1;
	s2 =	sadd.s32 s19, s18  }
0x9c: {  	s6 =	simm.s32 $0x0;
	s20 =	sshll.u32 s4, $0x1;
	s4 =	sadd.s32 s21, s2  }
0x9d: {  	[timem:s6], [sflag:s22] =	dma.local [hbm:s4], s20  }
0x9e: {  	_ =	swait.ge [sflag:s22], s20  }
0x9f: {  	s3 =	ssub.s32 $0x0, s20;
	[sflag:s22] =	ssyncset.done $0x0  }
0xa0: {  	[sflag:s22] =	ssyncadd.s32 s3;
	_ =	sdelay $0x1  }
0xa1: {  	s23 =	simm.s32 $0x1B8B  }
0xa2: {  	_ =	swait.ge [sflag:s23], $0x1  }
0xa3: {  	[sflag:s23] =	ssyncset.done $0x0  }
0xa4: {  	s25 =	simm.s32 $0x1B8E;
	s24 =	sld [smem:$0x3FFE];
	[sflag:s23] =	ssyncadd.s32 $0xFFFFFFFF  }
0xa5: {  	s26 =	simm.s32 $execute0_lowered;
	[smem:$0x3FD2] =	sst s25  }
0xa6: {  	s4 =	sshll.u32 s26, $0x1;
	_ =	strace $0x80000049;
	[dreg:$0x1] =	wrdreg $0xFFFFFFFF  }
0xa7: {  	s28 =	simm.s32 $_size_execute0_lowered;
	s2 =	sadd.s32 s2, s4;
	[dreg:$0x0] =	wrdreg $0x0  }
0xa8: {  	s4 =	sshll.u32 s28, $0x1;
	[dreg:$0x2] =	wrdreg s2  }
0xa9: {  	[dreg:$0x3] =	wrdreg s4  }
0xaa: {  	[dreg:$0x4] =	wrdreg $0xC0  }
0xab: {  	_ =	task [dreg:s6], $0x5FFFF  }
0xac: {  	[dreg:$0x1] =	wrdreg $0xFFFFFFFF  }
0xad: {  	[dreg:$0x0] =	wrdreg $0x60  }
0xae: {  	[dreg:$0x2] =	wrdreg s24  }
0xaf: {  	[dreg:$0x3] =	wrdreg $0x86000  }
0xb0: {  	[dreg:$0x4] =	wrdreg $0x9  }
0xb1: {  	_ =	task.clear_ibuf [dreg:s6], $0x5FFFF;
	_ =	strace $0x90000049  }
0xb2: {  	s29 =	simm.s32 $0x9;
	_ =	strace $0x8000004B  }
0xb3: {  	_ =	swait.ge [sflag:s29], $0x1  }
0xb4: {  	[sflag:s29] =	ssyncadd.s32 $0xFFFFFFFF  }
0xb5: {  	_ =	strace $0x9000004B  }
0xb6: {  	_ =	sfence  }
0xb7: {  	s30 =	sld [smem:$0x0];
	_ =	sdelay $0x2  }
0xb8: {  	s31 =	sshll.u32 s1, $0xD;
	s1 =	sshrl.u32 s1, $0x2  }
0xb9: {  	s3 =	sand.u32 $0x4000, s31;
	s1 =	sadd.s32 s1, s30  }
0xba: {  	s0 =	sor.u32 s3, s0;
	s1 =	sshll.u32 s1, $0x11  }
0xbb: {  	s0 =	sor.u32 s1, s0  }
0xbc: {  	s0 =	sadd.s32 $0x8F2B, s0  }
0xbd: {  	[sflag:s0] =	ssyncadd.remote.s32 $0x1  }
0xbe: {  	_ =	sfence.sel $0xFFFF  }
0xbf: {  	[dreg:$0x0] =	wrdreg $0xFFFFFFFF;
	(pc) =	sbr.abs _section_cstart, $3  }
0xc0: {  	[dreg:$0x1] =	wrdreg $0xFFFFFFFF  }
0xc1: {  	_ =	task.clear_ibuf [dreg:s6], $0x2FFFF;
	_ =	strace $0x9FFFFFFF  }
0xc2: {  	(tm) =	ssettm $0x7FFFFFFF  }
0xc3: {  	_ =	shalt  }
tec
execute0_lowered:
.L_overlay_start_1:
0x0: {  	(tag) =	ssettag $0x1  }
0x1: {  	s0 =	rddreg [dreg:$0x0]  }
0x2: {  	s1 =	rddreg [dreg:$0x1]  }
0x3: {  	s2 =	simm.s32 $0x0;
	s3 =	srdreg.scid;
	s11 =	stileid.u32  }
0x4: {  	s29 =	simm.s32 $0x0;
	[smem:$0x7FF] =	sst s2;
	s10 =	sadd.s32 $0xD200, s0  }
0x5: {  	s12 =	sadd.s32 $0x3400, s0;
	s6 =	sadd.s32 $0x17000, s0;
	s3 =	sand.u32 $0x1, s3  }
0x6: {  	s13 =	sadd.s32 $0x65400, s0;
	s7 =	smul.u32 $0x4E000, s11;
	s8 =	sshll.u32 s11, $0x7  }
0x7: {  	s14 =	sadd.s32 $0x8C600, s0;
	p1 =	sne.s32 s11, $0xF;
	p2 =	sgt.u32 s11, $0x1  }
0x8: {  	p3 =	seq.s32 s11, $0xF;
	_ =	strace $0x8000004A;
	s4 =	smul.u32 $0x27100, s3  }
0x9: {  	s5 =	ssub.s32 $0x2, s3;
	p0 =	seq.s32 s3, $0x1;
	[dreg:$0x3] =	wrdreg s13  }
0xa: {  	[dreg:$0x4] =	wrdreg s14;
	s31 =	smov.u32 s10;
	s21 =	sshrl.u32 s5, $0x1  }
0xb: {  	s22 =	sshrl.u32 s7, $0x2;
	s9 =	sadd.s32 s8, s4;
	s0 =	ssub.s32 s5, s21  }
0xc: {  	s30 =	sadd.s32 s22, s1;
	s23 =	sshrl.u32 s9, $0x3;
	s25 =	sadd.s32 $0x800, s9  }
0xd: {  	s26 =	sadd.s32 $0x1000, s9;
	s8 =	sadd.s32 $0x1800, s9;
	s18 =	sadd.s32 $0x2000, s9  }
0xe: {  	s20 =	sadd.s32 $0x2800, s9;
	s0 =	smax.u32 s0, $0x1;
	[dreg:$0x5] =	wrdreg s30  }
0xf: {  	s24 =	sadd.s32 s10, s23;
	s5 =	sadd.s32 s12, s23;
	s4 =	sshrl.u32 s25, $0x3  }
0x10: {  	s16 =	sshrl.u32 s8, $0x3;
	s19 =	sshrl.u32 s18, $0x3;
	[dreg:$0x16] =	wrdreg s0  }
0x11: {  	s22 =	sshrl.u32 s20, $0x3;
	s23 =	sadd.s32 $0x27000, s9;
	[dreg:$0x6] =	wrdreg s24  }
0x12: {  	s8 =	sadd.s32 $0x5000, s9;
	s20 =	sadd.s32 $0x3000, s9;
	[dreg:$0x7] =	wrdreg s5  }
0x13: {  	s28 =	sadd.s32 s10, s4;
	s5 =	sshrl.u32 s26, $0x3;
	[dreg:$0x1c] =	wrdreg s20  }
0x14: {  	s4 =	sadd.s32 s12, s4;
	s17 =	sadd.s32 s10, s16;
	[dreg:$0x8] =	wrdreg s28  }
0x15: {  	s21 =	sadd.s32 s10, s19;
	s24 =	smul.u32 $0x2700, s11;
	[dreg:$0x9] =	wrdreg s4  }
0x16: {  	s26 =	sadd.s32 $0x5800, s9;
	s0 =	sshrl.u32 s8, $0x3;
	[dreg:$0xc] =	wrdreg s17  }
0x17: {  	s11 =	simm.s32 $0x480;
	s15 =	sadd.s32 s10, s5;
	[dreg:$0xe] =	wrdreg s21  }
0x18: {  	s20 =	simm.s32 $0x3;
	s5 =	sadd.s32 s12, s5;
	[dreg:$0xa] =	wrdreg s15  }
0x19: {  	s4 =	sadd.s32 s12, s16;
	s16 =	sadd.s32 $0x4000, s9;
	[dreg:$0xb] =	wrdreg s5  }
0x1a: {  	s17 =	sadd.s32 $0x3800, s9;
	s21 =	sadd.s32 $0x4000, s30;
	[dreg:$0xd] =	wrdreg s4  }
0x1b: {  	s4 =	sadd.s32 s12, s19;
	s5 =	sadd.s32 s10, s22;
	s28 =	sadd.s32 s13, s24  }
0x1c: {  	s3 =	sadd.s32 s14, s24;
	s13 =	sadd.s32 $0x4800, s9;
	[dreg:$0x1d] =	wrdreg s21  }
0x1d: {  	s14 =	sadd.s32 s0, s12;
	s0 =	sadd.s32 s0, s10;
	[dreg:$0xf] =	wrdreg s4  }
0x1e: {  	s18 =	sshrl.u32 s16, $0x3;
	s19 =	sshrl.u32 s17, $0x3;
	[dreg:$0x10] =	wrdreg s5  }
0x1f: {  	s16 =	simm.s32 $0x600;
	s17 =	simm.s32 $0x9;
	[dreg:$0x14] =	wrdreg s28  }
0x20: {  	s9 =	simm.s32 $0x4600;
	s21 =	simm.s32 $0x8;
	[dreg:$0x15] =	wrdreg s3  }
0x21: {  	s4 =	sadd.s32 s12, s22;
	s5 =	sshrl.u32 s26, $0x3;
	[dreg:$0x19] =	wrdreg s14  }
0x22: {  	[dreg:$0x1a] =	wrdreg s0;
	s8 =	sadd.s32 s18, s12;
	s24 =	sadd.s32 s18, s10  }
0x23: {  	s0 =	smov.u32 s12;
	s22 =	sadd.s32 $0x8000, s30;
	[dreg:$0x11] =	wrdreg s4  }
0x24: {  	s26 =	sadd.s32 $0x10000, s30;
	s28 =	sadd.s32 $0x138000, s1;
	[dreg:$0x1e] =	wrdreg s22  }
0x25: {  	s18 =	simm.s32 $0x80;
	s14 =	simm.s32 $0x1;
	[smem:$0x7FC] =	sst s26  }
0x26: {  	s4 =	sshrl.u32 s23, $0x3;
	s7 =	sadd.s32 s5, s12;
	[smem:$0x7FD] =	sst s28  }
0x27: {  	s3 =	sadd.s32 s5, s10;
	s23 =	sadd.s32 $0xC000, s30;
	[dreg:$0x17] =	wrdreg s7  }
0x28: {  	s22 =	simm.s32 $0x4;
	s26 =	simm.s32 $0x6;
	[dreg:$0x18] =	wrdreg s3  }
0x29: {  	s25 =	sadd.s32 s10, s4;
	s4 =	sadd.s32 s12, s4;
	[dreg:$0x1f] =	wrdreg s23  }
.Ltmp0:
0x2a: {  	s3 =	sshrl.u32 s13, $0x3;
	[dreg:$0x12] =	wrdreg s25;
	(pc) =	sbr.rel .LBB2_1-.Ltmp0, $4  }
0x2b: {  	s13 =	simm.s32 $0x580;
	s23 =	simm.s32 $0x5;
	[dreg:$0x13] =	wrdreg s4  }
0x2c: {  	s15 =	sadd.s32 s3, s12;
	s7 =	sadd.s32 s3, s10;
	s25 =	sadd.s32 s19, s12  }
0x2d: {  	s4 =	sadd.s32 s19, s10;
	s10 =	simm.s32 $0x400;
	s12 =	simm.s32 $0x500  }
0x2e: {  	v0 =	vimm.f32 $0.0e+00;
	s19 =	simm.s32 $0x7;
	[dreg:$0x1b] =	wrdreg s15;
	s15 =	simm.s32 $0x2  }
.LBB2_9:
0x2f: {  	s28 =	sld [smem:$0x7FD];
	_ =	sdelay $0x2  }
0x30: {  	s5 =	sadd.s32 $0x27000, s5;
	s28 =	sshrl.u32 s28, $0x3  }
0x31: {  	[hbm:s5], [sflag:s3] =	dma.local [spmem:s28], $0x100  }
0x32: {  	_ =	swait.ge [sflag:s17], $0x100  }
0x33: {  	[sflag:s17] =	ssyncset.done $0x0  }
0x34: {  	[sflag:s17] =	ssyncadd.s32 $0xFFFFFF00  }
.LBB2_10:
0x35: {  	s29 =	sadd.s32 $0x1, s29;
	s3 =	rddreg [dreg:$0x16]  }
0x36: {  	p4 =	sne.s32 s29, s3  }
.Ltmp1:
0x37: {  	_ = 	snop;
	(pc) =	sbr.rel @!p4 .LBB2_11-.Ltmp1, $1  }
0x38: {  	_ =	sdelay $0x3  }
.LBB2_1:
0x39: {  	s3 =	sand.u32 $0xFE00, s2  }
0x3a: {  	[smem:$0x7FB] =	sst s29;
	s5 =	sand.u32 $0x70, s2;
	s28 =	sshrl.u32 s3, $0x2  }
0x3b: {  	s3 =	simm.s32 $0x40;
	s28 =	sor.u32 s5, s28;
	s5 =	simm.s32 $0x0  }
.LBB2_2:
0x3c: {  	p4 =	sne.s32 s3, $0xFFC0  }
0x3d: {  	[tilespmem:s28+$0x600] =	vst v0;
	s5 =	sadd.s32 $0x10, s5;
	s28 =	smov.u32 s3;
	s3 =	sadd.s32 $0x40, s3  }
.Ltmp2:
0x3e: {  	(pc) =	sbr.rel @p4 .LBB2_2-.Ltmp2, $4  }
0x3f: {  	_ = 	snop  }
0x40: {  	s28 =	sand.u32 $0xFE00, s28  }
0x41: {  	s29 =	sand.u32 $0x70, s5;
	s28 =	sshrl.u32 s28, $0x2  }
0x42: {  	s28 =	sor.u32 s29, s28  }
0x43: {  	[tilespmem:s28+$0x600] =	vst v0  }
0x44: {  	[spmem:s30] =	stream.linear.scatter [tilespmem:s16], [sflag:$0x9], $0x4000, $0x38;
	[tilespmem:$0x1BE80] =	vst v63  }
0x45: {  	_ =	swait.ge [sflag:s17], $0x4000  }
0x46: {  	[sflag:s17] =	ssyncset.done $0x0  }
0x47: {  	s3 =	rddreg [dreg:$0x1d];
	[sflag:s17] =	ssyncadd.s32 $0xFFFFC000  }
0x48: {  	[spmem:s3] =	stream.linear.scatter [tilespmem:s16], [sflag:$0x9], $0x4000, $0x38;
	[tilespmem:$0x1BE80] =	vst v63  }
0x49: {  	_ =	swait.ge [sflag:s17], $0x4000  }
0x4a: {  	[sflag:s17] =	ssyncset.done $0x0  }
0x4b: {  	s29 =	rddreg [dreg:$0x1e];
	[sflag:s17] =	ssyncadd.s32 $0xFFFFC000  }
0x4c: {  	[spmem:s29] =	stream.linear.scatter [tilespmem:s16], [sflag:$0x9], $0x4000, $0x38;
	[tilespmem:$0x1BE80] =	vst v63  }
0x4d: {  	_ =	swait.ge [sflag:s17], $0x4000  }
0x4e: {  	[sflag:s17] =	ssyncset.done $0x0  }
0x4f: {  	s30 =	rddreg [dreg:$0x1f];
	[sflag:s17] =	ssyncadd.s32 $0xFFFFC000  }
0x50: {  	[spmem:s30] =	stream.linear.scatter [tilespmem:s16], [sflag:$0x9], $0x4000, $0x38;
	[tilespmem:$0x1BE80] =	vst v63  }
0x51: {  	_ =	swait.ge [sflag:s17], $0x4000  }
0x52: {  	s5 =	sld [smem:$0x7FC]  }
0x53: {  	[sflag:s17] =	ssyncset.done $0x0  }
0x54: {  	[sflag:s17] =	ssyncadd.s32 $0xFFFFC000  }
0x55: {  	[spmem:s5] =	stream.linear.scatter [tilespmem:s16], [sflag:$0x9], $0x3800, $0x38;
	[tilespmem:$0x1BE80] =	vst v63  }
0x56: {  	_ =	swait.ge [sflag:s17], $0x3800  }
0x57: {  	s5 =	sld [smem:$0x7FD]  }
0x58: {  	[sflag:s17] =	ssyncset.done $0x0  }
0x59: {  	s3 =	simm.s32 @!p1 $0x600;
	[sflag:s17] =	ssyncadd.s32 $0xFFFFC800  }
0x5a: {  	[spmem:s5] =	stream.linear.scatter @!p1 [tilespmem:s3], [sflag:$0x9], $0x800, $0x38;
	[tilespmem:$0x1BE80] =	vst v63  }
0x5b: {  	s3 =	simm.s32 @!p1 $0x9  }
0x5c: {  	_ =	swait.ge @!p1 [sflag:s3], $0x800  }
0x5d: {  	[sflag:s3] =	ssyncset.done @!p1 $0x0  }
0x5e: {  	[sflag:s3] =	ssyncadd.s32 @!p1 $0xFFFFF800  }
0x5f: {  	[bflag:$0x0] =	sbarrier.arrive $0xFFFF  }
0x60: {  	s3 =	simm.s32 $0x0;
	s28 =	rddreg [dreg:$0x6]  }
0x61: {  	[tilespmem:s3], [sflag:$0x1] =	stream.linear.gather [hbm4b:s28+s3], $0x80, $0x38;
	[tilespmem:$0x1BE80] =	vst v63  }
0x62: {  	s29 =	rddreg [dreg:$0x7]  }
0x63: {  	[tilespmem:s18], [sflag:$0x1] =	stream.linear.gather [hbm4b:s29+s3], $0x80, $0x38;
	[tilespmem:$0x1BE80] =	vst v63  }
0x64: {  	s30 =	rddreg [dreg:$0x8];
	s29 =	simm.s32 $0x100  }
0x65: {  	[tilespmem:s29], [sflag:$0x2] =	stream.linear.gather [hbm4b:s30+s3], $0x80, $0x38;
	[tilespmem:$0x1BE80] =	vst v63  }
0x66: {  	s30 =	rddreg [dreg:$0x9];
	s29 =	simm.s32 $0x180  }
0x67: {  	[tilespmem:s29], [sflag:$0x2] =	stream.linear.gather [hbm4b:s30+s3], $0x80, $0x38;
	[tilespmem:$0x1BE80] =	vst v63  }
0x68: {  	s30 =	rddreg [dreg:$0xa];
	s29 =	simm.s32 $0x200  }
0x69: {  	[tilespmem:s29], [sflag:$0x3] =	stream.linear.gather [hbm4b:s30+s3], $0x80, $0x38;
	[tilespmem:$0x1BE80] =	vst v63  }
0x6a: {  	s30 =	rddreg [dreg:$0xb];
	s29 =	simm.s32 $0x280  }
0x6b: {  	[tilespmem:s29], [sflag:$0x3] =	stream.linear.gather [hbm4b:s30+s3], $0x80, $0x38;
	[tilespmem:$0x1BE80] =	vst v63  }
0x6c: {  	s30 =	rddreg [dreg:$0xc];
	s29 =	simm.s32 $0x300  }
0x6d: {  	[tilespmem:s29], [sflag:$0x4] =	stream.linear.gather [hbm4b:s30+s3], $0x80, $0x38;
	[tilespmem:$0x1BE80] =	vst v63  }
0x6e: {  	s30 =	rddreg [dreg:$0xd];
	s29 =	simm.s32 $0x380  }
0x6f: {  	[tilespmem:s29], [sflag:$0x4] =	stream.linear.gather [hbm4b:s30+s3], $0x80, $0x38;
	[tilespmem:$0x1BE80] =	vst v63  }
0x70: {  	s30 =	rddreg [dreg:$0xe]  }
0x71: {  	[tilespmem:s10], [sflag:$0x5] =	stream.linear.gather [hbm4b:s30+s3], $0x80, $0x38;
	[tilespmem:$0x1BE80] =	vst v63  }
0x72: {  	s28 =	rddreg [dreg:$0xf]  }
0x73: {  	[tilespmem:s11], [sflag:$0x5] =	stream.linear.gather [hbm4b:s28+s3], $0x80, $0x38;
	[tilespmem:$0x1BE80] =	vst v63  }
0x74: {  	s29 =	rddreg [dreg:$0x10]  }
0x75: {  	[tilespmem:s12], [sflag:$0x6] =	stream.linear.gather [hbm4b:s29+s3], $0x80, $0x38;
	[tilespmem:$0x1BE80] =	vst v63  }
0x76: {  	s30 =	rddreg [dreg:$0x11]  }
0x77: {  	[tilespmem:s13], [sflag:$0x6] =	stream.linear.gather [hbm4b:s30+s3], $0x80, $0x38;
	[tilespmem:$0x1BE80] =	vst v63  }
0x78: {  	_ =	swait.ge [sflag:s14], $0x80  }
0x79: {  	[sflag:s14] =	ssyncset.done $0x0  }
0x7a: {  	[sflag:s14] =	ssyncadd.s32 $0xFFFFFF80  }
0x7b: {  	_ =	swait.ge [sflag:s14], $0x80  }
0x7c: {  	[sflag:s14] =	ssyncset.done $0x0  }
0x7d: {  	s5 =	rddreg [dreg:$0x1c];
	[sflag:s14] =	ssyncadd.s32 $0xFFFFFF80  }
0x7e: {  	[tilespmem:s16], [sflag:$0x7] =	stream.indirect.gather [hbm4b:s6+s18], $0x80, s3, s18, $0xb8;
	[tilespmem:$0x1BE80] =	vst v63  }
.LBB2_4:
0x7f: {  	_ =	swait.ge [sflag:s15], $0x80  }
0x80: {  	[sflag:s15] =	ssyncset.done $0x0  }
0x81: {  	[sflag:s15] =	ssyncadd.s32 $0xFFFFFF80  }
0x82: {  	_ =	swait.ge [sflag:s15], $0x80  }
0x83: {  	[sflag:s15] =	ssyncset.done $0x0  }
0x84: {  	s28 =	simm.s32 $0x100;
	[sflag:s15] =	ssyncadd.s32 $0xFFFFFF80  }
0x85: {  	[tilespmem:s9], [sflag:$0x8] =	stream.indirect.gather [hbm4b:s6+s18], $0x80, s28, s18, $0xb8;
	[tilespmem:$0x1BE80] =	vst v63  }
0x86: {  	_ =	swait.ge [sflag:s19], $0x4000  }
0x87: {  	[sflag:s19] =	ssyncset.done $0x0  }
0x88: {  	[sflag:s19] =	ssyncadd.s32 $0xFFFFC000  }
0x89: {  	[spmem:s1] =	stream.indirect.scatter.add.f32 [tilespmem:s16], [sflag:$0x9], $0x80, s18, s18, $0xb8;
	[tilespmem:$0x1BE80] =	vst v63  }
0x8a: {  	p4 =	seq.s32 s3, $0x4800;
	_ =	swait.ge [sflag:s17], $0x4000  }
0x8b: {  	s29 =	sshrl.u32 @!p4 s5, $0x3;
	[sflag:s17] =	ssyncset.done $0x0  }
0x8c: {  	s30 =	sadd.s32 @!p4 s31, s29;
	s28 =	simm.s32 @!p4 $0x0;
	[sflag:s17] =	ssyncadd.s32 $0xFFFFC000  }
0x8d: {  	[tilespmem:s28], [sflag:$0x1] =	stream.linear.gather @!p4 [hbm4b:s30+s28], $0x80, $0x38;
	[tilespmem:$0x1BE80] =	vst v63  }
0x8e: {  	s29 =	sadd.s32 @!p4 s0, s29;
	s30 =	simm.s32 @!p4 $0x80  }
0x8f: {  	[tilespmem:s30], [sflag:$0x1] =	stream.linear.gather @!p4 [hbm4b:s29+s28], $0x80, $0x38;
	[tilespmem:$0x1BE80] =	vst v63  }
0x90: {  	_ =	swait.ge [sflag:s20], $0x80  }
0x91: {  	[sflag:s20] =	ssyncset.done $0x0  }
0x92: {  	[sflag:s20] =	ssyncadd.s32 $0xFFFFFF80  }
0x93: {  	_ =	swait.ge [sflag:s20], $0x80  }
0x94: {  	[sflag:s20] =	ssyncset.done $0x0  }
0x95: {  	s30 =	simm.s32 $0x200;
	[sflag:s20] =	ssyncadd.s32 $0xFFFFFF80  }
0x96: {  	[tilespmem:s16], [sflag:$0x7] =	stream.indirect.gather [hbm4b:s6+s18], $0x80, s30, s18, $0xb8;
	[tilespmem:$0x1BE80] =	vst v63  }
0x97: {  	_ =	swait.ge [sflag:s21], $0x4000  }
0x98: {  	[sflag:s21] =	ssyncset.done $0x0  }
0x99: {  	s30 =	simm.s32 $0x180;
	[sflag:s21] =	ssyncadd.s32 $0xFFFFC000  }
0x9a: {  	[spmem:s1] =	stream.indirect.scatter.add.f32 [tilespmem:s9], [sflag:$0x9], $0x80, s30, s18, $0xb8;
	[tilespmem:$0x1BE80] =	vst v63  }
0x9b: {  	_ =	swait.ge [sflag:s17], $0x4000  }
0x9c: {  	[sflag:s17] =	ssyncset.done $0x0  }
0x9d: {  	s29 =	sadd.s32 @!p4 s3, s4;
	s30 =	simm.s32 @!p4 $0x100;
	[sflag:s17] =	ssyncadd.s32 $0xFFFFC000  }
0x9e: {  	[tilespmem:s30], [sflag:$0x2] =	stream.linear.gather @!p4 [hbm4b:s29+s28], $0x80, $0x38;
	[tilespmem:$0x1BE80] =	vst v63  }
0x9f: {  	s29 =	sadd.s32 @!p4 s3, s25;
	s30 =	simm.s32 @!p4 $0x180  }
0xa0: {  	[tilespmem:s30], [sflag:$0x2] =	stream.linear.gather @!p4 [hbm4b:s29+s28], $0x80, $0x38;
	[tilespmem:$0x1BE80] =	vst v63  }
0xa1: {  	_ =	swait.ge [sflag:s22], $0x80  }
0xa2: {  	[sflag:s22] =	ssyncset.done $0x0  }
0xa3: {  	[sflag:s22] =	ssyncadd.s32 $0xFFFFFF80  }
0xa4: {  	_ =	swait.ge [sflag:s22], $0x80  }
0xa5: {  	[sflag:s22] =	ssyncset.done $0x0  }
0xa6: {  	s30 =	simm.s32 $0x300;
	[sflag:s22] =	ssyncadd.s32 $0xFFFFFF80  }
0xa7: {  	[tilespmem:s9], [sflag:$0x8] =	stream.indirect.gather [hbm4b:s6+s18], $0x80, s30, s18, $0xb8;
	[tilespmem:$0x1BE80] =	vst v63  }
0xa8: {  	_ =	swait.ge [sflag:s19], $0x4000  }
0xa9: {  	[sflag:s19] =	ssyncset.done $0x0  }
0xaa: {  	s30 =	simm.s32 $0x280;
	[sflag:s19] =	ssyncadd.s32 $0xFFFFC000  }
0xab: {  	[spmem:s1] =	stream.indirect.scatter.add.f32 [tilespmem:s16], [sflag:$0x9], $0x80, s30, s18, $0xb8;
	[tilespmem:$0x1BE80] =	vst v63  }
0xac: {  	_ =	swait.ge [sflag:s17], $0x4000  }
0xad: {  	[sflag:s17] =	ssyncset.done $0x0  }
0xae: {  	s29 =	sadd.s32 @!p4 s3, s24;
	s30 =	simm.s32 @!p4 $0x200;
	[sflag:s17] =	ssyncadd.s32 $0xFFFFC000  }
0xaf: {  	[tilespmem:s30], [sflag:$0x3] =	stream.linear.gather @!p4 [hbm4b:s29+s28], $0x80, $0x38;
	[tilespmem:$0x1BE80] =	vst v63  }
0xb0: {  	s29 =	sadd.s32 @!p4 s3, s8;
	s30 =	simm.s32 @!p4 $0x280  }
0xb1: {  	[tilespmem:s30], [sflag:$0x3] =	stream.linear.gather @!p4 [hbm4b:s29+s28], $0x80, $0x38;
	[tilespmem:$0x1BE80] =	vst v63  }
0xb2: {  	_ =	swait.ge [sflag:s23], $0x80  }
0xb3: {  	[sflag:s23] =	ssyncset.done $0x0  }
0xb4: {  	[sflag:s23] =	ssyncadd.s32 $0xFFFFFF80  }
0xb5: {  	_ =	swait.ge [sflag:s23], $0x80  }
0xb6: {  	[sflag:s23] =	ssyncset.done $0x0  }
0xb7: {  	[sflag:s23] =	ssyncadd.s32 $0xFFFFFF80  }
0xb8: {  	[tilespmem:s16], [sflag:$0x7] =	stream.indirect.gather [hbm4b:s6+s18], $0x80, s10, s18, $0xb8;
	[tilespmem:$0x1BE80] =	vst v63  }
0xb9: {  	_ =	swait.ge [sflag:s21], $0x4000  }
0xba: {  	[sflag:s21] =	ssyncset.done $0x0  }
0xbb: {  	s30 =	simm.s32 $0x380;
	[sflag:s21] =	ssyncadd.s32 $0xFFFFC000  }
0xbc: {  	[spmem:s1] =	stream.indirect.scatter.add.f32 [tilespmem:s9], [sflag:$0x9], $0x80, s30, s18, $0xb8;
	[tilespmem:$0x1BE80] =	vst v63  }
0xbd: {  	_ =	swait.ge [sflag:s17], $0x4000  }
0xbe: {  	[sflag:s17] =	ssyncset.done $0x0  }
0xbf: {  	s29 =	sadd.s32 @!p4 s3, s7;
	s30 =	simm.s32 @!p4 $0x300;
	[sflag:s17] =	ssyncadd.s32 $0xFFFFC000  }
0xc0: {  	[tilespmem:s30], [sflag:$0x4] =	stream.linear.gather @!p4 [hbm4b:s29+s28], $0x80, $0x38;
	[tilespmem:$0x1BE80] =	vst v63  }
0xc1: {  	s29 =	rddreg [dreg:$0x1b]  }
0xc2: {  	s30 =	simm.s32 @!p4 $0x380;
	s29 =	sadd.s32 @!p4 s3, s29  }
0xc3: {  	[tilespmem:s30], [sflag:$0x4] =	stream.linear.gather @!p4 [hbm4b:s29+s28], $0x80, $0x38;
	[tilespmem:$0x1BE80] =	vst v63  }
0xc4: {  	_ =	swait.ge [sflag:s26], $0x80  }
0xc5: {  	[sflag:s26] =	ssyncset.done $0x0  }
0xc6: {  	[sflag:s26] =	ssyncadd.s32 $0xFFFFFF80  }
0xc7: {  	_ =	swait.ge [sflag:s26], $0x80  }
0xc8: {  	[sflag:s26] =	ssyncset.done $0x0  }
0xc9: {  	[sflag:s26] =	ssyncadd.s32 $0xFFFFFF80  }
0xca: {  	[tilespmem:s9], [sflag:$0x8] =	stream.indirect.gather [hbm4b:s6+s18], $0x80, s12, s18, $0xb8;
	[tilespmem:$0x1BE80] =	vst v63  }
0xcb: {  	_ =	swait.ge [sflag:s19], $0x4000  }
0xcc: {  	[sflag:s19] =	ssyncset.done $0x0  }
.Ltmp3:
0xcd: {  	[sflag:s19] =	ssyncadd.s32 $0xFFFFC000;
	(pc) =	sbr.rel @p4 .LBB2_6-.Ltmp3, $4  }
0xce: {  	[spmem:s1] =	stream.indirect.scatter.add.f32 [tilespmem:s16], [sflag:$0x9], $0x80, s11, s18, $0xb8;
	[tilespmem:$0x1BE80] =	vst v63  }
0xcf: {  	_ =	swait.ge [sflag:s17], $0x4000  }
0xd0: {  	[sflag:s17] =	ssyncset.done $0x0  }
0xd1: {  	[sflag:s17] =	ssyncadd.s32 $0xFFFFC000  }
0xd2: {  	s28 =	rddreg [dreg:$0x1a]  }
0xd3: {  	s30 =	rddreg [dreg:$0x19];
	s28 =	sadd.s32 s3, s28  }
0xd4: {  	[tilespmem:s10], [sflag:$0x5] =	stream.linear.gather [hbm4b:s28+s2], $0x80, $0x38;
	[tilespmem:$0x1BE80] =	vst v63  }
0xd5: {  	s28 =	sadd.s32 s3, s30  }
0xd6: {  	[tilespmem:s11], [sflag:$0x5] =	stream.linear.gather [hbm4b:s28+s2], $0x80, $0x38;
	[tilespmem:$0x1BE80] =	vst v63  }
0xd7: {  	_ =	swait.ge [sflag:s14], $0x80  }
0xd8: {  	[sflag:s14] =	ssyncset.done $0x0  }
0xd9: {  	[sflag:s14] =	ssyncadd.s32 $0xFFFFFF80  }
0xda: {  	_ =	swait.ge [sflag:s14], $0x80  }
0xdb: {  	[sflag:s14] =	ssyncset.done $0x0  }
0xdc: {  	[sflag:s14] =	ssyncadd.s32 $0xFFFFFF80  }
0xdd: {  	[tilespmem:s16], [sflag:$0x7] =	stream.indirect.gather [hbm4b:s6+s18], $0x80, s2, s18, $0xb8;
	[tilespmem:$0x1BE80] =	vst v63  }
0xde: {  	_ =	swait.ge [sflag:s21], $0x4000  }
0xdf: {  	[sflag:s21] =	ssyncset.done $0x0  }
0xe0: {  	[sflag:s21] =	ssyncadd.s32 $0xFFFFC000  }
0xe1: {  	[spmem:s1] =	stream.indirect.scatter.add.f32 [tilespmem:s9], [sflag:$0x9], $0x80, s13, s18, $0xb8;
	[tilespmem:$0x1BE80] =	vst v63  }
0xe2: {  	_ =	swait.ge [sflag:s17], $0x4000  }
.Ltmp4:
0xe3: {  	[sflag:s17] =	ssyncset.done $0x0;
	s29 =	rddreg [dreg:$0x18];
	(pc) =	sbr.rel .LBB2_4-.Ltmp4, $4  }
0xe4: {  	s30 =	rddreg [dreg:$0x17];
	[sflag:s17] =	ssyncadd.s32 $0xFFFFC000;
	s28 =	sadd.s32 s3, s29  }
0xe5: {  	[tilespmem:s12], [sflag:$0x6] =	stream.linear.gather [hbm4b:s28+s2], $0x80, $0x38;
	[tilespmem:$0x1BE80] =	vst v63  }
0xe6: {  	s5 =	sadd.s32 $0x3000, s5;
	s28 =	sadd.s32 s3, s30;
	s3 =	sadd.s32 $0x600, s3  }
0xe7: {  	[tilespmem:s13], [sflag:$0x6] =	stream.linear.gather [hbm4b:s28+s2], $0x80, $0x38;
	[tilespmem:$0x1BE80] =	vst v63  }
.LBB2_6:
0xe8: {  	_ =	swait.ge [sflag:s21], $0x4000  }
0xe9: {  	[sflag:s21] =	ssyncset.done $0x0  }
0xea: {  	[sflag:s21] =	ssyncadd.s32 $0xFFFFC000  }
0xeb: {  	[spmem:s1] =	stream.indirect.scatter.add.f32 [tilespmem:s9], [sflag:$0x9], $0x80, s13, s18, $0xb8;
	[tilespmem:$0x1BE80] =	vst v63  }
0xec: {  	_ =	swait.ge [sflag:s17], $0x4000  }
0xed: {  	[sflag:s17] =	ssyncset.done $0x0  }
0xee: {  	s3 =	simm.s32 @!p2 $0x0;
	s5 =	rddreg [dreg:$0x12];
	[sflag:s17] =	ssyncadd.s32 $0xFFFFC000  }
0xef: {  	[tilespmem:s3], [sflag:$0x1] =	stream.linear.gather @!p2 [hbm4b:s5+s3], $0x80, $0x38;
	[tilespmem:$0x1BE80] =	vst v63  }
0xf0: {  	s28 =	rddreg [dreg:$0x13];
	s5 =	simm.s32 @!p2 $0x80  }
0xf1: {  	[tilespmem:s5], [sflag:$0x1] =	stream.linear.gather @!p2 [hbm4b:s28+s3], $0x80, $0x38;
	[tilespmem:$0x1BE80] =	vst v63  }
0xf2: {  	s28 =	simm.s32 @!p2 $0x1  }
0xf3: {  	_ =	swait.ge @!p2 [sflag:s28], $0x80  }
0xf4: {  	[sflag:s28] =	ssyncset.done @!p2 $0x0  }
0xf5: {  	[sflag:s28] =	ssyncadd.s32 @!p2 $0xFFFFFF80  }
0xf6: {  	_ =	swait.ge @!p2 [sflag:s28], $0x80  }
0xf7: {  	[sflag:s28] =	ssyncset.done @!p2 $0x0  }
0xf8: {  	[sflag:s28] =	ssyncadd.s32 @!p2 $0xFFFFFF80;
	s28 =	simm.s32 @!p2 $0x600  }
0xf9: {  	[tilespmem:s28], [sflag:$0x7] =	stream.indirect.gather @!p2 [hbm4b:s6+s5], $0x80, s3, s5, $0xb8;
	[tilespmem:$0x1BE80] =	vst v63  }
0xfa: {  	s3 =	simm.s32 @!p2 $0x7  }
0xfb: {  	_ =	swait.ge @!p2 [sflag:s3], $0x4000  }
0xfc: {  	[sflag:s3] =	ssyncset.done @!p2 $0x0  }
0xfd: {  	[sflag:s3] =	ssyncadd.s32 @!p2 $0xFFFFC000;
	s3 =	simm.s32 @!p2 $0x9  }
0xfe: {  	[spmem:s1] =	stream.indirect.scatter.add.f32 @!p2 [tilespmem:s28], [sflag:$0x9], $0x80, s5, s5, $0xb8;
	[tilespmem:$0x1BE80] =	vst v63  }
0xff: {  	_ =	swait.ge @!p2 [sflag:s3], $0x4000  }
.Ltmp5:
0x100: {  	[sflag:s3] =	ssyncset.done @!p2 $0x0;
	(pc) =	sbr.rel @!p0 .LBB2_7-.Ltmp5, $4  }
0x101: {  	[sflag:s3] =	ssyncadd.s32 @!p2 $0xFFFFC000  }
0x102: {  	s29 =	stileid.u32;
	[bflag:$0x0] =	sbarrier.arrive $0xFFFF  }
0x103: {  	s28 =	sshll.u32 s29, $0x6;
	s30 =	rddreg [dreg:$0x5]  }
0x104: {  	s3 =	sor.u32 $0x1C09, s28;
	s5 =	sshrl.u32 s30, $0x3  }
0x105: {  	s3 =	sor.u32 $0x1C09, s28;
	s28 =	rddreg [dreg:$0x15]  }
0x106: {  	[hbm:s28], [sflag:s3] =	dma.local [spmem:s5], $0x2700  }
.Ltmp6:
0x107: {  	_ = 	snop;
	(pc) =	sbr.rel @p1 .LBB2_10-.Ltmp6, $4  }
.Ltmp7:
0x108: {  	_ = 	snop;
	(pc) =	sbr.rel @!p1 .LBB2_9-.Ltmp7, $4  }
0x109: {  	_ =	swait.ge [sflag:s17], $0x2700  }
0x10a: {  	[sflag:s17] =	ssyncset.done $0x0;
	s29 =	sld [smem:$0x7FB]  }
0x10b: {  	s5 =	rddreg [dreg:$0x4];
	[sflag:s17] =	ssyncadd.s32 $0xFFFFD900  }
0x10c: {  	_ = 	snop  }
.LBB2_7:
0x10d: {  	s28 =	rddreg [dreg:$0x14]  }
0x10e: {  	[hbm:s28], [sflag:s3] =	dma.local [spmem:s5], $0x2700  }
.Ltmp8:
0x10f: {  	_ = 	snop;
	(pc) =	sbr.rel @p3 .LBB2_9-.Ltmp8, $4  }
.Ltmp9:
0x110: {  	_ = 	snop;
	(pc) =	sbr.rel @!p3 .LBB2_10-.Ltmp9, $4  }
0x111: {  	_ =	swait.ge [sflag:s17], $0x2700  }
0x112: {  	[sflag:s17] =	ssyncset.done $0x0;
	s29 =	sld [smem:$0x7FB]  }
0x113: {  	s5 =	rddreg [dreg:$0x3];
	[sflag:s17] =	ssyncadd.s32 $0xFFFFD900  }
0x114: {  	_ = 	snop  }
.LBB2_11:
0x115: {  	_ =	sfence.sel $0x180000  }
0x116: {  	[bflag:$0x0] =	sbarrier.arrive $0xFFFF  }
0x117: {  	_ =	strace $0x9000004A  }
0x118: {  	s0 =	stileid.u32;
	[bflag:$0x2] =	sbarrier.arrive $0xFFFF  }
0x119: {  	p0 =	sne.s32 s0, $0x0;
	s0 =	rddreg [dreg:$0x2]  }
0x11a: {  	s0 =	sadd.s32 @!p0 $0x100000, s0  }
0x11b: {  	[sflag:s0] =	ssyncadd.tile.s32 @!p0 $0x1;
	_ =	shalt  }
.Lfunc_end2:
_tile_overlayer_lowered:
.L_overlay_start_2:
0x11c: {  	(tag) =	ssettag $0x2  }
0x11d: {  	s0 =	rddreg [dreg:$0x0];
	s2 =	stileid.u32  }
0x11e: {  	s1 =	rddreg [dreg:$0x1];
	p0 =	sne.s32 s2, $0x0  }
0x11f: {  	s3 =	rddreg [dreg:$0x2];
	[bflag:$0x3] =	sbarrier.arrive $0xFFFF;
	s2 =	simm.s32 @!p0 $0x1C09  }
0x120: {  	[timem:s3], [sflag:s2] =	dma.local @!p0 [hbm:s0], s1  }
0x121: {  	s0 =	simm.s32 @!p0 $0x9  }
0x122: {  	_ =	swait.ge @!p0 [sflag:s0], s1  }
0x123: {  	s1 =	ssub.s32 @!p0 $0x0, s1;
	[sflag:s0] =	ssyncset.done @!p0 $0x0  }
0x124: {  	[sflag:s0] =	ssyncadd.s32 @!p0 s1  }
0x125: {  	[bflag:$0x3] =	sbarrier.arrive $0xFFFF  }
0x126: {  	_ =	shalt  }

// kernel: kernel.14.cloned.1.call-start
scs
__scs_entry_jumppad:
0x0: {  	(pc) =	sbr.rel $0x88, $3  }
0x1: {  	(tag) =	ssettag $0x0;
	lr =	simm.s32 $0x1  }
0x2: {  	[smem:$0x3F95] =	sst lr;
	_ =	strace $0xD0000000  }
0x3: {  	_ = 	snop  }
0x4: {  	_ = 	snop  }
0x5: {  	_ = 	snop  }
0x6: {  	_ = 	snop  }
0x7: {  	_ = 	snop  }
__scs_overlays_trampoline_lowered:
0x8: {  	[smem:$0x3FA4] =	sst s0  }
0x9: {  	[smem:$0x3FA5] =	sst s1  }
0xa: {  	[smem:$0x3FA6] =	sst s2  }
0xb: {  	[smem:$0x3FA7] =	sst s3  }
0xc: {  	[smem:$0x3FA8] =	sst s4  }
0xd: {  	[smem:$0x3FA9] =	sst s5  }
0xe: {  	[smem:$0x3FAA] =	sst s6  }
0xf: {  	[smem:$0x3FAB] =	sst s7  }
0x10: {  	[smem:$0x3FAC] =	sst s8  }
0x11: {  	[smem:$0x3FAD] =	sst s9;
	s0 =	simm.s32 @!p0 $0x0  }
0x12: {  	s1 =	sld [smem:$0x3F93];
	s0 =	simm.s32 @p0 $0x1  }
0x13: {  	[smem:$0x3FAE] =	sst s0;
	s0 =	simm.s32 @!p1 $0x0  }
0x14: {  	s2 =	sld [smem:$0x3F92];
	s0 =	simm.s32 @p1 $0x1  }
0x15: {  	[smem:$0x3FAF] =	sst s0;
	s0 =	simm.s32 @!p2 $0x0  }
0x16: {  	s3 =	sld [smem:$0x3FDB];
	s0 =	simm.s32 @p2 $0x1  }
0x17: {  	s4 =	simm.s32 $0x1BF5;
	[smem:$0x3FB1] =	sst s0  }
0x18: {  	s0 =	sld [smem:$0x3F94];
	_ =	swait.ge [sflag:s4], $0x0  }
0x19: {  	s7 =	sld [smem:$0x3F95]  }
0x1a: {  	s8 =	sadd.s32 $0xFFFFE003, lr  }
0x1b: {  	s9 =	sadd.s32 $0xFFFFFEF7, lr;
	s5 =	simm.s32 $0xFFFFFFFF;
	p2 =	slt.u32 s8, $0xFFFFF086  }
0x1c: {  	p1 =	slt.u32 s9, $0xF7A;
	s5 =	simm.s32 @!p2 $0x0  }
0x1d: {  	s5 =	simm.s32 @p1 $0x1;
	p0 =	seq.s32 s7, s2  }
0x1e: {  	s7 =	smul.u32 @!p0 $0xF7A, s2;
	p2 =	seq.s32 @!p0 s5, $0x0  }
0x1f: {  	s9 =	smul.u32 $0xF7A, s1;
	s8 =	simm.s32 @!p0 $0x1BF5;
	p2 =	por !p2, p0  }
0x20: {  	[sflag:s8] =	ssyncset.s32 @!p0 $0xFFFFF086;
	s6 =	sadd.s32 @!p0 s3, s7;
	s7 =	simm.s32 @!p0 $0x108  }
0x21: {  	s3 =	sadd.s32 s3, s9;
	s6 =	sadd.s32 @!p0 $0x88, s6;
	s7 =	simm.s32 @p2 $0x1082  }
0x22: {  	[simem:s7], [sflag:s8] =	dma.local @!p0 [hbm:s6], $0xF7A  }
0x23: {  	s9 =	sor.u32 $0xD0000000, s2;
	s6 =	simm.s32 $0x108;
	_ =	swait.ge @!p0 [sflag:s8], $0x0  }
0x24: {  	s3 =	sadd.s32 $0x88, s3;
	s6 =	simm.s32 @!p1 $0x1082;
	[sflag:s4] =	ssyncset.s32 $0xFFFFF086  }
0x25: {  	[simem:s6], [sflag:s4] =	dma.local [hbm:s3], $0xF7A  }
0x26: {  	[smem:$0x3F95] =	sst s1;
	(tag) =	ssettag s2;
	_ =	strace s9  }
0x27: {  	s1 =	sld [smem:$0x3FA5]  }
0x28: {  	s2 =	sld [smem:$0x3FA6]  }
0x29: {  	s4 =	sld [smem:$0x3FA8]  }
0x2a: {  	p0 =	seq.s32 s5, $0x0;
	s5 =	sld [smem:$0x3FA9]  }
0x2b: {  	s6 =	sld [smem:$0x3FAA]  }
0x2c: {  	s7 =	sld [smem:$0x3FAB]  }
0x2d: {  	s3 =	simm.s32 $0x108;
	s8 =	sld [smem:$0x3FAC]  }
0x2e: {  	s3 =	simm.s32 @!p0 $0x1082;
	s9 =	sld [smem:$0x3FAD]  }
0x2f: {  	lr =	sadd.s32 s0, s3;
	s0 =	sld [smem:$0x3FA4]  }
0x30: {  	s3 =	sld [smem:$0x3FA7]  }
0x31: {  	[smem:$0x3FB0] =	sst s10  }
0x32: {  	s10 =	sld [smem:$0x3FAE];
	_ =	sdelay $0x3  }
0x33: {  	p0 =	seq.s32 s10, $0x1;
	s10 =	sld [smem:$0x3FB0];
	_ =	sdelay $0x3  }
0x34: {  	[smem:$0x3FB0] =	sst s10  }
0x35: {  	s10 =	sld [smem:$0x3FAF];
	_ =	sdelay $0x3  }
0x36: {  	p1 =	seq.s32 s10, $0x1;
	s10 =	sld [smem:$0x3FB0];
	_ =	sdelay $0x3  }
0x37: {  	[smem:$0x3FB0] =	sst s10  }
0x38: {  	s10 =	sld [smem:$0x3FB1]  }
0x39: {  	_ = 	snop;
	(pc) =	sbr.ind lr, $3  }
0x3a: {  	_ = 	snop  }
0x3b: {  	_ = 	snop  }
0x3c: {  	p2 =	seq.s32 s10, $0x1;
	s10 =	sld [smem:$0x3FB0]  }
0x3d: {  	_ =	shalt  }
0x3e: {  	_ =	shalt  }
0x3f: {  	_ =	shalt  }
0x40: {  	_ =	shalt  }
0x41: {  	_ =	shalt  }
0x42: {  	_ =	shalt  }
0x43: {  	_ =	shalt  }
0x44: {  	_ =	shalt  }
0x45: {  	_ =	shalt  }
0x46: {  	_ =	shalt  }
0x47: {  	_ =	shalt  }
0x48: {  	_ =	shalt  }
0x49: {  	_ =	shalt  }
0x4a: {  	_ =	shalt  }
0x4b: {  	_ =	shalt  }
0x4c: {  	_ =	shalt  }
0x4d: {  	_ =	shalt  }
0x4e: {  	_ =	shalt  }
0x4f: {  	_ =	shalt  }
0x50: {  	_ =	shalt  }
0x51: {  	_ =	shalt  }
0x52: {  	_ =	shalt  }
0x53: {  	_ =	shalt  }
0x54: {  	_ =	shalt  }
0x55: {  	_ =	shalt  }
0x56: {  	_ =	shalt  }
0x57: {  	_ =	shalt  }
0x58: {  	_ =	shalt  }
0x59: {  	_ =	shalt  }
0x5a: {  	_ =	shalt  }
0x5b: {  	_ =	shalt  }
0x5c: {  	_ =	shalt  }
0x5d: {  	_ =	shalt  }
0x5e: {  	_ =	shalt  }
0x5f: {  	_ =	shalt  }
0x60: {  	_ =	shalt  }
0x61: {  	_ =	shalt  }
0x62: {  	_ =	shalt  }
0x63: {  	_ =	shalt  }
0x64: {  	_ =	shalt  }
0x65: {  	_ =	shalt  }
0x66: {  	_ =	shalt  }
0x67: {  	_ =	shalt  }
0x68: {  	_ =	shalt  }
0x69: {  	_ =	shalt  }
0x6a: {  	_ =	shalt  }
0x6b: {  	_ =	shalt  }
0x6c: {  	_ =	shalt  }
0x6d: {  	_ =	shalt  }
0x6e: {  	_ =	shalt  }
0x6f: {  	_ =	shalt  }
0x70: {  	_ =	shalt  }
0x71: {  	_ =	shalt  }
0x72: {  	_ =	shalt  }
0x73: {  	_ =	shalt  }
0x74: {  	_ =	shalt  }
0x75: {  	_ =	shalt  }
0x76: {  	_ =	shalt  }
0x77: {  	_ =	shalt  }
0x78: {  	_ =	shalt  }
0x79: {  	_ =	shalt  }
0x7a: {  	_ =	shalt  }
0x7b: {  	_ =	shalt  }
0x7c: {  	_ =	shalt  }
0x7d: {  	_ =	shalt  }
0x7e: {  	_ =	shalt  }
0x7f: {  	_ =	shalt  }
0x80: {  	_ =	shalt  }
0x81: {  	_ =	shalt  }
0x82: {  	_ =	shalt  }
0x83: {  	_ =	shalt  }
0x84: {  	_ =	shalt  }
0x85: {  	_ =	shalt  }
0x86: {  	_ =	shalt  }
0x87: {  	_ =	shalt  }
.Lfunc_end0:
.L_simem_size_0:
called_computation.2_lowered:
.L_overlay_start_0:
0x88: {  	s2 =	sld [smem:$0x3FD9]  }
0x89: {  	s3 =	sld [smem:$0x3FFE];
	_ =	sdelay $0x1  }
0x8a: {  	s1 =	srdreg.scid  }
0x8b: {  	s0 =	sand.u32 $0x1, s1  }
0x8c: {  	s16 =	sshll.u32 s0, $0xA;
	s2 =	sadd.s32 s3, s2  }
0x8d: {  	s2 =	sadd.s32 s2, s16  }
0x8e: {  	[smem:$0x3FBC] =	sst s2  }
0x8f: {  	_ = 	snop  }
0x90: {  	(tm) =	ssettm $0x1  }
0x91: {  	s17 =	sld [smem:$0x3FFB];
	_ =	sdelay $0x3  }
0x92: {  	_ =	strace s17  }
0x93: {  	s2 =	sld [smem:$0x3FFC];
	_ =	sdelay $0x3  }
0x94: {  	_ =	strace s2  }
0x95: {  	s2 =	sld [smem:$0x3FFD];
	_ =	sdelay $0x3  }
0x96: {  	_ =	strace s2  }
0x97: {  	_ =	strace $0x8FFFFFFF  }
0x98: {  	s18 =	sld [smem:$0x3FDB];
	_ =	sdelay $0x1  }
0x99: {  	s19 =	simm.s32 $_scs_section_size  }
0x9a: {  	s4 =	simm.s32 $_size__tile_overlayer_lowered;
	s5 =	simm.s32 $_tile_overlayer_lowered  }
0x9b: {  	s22 =	simm.s32 $0x1BFF;
	s21 =	sshll.u32 s5, $0x1;
	s2 =	sadd.s32 s19, s18  }
0x9c: {  	s6 =	simm.s32 $0x0;
	s20 =	sshll.u32 s4, $0x1;
	s4 =	sadd.s32 s21, s2  }
0x9d: {  	[timem:s6], [sflag:s22] =	dma.local [hbm:s4], s20  }
0x9e: {  	_ =	swait.ge [sflag:s22], s20  }
0x9f: {  	s3 =	ssub.s32 $0x0, s20;
	[sflag:s22] =	ssyncset.done $0x0  }
0xa0: {  	[sflag:s22] =	ssyncadd.s32 s3;
	_ =	sdelay $0x1  }
0xa1: {  	s23 =	simm.s32 $0x1B8B  }
0xa2: {  	_ =	swait.ge [sflag:s23], $0x1  }
0xa3: {  	[sflag:s23] =	ssyncset.done $0x0  }
0xa4: {  	s25 =	simm.s32 $0x1B8E;
	s24 =	sld [smem:$0x3FFE];
	[sflag:s23] =	ssyncadd.s32 $0xFFFFFFFF  }
0xa5: {  	s26 =	simm.s32 $execute0_lowered;
	[smem:$0x3FD2] =	sst s25  }
0xa6: {  	s4 =	sshll.u32 s26, $0x1;
	_ =	strace $0x8000004C;
	[dreg:$0x1] =	wrdreg $0xFFFFFFFF  }
0xa7: {  	s28 =	simm.s32 $_size_execute0_lowered;
	s2 =	sadd.s32 s2, s4;
	[dreg:$0x0] =	wrdreg $0x0  }
0xa8: {  	s4 =	sshll.u32 s28, $0x1;
	[dreg:$0x2] =	wrdreg s2  }
0xa9: {  	[dreg:$0x3] =	wrdreg s4  }
0xaa: {  	[dreg:$0x4] =	wrdreg $0xC0  }
0xab: {  	_ =	task [dreg:s6], $0x5FFFF  }
0xac: {  	[dreg:$0x1] =	wrdreg $0xFFFFFFFF  }
0xad: {  	[dreg:$0x0] =	wrdreg $0x60  }
0xae: {  	[dreg:$0x2] =	wrdreg s24  }
0xaf: {  	[dreg:$0x3] =	wrdreg $0x86000  }
0xb0: {  	[dreg:$0x4] =	wrdreg $0x9  }
0xb1: {  	_ =	task.clear_ibuf [dreg:s6], $0x5FFFF;
	_ =	strace $0x9000004C  }
0xb2: {  	s29 =	simm.s32 $0x9;
	_ =	strace $0x8000004E  }
0xb3: {  	_ =	swait.ge [sflag:s29], $0x1  }
0xb4: {  	[sflag:s29] =	ssyncadd.s32 $0xFFFFFFFF  }
0xb5: {  	_ =	strace $0x9000004E  }
0xb6: {  	_ =	sfence  }
0xb7: {  	s30 =	sld [smem:$0x0];
	_ =	sdelay $0x2  }
0xb8: {  	s31 =	sshll.u32 s1, $0xD;
	s1 =	sshrl.u32 s1, $0x2  }
0xb9: {  	s3 =	sand.u32 $0x4000, s31;
	s1 =	sadd.s32 s1, s30  }
0xba: {  	s0 =	sor.u32 s3, s0;
	s1 =	sshll.u32 s1, $0x11  }
0xbb: {  	s0 =	sor.u32 s1, s0  }
0xbc: {  	s0 =	sadd.s32 $0x8F2B, s0  }
0xbd: {  	[sflag:s0] =	ssyncadd.remote.s32 $0x1  }
0xbe: {  	_ =	sfence.sel $0xFFFF  }
0xbf: {  	[dreg:$0x0] =	wrdreg $0xFFFFFFFF;
	(pc) =	sbr.abs _section_cstart, $3  }
0xc0: {  	[dreg:$0x1] =	wrdreg $0xFFFFFFFF  }
0xc1: {  	_ =	task.clear_ibuf [dreg:s6], $0x2FFFF;
	_ =	strace $0x9FFFFFFF  }
0xc2: {  	(tm) =	ssettm $0x7FFFFFFF  }
0xc3: {  	_ =	shalt  }
tec
execute0_lowered:
.L_overlay_start_1:
0x0: {  	(tag) =	ssettag $0x1  }
0x1: {  	s0 =	rddreg [dreg:$0x0]  }
0x2: {  	s1 =	rddreg [dreg:$0x1]  }
0x3: {  	s2 =	simm.s32 $0x0;
	s3 =	srdreg.scid;
	s11 =	stileid.u32  }
0x4: {  	s29 =	simm.s32 $0x0;
	[smem:$0x7FF] =	sst s2;
	s10 =	sadd.s32 $0xD200, s0  }
0x5: {  	s12 =	sadd.s32 $0x3400, s0;
	s6 =	sadd.s32 $0x17000, s0;
	s3 =	sand.u32 $0x1, s3  }
0x6: {  	s13 =	sadd.s32 $0x65400, s0;
	s7 =	smul.u32 $0x4E000, s11;
	s8 =	sshll.u32 s11, $0x7  }
0x7: {  	s14 =	sadd.s32 $0x8C600, s0;
	p1 =	sne.s32 s11, $0xF;
	p2 =	sgt.u32 s11, $0x1  }
0x8: {  	p3 =	seq.s32 s11, $0xF;
	_ =	strace $0x8000004D;
	s4 =	smul.u32 $0x27100, s3  }
0x9: {  	s5 =	ssub.s32 $0x2, s3;
	p0 =	seq.s32 s3, $0x1;
	[dreg:$0x3] =	wrdreg s13  }
0xa: {  	[dreg:$0x4] =	wrdreg s14;
	s31 =	smov.u32 s10;
	s21 =	sshrl.u32 s5, $0x1  }
0xb: {  	s22 =	sshrl.u32 s7, $0x2;
	s9 =	sadd.s32 s8, s4;
	s0 =	ssub.s32 s5, s21  }
0xc: {  	s30 =	sadd.s32 s22, s1;
	s23 =	sshrl.u32 s9, $0x3;
	s25 =	sadd.s32 $0x800, s9  }
0xd: {  	s26 =	sadd.s32 $0x1000, s9;
	s8 =	sadd.s32 $0x1800, s9;
	s18 =	sadd.s32 $0x2000, s9  }
0xe: {  	s20 =	sadd.s32 $0x2800, s9;
	s0 =	smax.u32 s0, $0x1;
	[dreg:$0x5] =	wrdreg s30  }
0xf: {  	s24 =	sadd.s32 s10, s23;
	s5 =	sadd.s32 s12, s23;
	s4 =	sshrl.u32 s25, $0x3  }
0x10: {  	s16 =	sshrl.u32 s8, $0x3;
	s19 =	sshrl.u32 s18, $0x3;
	[dreg:$0x16] =	wrdreg s0  }
0x11: {  	s22 =	sshrl.u32 s20, $0x3;
	s23 =	sadd.s32 $0x27000, s9;
	[dreg:$0x6] =	wrdreg s24  }
0x12: {  	s8 =	sadd.s32 $0x5000, s9;
	s20 =	sadd.s32 $0x3000, s9;
	[dreg:$0x7] =	wrdreg s5  }
0x13: {  	s28 =	sadd.s32 s10, s4;
	s5 =	sshrl.u32 s26, $0x3;
	[dreg:$0x1c] =	wrdreg s20  }
0x14: {  	s4 =	sadd.s32 s12, s4;
	s17 =	sadd.s32 s10, s16;
	[dreg:$0x8] =	wrdreg s28  }
0x15: {  	s21 =	sadd.s32 s10, s19;
	s24 =	smul.u32 $0x2700, s11;
	[dreg:$0x9] =	wrdreg s4  }
0x16: {  	s26 =	sadd.s32 $0x5800, s9;
	s0 =	sshrl.u32 s8, $0x3;
	[dreg:$0xc] =	wrdreg s17  }
0x17: {  	s11 =	simm.s32 $0x480;
	s15 =	sadd.s32 s10, s5;
	[dreg:$0xe] =	wrdreg s21  }
0x18: {  	s20 =	simm.s32 $0x3;
	s5 =	sadd.s32 s12, s5;
	[dreg:$0xa] =	wrdreg s15  }
0x19: {  	s4 =	sadd.s32 s12, s16;
	s16 =	sadd.s32 $0x4000, s9;
	[dreg:$0xb] =	wrdreg s5  }
0x1a: {  	s17 =	sadd.s32 $0x3800, s9;
	s21 =	sadd.s32 $0x4000, s30;
	[dreg:$0xd] =	wrdreg s4  }
0x1b: {  	s4 =	sadd.s32 s12, s19;
	s5 =	sadd.s32 s10, s22;
	s28 =	sadd.s32 s13, s24  }
0x1c: {  	s3 =	sadd.s32 s14, s24;
	s13 =	sadd.s32 $0x4800, s9;
	[dreg:$0x1d] =	wrdreg s21  }
0x1d: {  	s14 =	sadd.s32 s0, s12;
	s0 =	sadd.s32 s0, s10;
	[dreg:$0xf] =	wrdreg s4  }
0x1e: {  	s18 =	sshrl.u32 s16, $0x3;
	s19 =	sshrl.u32 s17, $0x3;
	[dreg:$0x10] =	wrdreg s5  }
0x1f: {  	s16 =	simm.s32 $0x600;
	s17 =	simm.s32 $0x9;
	[dreg:$0x14] =	wrdreg s28  }
0x20: {  	s9 =	simm.s32 $0x4600;
	s21 =	simm.s32 $0x8;
	[dreg:$0x15] =	wrdreg s3  }
0x21: {  	s4 =	sadd.s32 s12, s22;
	s5 =	sshrl.u32 s26, $0x3;
	[dreg:$0x19] =	wrdreg s14  }
0x22: {  	[dreg:$0x1a] =	wrdreg s0;
	s8 =	sadd.s32 s18, s12;
	s24 =	sadd.s32 s18, s10  }
0x23: {  	s0 =	smov.u32 s12;
	s22 =	sadd.s32 $0x8000, s30;
	[dreg:$0x11] =	wrdreg s4  }
0x24: {  	s26 =	sadd.s32 $0x10000, s30;
	s28 =	sadd.s32 $0x138000, s1;
	[dreg:$0x1e] =	wrdreg s22  }
0x25: {  	s18 =	simm.s32 $0x80;
	s14 =	simm.s32 $0x1;
	[smem:$0x7FC] =	sst s26  }
0x26: {  	s4 =	sshrl.u32 s23, $0x3;
	s7 =	sadd.s32 s5, s12;
	[smem:$0x7FD] =	sst s28  }
0x27: {  	s3 =	sadd.s32 s5, s10;
	s23 =	sadd.s32 $0xC000, s30;
	[dreg:$0x17] =	wrdreg s7  }
0x28: {  	s22 =	simm.s32 $0x4;
	s26 =	simm.s32 $0x6;
	[dreg:$0x18] =	wrdreg s3  }
0x29: {  	s25 =	sadd.s32 s10, s4;
	s4 =	sadd.s32 s12, s4;
	[dreg:$0x1f] =	wrdreg s23  }
.Ltmp0:
0x2a: {  	s3 =	sshrl.u32 s13, $0x3;
	[dreg:$0x12] =	wrdreg s25;
	(pc) =	sbr.rel .LBB2_1-.Ltmp0, $4  }
0x2b: {  	s13 =	simm.s32 $0x580;
	s23 =	simm.s32 $0x5;
	[dreg:$0x13] =	wrdreg s4  }
0x2c: {  	s15 =	sadd.s32 s3, s12;
	s7 =	sadd.s32 s3, s10;
	s25 =	sadd.s32 s19, s12  }
0x2d: {  	s4 =	sadd.s32 s19, s10;
	s10 =	simm.s32 $0x400;
	s12 =	simm.s32 $0x500  }
0x2e: {  	v0 =	vimm.f32 $0.0e+00;
	s19 =	simm.s32 $0x7;
	[dreg:$0x1b] =	wrdreg s15;
	s15 =	simm.s32 $0x2  }
.LBB2_9:
0x2f: {  	s28 =	sld [smem:$0x7FD];
	_ =	sdelay $0x2  }
0x30: {  	s5 =	sadd.s32 $0x27000, s5;
	s28 =	sshrl.u32 s28, $0x3  }
0x31: {  	[hbm:s5], [sflag:s3] =	dma.local [spmem:s28], $0x100  }
0x32: {  	_ =	swait.ge [sflag:s17], $0x100  }
0x33: {  	[sflag:s17] =	ssyncset.done $0x0  }
0x34: {  	[sflag:s17] =	ssyncadd.s32 $0xFFFFFF00  }
.LBB2_10:
0x35: {  	s29 =	sadd.s32 $0x1, s29;
	s3 =	rddreg [dreg:$0x16]  }
0x36: {  	p4 =	sne.s32 s29, s3  }
.Ltmp1:
0x37: {  	_ = 	snop;
	(pc) =	sbr.rel @!p4 .LBB2_11-.Ltmp1, $1  }
0x38: {  	_ =	sdelay $0x3  }
.LBB2_1:
0x39: {  	s3 =	sand.u32 $0xFE00, s2  }
0x3a: {  	[smem:$0x7FB] =	sst s29;
	s5 =	sand.u32 $0x70, s2;
	s28 =	sshrl.u32 s3, $0x2  }
0x3b: {  	s3 =	simm.s32 $0x40;
	s28 =	sor.u32 s5, s28;
	s5 =	simm.s32 $0x0  }
.LBB2_2:
0x3c: {  	p4 =	sne.s32 s3, $0xFFC0  }
0x3d: {  	[tilespmem:s28+$0x600] =	vst v0;
	s5 =	sadd.s32 $0x10, s5;
	s28 =	smov.u32 s3;
	s3 =	sadd.s32 $0x40, s3  }
.Ltmp2:
0x3e: {  	(pc) =	sbr.rel @p4 .LBB2_2-.Ltmp2, $4  }
0x3f: {  	_ = 	snop  }
0x40: {  	s28 =	sand.u32 $0xFE00, s28  }
0x41: {  	s29 =	sand.u32 $0x70, s5;
	s28 =	sshrl.u32 s28, $0x2  }
0x42: {  	s28 =	sor.u32 s29, s28  }
0x43: {  	[tilespmem:s28+$0x600] =	vst v0  }
0x44: {  	[spmem:s30] =	stream.linear.scatter [tilespmem:s16], [sflag:$0x9], $0x4000, $0x38;
	[tilespmem:$0x1BE80] =	vst v63  }
0x45: {  	_ =	swait.ge [sflag:s17], $0x4000  }
0x46: {  	[sflag:s17] =	ssyncset.done $0x0  }
0x47: {  	s3 =	rddreg [dreg:$0x1d];
	[sflag:s17] =	ssyncadd.s32 $0xFFFFC000  }
0x48: {  	[spmem:s3] =	stream.linear.scatter [tilespmem:s16], [sflag:$0x9], $0x4000, $0x38;
	[tilespmem:$0x1BE80] =	vst v63  }
0x49: {  	_ =	swait.ge [sflag:s17], $0x4000  }
0x4a: {  	[sflag:s17] =	ssyncset.done $0x0  }
0x4b: {  	s29 =	rddreg [dreg:$0x1e];
	[sflag:s17] =	ssyncadd.s32 $0xFFFFC000  }
0x4c: {  	[spmem:s29] =	stream.linear.scatter [tilespmem:s16], [sflag:$0x9], $0x4000, $0x38;
	[tilespmem:$0x1BE80] =	vst v63  }
0x4d: {  	_ =	swait.ge [sflag:s17], $0x4000  }
0x4e: {  	[sflag:s17] =	ssyncset.done $0x0  }
0x4f: {  	s30 =	rddreg [dreg:$0x1f];
	[sflag:s17] =	ssyncadd.s32 $0xFFFFC000  }
0x50: {  	[spmem:s30] =	stream.linear.scatter [tilespmem:s16], [sflag:$0x9], $0x4000, $0x38;
	[tilespmem:$0x1BE80] =	vst v63  }
0x51: {  	_ =	swait.ge [sflag:s17], $0x4000  }
0x52: {  	s5 =	sld [smem:$0x7FC]  }
0x53: {  	[sflag:s17] =	ssyncset.done $0x0  }
0x54: {  	[sflag:s17] =	ssyncadd.s32 $0xFFFFC000  }
0x55: {  	[spmem:s5] =	stream.linear.scatter [tilespmem:s16], [sflag:$0x9], $0x3800, $0x38;
	[tilespmem:$0x1BE80] =	vst v63  }
0x56: {  	_ =	swait.ge [sflag:s17], $0x3800  }
0x57: {  	s5 =	sld [smem:$0x7FD]  }
0x58: {  	[sflag:s17] =	ssyncset.done $0x0  }
0x59: {  	s3 =	simm.s32 @!p1 $0x600;
	[sflag:s17] =	ssyncadd.s32 $0xFFFFC800  }
0x5a: {  	[spmem:s5] =	stream.linear.scatter @!p1 [tilespmem:s3], [sflag:$0x9], $0x800, $0x38;
	[tilespmem:$0x1BE80] =	vst v63  }
0x5b: {  	s3 =	simm.s32 @!p1 $0x9  }
0x5c: {  	_ =	swait.ge @!p1 [sflag:s3], $0x800  }
0x5d: {  	[sflag:s3] =	ssyncset.done @!p1 $0x0  }
0x5e: {  	[sflag:s3] =	ssyncadd.s32 @!p1 $0xFFFFF800  }
0x5f: {  	[bflag:$0x0] =	sbarrier.arrive $0xFFFF  }
0x60: {  	s3 =	simm.s32 $0x0;
	s28 =	rddreg [dreg:$0x6]  }
0x61: {  	[tilespmem:s3], [sflag:$0x1] =	stream.linear.gather [hbm4b:s28+s3], $0x80, $0x38;
	[tilespmem:$0x1BE80] =	vst v63  }
0x62: {  	s29 =	rddreg [dreg:$0x7]  }
0x63: {  	[tilespmem:s18], [sflag:$0x1] =	stream.linear.gather [hbm4b:s29+s3], $0x80, $0x38;
	[tilespmem:$0x1BE80] =	vst v63  }
0x64: {  	s30 =	rddreg [dreg:$0x8];
	s29 =	simm.s32 $0x100  }
0x65: {  	[tilespmem:s29], [sflag:$0x2] =	stream.linear.gather [hbm4b:s30+s3], $0x80, $0x38;
	[tilespmem:$0x1BE80] =	vst v63  }
0x66: {  	s30 =	rddreg [dreg:$0x9];
	s29 =	simm.s32 $0x180  }
0x67: {  	[tilespmem:s29], [sflag:$0x2] =	stream.linear.gather [hbm4b:s30+s3], $0x80, $0x38;
	[tilespmem:$0x1BE80] =	vst v63  }
0x68: {  	s30 =	rddreg [dreg:$0xa];
	s29 =	simm.s32 $0x200  }
0x69: {  	[tilespmem:s29], [sflag:$0x3] =	stream.linear.gather [hbm4b:s30+s3], $0x80, $0x38;
	[tilespmem:$0x1BE80] =	vst v63  }
0x6a: {  	s30 =	rddreg [dreg:$0xb];
	s29 =	simm.s32 $0x280  }
0x6b: {  	[tilespmem:s29], [sflag:$0x3] =	stream.linear.gather [hbm4b:s30+s3], $0x80, $0x38;
	[tilespmem:$0x1BE80] =	vst v63  }
0x6c: {  	s30 =	rddreg [dreg:$0xc];
	s29 =	simm.s32 $0x300  }
0x6d: {  	[tilespmem:s29], [sflag:$0x4] =	stream.linear.gather [hbm4b:s30+s3], $0x80, $0x38;
	[tilespmem:$0x1BE80] =	vst v63  }
0x6e: {  	s30 =	rddreg [dreg:$0xd];
	s29 =	simm.s32 $0x380  }
0x6f: {  	[tilespmem:s29], [sflag:$0x4] =	stream.linear.gather [hbm4b:s30+s3], $0x80, $0x38;
	[tilespmem:$0x1BE80] =	vst v63  }
0x70: {  	s30 =	rddreg [dreg:$0xe]  }
0x71: {  	[tilespmem:s10], [sflag:$0x5] =	stream.linear.gather [hbm4b:s30+s3], $0x80, $0x38;
	[tilespmem:$0x1BE80] =	vst v63  }
0x72: {  	s28 =	rddreg [dreg:$0xf]  }
0x73: {  	[tilespmem:s11], [sflag:$0x5] =	stream.linear.gather [hbm4b:s28+s3], $0x80, $0x38;
	[tilespmem:$0x1BE80] =	vst v63  }
0x74: {  	s29 =	rddreg [dreg:$0x10]  }
0x75: {  	[tilespmem:s12], [sflag:$0x6] =	stream.linear.gather [hbm4b:s29+s3], $0x80, $0x38;
	[tilespmem:$0x1BE80] =	vst v63  }
0x76: {  	s30 =	rddreg [dreg:$0x11]  }
0x77: {  	[tilespmem:s13], [sflag:$0x6] =	stream.linear.gather [hbm4b:s30+s3], $0x80, $0x38;
	[tilespmem:$0x1BE80] =	vst v63  }
0x78: {  	_ =	swait.ge [sflag:s14], $0x80  }
0x79: {  	[sflag:s14] =	ssyncset.done $0x0  }
0x7a: {  	[sflag:s14] =	ssyncadd.s32 $0xFFFFFF80  }
0x7b: {  	_ =	swait.ge [sflag:s14], $0x80  }
0x7c: {  	[sflag:s14] =	ssyncset.done $0x0  }
0x7d: {  	s5 =	rddreg [dreg:$0x1c];
	[sflag:s14] =	ssyncadd.s32 $0xFFFFFF80  }
0x7e: {  	[tilespmem:s16], [sflag:$0x7] =	stream.indirect.gather [hbm4b:s6+s18], $0x80, s3, s18, $0xb8;
	[tilespmem:$0x1BE80] =	vst v63  }
.LBB2_4:
0x7f: {  	_ =	swait.ge [sflag:s15], $0x80  }
0x80: {  	[sflag:s15] =	ssyncset.done $0x0  }
0x81: {  	[sflag:s15] =	ssyncadd.s32 $0xFFFFFF80  }
0x82: {  	_ =	swait.ge [sflag:s15], $0x80  }
0x83: {  	[sflag:s15] =	ssyncset.done $0x0  }
0x84: {  	s28 =	simm.s32 $0x100;
	[sflag:s15] =	ssyncadd.s32 $0xFFFFFF80  }
0x85: {  	[tilespmem:s9], [sflag:$0x8] =	stream.indirect.gather [hbm4b:s6+s18], $0x80, s28, s18, $0xb8;
	[tilespmem:$0x1BE80] =	vst v63  }
0x86: {  	_ =	swait.ge [sflag:s19], $0x4000  }
0x87: {  	[sflag:s19] =	ssyncset.done $0x0  }
0x88: {  	[sflag:s19] =	ssyncadd.s32 $0xFFFFC000  }
0x89: {  	[spmem:s1] =	stream.indirect.scatter.add.f32 [tilespmem:s16], [sflag:$0x9], $0x80, s18, s18, $0xb8;
	[tilespmem:$0x1BE80] =	vst v63  }
0x8a: {  	p4 =	seq.s32 s3, $0x4800;
	_ =	swait.ge [sflag:s17], $0x4000  }
0x8b: {  	s29 =	sshrl.u32 @!p4 s5, $0x3;
	[sflag:s17] =	ssyncset.done $0x0  }
0x8c: {  	s30 =	sadd.s32 @!p4 s31, s29;
	s28 =	simm.s32 @!p4 $0x0;
	[sflag:s17] =	ssyncadd.s32 $0xFFFFC000  }
0x8d: {  	[tilespmem:s28], [sflag:$0x1] =	stream.linear.gather @!p4 [hbm4b:s30+s28], $0x80, $0x38;
	[tilespmem:$0x1BE80] =	vst v63  }
0x8e: {  	s29 =	sadd.s32 @!p4 s0, s29;
	s30 =	simm.s32 @!p4 $0x80  }
0x8f: {  	[tilespmem:s30], [sflag:$0x1] =	stream.linear.gather @!p4 [hbm4b:s29+s28], $0x80, $0x38;
	[tilespmem:$0x1BE80] =	vst v63  }
0x90: {  	_ =	swait.ge [sflag:s20], $0x80  }
0x91: {  	[sflag:s20] =	ssyncset.done $0x0  }
0x92: {  	[sflag:s20] =	ssyncadd.s32 $0xFFFFFF80  }
0x93: {  	_ =	swait.ge [sflag:s20], $0x80  }
0x94: {  	[sflag:s20] =	ssyncset.done $0x0  }
0x95: {  	s30 =	simm.s32 $0x200;
	[sflag:s20] =	ssyncadd.s32 $0xFFFFFF80  }
0x96: {  	[tilespmem:s16], [sflag:$0x7] =	stream.indirect.gather [hbm4b:s6+s18], $0x80, s30, s18, $0xb8;
	[tilespmem:$0x1BE80] =	vst v63  }
0x97: {  	_ =	swait.ge [sflag:s21], $0x4000  }
0x98: {  	[sflag:s21] =	ssyncset.done $0x0  }
0x99: {  	s30 =	simm.s32 $0x180;
	[sflag:s21] =	ssyncadd.s32 $0xFFFFC000  }
0x9a: {  	[spmem:s1] =	stream.indirect.scatter.add.f32 [tilespmem:s9], [sflag:$0x9], $0x80, s30, s18, $0xb8;
	[tilespmem:$0x1BE80] =	vst v63  }
0x9b: {  	_ =	swait.ge [sflag:s17], $0x4000  }
0x9c: {  	[sflag:s17] =	ssyncset.done $0x0  }
0x9d: {  	s29 =	sadd.s32 @!p4 s3, s4;
	s30 =	simm.s32 @!p4 $0x100;
	[sflag:s17] =	ssyncadd.s32 $0xFFFFC000  }
0x9e: {  	[tilespmem:s30], [sflag:$0x2] =	stream.linear.gather @!p4 [hbm4b:s29+s28], $0x80, $0x38;
	[tilespmem:$0x1BE80] =	vst v63  }
0x9f: {  	s29 =	sadd.s32 @!p4 s3, s25;
	s30 =	simm.s32 @!p4 $0x180  }
0xa0: {  	[tilespmem:s30], [sflag:$0x2] =	stream.linear.gather @!p4 [hbm4b:s29+s28], $0x80, $0x38;
	[tilespmem:$0x1BE80] =	vst v63  }
0xa1: {  	_ =	swait.ge [sflag:s22], $0x80  }
0xa2: {  	[sflag:s22] =	ssyncset.done $0x0  }
0xa3: {  	[sflag:s22] =	ssyncadd.s32 $0xFFFFFF80  }
0xa4: {  	_ =	swait.ge [sflag:s22], $0x80  }
0xa5: {  	[sflag:s22] =	ssyncset.done $0x0  }
0xa6: {  	s30 =	simm.s32 $0x300;
	[sflag:s22] =	ssyncadd.s32 $0xFFFFFF80  }
0xa7: {  	[tilespmem:s9], [sflag:$0x8] =	stream.indirect.gather [hbm4b:s6+s18], $0x80, s30, s18, $0xb8;
	[tilespmem:$0x1BE80] =	vst v63  }
0xa8: {  	_ =	swait.ge [sflag:s19], $0x4000  }
0xa9: {  	[sflag:s19] =	ssyncset.done $0x0  }
0xaa: {  	s30 =	simm.s32 $0x280;
	[sflag:s19] =	ssyncadd.s32 $0xFFFFC000  }
0xab: {  	[spmem:s1] =	stream.indirect.scatter.add.f32 [tilespmem:s16], [sflag:$0x9], $0x80, s30, s18, $0xb8;
	[tilespmem:$0x1BE80] =	vst v63  }
0xac: {  	_ =	swait.ge [sflag:s17], $0x4000  }
0xad: {  	[sflag:s17] =	ssyncset.done $0x0  }
0xae: {  	s29 =	sadd.s32 @!p4 s3, s24;
	s30 =	simm.s32 @!p4 $0x200;
	[sflag:s17] =	ssyncadd.s32 $0xFFFFC000  }
0xaf: {  	[tilespmem:s30], [sflag:$0x3] =	stream.linear.gather @!p4 [hbm4b:s29+s28], $0x80, $0x38;
	[tilespmem:$0x1BE80] =	vst v63  }
0xb0: {  	s29 =	sadd.s32 @!p4 s3, s8;
	s30 =	simm.s32 @!p4 $0x280  }
0xb1: {  	[tilespmem:s30], [sflag:$0x3] =	stream.linear.gather @!p4 [hbm4b:s29+s28], $0x80, $0x38;
	[tilespmem:$0x1BE80] =	vst v63  }
0xb2: {  	_ =	swait.ge [sflag:s23], $0x80  }
0xb3: {  	[sflag:s23] =	ssyncset.done $0x0  }
0xb4: {  	[sflag:s23] =	ssyncadd.s32 $0xFFFFFF80  }
0xb5: {  	_ =	swait.ge [sflag:s23], $0x80  }
0xb6: {  	[sflag:s23] =	ssyncset.done $0x0  }
0xb7: {  	[sflag:s23] =	ssyncadd.s32 $0xFFFFFF80  }
0xb8: {  	[tilespmem:s16], [sflag:$0x7] =	stream.indirect.gather [hbm4b:s6+s18], $0x80, s10, s18, $0xb8;
	[tilespmem:$0x1BE80] =	vst v63  }
0xb9: {  	_ =	swait.ge [sflag:s21], $0x4000  }
0xba: {  	[sflag:s21] =	ssyncset.done $0x0  }
0xbb: {  	s30 =	simm.s32 $0x380;
	[sflag:s21] =	ssyncadd.s32 $0xFFFFC000  }
0xbc: {  	[spmem:s1] =	stream.indirect.scatter.add.f32 [tilespmem:s9], [sflag:$0x9], $0x80, s30, s18, $0xb8;
	[tilespmem:$0x1BE80] =	vst v63  }
0xbd: {  	_ =	swait.ge [sflag:s17], $0x4000  }
0xbe: {  	[sflag:s17] =	ssyncset.done $0x0  }
0xbf: {  	s29 =	sadd.s32 @!p4 s3, s7;
	s30 =	simm.s32 @!p4 $0x300;
	[sflag:s17] =	ssyncadd.s32 $0xFFFFC000  }
0xc0: {  	[tilespmem:s30], [sflag:$0x4] =	stream.linear.gather @!p4 [hbm4b:s29+s28], $0x80, $0x38;
	[tilespmem:$0x1BE80] =	vst v63  }
0xc1: {  	s29 =	rddreg [dreg:$0x1b]  }
0xc2: {  	s30 =	simm.s32 @!p4 $0x380;
	s29 =	sadd.s32 @!p4 s3, s29  }
0xc3: {  	[tilespmem:s30], [sflag:$0x4] =	stream.linear.gather @!p4 [hbm4b:s29+s28], $0x80, $0x38;
	[tilespmem:$0x1BE80] =	vst v63  }
0xc4: {  	_ =	swait.ge [sflag:s26], $0x80  }
0xc5: {  	[sflag:s26] =	ssyncset.done $0x0  }
0xc6: {  	[sflag:s26] =	ssyncadd.s32 $0xFFFFFF80  }
0xc7: {  	_ =	swait.ge [sflag:s26], $0x80  }
0xc8: {  	[sflag:s26] =	ssyncset.done $0x0  }
0xc9: {  	[sflag:s26] =	ssyncadd.s32 $0xFFFFFF80  }
0xca: {  	[tilespmem:s9], [sflag:$0x8] =	stream.indirect.gather [hbm4b:s6+s18], $0x80, s12, s18, $0xb8;
	[tilespmem:$0x1BE80] =	vst v63  }
0xcb: {  	_ =	swait.ge [sflag:s19], $0x4000  }
0xcc: {  	[sflag:s19] =	ssyncset.done $0x0  }
.Ltmp3:
0xcd: {  	[sflag:s19] =	ssyncadd.s32 $0xFFFFC000;
	(pc) =	sbr.rel @p4 .LBB2_6-.Ltmp3, $4  }
0xce: {  	[spmem:s1] =	stream.indirect.scatter.add.f32 [tilespmem:s16], [sflag:$0x9], $0x80, s11, s18, $0xb8;
	[tilespmem:$0x1BE80] =	vst v63  }
0xcf: {  	_ =	swait.ge [sflag:s17], $0x4000  }
0xd0: {  	[sflag:s17] =	ssyncset.done $0x0  }
0xd1: {  	[sflag:s17] =	ssyncadd.s32 $0xFFFFC000  }
0xd2: {  	s28 =	rddreg [dreg:$0x1a]  }
0xd3: {  	s30 =	rddreg [dreg:$0x19];
	s28 =	sadd.s32 s3, s28  }
0xd4: {  	[tilespmem:s10], [sflag:$0x5] =	stream.linear.gather [hbm4b:s28+s2], $0x80, $0x38;
	[tilespmem:$0x1BE80] =	vst v63  }
0xd5: {  	s28 =	sadd.s32 s3, s30  }
0xd6: {  	[tilespmem:s11], [sflag:$0x5] =	stream.linear.gather [hbm4b:s28+s2], $0x80, $0x38;
	[tilespmem:$0x1BE80] =	vst v63  }
0xd7: {  	_ =	swait.ge [sflag:s14], $0x80  }
0xd8: {  	[sflag:s14] =	ssyncset.done $0x0  }
0xd9: {  	[sflag:s14] =	ssyncadd.s32 $0xFFFFFF80  }
0xda: {  	_ =	swait.ge [sflag:s14], $0x80  }
0xdb: {  	[sflag:s14] =	ssyncset.done $0x0  }
0xdc: {  	[sflag:s14] =	ssyncadd.s32 $0xFFFFFF80  }
0xdd: {  	[tilespmem:s16], [sflag:$0x7] =	stream.indirect.gather [hbm4b:s6+s18], $0x80, s2, s18, $0xb8;
	[tilespmem:$0x1BE80] =	vst v63  }
0xde: {  	_ =	swait.ge [sflag:s21], $0x4000  }
0xdf: {  	[sflag:s21] =	ssyncset.done $0x0  }
0xe0: {  	[sflag:s21] =	ssyncadd.s32 $0xFFFFC000  }
0xe1: {  	[spmem:s1] =	stream.indirect.scatter.add.f32 [tilespmem:s9], [sflag:$0x9], $0x80, s13, s18, $0xb8;
	[tilespmem:$0x1BE80] =	vst v63  }
0xe2: {  	_ =	swait.ge [sflag:s17], $0x4000  }
.Ltmp4:
0xe3: {  	[sflag:s17] =	ssyncset.done $0x0;
	s29 =	rddreg [dreg:$0x18];
	(pc) =	sbr.rel .LBB2_4-.Ltmp4, $4  }
0xe4: {  	s30 =	rddreg [dreg:$0x17];
	[sflag:s17] =	ssyncadd.s32 $0xFFFFC000;
	s28 =	sadd.s32 s3, s29  }
0xe5: {  	[tilespmem:s12], [sflag:$0x6] =	stream.linear.gather [hbm4b:s28+s2], $0x80, $0x38;
	[tilespmem:$0x1BE80] =	vst v63  }
0xe6: {  	s5 =	sadd.s32 $0x3000, s5;
	s28 =	sadd.s32 s3, s30;
	s3 =	sadd.s32 $0x600, s3  }
0xe7: {  	[tilespmem:s13], [sflag:$0x6] =	stream.linear.gather [hbm4b:s28+s2], $0x80, $0x38;
	[tilespmem:$0x1BE80] =	vst v63  }
.LBB2_6:
0xe8: {  	_ =	swait.ge [sflag:s21], $0x4000  }
0xe9: {  	[sflag:s21] =	ssyncset.done $0x0  }
0xea: {  	[sflag:s21] =	ssyncadd.s32 $0xFFFFC000  }
0xeb: {  	[spmem:s1] =	stream.indirect.scatter.add.f32 [tilespmem:s9], [sflag:$0x9], $0x80, s13, s18, $0xb8;
	[tilespmem:$0x1BE80] =	vst v63  }
0xec: {  	_ =	swait.ge [sflag:s17], $0x4000  }
0xed: {  	[sflag:s17] =	ssyncset.done $0x0  }
0xee: {  	s3 =	simm.s32 @!p2 $0x0;
	s5 =	rddreg [dreg:$0x12];
	[sflag:s17] =	ssyncadd.s32 $0xFFFFC000  }
0xef: {  	[tilespmem:s3], [sflag:$0x1] =	stream.linear.gather @!p2 [hbm4b:s5+s3], $0x80, $0x38;
	[tilespmem:$0x1BE80] =	vst v63  }
0xf0: {  	s28 =	rddreg [dreg:$0x13];
	s5 =	simm.s32 @!p2 $0x80  }
0xf1: {  	[tilespmem:s5], [sflag:$0x1] =	stream.linear.gather @!p2 [hbm4b:s28+s3], $0x80, $0x38;
	[tilespmem:$0x1BE80] =	vst v63  }
0xf2: {  	s28 =	simm.s32 @!p2 $0x1  }
0xf3: {  	_ =	swait.ge @!p2 [sflag:s28], $0x80  }
0xf4: {  	[sflag:s28] =	ssyncset.done @!p2 $0x0  }
0xf5: {  	[sflag:s28] =	ssyncadd.s32 @!p2 $0xFFFFFF80  }
0xf6: {  	_ =	swait.ge @!p2 [sflag:s28], $0x80  }
0xf7: {  	[sflag:s28] =	ssyncset.done @!p2 $0x0  }
0xf8: {  	[sflag:s28] =	ssyncadd.s32 @!p2 $0xFFFFFF80;
	s28 =	simm.s32 @!p2 $0x600  }
0xf9: {  	[tilespmem:s28], [sflag:$0x7] =	stream.indirect.gather @!p2 [hbm4b:s6+s5], $0x80, s3, s5, $0xb8;
	[tilespmem:$0x1BE80] =	vst v63  }
0xfa: {  	s3 =	simm.s32 @!p2 $0x7  }
0xfb: {  	_ =	swait.ge @!p2 [sflag:s3], $0x4000  }
0xfc: {  	[sflag:s3] =	ssyncset.done @!p2 $0x0  }
0xfd: {  	[sflag:s3] =	ssyncadd.s32 @!p2 $0xFFFFC000;
	s3 =	simm.s32 @!p2 $0x9  }
0xfe: {  	[spmem:s1] =	stream.indirect.scatter.add.f32 @!p2 [tilespmem:s28], [sflag:$0x9], $0x80, s5, s5, $0xb8;
	[tilespmem:$0x1BE80] =	vst v63  }
0xff: {  	_ =	swait.ge @!p2 [sflag:s3], $0x4000  }
.Ltmp5:
0x100: {  	[sflag:s3] =	ssyncset.done @!p2 $0x0;
	(pc) =	sbr.rel @!p0 .LBB2_7-.Ltmp5, $4  }
0x101: {  	[sflag:s3] =	ssyncadd.s32 @!p2 $0xFFFFC000  }
0x102: {  	s29 =	stileid.u32;
	[bflag:$0x0] =	sbarrier.arrive $0xFFFF  }
0x103: {  	s28 =	sshll.u32 s29, $0x6;
	s30 =	rddreg [dreg:$0x5]  }
0x104: {  	s3 =	sor.u32 $0x1C09, s28;
	s5 =	sshrl.u32 s30, $0x3  }
0x105: {  	s3 =	sor.u32 $0x1C09, s28;
	s28 =	rddreg [dreg:$0x15]  }
0x106: {  	[hbm:s28], [sflag:s3] =	dma.local [spmem:s5], $0x2700  }
.Ltmp6:
0x107: {  	_ = 	snop;
	(pc) =	sbr.rel @p1 .LBB2_10-.Ltmp6, $4  }
.Ltmp7:
0x108: {  	_ = 	snop;
	(pc) =	sbr.rel @!p1 .LBB2_9-.Ltmp7, $4  }
0x109: {  	_ =	swait.ge [sflag:s17], $0x2700  }
0x10a: {  	[sflag:s17] =	ssyncset.done $0x0;
	s29 =	sld [smem:$0x7FB]  }
0x10b: {  	s5 =	rddreg [dreg:$0x4];
	[sflag:s17] =	ssyncadd.s32 $0xFFFFD900  }
0x10c: {  	_ = 	snop  }
.LBB2_7:
0x10d: {  	s28 =	rddreg [dreg:$0x14]  }
0x10e: {  	[hbm:s28], [sflag:s3] =	dma.local [spmem:s5], $0x2700  }
.Ltmp8:
0x10f: {  	_ = 	snop;
	(pc) =	sbr.rel @p3 .LBB2_9-.Ltmp8, $4  }
.Ltmp9:
0x110: {  	_ = 	snop;
	(pc) =	sbr.rel @!p3 .LBB2_10-.Ltmp9, $4  }
0x111: {  	_ =	swait.ge [sflag:s17], $0x2700  }
0x112: {  	[sflag:s17] =	ssyncset.done $0x0;
	s29 =	sld [smem:$0x7FB]  }
0x113: {  	s5 =	rddreg [dreg:$0x3];
	[sflag:s17] =	ssyncadd.s32 $0xFFFFD900  }
0x114: {  	_ = 	snop  }
.LBB2_11:
0x115: {  	_ =	sfence.sel $0x180000  }
0x116: {  	[bflag:$0x0] =	sbarrier.arrive $0xFFFF  }
0x117: {  	_ =	strace $0x9000004D  }
0x118: {  	s0 =	stileid.u32;
	[bflag:$0x2] =	sbarrier.arrive $0xFFFF  }
0x119: {  	p0 =	sne.s32 s0, $0x0;
	s0 =	rddreg [dreg:$0x2]  }
0x11a: {  	s0 =	sadd.s32 @!p0 $0x100000, s0  }
0x11b: {  	[sflag:s0] =	ssyncadd.tile.s32 @!p0 $0x1;
	_ =	shalt  }
.Lfunc_end2:
_tile_overlayer_lowered:
.L_overlay_start_2:
0x11c: {  	(tag) =	ssettag $0x2  }
0x11d: {  	s0 =	rddreg [dreg:$0x0];
	s2 =	stileid.u32  }
0x11e: {  	s1 =	rddreg [dreg:$0x1];
	p0 =	sne.s32 s2, $0x0  }
0x11f: {  	s3 =	rddreg [dreg:$0x2];
	[bflag:$0x3] =	sbarrier.arrive $0xFFFF;
	s2 =	simm.s32 @!p0 $0x1C09  }
0x120: {  	[timem:s3], [sflag:s2] =	dma.local @!p0 [hbm:s0], s1  }
0x121: {  	s0 =	simm.s32 @!p0 $0x9  }
0x122: {  	_ =	swait.ge @!p0 [sflag:s0], s1  }
0x123: {  	s1 =	ssub.s32 @!p0 $0x0, s1;
	[sflag:s0] =	ssyncset.done @!p0 $0x0  }
0x124: {  	[sflag:s0] =	ssyncadd.s32 @!p0 s1  }
0x125: {  	[bflag:$0x3] =	sbarrier.arrive $0xFFFF  }
0x126: {  	_ =	shalt  }

// kernel: kernel.8.cloned.1.call-start
scs
__scs_entry_jumppad:
0x0: {  	(pc) =	sbr.rel $0x88, $3  }
0x1: {  	(tag) =	ssettag $0x0;
	lr =	simm.s32 $0x1  }
0x2: {  	[smem:$0x3F95] =	sst lr;
	_ =	strace $0xD0000000  }
0x3: {  	_ = 	snop  }
0x4: {  	_ = 	snop  }
0x5: {  	_ = 	snop  }
0x6: {  	_ = 	snop  }
0x7: {  	_ = 	snop  }
__scs_overlays_trampoline_lowered:
0x8: {  	[smem:$0x3FA4] =	sst s0  }
0x9: {  	[smem:$0x3FA5] =	sst s1  }
0xa: {  	[smem:$0x3FA6] =	sst s2  }
0xb: {  	[smem:$0x3FA7] =	sst s3  }
0xc: {  	[smem:$0x3FA8] =	sst s4  }
0xd: {  	[smem:$0x3FA9] =	sst s5  }
0xe: {  	[smem:$0x3FAA] =	sst s6  }
0xf: {  	[smem:$0x3FAB] =	sst s7  }
0x10: {  	[smem:$0x3FAC] =	sst s8  }
0x11: {  	[smem:$0x3FAD] =	sst s9;
	s0 =	simm.s32 @!p0 $0x0  }
0x12: {  	s1 =	sld [smem:$0x3F93];
	s0 =	simm.s32 @p0 $0x1  }
0x13: {  	[smem:$0x3FAE] =	sst s0;
	s0 =	simm.s32 @!p1 $0x0  }
0x14: {  	s2 =	sld [smem:$0x3F92];
	s0 =	simm.s32 @p1 $0x1  }
0x15: {  	[smem:$0x3FAF] =	sst s0;
	s0 =	simm.s32 @!p2 $0x0  }
0x16: {  	s3 =	sld [smem:$0x3FDB];
	s0 =	simm.s32 @p2 $0x1  }
0x17: {  	s4 =	simm.s32 $0x1BF5;
	[smem:$0x3FB1] =	sst s0  }
0x18: {  	s0 =	sld [smem:$0x3F94];
	_ =	swait.ge [sflag:s4], $0x0  }
0x19: {  	s7 =	sld [smem:$0x3F95]  }
0x1a: {  	s8 =	sadd.s32 $0xFFFFE003, lr  }
0x1b: {  	s9 =	sadd.s32 $0xFFFFFEF7, lr;
	s5 =	simm.s32 $0xFFFFFFFF;
	p2 =	slt.u32 s8, $0xFFFFF086  }
0x1c: {  	p1 =	slt.u32 s9, $0xF7A;
	s5 =	simm.s32 @!p2 $0x0  }
0x1d: {  	s5 =	simm.s32 @p1 $0x1;
	p0 =	seq.s32 s7, s2  }
0x1e: {  	s7 =	smul.u32 @!p0 $0xF7A, s2;
	p2 =	seq.s32 @!p0 s5, $0x0  }
0x1f: {  	s9 =	smul.u32 $0xF7A, s1;
	s8 =	simm.s32 @!p0 $0x1BF5;
	p2 =	por !p2, p0  }
0x20: {  	[sflag:s8] =	ssyncset.s32 @!p0 $0xFFFFF086;
	s6 =	sadd.s32 @!p0 s3, s7;
	s7 =	simm.s32 @!p0 $0x108  }
0x21: {  	s3 =	sadd.s32 s3, s9;
	s6 =	sadd.s32 @!p0 $0x88, s6;
	s7 =	simm.s32 @p2 $0x1082  }
0x22: {  	[simem:s7], [sflag:s8] =	dma.local @!p0 [hbm:s6], $0xF7A  }
0x23: {  	s9 =	sor.u32 $0xD0000000, s2;
	s6 =	simm.s32 $0x108;
	_ =	swait.ge @!p0 [sflag:s8], $0x0  }
0x24: {  	s3 =	sadd.s32 $0x88, s3;
	s6 =	simm.s32 @!p1 $0x1082;
	[sflag:s4] =	ssyncset.s32 $0xFFFFF086  }
0x25: {  	[simem:s6], [sflag:s4] =	dma.local [hbm:s3], $0xF7A  }
0x26: {  	[smem:$0x3F95] =	sst s1;
	(tag) =	ssettag s2;
	_ =	strace s9  }
0x27: {  	s1 =	sld [smem:$0x3FA5]  }
0x28: {  	s2 =	sld [smem:$0x3FA6]  }
0x29: {  	s4 =	sld [smem:$0x3FA8]  }
0x2a: {  	p0 =	seq.s32 s5, $0x0;
	s5 =	sld [smem:$0x3FA9]  }
0x2b: {  	s6 =	sld [smem:$0x3FAA]  }
0x2c: {  	s7 =	sld [smem:$0x3FAB]  }
0x2d: {  	s3 =	simm.s32 $0x108;
	s8 =	sld [smem:$0x3FAC]  }
0x2e: {  	s3 =	simm.s32 @!p0 $0x1082;
	s9 =	sld [smem:$0x3FAD]  }
0x2f: {  	lr =	sadd.s32 s0, s3;
	s0 =	sld [smem:$0x3FA4]  }
0x30: {  	s3 =	sld [smem:$0x3FA7]  }
0x31: {  	[smem:$0x3FB0] =	sst s10  }
0x32: {  	s10 =	sld [smem:$0x3FAE];
	_ =	sdelay $0x3  }
0x33: {  	p0 =	seq.s32 s10, $0x1;
	s10 =	sld [smem:$0x3FB0];
	_ =	sdelay $0x3  }
0x34: {  	[smem:$0x3FB0] =	sst s10  }
0x35: {  	s10 =	sld [smem:$0x3FAF];
	_ =	sdelay $0x3  }
0x36: {  	p1 =	seq.s32 s10, $0x1;
	s10 =	sld [smem:$0x3FB0];
	_ =	sdelay $0x3  }
0x37: {  	[smem:$0x3FB0] =	sst s10  }
0x38: {  	s10 =	sld [smem:$0x3FB1]  }
0x39: {  	_ = 	snop;
	(pc) =	sbr.ind lr, $3  }
0x3a: {  	_ = 	snop  }
0x3b: {  	_ = 	snop  }
0x3c: {  	p2 =	seq.s32 s10, $0x1;
	s10 =	sld [smem:$0x3FB0]  }
0x3d: {  	_ =	shalt  }
0x3e: {  	_ =	shalt  }
0x3f: {  	_ =	shalt  }
0x40: {  	_ =	shalt  }
0x41: {  	_ =	shalt  }
0x42: {  	_ =	shalt  }
0x43: {  	_ =	shalt  }
0x44: {  	_ =	shalt  }
0x45: {  	_ =	shalt  }
0x46: {  	_ =	shalt  }
0x47: {  	_ =	shalt  }
0x48: {  	_ =	shalt  }
0x49: {  	_ =	shalt  }
0x4a: {  	_ =	shalt  }
0x4b: {  	_ =	shalt  }
0x4c: {  	_ =	shalt  }
0x4d: {  	_ =	shalt  }
0x4e: {  	_ =	shalt  }
0x4f: {  	_ =	shalt  }
0x50: {  	_ =	shalt  }
0x51: {  	_ =	shalt  }
0x52: {  	_ =	shalt  }
0x53: {  	_ =	shalt  }
0x54: {  	_ =	shalt  }
0x55: {  	_ =	shalt  }
0x56: {  	_ =	shalt  }
0x57: {  	_ =	shalt  }
0x58: {  	_ =	shalt  }
0x59: {  	_ =	shalt  }
0x5a: {  	_ =	shalt  }
0x5b: {  	_ =	shalt  }
0x5c: {  	_ =	shalt  }
0x5d: {  	_ =	shalt  }
0x5e: {  	_ =	shalt  }
0x5f: {  	_ =	shalt  }
0x60: {  	_ =	shalt  }
0x61: {  	_ =	shalt  }
0x62: {  	_ =	shalt  }
0x63: {  	_ =	shalt  }
0x64: {  	_ =	shalt  }
0x65: {  	_ =	shalt  }
0x66: {  	_ =	shalt  }
0x67: {  	_ =	shalt  }
0x68: {  	_ =	shalt  }
0x69: {  	_ =	shalt  }
0x6a: {  	_ =	shalt  }
0x6b: {  	_ =	shalt  }
0x6c: {  	_ =	shalt  }
0x6d: {  	_ =	shalt  }
0x6e: {  	_ =	shalt  }
0x6f: {  	_ =	shalt  }
0x70: {  	_ =	shalt  }
0x71: {  	_ =	shalt  }
0x72: {  	_ =	shalt  }
0x73: {  	_ =	shalt  }
0x74: {  	_ =	shalt  }
0x75: {  	_ =	shalt  }
0x76: {  	_ =	shalt  }
0x77: {  	_ =	shalt  }
0x78: {  	_ =	shalt  }
0x79: {  	_ =	shalt  }
0x7a: {  	_ =	shalt  }
0x7b: {  	_ =	shalt  }
0x7c: {  	_ =	shalt  }
0x7d: {  	_ =	shalt  }
0x7e: {  	_ =	shalt  }
0x7f: {  	_ =	shalt  }
0x80: {  	_ =	shalt  }
0x81: {  	_ =	shalt  }
0x82: {  	_ =	shalt  }
0x83: {  	_ =	shalt  }
0x84: {  	_ =	shalt  }
0x85: {  	_ =	shalt  }
0x86: {  	_ =	shalt  }
0x87: {  	_ =	shalt  }
.Lfunc_end0:
.L_simem_size_0:
called_computation_lowered:
.L_overlay_start_0:
0x88: {  	s2 =	sld [smem:$0x3FD9]  }
0x89: {  	s3 =	sld [smem:$0x3FFE];
	_ =	sdelay $0x1  }
0x8a: {  	s1 =	srdreg.scid  }
0x8b: {  	s0 =	sand.u32 $0x1, s1  }
0x8c: {  	s16 =	sshll.u32 s0, $0xA;
	s2 =	sadd.s32 s3, s2  }
0x8d: {  	s2 =	sadd.s32 s2, s16  }
0x8e: {  	[smem:$0x3FBC] =	sst s2  }
0x8f: {  	_ = 	snop  }
0x90: {  	(tm) =	ssettm $0x1  }
0x91: {  	s17 =	sld [smem:$0x3FFB];
	_ =	sdelay $0x3  }
0x92: {  	_ =	strace s17  }
0x93: {  	s2 =	sld [smem:$0x3FFC];
	_ =	sdelay $0x3  }
0x94: {  	_ =	strace s2  }
0x95: {  	s2 =	sld [smem:$0x3FFD];
	_ =	sdelay $0x3  }
0x96: {  	_ =	strace s2  }
0x97: {  	_ =	strace $0x8FFFFFFF  }
0x98: {  	s18 =	sld [smem:$0x3FDB];
	_ =	sdelay $0x1  }
0x99: {  	s19 =	simm.s32 $_scs_section_size  }
0x9a: {  	s4 =	simm.s32 $_size__tile_overlayer_lowered;
	s5 =	simm.s32 $_tile_overlayer_lowered  }
0x9b: {  	s22 =	simm.s32 $0x1BFF;
	s21 =	sshll.u32 s5, $0x1;
	s2 =	sadd.s32 s19, s18  }
0x9c: {  	s6 =	simm.s32 $0x0;
	s20 =	sshll.u32 s4, $0x1;
	s4 =	sadd.s32 s21, s2  }
0x9d: {  	[timem:s6], [sflag:s22] =	dma.local [hbm:s4], s20  }
0x9e: {  	_ =	swait.ge [sflag:s22], s20  }
0x9f: {  	s3 =	ssub.s32 $0x0, s20;
	[sflag:s22] =	ssyncset.done $0x0  }
0xa0: {  	[sflag:s22] =	ssyncadd.s32 s3;
	_ =	sdelay $0x1  }
0xa1: {  	s23 =	simm.s32 $0x1B8B  }
0xa2: {  	_ =	swait.ge [sflag:s23], $0x1  }
0xa3: {  	[sflag:s23] =	ssyncset.done $0x0  }
0xa4: {  	s25 =	simm.s32 $0x1B8E;
	s24 =	sld [smem:$0x3FFE];
	[sflag:s23] =	ssyncadd.s32 $0xFFFFFFFF  }
0xa5: {  	s26 =	simm.s32 $execute0_lowered;
	[smem:$0x3FD2] =	sst s25  }
0xa6: {  	s4 =	sshll.u32 s26, $0x1;
	_ =	strace $0x80000046;
	[dreg:$0x1] =	wrdreg $0xFFFFFFFF  }
0xa7: {  	s28 =	simm.s32 $_size_execute0_lowered;
	s2 =	sadd.s32 s2, s4;
	[dreg:$0x0] =	wrdreg $0x0  }
0xa8: {  	s4 =	sshll.u32 s28, $0x1;
	[dreg:$0x2] =	wrdreg s2  }
0xa9: {  	[dreg:$0x3] =	wrdreg s4  }
0xaa: {  	[dreg:$0x4] =	wrdreg $0xC0  }
0xab: {  	_ =	task [dreg:s6], $0x5FFFF  }
0xac: {  	[dreg:$0x1] =	wrdreg $0xFFFFFFFF  }
0xad: {  	[dreg:$0x0] =	wrdreg $0x60  }
0xae: {  	[dreg:$0x2] =	wrdreg s24  }
0xaf: {  	[dreg:$0x3] =	wrdreg $0x82000  }
0xb0: {  	[dreg:$0x4] =	wrdreg $0x9  }
0xb1: {  	_ =	task.clear_ibuf [dreg:s6], $0x5FFFF;
	_ =	strace $0x90000046  }
0xb2: {  	s29 =	simm.s32 $0x9;
	_ =	strace $0x80000048  }
0xb3: {  	_ =	swait.ge [sflag:s29], $0x1  }
0xb4: {  	[sflag:s29] =	ssyncadd.s32 $0xFFFFFFFF  }
0xb5: {  	_ =	strace $0x90000048  }
0xb6: {  	_ =	sfence  }
0xb7: {  	s30 =	sld [smem:$0x0];
	_ =	sdelay $0x2  }
0xb8: {  	s31 =	sshll.u32 s1, $0xD;
	s1 =	sshrl.u32 s1, $0x2  }
0xb9: {  	s3 =	sand.u32 $0x4000, s31;
	s1 =	sadd.s32 s1, s30  }
0xba: {  	s0 =	sor.u32 s3, s0;
	s1 =	sshll.u32 s1, $0x11  }
0xbb: {  	s0 =	sor.u32 s1, s0  }
0xbc: {  	s0 =	sadd.s32 $0x8F2B, s0  }
0xbd: {  	[sflag:s0] =	ssyncadd.remote.s32 $0x1  }
0xbe: {  	_ =	sfence.sel $0xFFFF  }
0xbf: {  	[dreg:$0x0] =	wrdreg $0xFFFFFFFF;
	(pc) =	sbr.abs _section_cstart, $3  }
0xc0: {  	[dreg:$0x1] =	wrdreg $0xFFFFFFFF  }
0xc1: {  	_ =	task.clear_ibuf [dreg:s6], $0x2FFFF;
	_ =	strace $0x9FFFFFFF  }
0xc2: {  	(tm) =	ssettm $0x7FFFFFFF  }
0xc3: {  	_ =	shalt  }
tec
execute0_lowered:
.L_overlay_start_1:
0x0: {  	(tag) =	ssettag $0x1  }
0x1: {  	s0 =	rddreg [dreg:$0x0]  }
0x2: {  	s1 =	rddreg [dreg:$0x1]  }
0x3: {  	s2 =	simm.s32 $0x0;
	s3 =	srdreg.scid;
	s10 =	stileid.u32  }
0x4: {  	s28 =	simm.s32 $0x3;
	s29 =	simm.s32 $0x80;
	s30 =	simm.s32 $0x100  }
0x5: {  	s31 =	simm.s32 $0x180;
	[smem:$0x7FF] =	sst s2;
	s4 =	sadd.s32 $0xD200, s0  }
0x6: {  	s5 =	sadd.s32 $0x3400, s0;
	s3 =	sand.u32 $0x1, s3;
	s6 =	smul.u32 $0x4E000, s10  }
0x7: {  	s11 =	sadd.s32 $0x17000, s0;
	s12 =	sadd.s32 $0x3E200, s0;
	s13 =	sshll.u32 s10, $0x7  }
0x8: {  	s20 =	smul.u32 $0x2700, s10;
	p1 =	sne.s32 s10, $0xF;
	p2 =	sgt.u32 s10, $0x1  }
0x9: {  	p3 =	seq.s32 s10, $0xF;
	_ =	strace $0x80000047;
	s8 =	ssub.s32 $0x2, s3  }
0xa: {  	s9 =	smul.u32 $0x27100, s3;
	p0 =	seq.s32 s3, $0x1;
	[dreg:$0x3] =	wrdreg s11  }
0xb: {  	[dreg:$0x4] =	wrdreg s12;
	s7 =	sshrl.u32 s8, $0x1;
	s6 =	sshrl.u32 s6, $0x2  }
0xc: {  	s21 =	sadd.s32 s11, s20;
	s22 =	sadd.s32 s12, s20;
	s0 =	ssub.s32 s8, s7  }
0xd: {  	s8 =	sadd.s32 s6, s1;
	s6 =	sadd.s32 s13, s9;
	[dreg:$0x9] =	wrdreg s21  }
0xe: {  	s13 =	sadd.s32 $0x138000, s1;
	[dreg:$0xa] =	wrdreg s22;
	s14 =	sadd.s32 $0x4000, s8  }
0xf: {  	s15 =	sadd.s32 $0x8000, s8;
	s16 =	sadd.s32 $0xC000, s8;
	s17 =	sadd.s32 $0x10000, s8  }
0x10: {  	s18 =	sshrl.u32 s6, $0x3;
	s9 =	sadd.s32 $0x27000, s6;
	[dreg:$0x5] =	wrdreg s14  }
0x11: {  	s23 =	sadd.s32 $0x26800, s6;
	s20 =	smax.u32 s0, $0x1;
	[dreg:$0x6] =	wrdreg s15  }
0x12: {  	s25 =	sadd.s32 $0x800, s6;
	s0 =	simm.s32 $0x1;
	[dreg:$0x7] =	wrdreg s16  }
0x13: {  	[dreg:$0x8] =	wrdreg s17;
	s14 =	sadd.s32 s4, s18;
	s15 =	sadd.s32 s5, s18  }
.Ltmp0:
0x14: {  	s19 =	sshrl.u32 s9, $0x3;
	s24 =	sshrl.u32 s23, $0x3;
	(pc) =	sbr.rel .LBB2_1-.Ltmp0, $4  }
0x15: {  	s26 =	sshrl.u32 s25, $0x3;
	s25 =	sadd.s32 $0x1000, s6;
	s18 =	simm.s32 $0x4200  }
0x16: {  	s6 =	simm.s32 $0x0;
	s16 =	sadd.s32 s4, s19;
	s17 =	sadd.s32 s5, s19  }
0x17: {  	v0 =	vimm.f32 $0.0e+00;
	vm0 =	vcmask $0x300;
	s21 =	sadd.s32 s4, s24;
	s22 =	sadd.s32 s5, s24;
	s23 =	sadd.s32 s26, s5  }
0x18: {  	v1 =	vsel vm0, $0x3F800000, v0;
	s24 =	sadd.s32 s26, s4;
	s26 =	simm.s32 $0x200;
	s19 =	simm.s32 $0x2  }
.LBB2_10:
0x19: {  	s7 =	sadd.s32 $0x27000, s7;
	s9 =	sshrl.u32 s13, $0x3  }
0x1a: {  	[hbm:s7], [sflag:s3] =	dma.local [spmem:s9], $0x100  }
0x1b: {  	_ =	swait.ge [sflag:s28], $0x100  }
0x1c: {  	[sflag:s28] =	ssyncset.done $0x0  }
0x1d: {  	[sflag:s28] =	ssyncadd.s32 $0xFFFFFF00  }
.LBB2_11:
0x1e: {  	s6 =	sadd.s32 $0x1, s6  }
0x1f: {  	p4 =	sne.s32 s6, s20  }
.Ltmp1:
0x20: {  	_ = 	snop;
	(pc) =	sbr.rel @!p4 .LBB2_12-.Ltmp1, $1  }
0x21: {  	_ =	sdelay $0x3  }
.LBB2_1:
0x22: {  	s3 =	sand.u32 $0xFE00, s2  }
0x23: {  	s7 =	sand.u32 $0x70, s2;
	s9 =	sshrl.u32 s3, $0x2  }
0x24: {  	s3 =	simm.s32 $0x40;
	s9 =	sor.u32 s7, s9;
	s7 =	simm.s32 $0x0  }
.LBB2_2:
0x25: {  	p4 =	sne.s32 s3, $0xFFC0  }
0x26: {  	[tilespmem:s9+$0x200] =	vst v0;
	s7 =	sadd.s32 $0x10, s7;
	s9 =	smov.u32 s3;
	s3 =	sadd.s32 $0x40, s3  }
.Ltmp2:
0x27: {  	(pc) =	sbr.rel @p4 .LBB2_2-.Ltmp2, $4  }
0x28: {  	_ = 	snop  }
0x29: {  	s9 =	sand.u32 $0xFE00, s9  }
0x2a: {  	s10 =	sand.u32 $0x70, s7;
	s9 =	sshrl.u32 s9, $0x2  }
0x2b: {  	s9 =	sor.u32 s10, s9  }
0x2c: {  	[tilespmem:s9+$0x200] =	vst v0  }
0x2d: {  	[spmem:s8] =	stream.linear.scatter [tilespmem:s26], [sflag:$0x3], $0x4000, $0x38;
	[tilespmem:$0x1BA80] =	vst v63  }
0x2e: {  	_ =	swait.ge [sflag:s28], $0x4000  }
0x2f: {  	[sflag:s28] =	ssyncset.done $0x0  }
0x30: {  	s3 =	rddreg [dreg:$0x5];
	[sflag:s28] =	ssyncadd.s32 $0xFFFFC000  }
0x31: {  	[spmem:s3] =	stream.linear.scatter [tilespmem:s26], [sflag:$0x3], $0x4000, $0x38;
	[tilespmem:$0x1BA80] =	vst v63  }
0x32: {  	_ =	swait.ge [sflag:s28], $0x4000  }
0x33: {  	[sflag:s28] =	ssyncset.done $0x0  }
0x34: {  	s10 =	rddreg [dreg:$0x6];
	[sflag:s28] =	ssyncadd.s32 $0xFFFFC000  }
0x35: {  	[spmem:s10] =	stream.linear.scatter [tilespmem:s26], [sflag:$0x3], $0x4000, $0x38;
	[tilespmem:$0x1BA80] =	vst v63  }
0x36: {  	_ =	swait.ge [sflag:s28], $0x4000  }
0x37: {  	[sflag:s28] =	ssyncset.done $0x0  }
0x38: {  	s11 =	rddreg [dreg:$0x7];
	[sflag:s28] =	ssyncadd.s32 $0xFFFFC000  }
0x39: {  	[spmem:s11] =	stream.linear.scatter [tilespmem:s26], [sflag:$0x3], $0x4000, $0x38;
	[tilespmem:$0x1BA80] =	vst v63  }
0x3a: {  	_ =	swait.ge [sflag:s28], $0x4000  }
0x3b: {  	[sflag:s28] =	ssyncset.done $0x0  }
0x3c: {  	s12 =	rddreg [dreg:$0x8];
	[sflag:s28] =	ssyncadd.s32 $0xFFFFC000  }
0x3d: {  	[spmem:s12] =	stream.linear.scatter [tilespmem:s26], [sflag:$0x3], $0x3800, $0x38;
	[tilespmem:$0x1BA80] =	vst v63  }
0x3e: {  	_ =	swait.ge [sflag:s28], $0x3800  }
0x3f: {  	[sflag:s28] =	ssyncset.done $0x0  }
0x40: {  	s3 =	simm.s32 @!p1 $0x200;
	[sflag:s28] =	ssyncadd.s32 $0xFFFFC800  }
0x41: {  	[spmem:s13] =	stream.linear.scatter @!p1 [tilespmem:s3], [sflag:$0x3], $0x800, $0x38;
	[tilespmem:$0x1BA80] =	vst v63  }
0x42: {  	s3 =	simm.s32 @!p1 $0x3  }
0x43: {  	_ =	swait.ge @!p1 [sflag:s3], $0x800  }
0x44: {  	[sflag:s3] =	ssyncset.done @!p1 $0x0  }
0x45: {  	s7 =	simm.s32 $0x200;
	[sflag:s3] =	ssyncadd.s32 @!p1 $0xFFFFF800;
	s3 =	simm.s32 $0x0  }
.LBB2_4:
0x46: {  	p4 =	sne.s32 s7, $0xFE00;
	[tilespmem:s3+$0x4270] =	vst v0  }
0x47: {  	[tilespmem:s3+$0x200] =	vst v1  }
0x48: {  	[tilespmem:s3+$0x4200] =	vst v0  }
0x49: {  	[tilespmem:s3+$0x4210] =	vst v0  }
.Ltmp3:
0x4a: {  	[tilespmem:s3+$0x4220] =	vst v0;
	(pc) =	sbr.rel @p4 .LBB2_4-.Ltmp3, $4  }
0x4b: {  	[tilespmem:s3+$0x4230] =	vst v0  }
0x4c: {  	[tilespmem:s3+$0x4240] =	vst v1  }
0x4d: {  	[tilespmem:s3+$0x4250] =	vst v0  }
0x4e: {  	[tilespmem:s3+$0x4260] =	vst v0;
	s3 =	sshra.s32 s7, $0x2;
	s7 =	sadd.s32 $0x200, s7  }
0x4f: {  	[tilespmem:s3+$0x4270] =	vst v0  }
0x50: {  	[tilespmem:s3+$0x200] =	vst v1  }
0x51: {  	[tilespmem:s3+$0x4200] =	vst v0  }
0x52: {  	[tilespmem:s3+$0x4210] =	vst v0  }
0x53: {  	[tilespmem:s3+$0x4220] =	vst v0  }
0x54: {  	[tilespmem:s3+$0x4230] =	vst v0  }
0x55: {  	[tilespmem:s3+$0x4240] =	vst v1  }
0x56: {  	[tilespmem:s3+$0x4250] =	vst v0  }
0x57: {  	[tilespmem:s3+$0x4260] =	vst v0  }
0x58: {  	s9 =	simm.s32 $0x0;
	[bflag:$0x0] =	sbarrier.arrive $0xFFFF  }
0x59: {  	[tilespmem:s9], [sflag:$0x1] =	stream.linear.gather [hbm4b:s14+s9], $0x80, $0x38;
	[tilespmem:$0x1BA80] =	vst v63  }
0x5a: {  	_ = 	snop  }
0x5b: {  	[tilespmem:s29], [sflag:$0x1] =	stream.linear.gather [hbm4b:s15+s9], $0x80, $0x38;
	[tilespmem:$0x1BA80] =	vst v63  }
0x5c: {  	s10 =	sadd.s32 $0x0, s24  }
0x5d: {  	[tilespmem:s30], [sflag:$0x2] =	stream.linear.gather [hbm4b:s10+s2], $0x80, $0x38;
	[tilespmem:$0x1BA80] =	vst v63  }
0x5e: {  	s11 =	sadd.s32 $0x0, s23  }
0x5f: {  	[tilespmem:s31], [sflag:$0x2] =	stream.linear.gather [hbm4b:s11+s2], $0x80, $0x38;
	[tilespmem:$0x1BA80] =	vst v63  }
0x60: {  	_ =	swait.ge [sflag:s0], $0x80  }
0x61: {  	[sflag:s0] =	ssyncset.done $0x0  }
0x62: {  	[sflag:s0] =	ssyncadd.s32 $0xFFFFFF80  }
0x63: {  	_ =	swait.ge [sflag:s0], $0x80  }
0x64: {  	[sflag:s0] =	ssyncset.done $0x0  }
0x65: {  	[sflag:s0] =	ssyncadd.s32 $0xFFFFFF80  }
0x66: {  	[spmem:s1] =	stream.indirect.scatter.add.f32 [tilespmem:s26], [sflag:$0x3], $0x80, s2, s29, $0xb8;
	[tilespmem:$0x1BA80] =	vst v63  }
0x67: {  	_ =	swait.ge [sflag:s28], $0x4000  }
0x68: {  	[sflag:s28] =	ssyncset.done $0x0  }
0x69: {  	[sflag:s28] =	ssyncadd.s32 $0xFFFFC000  }
0x6a: {  	[spmem:s1] =	stream.indirect.scatter.add.f32 [tilespmem:s18], [sflag:$0x3], $0x80, s29, s29, $0xb8;
	[tilespmem:$0x1BA80] =	vst v63  }
0x6b: {  	_ =	swait.ge [sflag:s28], $0x4000  }
0x6c: {  	s12 =	sshrl.u32 s25, $0x3;
	[sflag:s28] =	ssyncset.done $0x0  }
0x6d: {  	s7 =	sadd.s32 s4, s12;
	[sflag:s28] =	ssyncadd.s32 $0xFFFFC000  }
0x6e: {  	[tilespmem:s2], [sflag:$0x1] =	stream.linear.gather [hbm4b:s7+s2], $0x80, $0x38;
	[tilespmem:$0x1BA80] =	vst v63  }
0x6f: {  	s3 =	sadd.s32 s5, s12  }
0x70: {  	[tilespmem:s29], [sflag:$0x1] =	stream.linear.gather [hbm4b:s3+s2], $0x80, $0x38;
	[tilespmem:$0x1BA80] =	vst v63  }
0x71: {  	_ =	swait.ge [sflag:s19], $0x80  }
0x72: {  	[sflag:s19] =	ssyncset.done $0x0  }
0x73: {  	[sflag:s19] =	ssyncadd.s32 $0xFFFFFF80  }
0x74: {  	_ =	swait.ge [sflag:s19], $0x80  }
0x75: {  	[sflag:s19] =	ssyncset.done $0x0  }
0x76: {  	[sflag:s19] =	ssyncadd.s32 $0xFFFFFF80  }
0x77: {  	[spmem:s1] =	stream.indirect.scatter.add.f32 [tilespmem:s26], [sflag:$0x3], $0x80, s30, s29, $0xb8;
	[tilespmem:$0x1BA80] =	vst v63  }
0x78: {  	_ =	swait.ge [sflag:s28], $0x4000  }
0x79: {  	[sflag:s28] =	ssyncset.done $0x0  }
0x7a: {  	[sflag:s28] =	ssyncadd.s32 $0xFFFFC000  }
0x7b: {  	[spmem:s1] =	stream.indirect.scatter.add.f32 [tilespmem:s18], [sflag:$0x3], $0x80, s31, s29, $0xb8;
	[tilespmem:$0x1BA80] =	vst v63  }
0x7c: {  	s9 =	simm.s32 $0x400;
	_ =	swait.ge [sflag:s28], $0x4000  }
0x7d: {  	s7 =	sadd.s32 $0x1000, s25;
	s3 =	simm.s32 $0x200;
	[sflag:s28] =	ssyncset.done $0x0  }
.LBB2_6:
0x7e: {  	s11 =	sadd.s32 s3, s24  }
0x7f: {  	[sflag:s28] =	ssyncadd.s32 $0xFFFFC000;
	s12 =	smov.u32 s9;
	s10 =	sadd.s32 $0x200, s9  }
0x80: {  	[tilespmem:s30], [sflag:$0x2] =	stream.linear.gather [hbm4b:s11+s2], $0x80, $0x38;
	[tilespmem:$0x1BA80] =	vst v63  }
0x81: {  	p4 =	sne.s32 s9, $0x4A00;
	s9 =	sadd.s32 s3, s23;
	s3 =	smov.u32 s12  }
0x82: {  	[tilespmem:s31], [sflag:$0x2] =	stream.linear.gather [hbm4b:s9+s2], $0x80, $0x38;
	[tilespmem:$0x1BA80] =	vst v63  }
0x83: {  	_ =	swait.ge [sflag:s0], $0x80  }
0x84: {  	[sflag:s0] =	ssyncset.done $0x0  }
0x85: {  	[sflag:s0] =	ssyncadd.s32 $0xFFFFFF80  }
0x86: {  	_ =	swait.ge [sflag:s0], $0x80  }
0x87: {  	[sflag:s0] =	ssyncset.done $0x0  }
0x88: {  	[sflag:s0] =	ssyncadd.s32 $0xFFFFFF80  }
0x89: {  	[spmem:s1] =	stream.indirect.scatter.add.f32 [tilespmem:s26], [sflag:$0x3], $0x80, s2, s29, $0xb8;
	[tilespmem:$0x1BA80] =	vst v63  }
0x8a: {  	_ =	swait.ge [sflag:s28], $0x4000  }
0x8b: {  	[sflag:s28] =	ssyncset.done $0x0  }
0x8c: {  	[sflag:s28] =	ssyncadd.s32 $0xFFFFC000  }
0x8d: {  	[spmem:s1] =	stream.indirect.scatter.add.f32 [tilespmem:s18], [sflag:$0x3], $0x80, s29, s29, $0xb8;
	[tilespmem:$0x1BA80] =	vst v63  }
0x8e: {  	_ =	swait.ge [sflag:s28], $0x4000  }
0x8f: {  	s9 =	sshrl.u32 s7, $0x3;
	[sflag:s28] =	ssyncset.done $0x0  }
0x90: {  	s11 =	sadd.s32 s4, s9;
	[sflag:s28] =	ssyncadd.s32 $0xFFFFC000  }
0x91: {  	[tilespmem:s2], [sflag:$0x1] =	stream.linear.gather [hbm4b:s11+s2], $0x80, $0x38;
	[tilespmem:$0x1BA80] =	vst v63  }
0x92: {  	s9 =	sadd.s32 s5, s9  }
0x93: {  	[tilespmem:s29], [sflag:$0x1] =	stream.linear.gather [hbm4b:s9+s2], $0x80, $0x38;
	[tilespmem:$0x1BA80] =	vst v63  }
0x94: {  	_ =	swait.ge [sflag:s19], $0x80  }
0x95: {  	[sflag:s19] =	ssyncset.done $0x0  }
0x96: {  	[sflag:s19] =	ssyncadd.s32 $0xFFFFFF80  }
0x97: {  	_ =	swait.ge [sflag:s19], $0x80  }
0x98: {  	[sflag:s19] =	ssyncset.done $0x0  }
0x99: {  	[sflag:s19] =	ssyncadd.s32 $0xFFFFFF80  }
0x9a: {  	[spmem:s1] =	stream.indirect.scatter.add.f32 [tilespmem:s26], [sflag:$0x3], $0x80, s30, s29, $0xb8;
	[tilespmem:$0x1BA80] =	vst v63  }
0x9b: {  	_ =	swait.ge [sflag:s28], $0x4000  }
.Ltmp4:
0x9c: {  	[sflag:s28] =	ssyncset.done $0x0;
	(pc) =	sbr.rel @p4 .LBB2_6-.Ltmp4, $4  }
0x9d: {  	[sflag:s28] =	ssyncadd.s32 $0xFFFFC000  }
0x9e: {  	[spmem:s1] =	stream.indirect.scatter.add.f32 [tilespmem:s18], [sflag:$0x3], $0x80, s31, s29, $0xb8;
	[tilespmem:$0x1BA80] =	vst v63  }
0x9f: {  	_ =	swait.ge [sflag:s28], $0x4000  }
0xa0: {  	s7 =	sadd.s32 $0x1000, s7;
	s9 =	smov.u32 s10;
	[sflag:s28] =	ssyncset.done $0x0  }
0xa1: {  	s9 =	sadd.s32 s3, s24;
	[sflag:s28] =	ssyncadd.s32 $0xFFFFC000  }
0xa2: {  	[tilespmem:s30], [sflag:$0x2] =	stream.linear.gather [hbm4b:s9+s2], $0x80, $0x38;
	[tilespmem:$0x1BA80] =	vst v63  }
0xa3: {  	s10 =	sadd.s32 s3, s23  }
0xa4: {  	[tilespmem:s31], [sflag:$0x2] =	stream.linear.gather [hbm4b:s10+s2], $0x80, $0x38;
	[tilespmem:$0x1BA80] =	vst v63  }
0xa5: {  	_ =	swait.ge [sflag:s0], $0x80  }
0xa6: {  	[sflag:s0] =	ssyncset.done $0x0  }
0xa7: {  	[sflag:s0] =	ssyncadd.s32 $0xFFFFFF80  }
0xa8: {  	_ =	swait.ge [sflag:s0], $0x80  }
0xa9: {  	[sflag:s0] =	ssyncset.done $0x0  }
0xaa: {  	[sflag:s0] =	ssyncadd.s32 $0xFFFFFF80  }
0xab: {  	[spmem:s1] =	stream.indirect.scatter.add.f32 [tilespmem:s26], [sflag:$0x3], $0x80, s2, s29, $0xb8;
	[tilespmem:$0x1BA80] =	vst v63  }
0xac: {  	_ =	swait.ge [sflag:s28], $0x4000  }
0xad: {  	[sflag:s28] =	ssyncset.done $0x0  }
0xae: {  	[sflag:s28] =	ssyncadd.s32 $0xFFFFC000  }
0xaf: {  	[spmem:s1] =	stream.indirect.scatter.add.f32 [tilespmem:s18], [sflag:$0x3], $0x80, s29, s29, $0xb8;
	[tilespmem:$0x1BA80] =	vst v63  }
0xb0: {  	_ =	swait.ge [sflag:s28], $0x4000  }
0xb1: {  	s11 =	sshrl.u32 s7, $0x3;
	[sflag:s28] =	ssyncset.done $0x0  }
0xb2: {  	s7 =	sadd.s32 s4, s11;
	[sflag:s28] =	ssyncadd.s32 $0xFFFFC000  }
0xb3: {  	[tilespmem:s2], [sflag:$0x1] =	stream.linear.gather [hbm4b:s7+s2], $0x80, $0x38;
	[tilespmem:$0x1BA80] =	vst v63  }
0xb4: {  	s3 =	sadd.s32 s5, s11  }
0xb5: {  	[tilespmem:s29], [sflag:$0x1] =	stream.linear.gather [hbm4b:s3+s2], $0x80, $0x38;
	[tilespmem:$0x1BA80] =	vst v63  }
0xb6: {  	_ =	swait.ge [sflag:s19], $0x80  }
0xb7: {  	[sflag:s19] =	ssyncset.done $0x0  }
0xb8: {  	[sflag:s19] =	ssyncadd.s32 $0xFFFFFF80  }
0xb9: {  	_ =	swait.ge [sflag:s19], $0x80  }
0xba: {  	[sflag:s19] =	ssyncset.done $0x0  }
0xbb: {  	[sflag:s19] =	ssyncadd.s32 $0xFFFFFF80  }
0xbc: {  	[spmem:s1] =	stream.indirect.scatter.add.f32 [tilespmem:s26], [sflag:$0x3], $0x80, s30, s29, $0xb8;
	[tilespmem:$0x1BA80] =	vst v63  }
0xbd: {  	_ =	swait.ge [sflag:s28], $0x4000  }
0xbe: {  	[sflag:s28] =	ssyncset.done $0x0  }
0xbf: {  	[sflag:s28] =	ssyncadd.s32 $0xFFFFC000  }
0xc0: {  	[spmem:s1] =	stream.indirect.scatter.add.f32 [tilespmem:s18], [sflag:$0x3], $0x80, s31, s29, $0xb8;
	[tilespmem:$0x1BA80] =	vst v63  }
0xc1: {  	_ =	swait.ge [sflag:s28], $0x4000  }
0xc2: {  	[sflag:s28] =	ssyncset.done $0x0  }
0xc3: {  	[sflag:s28] =	ssyncadd.s32 $0xFFFFC000  }
0xc4: {  	[tilespmem:s30], [sflag:$0x2] =	stream.linear.gather [hbm4b:s21+s2], $0x80, $0x38;
	[tilespmem:$0x1BA80] =	vst v63  }
0xc5: {  	_ = 	snop  }
0xc6: {  	[tilespmem:s31], [sflag:$0x2] =	stream.linear.gather [hbm4b:s22+s2], $0x80, $0x38;
	[tilespmem:$0x1BA80] =	vst v63  }
0xc7: {  	_ =	swait.ge [sflag:s0], $0x80  }
0xc8: {  	[sflag:s0] =	ssyncset.done $0x0  }
0xc9: {  	[sflag:s0] =	ssyncadd.s32 $0xFFFFFF80  }
0xca: {  	_ =	swait.ge [sflag:s0], $0x80  }
0xcb: {  	[sflag:s0] =	ssyncset.done $0x0  }
0xcc: {  	[sflag:s0] =	ssyncadd.s32 $0xFFFFFF80  }
0xcd: {  	[spmem:s1] =	stream.indirect.scatter.add.f32 [tilespmem:s26], [sflag:$0x3], $0x80, s2, s29, $0xb8;
	[tilespmem:$0x1BA80] =	vst v63  }
0xce: {  	_ =	swait.ge [sflag:s28], $0x4000  }
0xcf: {  	[sflag:s28] =	ssyncset.done $0x0  }
0xd0: {  	[sflag:s28] =	ssyncadd.s32 $0xFFFFC000  }
0xd1: {  	[spmem:s1] =	stream.indirect.scatter.add.f32 [tilespmem:s18], [sflag:$0x3], $0x80, s29, s29, $0xb8;
	[tilespmem:$0x1BA80] =	vst v63  }
0xd2: {  	_ =	swait.ge [sflag:s28], $0x4000  }
0xd3: {  	[sflag:s28] =	ssyncset.done $0x0  }
0xd4: {  	[sflag:s28] =	ssyncadd.s32 $0xFFFFC000  }
0xd5: {  	_ =	swait.ge [sflag:s19], $0x80  }
0xd6: {  	[sflag:s19] =	ssyncset.done $0x0  }
0xd7: {  	[sflag:s19] =	ssyncadd.s32 $0xFFFFFF80  }
0xd8: {  	_ =	swait.ge [sflag:s19], $0x80  }
0xd9: {  	[sflag:s19] =	ssyncset.done $0x0  }
0xda: {  	[sflag:s19] =	ssyncadd.s32 $0xFFFFFF80  }
0xdb: {  	[spmem:s1] =	stream.indirect.scatter.add.f32 [tilespmem:s26], [sflag:$0x3], $0x80, s30, s29, $0xb8;
	[tilespmem:$0x1BA80] =	vst v63  }
0xdc: {  	_ =	swait.ge [sflag:s28], $0x4000  }
0xdd: {  	[sflag:s28] =	ssyncset.done $0x0  }
0xde: {  	[sflag:s28] =	ssyncadd.s32 $0xFFFFC000  }
0xdf: {  	[spmem:s1] =	stream.indirect.scatter.add.f32 [tilespmem:s18], [sflag:$0x3], $0x80, s31, s29, $0xb8;
	[tilespmem:$0x1BA80] =	vst v63  }
0xe0: {  	_ =	swait.ge [sflag:s28], $0x4000  }
0xe1: {  	[sflag:s28] =	ssyncset.done $0x0  }
0xe2: {  	s3 =	simm.s32 @!p2 $0x0;
	[sflag:s28] =	ssyncadd.s32 $0xFFFFC000  }
0xe3: {  	[tilespmem:s3], [sflag:$0x1] =	stream.linear.gather @!p2 [hbm4b:s16+s3], $0x80, $0x38;
	[tilespmem:$0x1BA80] =	vst v63  }
0xe4: {  	s9 =	simm.s32 @!p2 $0x1;
	s7 =	simm.s32 @!p2 $0x80  }
0xe5: {  	[tilespmem:s7], [sflag:$0x1] =	stream.linear.gather @!p2 [hbm4b:s17+s3], $0x80, $0x38;
	[tilespmem:$0x1BA80] =	vst v63  }
0xe6: {  	_ =	swait.ge @!p2 [sflag:s9], $0x80  }
0xe7: {  	[sflag:s9] =	ssyncset.done @!p2 $0x0  }
0xe8: {  	[sflag:s9] =	ssyncadd.s32 @!p2 $0xFFFFFF80  }
0xe9: {  	_ =	swait.ge @!p2 [sflag:s9], $0x80  }
0xea: {  	[sflag:s9] =	ssyncset.done @!p2 $0x0  }
0xeb: {  	[sflag:s9] =	ssyncadd.s32 @!p2 $0xFFFFFF80;
	s9 =	simm.s32 @!p2 $0x200  }
0xec: {  	[spmem:s1] =	stream.indirect.scatter.add.f32 @!p2 [tilespmem:s9], [sflag:$0x3], $0x80, s3, s7, $0xb8;
	[tilespmem:$0x1BA80] =	vst v63  }
0xed: {  	s3 =	simm.s32 @!p2 $0x3  }
0xee: {  	_ =	swait.ge @!p2 [sflag:s3], $0x4000  }
0xef: {  	[sflag:s3] =	ssyncset.done @!p2 $0x0  }
0xf0: {  	s9 =	simm.s32 @!p2 $0x4200;
	[sflag:s3] =	ssyncadd.s32 @!p2 $0xFFFFC000  }
0xf1: {  	[spmem:s1] =	stream.indirect.scatter.add.f32 @!p2 [tilespmem:s9], [sflag:$0x3], $0x80, s7, s7, $0xb8;
	[tilespmem:$0x1BA80] =	vst v63  }
.Ltmp5:
0xf2: {  	_ =	swait.ge @!p2 [sflag:s3], $0x4000;
	(pc) =	sbr.rel @!p0 .LBB2_8-.Ltmp5, $4  }
0xf3: {  	[sflag:s3] =	ssyncset.done @!p2 $0x0  }
0xf4: {  	s12 =	stileid.u32;
	[sflag:s3] =	ssyncadd.s32 @!p2 $0xFFFFC000  }
0xf5: {  	s9 =	sshll.u32 s12, $0x6;
	[bflag:$0x0] =	sbarrier.arrive $0xFFFF  }
0xf6: {  	s7 =	sshrl.u32 s8, $0x3;
	s3 =	sor.u32 $0x1C03, s9  }
0xf7: {  	s3 =	sor.u32 $0x1C03, s9;
	s12 =	rddreg [dreg:$0xa]  }
0xf8: {  	[hbm:s12], [sflag:s3] =	dma.local [spmem:s7], $0x2700  }
.Ltmp6:
0xf9: {  	_ = 	snop;
	(pc) =	sbr.rel @p1 .LBB2_11-.Ltmp6, $4  }
.Ltmp7:
0xfa: {  	_ = 	snop;
	(pc) =	sbr.rel @!p1 .LBB2_10-.Ltmp7, $4  }
0xfb: {  	_ =	swait.ge [sflag:s28], $0x2700  }
0xfc: {  	[sflag:s28] =	ssyncset.done $0x0  }
0xfd: {  	s7 =	rddreg [dreg:$0x4];
	[sflag:s28] =	ssyncadd.s32 $0xFFFFD900  }
0xfe: {  	_ = 	snop  }
.LBB2_8:
0xff: {  	s9 =	rddreg [dreg:$0x9]  }
0x100: {  	[hbm:s9], [sflag:s3] =	dma.local [spmem:s7], $0x2700  }
.Ltmp8:
0x101: {  	_ = 	snop;
	(pc) =	sbr.rel @p3 .LBB2_10-.Ltmp8, $4  }
.Ltmp9:
0x102: {  	_ = 	snop;
	(pc) =	sbr.rel @!p3 .LBB2_11-.Ltmp9, $4  }
0x103: {  	_ =	swait.ge [sflag:s28], $0x2700  }
0x104: {  	[sflag:s28] =	ssyncset.done $0x0  }
0x105: {  	s7 =	rddreg [dreg:$0x3];
	[sflag:s28] =	ssyncadd.s32 $0xFFFFD900  }
0x106: {  	_ = 	snop  }
.LBB2_12:
0x107: {  	_ =	sfence.sel $0x180000  }
0x108: {  	[bflag:$0x0] =	sbarrier.arrive $0xFFFF  }
0x109: {  	_ =	strace $0x90000047  }
0x10a: {  	s0 =	stileid.u32;
	[bflag:$0x2] =	sbarrier.arrive $0xFFFF  }
0x10b: {  	p0 =	sne.s32 s0, $0x0;
	s0 =	rddreg [dreg:$0x2]  }
0x10c: {  	s0 =	sadd.s32 @!p0 $0x100000, s0  }
0x10d: {  	[sflag:s0] =	ssyncadd.tile.s32 @!p0 $0x1;
	_ =	shalt  }
.Lfunc_end2:
_tile_overlayer_lowered:
.L_overlay_start_2:
0x10e: {  	(tag) =	ssettag $0x2  }
0x10f: {  	s0 =	rddreg [dreg:$0x0];
	s2 =	stileid.u32  }
0x110: {  	s1 =	rddreg [dreg:$0x1];
	p0 =	sne.s32 s2, $0x0  }
0x111: {  	s3 =	rddreg [dreg:$0x2];
	[bflag:$0x3] =	sbarrier.arrive $0xFFFF;
	s2 =	simm.s32 @!p0 $0x1C03  }
0x112: {  	[timem:s3], [sflag:s2] =	dma.local @!p0 [hbm:s0], s1  }
0x113: {  	s0 =	simm.s32 @!p0 $0x3  }
0x114: {  	_ =	swait.ge @!p0 [sflag:s0], s1  }
0x115: {  	s1 =	ssub.s32 @!p0 $0x0, s1;
	[sflag:s0] =	ssyncset.done @!p0 $0x0  }
0x116: {  	[sflag:s0] =	ssyncadd.s32 @!p0 s1  }
0x117: {  	[bflag:$0x3] =	sbarrier.arrive $0xFFFF  }
0x118: {  	_ =	shalt  }

</sc_bundles>
